<compile_context>
chip_gen: v7x
topology: tpu7x:2x2x1
jax: 0.10.2.dev20260603
libtpu: 0.0.44.dev20260713+nightly
codegen_flags: <defaults>
</compile_context>

<pallas_src>
import functools

import jax
import jax.numpy as jnp
from jax import lax
from jax.experimental import pallas as pl
from jax.experimental.pallas import tpu as pltpu
from jax.experimental.pallas import tpu_sc as plsc

N = 10000
E = 320000
DF = 128
DE = 16
D = 64
NL = 24
B = 16
S = NL * B

NW = 32
EW = E // NW
C = 80
NCHUNK = EW // C
ACCW = 128
ROWS = 632
NPAD = 16 * ROWS



def _pre_body(x_ref, wn_ref, bn_ref, wq_ref, bq_ref, wk_ref, bk_ref,
              wv_ref, bv_ref, ws_ref, bs_ref,
              q_ref, kv_ref, skip_ref):
    h = jnp.dot(x_ref[...], wn_ref[...],
                preferred_element_type=jnp.float32) + bn_ref[...]
    q_ref[:, :D] = jnp.dot(h, wq_ref[...], preferred_element_type=jnp.float32) + bq_ref[...]
    q_ref[:, D:] = jnp.zeros_like(q_ref[:, D:])
    kv_ref[:, :D] = jnp.dot(h, wk_ref[...], preferred_element_type=jnp.float32) + bk_ref[...]
    kv_ref[:, D:] = jnp.dot(h, wv_ref[...], preferred_element_type=jnp.float32) + bv_ref[...]
    skip_ref[...] = h + jnp.dot(h, ws_ref[...], preferred_element_type=jnp.float32) + bs_ref[...]


def _ee_body(ea_ref, we_ref, be_ref, wd_ref, bd_ref, ee_ref):
    e = jnp.dot(ea_ref[...], we_ref[...],
                preferred_element_type=jnp.float32) + be_ref[...]
    ee_ref[...] = jnp.dot(e, wd_ref[...],
                          preferred_element_type=jnp.float32) + bd_ref[...]


def _dense_pre(x_nodes, edge_attr, Wn, bn, Wq, bq, Wk, bk, Wv, bv, Ws, bs,
               We, be, Wed, bed):
    nb = 1000
    full = lambda shape: pl.BlockSpec(shape, lambda i: (0,) * len(shape))
    q, kv, skip = pl.pallas_call(
        _pre_body,
        grid=(N // nb,),
        in_specs=[pl.BlockSpec((nb, DF), lambda i: (i, 0)),
                  full((DF, D)), full((D,)),
                  full((D, D)), full((D,)), full((D, D)), full((D,)),
                  full((D, D)), full((D,)), full((D, D)), full((D,))],
        out_specs=[pl.BlockSpec((nb, 2 * D), lambda i: (i, 0)),
                   pl.BlockSpec((nb, 2 * D), lambda i: (i, 0)),
                   pl.BlockSpec((nb, D), lambda i: (i, 0))],
        out_shape=[jax.ShapeDtypeStruct((N, 2 * D), jnp.float32),
                   jax.ShapeDtypeStruct((N, 2 * D), jnp.float32),
                   jax.ShapeDtypeStruct((N, D), jnp.float32)],
    )(x_nodes, Wn, bn, Wq, bq, Wk, bk, Wv, bv, Ws, bs)

    ebk = 4000
    ea2 = edge_attr.reshape(E // 2, 2 * DE)
    We2 = jnp.zeros((2 * DE, 2 * D), We.dtype)
    We2 = We2.at[:DE, :D].set(We).at[DE:, D:].set(We)
    be2 = jnp.concatenate([be, be])
    Wed2 = jnp.zeros((2 * D, 2 * D), Wed.dtype)
    Wed2 = Wed2.at[:D, :D].set(Wed).at[D:, D:].set(Wed)
    bed2 = jnp.concatenate([bed, bed])
    ee2 = pl.pallas_call(
        _ee_body,
        grid=(E // 2 // ebk,),
        in_specs=[pl.BlockSpec((ebk, 2 * DE), lambda i: (i, 0)),
                  full((2 * DE, 2 * D)), full((2 * D,)),
                  full((2 * D, 2 * D)), full((2 * D,))],
        out_specs=pl.BlockSpec((ebk, 2 * D), lambda i: (i, 0)),
        out_shape=jax.ShapeDtypeStruct((E // 2, 2 * D), jnp.float32),
    )(ea2, We2, be2, Wed2, bed2)
    return q, kv, skip, ee2



CF = 80
NCH = EW // CF


def _edge_sc_body(src_hbm, dst_hbm, q_hbm, kv_hbm, ee_hbm, out_hbm,
                  sidxA, sidxB, didxA, didxB, qb, kvb, ebA, ebB, mb,
                  acc_sh, semg, semiA, semiB):
    c = lax.axis_index("c")
    s = lax.axis_index("s")
    wid = s * 2 + c
    base = s * ROWS
    e0 = wid * EW

    z16 = jnp.zeros((16,), jnp.float32)

    def zrow(j, carry):
        for t in range(ACCW // 16):
            mb[j, pl.ds(16 * t, 16)] = z16
        return carry

    lax.fori_loop(0, CF, zrow, 0)
    for ofs, ln in ((0, 80), (80, 80), (160, 80), (240, 80), (320, 80),
                    (400, 80), (480, 80), (560, 72)):
        pltpu.sync_copy(mb.at[pl.ds(0, ln)], acc_sh.at[pl.ds(base + ofs, ln)])
    plsc.subcore_barrier()

    lane0 = jnp.where(lax.iota(jnp.int32, 16) == 0, 1.0, 0.0)
    _GDN = lax.GatherDimensionNumbers(offset_dims=(), collapsed_slice_dims=(0,),
                                      start_index_map=(0,))
    lanes = lax.iota(jnp.int32, 16)
    perms = [(lanes ^ sh)[:, None] for sh in (8, 4, 2, 1)]

    def do_edge(ei, er, ec, eb):
        acc = jnp.zeros((16,), jnp.float32)
        evs = []
        for t in range(4):
            sl = pl.ds(16 * t, 16)
            ev = eb[er, pl.ds(ec + 16 * t, 16)]
            evs.append(ev)
            acc = acc + qb[ei, sl] * (kvb[ei, sl] + ev)
        for p in perms:
            acc = acc + lax.gather(acc, p, _GDN, (1,),
                                   mode=lax.GatherScatterMode.PROMISE_IN_BOUNDS)
        w = jnp.exp(acc * 0.125)
        for t in range(4):
            mb[ei, pl.ds(16 * t, 16)] = w * (kvb[ei, pl.ds(D + 16 * t, 16)] + evs[t])
        mb[ei, pl.ds(64, 16)] = w * lane0

    def proc(ch, sidx, didx, eb, semi):
        off = pl.multiple_of(e0 + ch * CF, 16)
        eoff = pl.multiple_of(off // 2, 8)
        pltpu.make_async_copy(src_hbm.at[pl.ds(off, CF)], sidx, semi).wait()
        pltpu.make_async_copy(dst_hbm.at[pl.ds(off, CF)], didx, semi).wait()
        pltpu.make_async_copy(ee_hbm.at[pl.ds(eoff, CF // 2)], eb, semi).wait()
        g1 = pltpu.async_copy(q_hbm.at[didx], qb, semg)
        g2 = pltpu.async_copy(kv_hbm.at[sidx], kvb, semg)
        g1.wait()
        g2.wait()

        def oct8(j, carry2):
            b8 = j * 8
            r4 = j * 4
            for u in range(8):
                do_edge(b8 + u, r4 + u // 2, (u % 2) * D, eb)
            return carry2

        lax.fori_loop(0, CF // 8, oct8, 0)
        pltpu.sync_copy(mb, acc_sh.at[didx], add=True)
        ch2 = jnp.minimum(ch + 2, NCH - 1)
        off2 = pl.multiple_of(e0 + ch2 * CF, 16)
        eoff2 = pl.multiple_of(off2 // 2, 8)
        pltpu.async_copy(src_hbm.at[pl.ds(off2, CF)], sidx, semi)
        pltpu.async_copy(dst_hbm.at[pl.ds(off2, CF)], didx, semi)
        pltpu.async_copy(ee_hbm.at[pl.ds(eoff2, CF // 2)], eb, semi)

    def startup(ch, sidx, didx, eb, semi):
        off = pl.multiple_of(e0 + ch * CF, 16)
        eoff = pl.multiple_of(off // 2, 8)
        pltpu.async_copy(src_hbm.at[pl.ds(off, CF)], sidx, semi)
        pltpu.async_copy(dst_hbm.at[pl.ds(off, CF)], didx, semi)
        pltpu.async_copy(ee_hbm.at[pl.ds(eoff, CF // 2)], eb, semi)

    startup(0, sidxA, didxA, ebA, semiA)
    startup(1, sidxB, didxB, ebB, semiB)

    def pair(tp, carry):
        proc(tp * 2, sidxA, didxA, ebA, semiA)
        proc(tp * 2 + 1, sidxB, didxB, ebB, semiB)
        return carry

    lax.fori_loop(0, NCH // 2, pair, 0)
    proc(NCH - 1, sidxA, didxA, ebA, semiA)
    for sidx, didx, eb, semi in ((sidxA, didxA, ebA, semiA),
                                 (sidxB, didxB, ebB, semiB)):
        offl = pl.multiple_of(e0 + (NCH - 1) * CF, 16)
        eoffl = pl.multiple_of(offl // 2, 8)
        pltpu.make_async_copy(src_hbm.at[pl.ds(offl, CF)], sidx, semi).wait()
        pltpu.make_async_copy(dst_hbm.at[pl.ds(offl, CF)], didx, semi).wait()
        pltpu.make_async_copy(ee_hbm.at[pl.ds(eoffl, CF // 2)], eb, semi).wait()

    plsc.subcore_barrier()
    pltpu.sync_copy(acc_sh.at[pl.ds(base, ROWS)],
                    out_hbm.at[c, pl.ds(base, ROWS)])


def _edge_sc(src, dst, q, kv, ee2):
    mesh = plsc.VectorSubcoreMesh(core_axis_name="c", subcore_axis_name="s")
    f = functools.partial(
        pl.kernel, _edge_sc_body, mesh=mesh,
        out_type=jax.ShapeDtypeStruct((2, NPAD, ACCW), jnp.float32),
        scratch_types=[
            pltpu.VMEM((CF,), jnp.int32),
            pltpu.VMEM((CF,), jnp.int32),
            pltpu.VMEM((CF,), jnp.int32),
            pltpu.VMEM((CF,), jnp.int32),
            pltpu.VMEM((CF, 2 * D), jnp.float32),
            pltpu.VMEM((CF, 2 * D), jnp.float32),
            pltpu.VMEM((CF // 2, 2 * D), jnp.float32),
            pltpu.VMEM((CF // 2, 2 * D), jnp.float32),
            pltpu.VMEM((CF, ACCW), jnp.float32),
            pltpu.VMEM_SHARED((NPAD, ACCW), jnp.float32),
            pltpu.SemaphoreType.DMA,
            pltpu.SemaphoreType.DMA,
            pltpu.SemaphoreType.DMA,
        ],
    )()
    return f(src, dst, q, kv, ee2)



def _post_body(a0_ref, a1_ref, skip_ref, seg_ref, w1_ref, b1_ref,
               w2_ref, b2_ref, y_ref, pool_ref, cnt_ref):
    i = pl.program_id(0)
    nb = skip_ref.shape[0]
    num = a0_ref[:, :D] + a1_ref[:, :D]
    den = a0_ref[:, D:D + 1] + a1_ref[:, D:D + 1]
    out = num / (den + 1e-16) + skip_ref[...]
    out = jnp.maximum(out, 0.0)
    seg = seg_ref[...]
    sids = lax.broadcasted_iota(jnp.int32, (nb, S), 1)
    onehot = (sids == seg).astype(jnp.float32)

    @pl.when(i == 0)
    def _():
        pool_ref[...] = jnp.zeros_like(pool_ref)
        cnt_ref[...] = jnp.zeros_like(cnt_ref)

    pool_ref[...] += lax.dot_general(onehot, out, (((0,), (0,)), ((), ())),
                                     preferred_element_type=jnp.float32, precision=lax.Precision.HIGHEST)
    cnt_ref[...] += lax.dot_general(onehot, jnp.ones((nb, 1), jnp.float32),
                                    (((0,), (0,)), ((), ())),
                                    preferred_element_type=jnp.float32, precision=lax.Precision.HIGHEST)

    @pl.when(i == pl.num_programs(0) - 1)
    def _():
        g = pool_ref[...] / jnp.maximum(cnt_ref[...], 1.0)
        g = jnp.maximum(jnp.dot(g, w1_ref[...],
                                preferred_element_type=jnp.float32) + b1_ref[...], 0.0)
        y_ref[...] = jnp.dot(g, w2_ref[...],
                             preferred_element_type=jnp.float32) + b2_ref[...]


def _post(a0, a1, skip, seg, W1, b1, W2, b2):
    nb = 1000
    full = lambda shape: pl.BlockSpec(shape, lambda i: (0,) * len(shape))
    return pl.pallas_call(
        _post_body,
        grid=(N // nb,),
        in_specs=[pl.BlockSpec((nb, ACCW), lambda i: (i, 0)),
                  pl.BlockSpec((nb, ACCW), lambda i: (i, 0)),
                  pl.BlockSpec((nb, D), lambda i: (i, 0)),
                  pl.BlockSpec((nb, 1), lambda i: (i, 0)),
                  full((D, 2 * D)), full((2 * D,)),
                  full((2 * D, 1)), full((1,))],
        out_specs=full((S, 1)),
        out_shape=jax.ShapeDtypeStruct((S, 1), jnp.float32),
        scratch_shapes=[pltpu.VMEM((S, D), jnp.float32),
                        pltpu.VMEM((S, 1), jnp.float32)],
    )(a0, a1, skip, seg, W1, b1, W2, b2)



def kernel(x_nodes, edge_index, edge_attr, location, batch,
           Wn, bn, We, be, Wq, bq, Wk, bk, Wv, bv, Wed, bed, Ws, bs,
           W1, b1, W2, b2):
    q, kv, skip, ee2 = _dense_pre(x_nodes, edge_attr, Wn, bn, Wq, bq,
                                  Wk, bk, Wv, bv, Ws, bs, We, be, Wed, bed)
    acc = _edge_sc(edge_index[0], edge_index[1], q, kv, ee2)
    seg = (location + NL * batch).astype(jnp.int32).reshape(N, 1)
    return _post(acc[0], acc[1], skip, seg, W1, b1, W2, b2)

# --- scband reference (transcript-rebuilt; emitter-appended) ---
"""Pipeline reference for scband-model-13477607375637 (READ-ONLY COPY).

The authoritative reference and input builder live on the scoring server;
editing this copy changes nothing except your own understanding.
"""

import jax, jax.numpy as jnp
import numpy as np

N = 10000
E = 320000
DF = 128
DE = 16
D = 64
NL = 24
B = 16


def _lin_init(k, fan_in, fan_out):
    k1, k2 = jax.random.split(k)
    s = 1.0 / np.sqrt(fan_in)
    W = jax.random.uniform(k1, (fan_in, fan_out), jnp.float32, -s, s)
    b = jax.random.uniform(k2, (fan_out,), jnp.float32, -s, s)
    return W, b


def setup_inputs(seed: int = 0):
    key = jax.random.key(seed)
    ks = jax.random.split(key, 16)
    x_nodes = jax.random.normal(ks[0], (N, DF), jnp.float32)
    edge_index = jax.random.randint(ks[1], (2, E), 0, N)
    edge_attr = jax.random.normal(ks[2], (E, DE), jnp.float32)
    location = jax.random.randint(ks[3], (N,), 0, NL)
    batch = jnp.sort(jax.random.randint(ks[4], (N,), 0, B))
    Wn, bn = _lin_init(ks[5], DF, D)
    We, be = _lin_init(ks[6], DE, D)
    Wq, bq = _lin_init(ks[7], D, D)
    Wk, bk = _lin_init(ks[8], D, D)
    Wv, bv = _lin_init(ks[9], D, D)
    Wed, bed = _lin_init(ks[10], D, D)
    Ws, bs = _lin_init(ks[11], D, D)
    W1, b1 = _lin_init(ks[12], D, 2 * D)
    W2, b2 = _lin_init(ks[13], 2 * D, 1)
    return {'x_nodes': x_nodes, 'edge_index': edge_index, 'edge_attr': edge_attr,
            'location': location, 'batch': batch,
            'Wn': Wn, 'bn': bn, 'We': We, 'be': be,
            'Wq': Wq, 'bq': bq, 'Wk': Wk, 'bk': bk, 'Wv': Wv, 'bv': bv,
            'Wed': Wed, 'bed': bed, 'Ws': Ws, 'bs': bs,
            'W1': W1, 'b1': b1, 'W2': W2, 'b2': b2}


def reference(x_nodes, edge_index, edge_attr, location, batch,
              Wn, bn, We, be, Wq, bq, Wk, bk, Wv, bv, Wed, bed, Ws, bs,
              W1, b1, W2, b2):
    # node / edge embedding modules (stand-in Linear layers)
    h = x_nodes @ Wn + bn          # [N, D]
    e = edge_attr @ We + be        # [E, D]
    # dropout in eval mode == identity
    skip = h
    src = edge_index[0]
    dst = edge_index[1]
    # TransformerConv (PyG semantics, heads=1, concat=True, root_weight=True, edge_dim=D)
    q = h @ Wq + bq
    k = h @ Wk + bk
    v = h @ Wv + bv
    ee = e @ Wed + bed             # [E, D]
    k_j = k[src] + ee
    v_j = v[src] + ee
    q_i = q[dst]
    alpha = jnp.sum(q_i * k_j, axis=-1) / jnp.sqrt(float(D))   # [E]
    m = jax.ops.segment_max(alpha, dst, num_segments=N)
    alpha = jnp.exp(alpha - m[dst])
    denom = jax.ops.segment_sum(alpha, dst, num_segments=N)
    alpha = alpha / (denom[dst] + 1e-16)
    out = jax.ops.segment_sum(alpha[:, None] * v_j, dst, num_segments=N)
    out = out + (h @ Ws + bs)      # root weight / skip inside conv
    # residual + relu
    out = out + skip
    out = jnp.maximum(out, 0.0)
    # global mean pool over (location + num_location * batch)
    seg = location + NL * batch
    S = NL * B
    ssum = jax.ops.segment_sum(out, seg, num_segments=S)
    cnt = jax.ops.segment_sum(jnp.ones((N,), jnp.float32), seg, num_segments=S)
    g = ssum / jnp.maximum(cnt, 1.0)[:, None]
    g = jnp.maximum(g @ W1 + b1, 0.0)
    return g @ W2 + b2

if __name__ == "__main__":
    import jax
    _d = setup_inputs()
    print(jax.jit(kernel)(*tuple(_d.values())))

</pallas_src>

<mosaic_0001>
#map = affine_map<(d0, d1) -> (0)>
#map1 = affine_map<(d0, d1) -> (0, 0)>
#map2 = affine_map<(d0, d1) -> (0, 0, 0)>
module attributes {stable_mosaic.version = 14 : i64} {
  func.func @_edge_sc_body(%arg0: i32, %arg1: i32, %arg2: memref<320000xi32, #tpu.memory_space<hbm>>, %arg3: memref<320000xi32, #tpu.memory_space<hbm>>, %arg4: memref<10000x128xf32, #tpu.memory_space<hbm>>, %arg5: memref<10000x128xf32, #tpu.memory_space<hbm>>, %arg6: memref<160000x128xf32, #tpu.memory_space<hbm>>, %arg7: memref<2x10112x128xf32, #tpu.memory_space<hbm>>, %arg8: memref<80xi32, #tpu.memory_space<vmem>>, %arg9: memref<80xi32, #tpu.memory_space<vmem>>, %arg10: memref<80xi32, #tpu.memory_space<vmem>>, %arg11: memref<80xi32, #tpu.memory_space<vmem>>, %arg12: memref<80x128xf32, #tpu.memory_space<vmem>>, %arg13: memref<80x128xf32, #tpu.memory_space<vmem>>, %arg14: memref<40x128xf32, #tpu.memory_space<vmem>>, %arg15: memref<40x128xf32, #tpu.memory_space<vmem>>, %arg16: memref<80x128xf32, #tpu.memory_space<vmem>>, %arg17: memref<10112x128xf32, #tpu.memory_space<vmem_shared>>, %arg18: memref<!tpu.dma_semaphore, #tpu.memory_space<semaphore_mem>>, %arg19: memref<!tpu.dma_semaphore, #tpu.memory_space<semaphore_mem>>, %arg20: memref<!tpu.dma_semaphore, #tpu.memory_space<semaphore_mem>>) attributes {dimension_semantics = [#tpu.dimension_semantics<core_parallel>, #tpu.dimension_semantics<subcore_parallel>], iteration_bounds = array<i64: 2, 16>, scalar_prefetch = 0 : i64, scratch_operands = 13 : i64, tpu.core_type = #tpu.core_type<sc_vector_subcore>, window_params = [{transform_indices = #map}, {transform_indices = #map}, {transform_indices = #map1}, {transform_indices = #map1}, {transform_indices = #map1}, {transform_indices = #map2}]} {
    %mul3A = arith.constant 2 : i32
    %mul3A_0 = arith.muli %arg1, %mul3A : i32
    %add3A = arith.addi %mul3A_0, %arg0 : i32
    %mul3A_1 = arith.constant 632 : i32
    %mul3A_2 = arith.muli %arg1, %mul3A_1 : i32
    %mul3A_3 = arith.constant 10000 : i32
    %mul3A_4 = arith.muli %add3A, %mul3A_3 : i32
    %broadcast_in_dim3A = arith.constant 0.000000e+00 : f32
    %broadcast_in_dim3A_5 = vector.broadcast %broadcast_in_dim3A : f32 to vector<16xf32>
    %scan3A = arith.constant 0 : i32
    %scan3A_6 = arith.constant 0 : i32
    %scan3A_7 = arith.constant 80 : i32
    %scan3A_8 = arith.addi %scan3A_6, %scan3A_7 : i32
    %scan3A_9 = arith.constant 1 : i32
    scf.for %scan3A_283 = %scan3A_6 to %scan3A_8 step %scan3A_9  : i32 {
      %swap3A = arith.index_cast %scan3A_283 : i32 to index
      %swap3A_284 = arith.constant 0 : index
      %swap3A_285 = tpu.vector_load %arg16[%swap3A, %swap3A_284] {strides = array<i32>} : memref<80x128xf32, #tpu.memory_space<vmem>>, vector<1x16xf32>,
      %swap3A_286 = vector.shape_cast %swap3A_285 : vector<1x16xf32> to vector<16xf32>
      %swap3A_287 = vector.shape_cast %broadcast_in_dim3A_5 : vector<16xf32> to vector<1x16xf32>
      tpu.vector_store %arg16[%swap3A, %swap3A_284], %swap3A_287 {strides = array<i32>} : memref<80x128xf32, #tpu.memory_space<vmem>>, vector<1x16xf32>,
      %swap3A_288 = arith.index_cast %scan3A_283 : i32 to index
      %swap3A_289 = arith.constant 16 : index
      %swap3A_290 = tpu.vector_load %arg16[%swap3A_288, %swap3A_289] {strides = array<i32>} : memref<80x128xf32, #tpu.memory_space<vmem>>, vector<1x16xf32>,
      %swap3A_291 = vector.shape_cast %swap3A_290 : vector<1x16xf32> to vector<16xf32>
      %swap3A_292 = vector.shape_cast %broadcast_in_dim3A_5 : vector<16xf32> to vector<1x16xf32>
      tpu.vector_store %arg16[%swap3A_288, %swap3A_289], %swap3A_292 {strides = array<i32>} : memref<80x128xf32, #tpu.memory_space<vmem>>, vector<1x16xf32>,
      %swap3A_293 = arith.index_cast %scan3A_283 : i32 to index
      %swap3A_294 = arith.constant 32 : index
      %swap3A_295 = tpu.vector_load %arg16[%swap3A_293, %swap3A_294] {strides = array<i32>} : memref<80x128xf32, #tpu.memory_space<vmem>>, vector<1x16xf32>,
      %swap3A_296 = vector.shape_cast %swap3A_295 : vector<1x16xf32> to vector<16xf32>
      %swap3A_297 = vector.shape_cast %broadcast_in_dim3A_5 : vector<16xf32> to vector<1x16xf32>
      tpu.vector_store %arg16[%swap3A_293, %swap3A_294], %swap3A_297 {strides = array<i32>} : memref<80x128xf32, #tpu.memory_space<vmem>>, vector<1x16xf32>,
      %swap3A_298 = arith.index_cast %scan3A_283 : i32 to index
      %swap3A_299 = arith.constant 48 : index
      %swap3A_300 = tpu.vector_load %arg16[%swap3A_298, %swap3A_299] {strides = array<i32>} : memref<80x128xf32, #tpu.memory_space<vmem>>, vector<1x16xf32>,
      %swap3A_301 = vector.shape_cast %swap3A_300 : vector<1x16xf32> to vector<16xf32>
      %swap3A_302 = vector.shape_cast %broadcast_in_dim3A_5 : vector<16xf32> to vector<1x16xf32>
      tpu.vector_store %arg16[%swap3A_298, %swap3A_299], %swap3A_302 {strides = array<i32>} : memref<80x128xf32, #tpu.memory_space<vmem>>, vector<1x16xf32>,
      %swap3A_303 = arith.index_cast %scan3A_283 : i32 to index
      %swap3A_304 = arith.constant 64 : index
      %swap3A_305 = tpu.vector_load %arg16[%swap3A_303, %swap3A_304] {strides = array<i32>} : memref<80x128xf32, #tpu.memory_space<vmem>>, vector<1x16xf32>,
      %swap3A_306 = vector.shape_cast %swap3A_305 : vector<1x16xf32> to vector<16xf32>
      %swap3A_307 = vector.shape_cast %broadcast_in_dim3A_5 : vector<16xf32> to vector<1x16xf32>
      tpu.vector_store %arg16[%swap3A_303, %swap3A_304], %swap3A_307 {strides = array<i32>} : memref<80x128xf32, #tpu.memory_space<vmem>>, vector<1x16xf32>,
      %swap3A_308 = arith.index_cast %scan3A_283 : i32 to index
      %swap3A_309 = arith.constant 80 : index
      %swap3A_310 = tpu.vector_load %arg16[%swap3A_308, %swap3A_309] {strides = array<i32>} : memref<80x128xf32, #tpu.memory_space<vmem>>, vector<1x16xf32>,
      %swap3A_311 = vector.shape_cast %swap3A_310 : vector<1x16xf32> to vector<16xf32>
      %swap3A_312 = vector.shape_cast %broadcast_in_dim3A_5 : vector<16xf32> to vector<1x16xf32>
      tpu.vector_store %arg16[%swap3A_308, %swap3A_309], %swap3A_312 {strides = array<i32>} : memref<80x128xf32, #tpu.memory_space<vmem>>, vector<1x16xf32>,
      %swap3A_313 = arith.index_cast %scan3A_283 : i32 to index
      %swap3A_314 = arith.constant 96 : index
      %swap3A_315 = tpu.vector_load %arg16[%swap3A_313, %swap3A_314] {strides = array<i32>} : memref<80x128xf32, #tpu.memory_space<vmem>>, vector<1x16xf32>,
      %swap3A_316 = vector.shape_cast %swap3A_315 : vector<1x16xf32> to vector<16xf32>
      %swap3A_317 = vector.shape_cast %broadcast_in_dim3A_5 : vector<16xf32> to vector<1x16xf32>
      tpu.vector_store %arg16[%swap3A_313, %swap3A_314], %swap3A_317 {strides = array<i32>} : memref<80x128xf32, #tpu.memory_space<vmem>>, vector<1x16xf32>,
      %swap3A_318 = arith.index_cast %scan3A_283 : i32 to index
      %swap3A_319 = arith.constant 112 : index
      %swap3A_320 = tpu.vector_load %arg16[%swap3A_318, %swap3A_319] {strides = array<i32>} : memref<80x128xf32, #tpu.memory_space<vmem>>, vector<1x16xf32>,
      %swap3A_321 = vector.shape_cast %swap3A_320 : vector<1x16xf32> to vector<16xf32>
      %swap3A_322 = vector.shape_cast %broadcast_in_dim3A_5 : vector<16xf32> to vector<1x16xf32>
      tpu.vector_store %arg16[%swap3A_318, %swap3A_319], %swap3A_322 {strides = array<i32>} : memref<80x128xf32, #tpu.memory_space<vmem>>, vector<1x16xf32>,
    }
    %scan3A_10 = arith.constant 80 : i32
    %add3A_11 = arith.constant 0 : i32
    %add3A_12 = arith.addi %mul3A_2, %add3A_11 : i32
    "tpu.region"() ({
      %run_scoped3A = tpu.sem_alloc : memref<!tpu.dma_semaphore, #tpu.memory_space<semaphore_mem>>
      %dma_start3A_283 = arith.constant 0 : i32
      %dma_start3A_284 = arith.constant 0 : i32
      %dma_start3A_285 = tpu.memref_slice %arg16[%dma_start3A_283, %dma_start3A_284] : memref<80x128xf32, #tpu.memory_space<vmem>> -> memref<80x128xf32, #tpu.memory_space<vmem>>
      %dma_start3A_286 = arith.constant 0 : i32
      %dma_start3A_287 = tpu.memref_slice %arg17[%add3A_12, %dma_start3A_286] : memref<10112x128xf32, #tpu.memory_space<vmem_shared>> -> memref<80x128xf32, #tpu.memory_space<vmem_shared>>
      %dma_start3A_288 = arith.constant 0 : i32
      %dma_start3A_289 = tpu.memref_slice %arg17[%add3A_12, %dma_start3A_288] : memref<10112x128xf32, #tpu.memory_space<vmem_shared>> -> memref<80x128xf32, #tpu.memory_space<vmem_shared>>
      %dma_start3A_290 = arith.constant 0 : i32
      %dma_start3A_291 = arith.constant 0 : i32
      %dma_start3A_292 = tpu.memref_slice %arg16[%dma_start3A_290, %dma_start3A_291] : memref<80x128xf32, #tpu.memory_space<vmem>> -> memref<80x128xf32, #tpu.memory_space<vmem>>
      tpu.enqueue_dma source(%dma_start3A_292 : memref<80x128xf32, #tpu.memory_space<vmem>>) target(%dma_start3A_289 : memref<80x128xf32, #tpu.memory_space<vmem_shared>>) target_semaphore(%run_scoped3A : memref<!tpu.dma_semaphore, #tpu.memory_space<semaphore_mem>>)
      %dma_wait3A_293 = arith.constant 0 : i32
      %dma_wait3A_294 = arith.constant 0 : i32
      %dma_wait3A_295 = tpu.memref_slice %arg16[%dma_wait3A_293, %dma_wait3A_294] : memref<80x128xf32, #tpu.memory_space<vmem>> -> memref<80x128xf32, #tpu.memory_space<vmem>>
      %dma_wait3A_296 = arith.constant 0 : i32
      %dma_wait3A_297 = tpu.memref_slice %arg17[%add3A_12, %dma_wait3A_296] : memref<10112x128xf32, #tpu.memory_space<vmem_shared>> -> memref<80x128xf32, #tpu.memory_space<vmem_shared>>
      %dma_wait3A_298 = arith.constant 0 : i32
      %dma_wait3A_299 = tpu.memref_slice %arg17[%add3A_12, %dma_wait3A_298] : memref<10112x128xf32, #tpu.memory_space<vmem_shared>> -> memref<80x128xf32, #tpu.memory_space<vmem_shared>>
      %dma_wait3A_300 = arith.constant 0 : i32
      %dma_wait3A_301 = arith.constant 0 : i32
      %dma_wait3A_302 = tpu.memref_slice %arg16[%dma_wait3A_300, %dma_wait3A_301] : memref<80x128xf32, #tpu.memory_space<vmem>> -> memref<80x128xf32, #tpu.memory_space<vmem>>
      tpu.wait_dma2 semaphore(%run_scoped3A : memref<!tpu.dma_semaphore, #tpu.memory_space<semaphore_mem>>) src(%dma_wait3A_302 : memref<80x128xf32, #tpu.memory_space<vmem>>) dst(%dma_wait3A_299 : memref<80x128xf32, #tpu.memory_space<vmem_shared>>)
      tpu.yield
    }) : () -> ()
    %add3A_13 = arith.constant 80 : i32
    %add3A_14 = arith.addi %mul3A_2, %add3A_13 : i32
    "tpu.region"() ({
      %run_scoped3A = tpu.sem_alloc : memref<!tpu.dma_semaphore, #tpu.memory_space<semaphore_mem>>
      %dma_start3A_283 = arith.constant 0 : i32
      %dma_start3A_284 = arith.constant 0 : i32
      %dma_start3A_285 = tpu.memref_slice %arg16[%dma_start3A_283, %dma_start3A_284] : memref<80x128xf32, #tpu.memory_space<vmem>> -> memref<80x128xf32, #tpu.memory_space<vmem>>
      %dma_start3A_286 = arith.constant 0 : i32
      %dma_start3A_287 = tpu.memref_slice %arg17[%add3A_14, %dma_start3A_286] : memref<10112x128xf32, #tpu.memory_space<vmem_shared>> -> memref<80x128xf32, #tpu.memory_space<vmem_shared>>
      %dma_start3A_288 = arith.constant 0 : i32
      %dma_start3A_289 = tpu.memref_slice %arg17[%add3A_14, %dma_start3A_288] : memref<10112x128xf32, #tpu.memory_space<vmem_shared>> -> memref<80x128xf32, #tpu.memory_space<vmem_shared>>
      %dma_start3A_290 = arith.constant 0 : i32
      %dma_start3A_291 = arith.constant 0 : i32
      %dma_start3A_292 = tpu.memref_slice %arg16[%dma_start3A_290, %dma_start3A_291] : memref<80x128xf32, #tpu.memory_space<vmem>> -> memref<80x128xf32, #tpu.memory_space<vmem>>
      tpu.enqueue_dma source(%dma_start3A_292 : memref<80x128xf32, #tpu.memory_space<vmem>>) target(%dma_start3A_289 : memref<80x128xf32, #tpu.memory_space<vmem_shared>>) target_semaphore(%run_scoped3A : memref<!tpu.dma_semaphore, #tpu.memory_space<semaphore_mem>>)
      %dma_wait3A_293 = arith.constant 0 : i32
      %dma_wait3A_294 = arith.constant 0 : i32
      %dma_wait3A_295 = tpu.memref_slice %arg16[%dma_wait3A_293, %dma_wait3A_294] : memref<80x128xf32, #tpu.memory_space<vmem>> -> memref<80x128xf32, #tpu.memory_space<vmem>>
      %dma_wait3A_296 = arith.constant 0 : i32
      %dma_wait3A_297 = tpu.memref_slice %arg17[%add3A_14, %dma_wait3A_296] : memref<10112x128xf32, #tpu.memory_space<vmem_shared>> -> memref<80x128xf32, #tpu.memory_space<vmem_shared>>
      %dma_wait3A_298 = arith.constant 0 : i32
      %dma_wait3A_299 = tpu.memref_slice %arg17[%add3A_14, %dma_wait3A_298] : memref<10112x128xf32, #tpu.memory_space<vmem_shared>> -> memref<80x128xf32, #tpu.memory_space<vmem_shared>>
      %dma_wait3A_300 = arith.constant 0 : i32
      %dma_wait3A_301 = arith.constant 0 : i32
      %dma_wait3A_302 = tpu.memref_slice %arg16[%dma_wait3A_300, %dma_wait3A_301] : memref<80x128xf32, #tpu.memory_space<vmem>> -> memref<80x128xf32, #tpu.memory_space<vmem>>
      tpu.wait_dma2 semaphore(%run_scoped3A : memref<!tpu.dma_semaphore, #tpu.memory_space<semaphore_mem>>) src(%dma_wait3A_302 : memref<80x128xf32, #tpu.memory_space<vmem>>) dst(%dma_wait3A_299 : memref<80x128xf32, #tpu.memory_space<vmem_shared>>)
      tpu.yield
    }) : () -> ()
    %add3A_15 = arith.constant 160 : i32
    %add3A_16 = arith.addi %mul3A_2, %add3A_15 : i32
    "tpu.region"() ({
      %run_scoped3A = tpu.sem_alloc : memref<!tpu.dma_semaphore, #tpu.memory_space<semaphore_mem>>
      %dma_start3A_283 = arith.constant 0 : i32
      %dma_start3A_284 = arith.constant 0 : i32
      %dma_start3A_285 = tpu.memref_slice %arg16[%dma_start3A_283, %dma_start3A_284] : memref<80x128xf32, #tpu.memory_space<vmem>> -> memref<80x128xf32, #tpu.memory_space<vmem>>
      %dma_start3A_286 = arith.constant 0 : i32
      %dma_start3A_287 = tpu.memref_slice %arg17[%add3A_16, %dma_start3A_286] : memref<10112x128xf32, #tpu.memory_space<vmem_shared>> -> memref<80x128xf32, #tpu.memory_space<vmem_shared>>
      %dma_start3A_288 = arith.constant 0 : i32
      %dma_start3A_289 = tpu.memref_slice %arg17[%add3A_16, %dma_start3A_288] : memref<10112x128xf32, #tpu.memory_space<vmem_shared>> -> memref<80x128xf32, #tpu.memory_space<vmem_shared>>
      %dma_start3A_290 = arith.constant 0 : i32
      %dma_start3A_291 = arith.constant 0 : i32
      %dma_start3A_292 = tpu.memref_slice %arg16[%dma_start3A_290, %dma_start3A_291] : memref<80x128xf32, #tpu.memory_space<vmem>> -> memref<80x128xf32, #tpu.memory_space<vmem>>
      tpu.enqueue_dma source(%dma_start3A_292 : memref<80x128xf32, #tpu.memory_space<vmem>>) target(%dma_start3A_289 : memref<80x128xf32, #tpu.memory_space<vmem_shared>>) target_semaphore(%run_scoped3A : memref<!tpu.dma_semaphore, #tpu.memory_space<semaphore_mem>>)
      %dma_wait3A_293 = arith.constant 0 : i32
      %dma_wait3A_294 = arith.constant 0 : i32
      %dma_wait3A_295 = tpu.memref_slice %arg16[%dma_wait3A_293, %dma_wait3A_294] : memref<80x128xf32, #tpu.memory_space<vmem>> -> memref<80x128xf32, #tpu.memory_space<vmem>>
      %dma_wait3A_296 = arith.constant 0 : i32
      %dma_wait3A_297 = tpu.memref_slice %arg17[%add3A_16, %dma_wait3A_296] : memref<10112x128xf32, #tpu.memory_space<vmem_shared>> -> memref<80x128xf32, #tpu.memory_space<vmem_shared>>
      %dma_wait3A_298 = arith.constant 0 : i32
      %dma_wait3A_299 = tpu.memref_slice %arg17[%add3A_16, %dma_wait3A_298] : memref<10112x128xf32, #tpu.memory_space<vmem_shared>> -> memref<80x128xf32, #tpu.memory_space<vmem_shared>>
      %dma_wait3A_300 = arith.constant 0 : i32
      %dma_wait3A_301 = arith.constant 0 : i32
      %dma_wait3A_302 = tpu.memref_slice %arg16[%dma_wait3A_300, %dma_wait3A_301] : memref<80x128xf32, #tpu.memory_space<vmem>> -> memref<80x128xf32, #tpu.memory_space<vmem>>
      tpu.wait_dma2 semaphore(%run_scoped3A : memref<!tpu.dma_semaphore, #tpu.memory_space<semaphore_mem>>) src(%dma_wait3A_302 : memref<80x128xf32, #tpu.memory_space<vmem>>) dst(%dma_wait3A_299 : memref<80x128xf32, #tpu.memory_space<vmem_shared>>)
      tpu.yield
    }) : () -> ()
    %add3A_17 = arith.constant 240 : i32
    %add3A_18 = arith.addi %mul3A_2, %add3A_17 : i32
    "tpu.region"() ({
      %run_scoped3A = tpu.sem_alloc : memref<!tpu.dma_semaphore, #tpu.memory_space<semaphore_mem>>
      %dma_start3A_283 = arith.constant 0 : i32
      %dma_start3A_284 = arith.constant 0 : i32
      %dma_start3A_285 = tpu.memref_slice %arg16[%dma_start3A_283, %dma_start3A_284] : memref<80x128xf32, #tpu.memory_space<vmem>> -> memref<80x128xf32, #tpu.memory_space<vmem>>
      %dma_start3A_286 = arith.constant 0 : i32
      %dma_start3A_287 = tpu.memref_slice %arg17[%add3A_18, %dma_start3A_286] : memref<10112x128xf32, #tpu.memory_space<vmem_shared>> -> memref<80x128xf32, #tpu.memory_space<vmem_shared>>
      %dma_start3A_288 = arith.constant 0 : i32
      %dma_start3A_289 = tpu.memref_slice %arg17[%add3A_18, %dma_start3A_288] : memref<10112x128xf32, #tpu.memory_space<vmem_shared>> -> memref<80x128xf32, #tpu.memory_space<vmem_shared>>
      %dma_start3A_290 = arith.constant 0 : i32
      %dma_start3A_291 = arith.constant 0 : i32
      %dma_start3A_292 = tpu.memref_slice %arg16[%dma_start3A_290, %dma_start3A_291] : memref<80x128xf32, #tpu.memory_space<vmem>> -> memref<80x128xf32, #tpu.memory_space<vmem>>
      tpu.enqueue_dma source(%dma_start3A_292 : memref<80x128xf32, #tpu.memory_space<vmem>>) target(%dma_start3A_289 : memref<80x128xf32, #tpu.memory_space<vmem_shared>>) target_semaphore(%run_scoped3A : memref<!tpu.dma_semaphore, #tpu.memory_space<semaphore_mem>>)
      %dma_wait3A_293 = arith.constant 0 : i32
      %dma_wait3A_294 = arith.constant 0 : i32
      %dma_wait3A_295 = tpu.memref_slice %arg16[%dma_wait3A_293, %dma_wait3A_294] : memref<80x128xf32, #tpu.memory_space<vmem>> -> memref<80x128xf32, #tpu.memory_space<vmem>>
      %dma_wait3A_296 = arith.constant 0 : i32
      %dma_wait3A_297 = tpu.memref_slice %arg17[%add3A_18, %dma_wait3A_296] : memref<10112x128xf32, #tpu.memory_space<vmem_shared>> -> memref<80x128xf32, #tpu.memory_space<vmem_shared>>
      %dma_wait3A_298 = arith.constant 0 : i32
      %dma_wait3A_299 = tpu.memref_slice %arg17[%add3A_18, %dma_wait3A_298] : memref<10112x128xf32, #tpu.memory_space<vmem_shared>> -> memref<80x128xf32, #tpu.memory_space<vmem_shared>>
      %dma_wait3A_300 = arith.constant 0 : i32
      %dma_wait3A_301 = arith.constant 0 : i32
      %dma_wait3A_302 = tpu.memref_slice %arg16[%dma_wait3A_300, %dma_wait3A_301] : memref<80x128xf32, #tpu.memory_space<vmem>> -> memref<80x128xf32, #tpu.memory_space<vmem>>
      tpu.wait_dma2 semaphore(%run_scoped3A : memref<!tpu.dma_semaphore, #tpu.memory_space<semaphore_mem>>) src(%dma_wait3A_302 : memref<80x128xf32, #tpu.memory_space<vmem>>) dst(%dma_wait3A_299 : memref<80x128xf32, #tpu.memory_space<vmem_shared>>)
      tpu.yield
    }) : () -> ()
    %add3A_19 = arith.constant 320 : i32
    %add3A_20 = arith.addi %mul3A_2, %add3A_19 : i32
    "tpu.region"() ({
      %run_scoped3A = tpu.sem_alloc : memref<!tpu.dma_semaphore, #tpu.memory_space<semaphore_mem>>
      %dma_start3A_283 = arith.constant 0 : i32
      %dma_start3A_284 = arith.constant 0 : i32
      %dma_start3A_285 = tpu.memref_slice %arg16[%dma_start3A_283, %dma_start3A_284] : memref<80x128xf32, #tpu.memory_space<vmem>> -> memref<80x128xf32, #tpu.memory_space<vmem>>
      %dma_start3A_286 = arith.constant 0 : i32
      %dma_start3A_287 = tpu.memref_slice %arg17[%add3A_20, %dma_start3A_286] : memref<10112x128xf32, #tpu.memory_space<vmem_shared>> -> memref<80x128xf32, #tpu.memory_space<vmem_shared>>
      %dma_start3A_288 = arith.constant 0 : i32
      %dma_start3A_289 = tpu.memref_slice %arg17[%add3A_20, %dma_start3A_288] : memref<10112x128xf32, #tpu.memory_space<vmem_shared>> -> memref<80x128xf32, #tpu.memory_space<vmem_shared>>
      %dma_start3A_290 = arith.constant 0 : i32
      %dma_start3A_291 = arith.constant 0 : i32
      %dma_start3A_292 = tpu.memref_slice %arg16[%dma_start3A_290, %dma_start3A_291] : memref<80x128xf32, #tpu.memory_space<vmem>> -> memref<80x128xf32, #tpu.memory_space<vmem>>
      tpu.enqueue_dma source(%dma_start3A_292 : memref<80x128xf32, #tpu.memory_space<vmem>>) target(%dma_start3A_289 : memref<80x128xf32, #tpu.memory_space<vmem_shared>>) target_semaphore(%run_scoped3A : memref<!tpu.dma_semaphore, #tpu.memory_space<semaphore_mem>>)
      %dma_wait3A_293 = arith.constant 0 : i32
      %dma_wait3A_294 = arith.constant 0 : i32
      %dma_wait3A_295 = tpu.memref_slice %arg16[%dma_wait3A_293, %dma_wait3A_294] : memref<80x128xf32, #tpu.memory_space<vmem>> -> memref<80x128xf32, #tpu.memory_space<vmem>>
      %dma_wait3A_296 = arith.constant 0 : i32
      %dma_wait3A_297 = tpu.memref_slice %arg17[%add3A_20, %dma_wait3A_296] : memref<10112x128xf32, #tpu.memory_space<vmem_shared>> -> memref<80x128xf32, #tpu.memory_space<vmem_shared>>
      %dma_wait3A_298 = arith.constant 0 : i32
      %dma_wait3A_299 = tpu.memref_slice %arg17[%add3A_20, %dma_wait3A_298] : memref<10112x128xf32, #tpu.memory_space<vmem_shared>> -> memref<80x128xf32, #tpu.memory_space<vmem_shared>>
      %dma_wait3A_300 = arith.constant 0 : i32
      %dma_wait3A_301 = arith.constant 0 : i32
      %dma_wait3A_302 = tpu.memref_slice %arg16[%dma_wait3A_300, %dma_wait3A_301] : memref<80x128xf32, #tpu.memory_space<vmem>> -> memref<80x128xf32, #tpu.memory_space<vmem>>
      tpu.wait_dma2 semaphore(%run_scoped3A : memref<!tpu.dma_semaphore, #tpu.memory_space<semaphore_mem>>) src(%dma_wait3A_302 : memref<80x128xf32, #tpu.memory_space<vmem>>) dst(%dma_wait3A_299 : memref<80x128xf32, #tpu.memory_space<vmem_shared>>)
      tpu.yield
    }) : () -> ()
    %add3A_21 = arith.constant 400 : i32
    %add3A_22 = arith.addi %mul3A_2, %add3A_21 : i32
    "tpu.region"() ({
      %run_scoped3A = tpu.sem_alloc : memref<!tpu.dma_semaphore, #tpu.memory_space<semaphore_mem>>
      %dma_start3A_283 = arith.constant 0 : i32
      %dma_start3A_284 = arith.constant 0 : i32
      %dma_start3A_285 = tpu.memref_slice %arg16[%dma_start3A_283, %dma_start3A_284] : memref<80x128xf32, #tpu.memory_space<vmem>> -> memref<80x128xf32, #tpu.memory_space<vmem>>
      %dma_start3A_286 = arith.constant 0 : i32
      %dma_start3A_287 = tpu.memref_slice %arg17[%add3A_22, %dma_start3A_286] : memref<10112x128xf32, #tpu.memory_space<vmem_shared>> -> memref<80x128xf32, #tpu.memory_space<vmem_shared>>
      %dma_start3A_288 = arith.constant 0 : i32
      %dma_start3A_289 = tpu.memref_slice %arg17[%add3A_22, %dma_start3A_288] : memref<10112x128xf32, #tpu.memory_space<vmem_shared>> -> memref<80x128xf32, #tpu.memory_space<vmem_shared>>
      %dma_start3A_290 = arith.constant 0 : i32
      %dma_start3A_291 = arith.constant 0 : i32
      %dma_start3A_292 = tpu.memref_slice %arg16[%dma_start3A_290, %dma_start3A_291] : memref<80x128xf32, #tpu.memory_space<vmem>> -> memref<80x128xf32, #tpu.memory_space<vmem>>
      tpu.enqueue_dma source(%dma_start3A_292 : memref<80x128xf32, #tpu.memory_space<vmem>>) target(%dma_start3A_289 : memref<80x128xf32, #tpu.memory_space<vmem_shared>>) target_semaphore(%run_scoped3A : memref<!tpu.dma_semaphore, #tpu.memory_space<semaphore_mem>>)
      %dma_wait3A_293 = arith.constant 0 : i32
      %dma_wait3A_294 = arith.constant 0 : i32
      %dma_wait3A_295 = tpu.memref_slice %arg16[%dma_wait3A_293, %dma_wait3A_294] : memref<80x128xf32, #tpu.memory_space<vmem>> -> memref<80x128xf32, #tpu.memory_space<vmem>>
      %dma_wait3A_296 = arith.constant 0 : i32
      %dma_wait3A_297 = tpu.memref_slice %arg17[%add3A_22, %dma_wait3A_296] : memref<10112x128xf32, #tpu.memory_space<vmem_shared>> -> memref<80x128xf32, #tpu.memory_space<vmem_shared>>
      %dma_wait3A_298 = arith.constant 0 : i32
      %dma_wait3A_299 = tpu.memref_slice %arg17[%add3A_22, %dma_wait3A_298] : memref<10112x128xf32, #tpu.memory_space<vmem_shared>> -> memref<80x128xf32, #tpu.memory_space<vmem_shared>>
      %dma_wait3A_300 = arith.constant 0 : i32
      %dma_wait3A_301 = arith.constant 0 : i32
      %dma_wait3A_302 = tpu.memref_slice %arg16[%dma_wait3A_300, %dma_wait3A_301] : memref<80x128xf32, #tpu.memory_space<vmem>> -> memref<80x128xf32, #tpu.memory_space<vmem>>
      tpu.wait_dma2 semaphore(%run_scoped3A : memref<!tpu.dma_semaphore, #tpu.memory_space<semaphore_mem>>) src(%dma_wait3A_302 : memref<80x128xf32, #tpu.memory_space<vmem>>) dst(%dma_wait3A_299 : memref<80x128xf32, #tpu.memory_space<vmem_shared>>)
      tpu.yield
    }) : () -> ()
    %add3A_23 = arith.constant 480 : i32
    %add3A_24 = arith.addi %mul3A_2, %add3A_23 : i32
    "tpu.region"() ({
      %run_scoped3A = tpu.sem_alloc : memref<!tpu.dma_semaphore, #tpu.memory_space<semaphore_mem>>
      %dma_start3A_283 = arith.constant 0 : i32
      %dma_start3A_284 = arith.constant 0 : i32
      %dma_start3A_285 = tpu.memref_slice %arg16[%dma_start3A_283, %dma_start3A_284] : memref<80x128xf32, #tpu.memory_space<vmem>> -> memref<80x128xf32, #tpu.memory_space<vmem>>
      %dma_start3A_286 = arith.constant 0 : i32
      %dma_start3A_287 = tpu.memref_slice %arg17[%add3A_24, %dma_start3A_286] : memref<10112x128xf32, #tpu.memory_space<vmem_shared>> -> memref<80x128xf32, #tpu.memory_space<vmem_shared>>
      %dma_start3A_288 = arith.constant 0 : i32
      %dma_start3A_289 = tpu.memref_slice %arg17[%add3A_24, %dma_start3A_288] : memref<10112x128xf32, #tpu.memory_space<vmem_shared>> -> memref<80x128xf32, #tpu.memory_space<vmem_shared>>
      %dma_start3A_290 = arith.constant 0 : i32
      %dma_start3A_291 = arith.constant 0 : i32
      %dma_start3A_292 = tpu.memref_slice %arg16[%dma_start3A_290, %dma_start3A_291] : memref<80x128xf32, #tpu.memory_space<vmem>> -> memref<80x128xf32, #tpu.memory_space<vmem>>
      tpu.enqueue_dma source(%dma_start3A_292 : memref<80x128xf32, #tpu.memory_space<vmem>>) target(%dma_start3A_289 : memref<80x128xf32, #tpu.memory_space<vmem_shared>>) target_semaphore(%run_scoped3A : memref<!tpu.dma_semaphore, #tpu.memory_space<semaphore_mem>>)
      %dma_wait3A_293 = arith.constant 0 : i32
      %dma_wait3A_294 = arith.constant 0 : i32
      %dma_wait3A_295 = tpu.memref_slice %arg16[%dma_wait3A_293, %dma_wait3A_294] : memref<80x128xf32, #tpu.memory_space<vmem>> -> memref<80x128xf32, #tpu.memory_space<vmem>>
      %dma_wait3A_296 = arith.constant 0 : i32
      %dma_wait3A_297 = tpu.memref_slice %arg17[%add3A_24, %dma_wait3A_296] : memref<10112x128xf32, #tpu.memory_space<vmem_shared>> -> memref<80x128xf32, #tpu.memory_space<vmem_shared>>
      %dma_wait3A_298 = arith.constant 0 : i32
      %dma_wait3A_299 = tpu.memref_slice %arg17[%add3A_24, %dma_wait3A_298] : memref<10112x128xf32, #tpu.memory_space<vmem_shared>> -> memref<80x128xf32, #tpu.memory_space<vmem_shared>>
      %dma_wait3A_300 = arith.constant 0 : i32
      %dma_wait3A_301 = arith.constant 0 : i32
      %dma_wait3A_302 = tpu.memref_slice %arg16[%dma_wait3A_300, %dma_wait3A_301] : memref<80x128xf32, #tpu.memory_space<vmem>> -> memref<80x128xf32, #tpu.memory_space<vmem>>
      tpu.wait_dma2 semaphore(%run_scoped3A : memref<!tpu.dma_semaphore, #tpu.memory_space<semaphore_mem>>) src(%dma_wait3A_302 : memref<80x128xf32, #tpu.memory_space<vmem>>) dst(%dma_wait3A_299 : memref<80x128xf32, #tpu.memory_space<vmem_shared>>)
      tpu.yield
    }) : () -> ()
    %add3A_25 = arith.constant 560 : i32
    %add3A_26 = arith.addi %mul3A_2, %add3A_25 : i32
    "tpu.region"() ({
      %run_scoped3A = tpu.sem_alloc : memref<!tpu.dma_semaphore, #tpu.memory_space<semaphore_mem>>
      %dma_start3A_283 = arith.constant 0 : i32
      %dma_start3A_284 = arith.constant 0 : i32
      %dma_start3A_285 = tpu.memref_slice %arg16[%dma_start3A_283, %dma_start3A_284] : memref<80x128xf32, #tpu.memory_space<vmem>> -> memref<72x128xf32, #tpu.memory_space<vmem>>
      %dma_start3A_286 = arith.constant 0 : i32
      %dma_start3A_287 = tpu.memref_slice %arg17[%add3A_26, %dma_start3A_286] : memref<10112x128xf32, #tpu.memory_space<vmem_shared>> -> memref<72x128xf32, #tpu.memory_space<vmem_shared>>
      %dma_start3A_288 = arith.constant 0 : i32
      %dma_start3A_289 = tpu.memref_slice %arg17[%add3A_26, %dma_start3A_288] : memref<10112x128xf32, #tpu.memory_space<vmem_shared>> -> memref<72x128xf32, #tpu.memory_space<vmem_shared>>
      %dma_start3A_290 = arith.constant 0 : i32
      %dma_start3A_291 = arith.constant 0 : i32
      %dma_start3A_292 = tpu.memref_slice %arg16[%dma_start3A_290, %dma_start3A_291] : memref<80x128xf32, #tpu.memory_space<vmem>> -> memref<72x128xf32, #tpu.memory_space<vmem>>
      tpu.enqueue_dma source(%dma_start3A_292 : memref<72x128xf32, #tpu.memory_space<vmem>>) target(%dma_start3A_289 : memref<72x128xf32, #tpu.memory_space<vmem_shared>>) target_semaphore(%run_scoped3A : memref<!tpu.dma_semaphore, #tpu.memory_space<semaphore_mem>>)
      %dma_wait3A_293 = arith.constant 0 : i32
      %dma_wait3A_294 = arith.constant 0 : i32
      %dma_wait3A_295 = tpu.memref_slice %arg16[%dma_wait3A_293, %dma_wait3A_294] : memref<80x128xf32, #tpu.memory_space<vmem>> -> memref<72x128xf32, #tpu.memory_space<vmem>>
      %dma_wait3A_296 = arith.constant 0 : i32
      %dma_wait3A_297 = tpu.memref_slice %arg17[%add3A_26, %dma_wait3A_296] : memref<10112x128xf32, #tpu.memory_space<vmem_shared>> -> memref<72x128xf32, #tpu.memory_space<vmem_shared>>
      %dma_wait3A_298 = arith.constant 0 : i32
      %dma_wait3A_299 = tpu.memref_slice %arg17[%add3A_26, %dma_wait3A_298] : memref<10112x128xf32, #tpu.memory_space<vmem_shared>> -> memref<72x128xf32, #tpu.memory_space<vmem_shared>>
      %dma_wait3A_300 = arith.constant 0 : i32
      %dma_wait3A_301 = arith.constant 0 : i32
      %dma_wait3A_302 = tpu.memref_slice %arg16[%dma_wait3A_300, %dma_wait3A_301] : memref<80x128xf32, #tpu.memory_space<vmem>> -> memref<72x128xf32, #tpu.memory_space<vmem>>
      tpu.wait_dma2 semaphore(%run_scoped3A : memref<!tpu.dma_semaphore, #tpu.memory_space<semaphore_mem>>) src(%dma_wait3A_302 : memref<72x128xf32, #tpu.memory_space<vmem>>) dst(%dma_wait3A_299 : memref<72x128xf32, #tpu.memory_space<vmem_shared>>)
      tpu.yield
    }) : () -> ()
    %barrier3A = arith.constant 0 : index
    tpu.barrier barrier_id(%barrier3A)
    %iota3A = tpu.iota {dimensions = array<i32: 0>} : vector<16xi32>
    %eq3A = arith.constant 0 : i32
    %eq3A_27 = vector.broadcast %eq3A : i32 to vector<16xi32>
    %eq3A_28 = arith.cmpi eq, %iota3A, %eq3A_27 : vector<16xi32>
    %jit3A = arith.constant 1.000000e+00 : f32
    %jit3A_29 = arith.constant 0.000000e+00 : f32
    %broadcast_in_dim3A_30 = vector.broadcast %jit3A : f32 to vector<16xf32>
    %broadcast_in_dim3A_31 = vector.broadcast %jit3A_29 : f32 to vector<16xf32>
    %select_n3A = arith.select %eq3A_28, %broadcast_in_dim3A_30, %broadcast_in_dim3A_31 : vector<16xi1>, vector<16xf32>
    %iota3A_32 = tpu.iota {dimensions = array<i32: 0>} : vector<16xi32>
    %xor3A = arith.constant 8 : i32
    %xor3A_33 = vector.broadcast %xor3A : i32 to vector<16xi32>
    %xor3A_34 = arith.xori %iota3A_32, %xor3A_33 : vector<16xi32>
    %broadcast_in_dim3A_35 = vector.shape_cast %xor3A_34 : vector<16xi32> to vector<16x1xi32>
    %xor3A_36 = arith.constant 4 : i32
    %xor3A_37 = vector.broadcast %xor3A_36 : i32 to vector<16xi32>
    %xor3A_38 = arith.xori %iota3A_32, %xor3A_37 : vector<16xi32>
    %broadcast_in_dim3A_39 = vector.shape_cast %xor3A_38 : vector<16xi32> to vector<16x1xi32>
    %xor3A_40 = arith.constant 2 : i32
    %xor3A_41 = vector.broadcast %xor3A_40 : i32 to vector<16xi32>
    %xor3A_42 = arith.xori %iota3A_32, %xor3A_41 : vector<16xi32>
    %broadcast_in_dim3A_43 = vector.shape_cast %xor3A_42 : vector<16xi32> to vector<16x1xi32>
    %xor3A_44 = arith.constant 1 : i32
    %xor3A_45 = vector.broadcast %xor3A_44 : i32 to vector<16xi32>
    %xor3A_46 = arith.xori %iota3A_32, %xor3A_45 : vector<16xi32>
    %broadcast_in_dim3A_47 = vector.shape_cast %xor3A_46 : vector<16xi32> to vector<16x1xi32>
    %add3A_48 = arith.constant 0 : i32
    %add3A_49 = arith.addi %mul3A_4, %add3A_48 : i32
    %multiple_of3A = tpu.assume_multiple %add3A_49, 16 : i32
    %jit3A_50 = arith.constant 2 : i32
    %div3A = arith.divsi %multiple_of3A, %jit3A_50 : i32
    %sign3A = arith.constant 0 : i32
    %sign3A_51 = arith.cmpi sgt, %multiple_of3A, %sign3A : i32
    %sign3A_52 = arith.extui %sign3A_51 : i1 to i32
    %sign3A_53 = arith.constant 0 : i32
    %sign3A_54 = arith.cmpi slt, %multiple_of3A, %sign3A_53 : i32
    %sign3A_55 = arith.extui %sign3A_54 : i1 to i32
    %sign3A_56 = arith.subi %sign3A_52, %sign3A_55 : i32
    %sign3A_57 = arith.constant 0 : i32
    %sign3A_58 = arith.cmpi sgt, %jit3A_50, %sign3A_57 : i32
    %sign3A_59 = arith.extui %sign3A_58 : i1 to i32
    %sign3A_60 = arith.constant 0 : i32
    %sign3A_61 = arith.cmpi slt, %jit3A_50, %sign3A_60 : i32
    %sign3A_62 = arith.extui %sign3A_61 : i1 to i32
    %sign3A_63 = arith.subi %sign3A_59, %sign3A_62 : i32
    %ne3A = arith.cmpi ne, %sign3A_56, %sign3A_63 : i32
    %rem3A = arith.remsi %multiple_of3A, %jit3A_50 : i32
    %ne3A_64 = arith.constant 0 : i32
    %ne3A_65 = arith.cmpi ne, %rem3A, %ne3A_64 : i32
    %and3A = arith.andi %ne3A, %ne3A_65 : i1
    %sub3A = arith.constant 1 : i32
    %sub3A_66 = arith.subi %div3A, %sub3A : i32
    %select_n3A_67 = arith.select %and3A, %sub3A_66, %div3A : i32
    %multiple_of3A_68 = tpu.assume_multiple %select_n3A_67, 8 : i32
    %dma_start3A = tpu.memref_slice %arg2[%multiple_of3A] : memref<320000xi32, #tpu.memory_space<hbm>> -> memref<80xi32, #tpu.memory_space<hbm>>
    %dma_start3A_69 = tpu.memref_slice %arg2[%multiple_of3A] : memref<320000xi32, #tpu.memory_space<hbm>> -> memref<80xi32, #tpu.memory_space<hbm>>
    tpu.enqueue_dma source(%dma_start3A_69 : memref<80xi32, #tpu.memory_space<hbm>>) target(%arg8 : memref<80xi32, #tpu.memory_space<vmem>>) target_semaphore(%arg19 : memref<!tpu.dma_semaphore, #tpu.memory_space<semaphore_mem>>)
    %dma_start3A_70 = tpu.memref_slice %arg3[%multiple_of3A] : memref<320000xi32, #tpu.memory_space<hbm>> -> memref<80xi32, #tpu.memory_space<hbm>>
    %dma_start3A_71 = tpu.memref_slice %arg3[%multiple_of3A] : memref<320000xi32, #tpu.memory_space<hbm>> -> memref<80xi32, #tpu.memory_space<hbm>>
    tpu.enqueue_dma source(%dma_start3A_71 : memref<80xi32, #tpu.memory_space<hbm>>) target(%arg10 : memref<80xi32, #tpu.memory_space<vmem>>) target_semaphore(%arg19 : memref<!tpu.dma_semaphore, #tpu.memory_space<semaphore_mem>>)
    %dma_start3A_72 = arith.constant 0 : i32
    %dma_start3A_73 = tpu.memref_slice %arg6[%multiple_of3A_68, %dma_start3A_72] : memref<160000x128xf32, #tpu.memory_space<hbm>> -> memref<40x128xf32, #tpu.memory_space<hbm>>
    %dma_start3A_74 = arith.constant 0 : i32
    %dma_start3A_75 = tpu.memref_slice %arg6[%multiple_of3A_68, %dma_start3A_74] : memref<160000x128xf32, #tpu.memory_space<hbm>> -> memref<40x128xf32, #tpu.memory_space<hbm>>
    tpu.enqueue_dma source(%dma_start3A_75 : memref<40x128xf32, #tpu.memory_space<hbm>>) target(%arg14 : memref<40x128xf32, #tpu.memory_space<vmem>>) target_semaphore(%arg19 : memref<!tpu.dma_semaphore, #tpu.memory_space<semaphore_mem>>)
    %add3A_76 = arith.constant 80 : i32
    %add3A_77 = arith.addi %mul3A_4, %add3A_76 : i32
    %multiple_of3A_78 = tpu.assume_multiple %add3A_77, 16 : i32
    %jit3A_79 = arith.constant 2 : i32
    %div3A_80 = arith.divsi %multiple_of3A_78, %jit3A_79 : i32
    %sign3A_81 = arith.constant 0 : i32
    %sign3A_82 = arith.cmpi sgt, %multiple_of3A_78, %sign3A_81 : i32
    %sign3A_83 = arith.extui %sign3A_82 : i1 to i32
    %sign3A_84 = arith.constant 0 : i32
    %sign3A_85 = arith.cmpi slt, %multiple_of3A_78, %sign3A_84 : i32
    %sign3A_86 = arith.extui %sign3A_85 : i1 to i32
    %sign3A_87 = arith.subi %sign3A_83, %sign3A_86 : i32
    %sign3A_88 = arith.constant 0 : i32
    %sign3A_89 = arith.cmpi sgt, %jit3A_79, %sign3A_88 : i32
    %sign3A_90 = arith.extui %sign3A_89 : i1 to i32
    %sign3A_91 = arith.constant 0 : i32
    %sign3A_92 = arith.cmpi slt, %jit3A_79, %sign3A_91 : i32
    %sign3A_93 = arith.extui %sign3A_92 : i1 to i32
    %sign3A_94 = arith.subi %sign3A_90, %sign3A_93 : i32
    %ne3A_95 = arith.cmpi ne, %sign3A_87, %sign3A_94 : i32
    %rem3A_96 = arith.remsi %multiple_of3A_78, %jit3A_79 : i32
    %ne3A_97 = arith.constant 0 : i32
    %ne3A_98 = arith.cmpi ne, %rem3A_96, %ne3A_97 : i32
    %and3A_99 = arith.andi %ne3A_95, %ne3A_98 : i1
    %sub3A_100 = arith.constant 1 : i32
    %sub3A_101 = arith.subi %div3A_80, %sub3A_100 : i32
    %select_n3A_102 = arith.select %and3A_99, %sub3A_101, %div3A_80 : i32
    %multiple_of3A_103 = tpu.assume_multiple %select_n3A_102, 8 : i32
    %dma_start3A_104 = tpu.memref_slice %arg2[%multiple_of3A_78] : memref<320000xi32, #tpu.memory_space<hbm>> -> memref<80xi32, #tpu.memory_space<hbm>>
    %dma_start3A_105 = tpu.memref_slice %arg2[%multiple_of3A_78] : memref<320000xi32, #tpu.memory_space<hbm>> -> memref<80xi32, #tpu.memory_space<hbm>>
    tpu.enqueue_dma source(%dma_start3A_105 : memref<80xi32, #tpu.memory_space<hbm>>) target(%arg9 : memref<80xi32, #tpu.memory_space<vmem>>) target_semaphore(%arg20 : memref<!tpu.dma_semaphore, #tpu.memory_space<semaphore_mem>>)
    %dma_start3A_106 = tpu.memref_slice %arg3[%multiple_of3A_78] : memref<320000xi32, #tpu.memory_space<hbm>> -> memref<80xi32, #tpu.memory_space<hbm>>
    %dma_start3A_107 = tpu.memref_slice %arg3[%multiple_of3A_78] : memref<320000xi32, #tpu.memory_space<hbm>> -> memref<80xi32, #tpu.memory_space<hbm>>
    tpu.enqueue_dma source(%dma_start3A_107 : memref<80xi32, #tpu.memory_space<hbm>>) target(%arg11 : memref<80xi32, #tpu.memory_space<vmem>>) target_semaphore(%arg20 : memref<!tpu.dma_semaphore, #tpu.memory_space<semaphore_mem>>)
    %dma_start3A_108 = arith.constant 0 : i32
    %dma_start3A_109 = tpu.memref_slice %arg6[%multiple_of3A_103, %dma_start3A_108] : memref<160000x128xf32, #tpu.memory_space<hbm>> -> memref<40x128xf32, #tpu.memory_space<hbm>>
    %dma_start3A_110 = arith.constant 0 : i32
    %dma_start3A_111 = tpu.memref_slice %arg6[%multiple_of3A_103, %dma_start3A_110] : memref<160000x128xf32, #tpu.memory_space<hbm>> -> memref<40x128xf32, #tpu.memory_space<hbm>>
    tpu.enqueue_dma source(%dma_start3A_111 : memref<40x128xf32, #tpu.memory_space<hbm>>) target(%arg15 : memref<40x128xf32, #tpu.memory_space<vmem>>) target_semaphore(%arg20 : memref<!tpu.dma_semaphore, #tpu.memory_space<semaphore_mem>>)
    %scan3A_112 = arith.constant 0 : i32
    %scan3A_113 = arith.constant 0 : i32
    %scan3A_114 = arith.constant 62 : i32
    %scan3A_115 = arith.addi %scan3A_113, %scan3A_114 : i32
    %scan3A_116 = arith.constant 1 : i32
    scf.for %scan3A_283 = %scan3A_113 to %scan3A_115 step %scan3A_116  : i32 {
      %mul3A_284 = arith.constant 2 : i32
      %mul3A_285 = arith.muli %scan3A_283, %mul3A_284 : i32
      %mul3A_286 = arith.constant 80 : i32
      %mul3A_287 = arith.muli %mul3A_285, %mul3A_286 : i32
      %add3A_288 = arith.addi %mul3A_4, %mul3A_287 : i32
      %multiple_of3A_289 = tpu.assume_multiple %add3A_288, 16 : i32
      %jit3A_290 = arith.constant 2 : i32
      %div3A_291 = arith.divsi %multiple_of3A_289, %jit3A_290 : i32
      %sign3A_292 = arith.constant 0 : i32
      %sign3A_293 = arith.cmpi sgt, %multiple_of3A_289, %sign3A_292 : i32
      %sign3A_294 = arith.extui %sign3A_293 : i1 to i32
      %sign3A_295 = arith.constant 0 : i32
      %sign3A_296 = arith.cmpi slt, %multiple_of3A_289, %sign3A_295 : i32
      %sign3A_297 = arith.extui %sign3A_296 : i1 to i32
      %sign3A_298 = arith.subi %sign3A_294, %sign3A_297 : i32
      %sign3A_299 = arith.constant 0 : i32
      %sign3A_300 = arith.cmpi sgt, %jit3A_290, %sign3A_299 : i32
      %sign3A_301 = arith.extui %sign3A_300 : i1 to i32
      %sign3A_302 = arith.constant 0 : i32
      %sign3A_303 = arith.cmpi slt, %jit3A_290, %sign3A_302 : i32
      %sign3A_304 = arith.extui %sign3A_303 : i1 to i32
      %sign3A_305 = arith.subi %sign3A_301, %sign3A_304 : i32
      %ne3A_306 = arith.cmpi ne, %sign3A_298, %sign3A_305 : i32
      %rem3A_307 = arith.remsi %multiple_of3A_289, %jit3A_290 : i32
      %ne3A_308 = arith.constant 0 : i32
      %ne3A_309 = arith.cmpi ne, %rem3A_307, %ne3A_308 : i32
      %and3A_310 = arith.andi %ne3A_306, %ne3A_309 : i1
      %sub3A_311 = arith.constant 1 : i32
      %sub3A_312 = arith.subi %div3A_291, %sub3A_311 : i32
      %select_n3A_313 = arith.select %and3A_310, %sub3A_312, %div3A_291 : i32
      %multiple_of3A_314 = tpu.assume_multiple %select_n3A_313, 8 : i32
      %dma_wait3A_315 = tpu.memref_slice %arg2[%multiple_of3A_289] : memref<320000xi32, #tpu.memory_space<hbm>> -> memref<80xi32, #tpu.memory_space<hbm>>
      %dma_wait3A_316 = tpu.memref_slice %arg2[%multiple_of3A_289] : memref<320000xi32, #tpu.memory_space<hbm>> -> memref<80xi32, #tpu.memory_space<hbm>>
      tpu.wait_dma2 semaphore(%arg19 : memref<!tpu.dma_semaphore, #tpu.memory_space<semaphore_mem>>) src(%dma_wait3A_316 : memref<80xi32, #tpu.memory_space<hbm>>) dst(%arg8 : memref<80xi32, #tpu.memory_space<vmem>>)
      %dma_wait3A_317 = tpu.memref_slice %arg3[%multiple_of3A_289] : memref<320000xi32, #tpu.memory_space<hbm>> -> memref<80xi32, #tpu.memory_space<hbm>>
      %dma_wait3A_318 = tpu.memref_slice %arg3[%multiple_of3A_289] : memref<320000xi32, #tpu.memory_space<hbm>> -> memref<80xi32, #tpu.memory_space<hbm>>
      tpu.wait_dma2 semaphore(%arg19 : memref<!tpu.dma_semaphore, #tpu.memory_space<semaphore_mem>>) src(%dma_wait3A_318 : memref<80xi32, #tpu.memory_space<hbm>>) dst(%arg10 : memref<80xi32, #tpu.memory_space<vmem>>)
      %dma_wait3A_319 = arith.constant 0 : i32
      %dma_wait3A_320 = tpu.memref_slice %arg6[%multiple_of3A_314, %dma_wait3A_319] : memref<160000x128xf32, #tpu.memory_space<hbm>> -> memref<40x128xf32, #tpu.memory_space<hbm>>
      %dma_wait3A_321 = arith.constant 0 : i32
      %dma_wait3A_322 = tpu.memref_slice %arg6[%multiple_of3A_314, %dma_wait3A_321] : memref<160000x128xf32, #tpu.memory_space<hbm>> -> memref<40x128xf32, #tpu.memory_space<hbm>>
      tpu.wait_dma2 semaphore(%arg19 : memref<!tpu.dma_semaphore, #tpu.memory_space<semaphore_mem>>) src(%dma_wait3A_322 : memref<40x128xf32, #tpu.memory_space<hbm>>) dst(%arg14 : memref<40x128xf32, #tpu.memory_space<vmem>>)
      %dma_start3A_323 = arith.constant 0 : i32
      %dma_start3A_324 = arith.constant 0 : i32
      %dma_start3A_325 = tpu.memref_slice %arg4[%dma_start3A_323, %dma_start3A_324] : memref<10000x128xf32, #tpu.memory_space<hbm>> -> memref<10000x128xf32, #tpu.memory_space<hbm>>
      tpu.enqueue_indirect_dma source(%dma_start3A_325 : memref<10000x128xf32, #tpu.memory_space<hbm>>) target(%arg12 : memref<80x128xf32, #tpu.memory_space<vmem>>) offsets(%arg10 : memref<80xi32, #tpu.memory_space<vmem>>) semaphore(%arg18 : memref<!tpu.dma_semaphore, #tpu.memory_space<semaphore_mem>>)
      %dma_start3A_326 = arith.constant 0 : i32
      %dma_start3A_327 = arith.constant 0 : i32
      %dma_start3A_328 = tpu.memref_slice %arg5[%dma_start3A_326, %dma_start3A_327] : memref<10000x128xf32, #tpu.memory_space<hbm>> -> memref<10000x128xf32, #tpu.memory_space<hbm>>
      tpu.enqueue_indirect_dma source(%dma_start3A_328 : memref<10000x128xf32, #tpu.memory_space<hbm>>) target(%arg13 : memref<80x128xf32, #tpu.memory_space<vmem>>) offsets(%arg8 : memref<80xi32, #tpu.memory_space<vmem>>) semaphore(%arg18 : memref<!tpu.dma_semaphore, #tpu.memory_space<semaphore_mem>>)
      %dma_wait3A_329 = arith.constant 0 : i32
      %dma_wait3A_330 = arith.constant 0 : i32
      %dma_wait3A_331 = tpu.memref_slice %arg4[%dma_wait3A_329, %dma_wait3A_330] : memref<10000x128xf32, #tpu.memory_space<hbm>> -> memref<10000x128xf32, #tpu.memory_space<hbm>>
      tpu.wait_indirect_dma semaphore(%arg18 : memref<!tpu.dma_semaphore, #tpu.memory_space<semaphore_mem>>) src(%dma_wait3A_331 : memref<10000x128xf32, #tpu.memory_space<hbm>>) dst(%arg12 : memref<80x128xf32, #tpu.memory_space<vmem>>)
      %dma_wait3A_332 = arith.constant 0 : i32
      %dma_wait3A_333 = arith.constant 0 : i32
      %dma_wait3A_334 = tpu.memref_slice %arg5[%dma_wait3A_332, %dma_wait3A_333] : memref<10000x128xf32, #tpu.memory_space<hbm>> -> memref<10000x128xf32, #tpu.memory_space<hbm>>
      tpu.wait_indirect_dma semaphore(%arg18 : memref<!tpu.dma_semaphore, #tpu.memory_space<semaphore_mem>>) src(%dma_wait3A_334 : memref<10000x128xf32, #tpu.memory_space<hbm>>) dst(%arg13 : memref<80x128xf32, #tpu.memory_space<vmem>>)
      %scan3A_335 = arith.constant 0 : i32
      %scan3A_336 = arith.constant 0 : i32
      %scan3A_337 = arith.constant 10 : i32
      %scan3A_338 = arith.addi %scan3A_336, %scan3A_337 : i32
      %scan3A_339 = arith.constant 1 : i32
      scf.for %scan3A_482 = %scan3A_336 to %scan3A_338 step %scan3A_339  : i32 {
        %mul3A_483 = arith.constant 8 : i32
        %mul3A_484 = arith.muli %scan3A_482, %mul3A_483 : i32
        %mul3A_485 = arith.constant 4 : i32
        %mul3A_486 = arith.muli %scan3A_482, %mul3A_485 : i32
        %add3A_487 = arith.constant 0 : i32
        %add3A_488 = arith.addi %mul3A_484, %add3A_487 : i32
        %add3A_489 = arith.constant 0 : i32
        %add3A_490 = arith.addi %mul3A_486, %add3A_489 : i32
        %broadcast_in_dim3A_491 = arith.constant 0.000000e+00 : f32
        %broadcast_in_dim3A_492 = vector.broadcast %broadcast_in_dim3A_491 : f32 to vector<16xf32>
        %get3A = arith.index_cast %add3A_490 : i32 to index
        %get3A_493 = arith.constant 0 : index
        %get3A_494 = tpu.vector_load %arg14[%get3A, %get3A_493] {strides = array<i32>} : memref<40x128xf32, #tpu.memory_space<vmem>>, vector<1x16xf32>,
        %get3A_495 = vector.shape_cast %get3A_494 : vector<1x16xf32> to vector<16xf32>
        %get3A_496 = arith.index_cast %add3A_488 : i32 to index
        %get3A_497 = arith.constant 0 : index
        %get3A_498 = tpu.vector_load %arg12[%get3A_496, %get3A_497] {strides = array<i32>} : memref<80x128xf32, #tpu.memory_space<vmem>>, vector<1x16xf32>,
        %get3A_499 = vector.shape_cast %get3A_498 : vector<1x16xf32> to vector<16xf32>
        %get3A_500 = arith.index_cast %add3A_488 : i32 to index
        %get3A_501 = arith.constant 0 : index
        %get3A_502 = tpu.vector_load %arg13[%get3A_500, %get3A_501] {strides = array<i32>} : memref<80x128xf32, #tpu.memory_space<vmem>>, vector<1x16xf32>,
        %get3A_503 = vector.shape_cast %get3A_502 : vector<1x16xf32> to vector<16xf32>
        %add3A_504 = arith.addf %get3A_503, %get3A_495 : vector<16xf32>
        %mul3A_505 = arith.mulf %get3A_499, %add3A_504 : vector<16xf32>
        %add3A_506 = arith.addf %broadcast_in_dim3A_492, %mul3A_505 : vector<16xf32>
        %get3A_507 = arith.index_cast %add3A_490 : i32 to index
        %get3A_508 = arith.constant 16 : index
        %get3A_509 = tpu.vector_load %arg14[%get3A_507, %get3A_508] {strides = array<i32>} : memref<40x128xf32, #tpu.memory_space<vmem>>, vector<1x16xf32>,
        %get3A_510 = vector.shape_cast %get3A_509 : vector<1x16xf32> to vector<16xf32>
        %get3A_511 = arith.index_cast %add3A_488 : i32 to index
        %get3A_512 = arith.constant 16 : index
        %get3A_513 = tpu.vector_load %arg12[%get3A_511, %get3A_512] {strides = array<i32>} : memref<80x128xf32, #tpu.memory_space<vmem>>, vector<1x16xf32>,
        %get3A_514 = vector.shape_cast %get3A_513 : vector<1x16xf32> to vector<16xf32>
        %get3A_515 = arith.index_cast %add3A_488 : i32 to index
        %get3A_516 = arith.constant 16 : index
        %get3A_517 = tpu.vector_load %arg13[%get3A_515, %get3A_516] {strides = array<i32>} : memref<80x128xf32, #tpu.memory_space<vmem>>, vector<1x16xf32>,
        %get3A_518 = vector.shape_cast %get3A_517 : vector<1x16xf32> to vector<16xf32>
        %add3A_519 = arith.addf %get3A_518, %get3A_510 : vector<16xf32>
        %mul3A_520 = arith.mulf %get3A_514, %add3A_519 : vector<16xf32>
        %add3A_521 = arith.addf %add3A_506, %mul3A_520 : vector<16xf32>
        %get3A_522 = arith.index_cast %add3A_490 : i32 to index
        %get3A_523 = arith.constant 32 : index
        %get3A_524 = tpu.vector_load %arg14[%get3A_522, %get3A_523] {strides = array<i32>} : memref<40x128xf32, #tpu.memory_space<vmem>>, vector<1x16xf32>,
        %get3A_525 = vector.shape_cast %get3A_524 : vector<1x16xf32> to vector<16xf32>
        %get3A_526 = arith.index_cast %add3A_488 : i32 to index
        %get3A_527 = arith.constant 32 : index
        %get3A_528 = tpu.vector_load %arg12[%get3A_526, %get3A_527] {strides = array<i32>} : memref<80x128xf32, #tpu.memory_space<vmem>>, vector<1x16xf32>,
        %get3A_529 = vector.shape_cast %get3A_528 : vector<1x16xf32> to vector<16xf32>
        %get3A_530 = arith.index_cast %add3A_488 : i32 to index
        %get3A_531 = arith.constant 32 : index
        %get3A_532 = tpu.vector_load %arg13[%get3A_530, %get3A_531] {strides = array<i32>} : memref<80x128xf32, #tpu.memory_space<vmem>>, vector<1x16xf32>,
        %get3A_533 = vector.shape_cast %get3A_532 : vector<1x16xf32> to vector<16xf32>
        %add3A_534 = arith.addf %get3A_533, %get3A_525 : vector<16xf32>
        %mul3A_535 = arith.mulf %get3A_529, %add3A_534 : vector<16xf32>
        %add3A_536 = arith.addf %add3A_521, %mul3A_535 : vector<16xf32>
        %get3A_537 = arith.index_cast %add3A_490 : i32 to index
        %get3A_538 = arith.constant 48 : index
        %get3A_539 = tpu.vector_load %arg14[%get3A_537, %get3A_538] {strides = array<i32>} : memref<40x128xf32, #tpu.memory_space<vmem>>, vector<1x16xf32>,
        %get3A_540 = vector.shape_cast %get3A_539 : vector<1x16xf32> to vector<16xf32>
        %get3A_541 = arith.index_cast %add3A_488 : i32 to index
        %get3A_542 = arith.constant 48 : index
        %get3A_543 = tpu.vector_load %arg12[%get3A_541, %get3A_542] {strides = array<i32>} : memref<80x128xf32, #tpu.memory_space<vmem>>, vector<1x16xf32>,
        %get3A_544 = vector.shape_cast %get3A_543 : vector<1x16xf32> to vector<16xf32>
        %get3A_545 = arith.index_cast %add3A_488 : i32 to index
        %get3A_546 = arith.constant 48 : index
        %get3A_547 = tpu.vector_load %arg13[%get3A_545, %get3A_546] {strides = array<i32>} : memref<80x128xf32, #tpu.memory_space<vmem>>, vector<1x16xf32>,
        %get3A_548 = vector.shape_cast %get3A_547 : vector<1x16xf32> to vector<16xf32>
        %add3A_549 = arith.addf %get3A_548, %get3A_540 : vector<16xf32>
        %mul3A_550 = arith.mulf %get3A_544, %add3A_549 : vector<16xf32>
        %add3A_551 = arith.addf %add3A_536, %mul3A_550 : vector<16xf32>
        %gather3A = vector.shape_cast %broadcast_in_dim3A_35 : vector<16x1xi32> to vector<16xi32>
        %gather3A_552 = tpu.dynamic_gather %add3A_551[%gather3A] in [0] : vector<16xf32>, vector<16xi32> -> vector<16xf32>
        %add3A_553 = arith.addf %add3A_551, %gather3A_552 : vector<16xf32>
        %gather3A_554 = vector.shape_cast %broadcast_in_dim3A_39 : vector<16x1xi32> to vector<16xi32>
        %gather3A_555 = tpu.dynamic_gather %add3A_553[%gather3A_554] in [0] : vector<16xf32>, vector<16xi32> -> vector<16xf32>
        %add3A_556 = arith.addf %add3A_553, %gather3A_555 : vector<16xf32>
        %gather3A_557 = vector.shape_cast %broadcast_in_dim3A_43 : vector<16x1xi32> to vector<16xi32>
        %gather3A_558 = tpu.dynamic_gather %add3A_556[%gather3A_557] in [0] : vector<16xf32>, vector<16xi32> -> vector<16xf32>
        %add3A_559 = arith.addf %add3A_556, %gather3A_558 : vector<16xf32>
        %gather3A_560 = vector.shape_cast %broadcast_in_dim3A_47 : vector<16x1xi32> to vector<16xi32>
        %gather3A_561 = tpu.dynamic_gather %add3A_559[%gather3A_560] in [0] : vector<16xf32>, vector<16xi32> -> vector<16xf32>
        %add3A_562 = arith.addf %add3A_559, %gather3A_561 : vector<16xf32>
        %mul3A_563 = arith.constant 1.250000e-01 : f32
        %mul3A_564 = vector.broadcast %mul3A_563 : f32 to vector<16xf32>
        %mul3A_565 = arith.mulf %add3A_562, %mul3A_564 : vector<16xf32>
        %exp3A = math.exp %mul3A_565 : vector<16xf32>
        %get3A_566 = arith.index_cast %add3A_488 : i32 to index
        %get3A_567 = arith.constant 64 : index
        %get3A_568 = tpu.vector_load %arg13[%get3A_566, %get3A_567] {strides = array<i32>} : memref<80x128xf32, #tpu.memory_space<vmem>>, vector<1x16xf32>,
        %get3A_569 = vector.shape_cast %get3A_568 : vector<1x16xf32> to vector<16xf32>
        %add3A_570 = arith.addf %get3A_569, %get3A_495 : vector<16xf32>
        %mul3A_571 = arith.mulf %exp3A, %add3A_570 : vector<16xf32>
        %swap3A = arith.index_cast %add3A_488 : i32 to index
        %swap3A_572 = arith.constant 0 : index
        %swap3A_573 = tpu.vector_load %arg16[%swap3A, %swap3A_572] {strides = array<i32>} : memref<80x128xf32, #tpu.memory_space<vmem>>, vector<1x16xf32>,
        %swap3A_574 = vector.shape_cast %swap3A_573 : vector<1x16xf32> to vector<16xf32>
        %swap3A_575 = vector.shape_cast %mul3A_571 : vector<16xf32> to vector<1x16xf32>
        tpu.vector_store %arg16[%swap3A, %swap3A_572], %swap3A_575 {strides = array<i32>} : memref<80x128xf32, #tpu.memory_space<vmem>>, vector<1x16xf32>,
        %get3A_576 = arith.index_cast %add3A_488 : i32 to index
        %get3A_577 = arith.constant 80 : index
        %get3A_578 = tpu.vector_load %arg13[%get3A_576, %get3A_577] {strides = array<i32>} : memref<80x128xf32, #tpu.memory_space<vmem>>, vector<1x16xf32>,
        %get3A_579 = vector.shape_cast %get3A_578 : vector<1x16xf32> to vector<16xf32>
        %add3A_580 = arith.addf %get3A_579, %get3A_510 : vector<16xf32>
        %mul3A_581 = arith.mulf %exp3A, %add3A_580 : vector<16xf32>
        %swap3A_582 = arith.index_cast %add3A_488 : i32 to index
        %swap3A_583 = arith.constant 16 : index
        %swap3A_584 = tpu.vector_load %arg16[%swap3A_582, %swap3A_583] {strides = array<i32>} : memref<80x128xf32, #tpu.memory_space<vmem>>, vector<1x16xf32>,
        %swap3A_585 = vector.shape_cast %swap3A_584 : vector<1x16xf32> to vector<16xf32>
        %swap3A_586 = vector.shape_cast %mul3A_581 : vector<16xf32> to vector<1x16xf32>
        tpu.vector_store %arg16[%swap3A_582, %swap3A_583], %swap3A_586 {strides = array<i32>} : memref<80x128xf32, #tpu.memory_space<vmem>>, vector<1x16xf32>,
        %get3A_587 = arith.index_cast %add3A_488 : i32 to index
        %get3A_588 = arith.constant 96 : index
        %get3A_589 = tpu.vector_load %arg13[%get3A_587, %get3A_588] {strides = array<i32>} : memref<80x128xf32, #tpu.memory_space<vmem>>, vector<1x16xf32>,
        %get3A_590 = vector.shape_cast %get3A_589 : vector<1x16xf32> to vector<16xf32>
        %add3A_591 = arith.addf %get3A_590, %get3A_525 : vector<16xf32>
        %mul3A_592 = arith.mulf %exp3A, %add3A_591 : vector<16xf32>
        %swap3A_593 = arith.index_cast %add3A_488 : i32 to index
        %swap3A_594 = arith.constant 32 : index
        %swap3A_595 = tpu.vector_load %arg16[%swap3A_593, %swap3A_594] {strides = array<i32>} : memref<80x128xf32, #tpu.memory_space<vmem>>, vector<1x16xf32>,
        %swap3A_596 = vector.shape_cast %swap3A_595 : vector<1x16xf32> to vector<16xf32>
        %swap3A_597 = vector.shape_cast %mul3A_592 : vector<16xf32> to vector<1x16xf32>
        tpu.vector_store %arg16[%swap3A_593, %swap3A_594], %swap3A_597 {strides = array<i32>} : memref<80x128xf32, #tpu.memory_space<vmem>>, vector<1x16xf32>,
        %get3A_598 = arith.index_cast %add3A_488 : i32 to index
        %get3A_599 = arith.constant 112 : index
        %get3A_600 = tpu.vector_load %arg13[%get3A_598, %get3A_599] {strides = array<i32>} : memref<80x128xf32, #tpu.memory_space<vmem>>, vector<1x16xf32>,
        %get3A_601 = vector.shape_cast %get3A_600 : vector<1x16xf32> to vector<16xf32>
        %add3A_602 = arith.addf %get3A_601, %get3A_540 : vector<16xf32>
        %mul3A_603 = arith.mulf %exp3A, %add3A_602 : vector<16xf32>
        %swap3A_604 = arith.index_cast %add3A_488 : i32 to index
        %swap3A_605 = arith.constant 48 : index
        %swap3A_606 = tpu.vector_load %arg16[%swap3A_604, %swap3A_605] {strides = array<i32>} : memref<80x128xf32, #tpu.memory_space<vmem>>, vector<1x16xf32>,
        %swap3A_607 = vector.shape_cast %swap3A_606 : vector<1x16xf32> to vector<16xf32>
        %swap3A_608 = vector.shape_cast %mul3A_603 : vector<16xf32> to vector<1x16xf32>
        tpu.vector_store %arg16[%swap3A_604, %swap3A_605], %swap3A_608 {strides = array<i32>} : memref<80x128xf32, #tpu.memory_space<vmem>>, vector<1x16xf32>,
        %mul3A_609 = arith.mulf %exp3A, %select_n3A : vector<16xf32>
        %swap3A_610 = arith.index_cast %add3A_488 : i32 to index
        %swap3A_611 = arith.constant 64 : index
        %swap3A_612 = tpu.vector_load %arg16[%swap3A_610, %swap3A_611] {strides = array<i32>} : memref<80x128xf32, #tpu.memory_space<vmem>>, vector<1x16xf32>,
        %swap3A_613 = vector.shape_cast %swap3A_612 : vector<1x16xf32> to vector<16xf32>
        %swap3A_614 = vector.shape_cast %mul3A_609 : vector<16xf32> to vector<1x16xf32>
        tpu.vector_store %arg16[%swap3A_610, %swap3A_611], %swap3A_614 {strides = array<i32>} : memref<80x128xf32, #tpu.memory_space<vmem>>, vector<1x16xf32>,
        %add3A_615 = arith.constant 1 : i32
        %add3A_616 = arith.addi %mul3A_484, %add3A_615 : i32
        %add3A_617 = arith.constant 0 : i32
        %add3A_618 = arith.addi %mul3A_486, %add3A_617 : i32
        %broadcast_in_dim3A_619 = arith.constant 0.000000e+00 : f32
        %broadcast_in_dim3A_620 = vector.broadcast %broadcast_in_dim3A_619 : f32 to vector<16xf32>
        %get3A_621 = arith.index_cast %add3A_618 : i32 to index
        %get3A_622 = arith.constant 64 : index
        %get3A_623 = tpu.vector_load %arg14[%get3A_621, %get3A_622] {strides = array<i32>} : memref<40x128xf32, #tpu.memory_space<vmem>>, vector<1x16xf32>,
        %get3A_624 = vector.shape_cast %get3A_623 : vector<1x16xf32> to vector<16xf32>
        %get3A_625 = arith.index_cast %add3A_616 : i32 to index
        %get3A_626 = arith.constant 0 : index
        %get3A_627 = tpu.vector_load %arg12[%get3A_625, %get3A_626] {strides = array<i32>} : memref<80x128xf32, #tpu.memory_space<vmem>>, vector<1x16xf32>,
        %get3A_628 = vector.shape_cast %get3A_627 : vector<1x16xf32> to vector<16xf32>
        %get3A_629 = arith.index_cast %add3A_616 : i32 to index
        %get3A_630 = arith.constant 0 : index
        %get3A_631 = tpu.vector_load %arg13[%get3A_629, %get3A_630] {strides = array<i32>} : memref<80x128xf32, #tpu.memory_space<vmem>>, vector<1x16xf32>,
        %get3A_632 = vector.shape_cast %get3A_631 : vector<1x16xf32> to vector<16xf32>
        %add3A_633 = arith.addf %get3A_632, %get3A_624 : vector<16xf32>
        %mul3A_634 = arith.mulf %get3A_628, %add3A_633 : vector<16xf32>
        %add3A_635 = arith.addf %broadcast_in_dim3A_620, %mul3A_634 : vector<16xf32>
        %get3A_636 = arith.index_cast %add3A_618 : i32 to index
        %get3A_637 = arith.constant 80 : index
        %get3A_638 = tpu.vector_load %arg14[%get3A_636, %get3A_637] {strides = array<i32>} : memref<40x128xf32, #tpu.memory_space<vmem>>, vector<1x16xf32>,
        %get3A_639 = vector.shape_cast %get3A_638 : vector<1x16xf32> to vector<16xf32>
        %get3A_640 = arith.index_cast %add3A_616 : i32 to index
        %get3A_641 = arith.constant 16 : index
        %get3A_642 = tpu.vector_load %arg12[%get3A_640, %get3A_641] {strides = array<i32>} : memref<80x128xf32, #tpu.memory_space<vmem>>, vector<1x16xf32>,
        %get3A_643 = vector.shape_cast %get3A_642 : vector<1x16xf32> to vector<16xf32>
        %get3A_644 = arith.index_cast %add3A_616 : i32 to index
        %get3A_645 = arith.constant 16 : index
        %get3A_646 = tpu.vector_load %arg13[%get3A_644, %get3A_645] {strides = array<i32>} : memref<80x128xf32, #tpu.memory_space<vmem>>, vector<1x16xf32>,
        %get3A_647 = vector.shape_cast %get3A_646 : vector<1x16xf32> to vector<16xf32>
        %add3A_648 = arith.addf %get3A_647, %get3A_639 : vector<16xf32>
        %mul3A_649 = arith.mulf %get3A_643, %add3A_648 : vector<16xf32>
        %add3A_650 = arith.addf %add3A_635, %mul3A_649 : vector<16xf32>
        %get3A_651 = arith.index_cast %add3A_618 : i32 to index
        %get3A_652 = arith.constant 96 : index
        %get3A_653 = tpu.vector_load %arg14[%get3A_651, %get3A_652] {strides = array<i32>} : memref<40x128xf32, #tpu.memory_space<vmem>>, vector<1x16xf32>,
        %get3A_654 = vector.shape_cast %get3A_653 : vector<1x16xf32> to vector<16xf32>
        %get3A_655 = arith.index_cast %add3A_616 : i32 to index
        %get3A_656 = arith.constant 32 : index
        %get3A_657 = tpu.vector_load %arg12[%get3A_655, %get3A_656] {strides = array<i32>} : memref<80x128xf32, #tpu.memory_space<vmem>>, vector<1x16xf32>,
        %get3A_658 = vector.shape_cast %get3A_657 : vector<1x16xf32> to vector<16xf32>
        %get3A_659 = arith.index_cast %add3A_616 : i32 to index
        %get3A_660 = arith.constant 32 : index
        %get3A_661 = tpu.vector_load %arg13[%get3A_659, %get3A_660] {strides = array<i32>} : memref<80x128xf32, #tpu.memory_space<vmem>>, vector<1x16xf32>,
        %get3A_662 = vector.shape_cast %get3A_661 : vector<1x16xf32> to vector<16xf32>
        %add3A_663 = arith.addf %get3A_662, %get3A_654 : vector<16xf32>
        %mul3A_664 = arith.mulf %get3A_658, %add3A_663 : vector<16xf32>
        %add3A_665 = arith.addf %add3A_650, %mul3A_664 : vector<16xf32>
        %get3A_666 = arith.index_cast %add3A_618 : i32 to index
        %get3A_667 = arith.constant 112 : index
        %get3A_668 = tpu.vector_load %arg14[%get3A_666, %get3A_667] {strides = array<i32>} : memref<40x128xf32, #tpu.memory_space<vmem>>, vector<1x16xf32>,
        %get3A_669 = vector.shape_cast %get3A_668 : vector<1x16xf32> to vector<16xf32>
        %get3A_670 = arith.index_cast %add3A_616 : i32 to index
        %get3A_671 = arith.constant 48 : index
        %get3A_672 = tpu.vector_load %arg12[%get3A_670, %get3A_671] {strides = array<i32>} : memref<80x128xf32, #tpu.memory_space<vmem>>, vector<1x16xf32>,
        %get3A_673 = vector.shape_cast %get3A_672 : vector<1x16xf32> to vector<16xf32>
        %get3A_674 = arith.index_cast %add3A_616 : i32 to index
        %get3A_675 = arith.constant 48 : index
        %get3A_676 = tpu.vector_load %arg13[%get3A_674, %get3A_675] {strides = array<i32>} : memref<80x128xf32, #tpu.memory_space<vmem>>, vector<1x16xf32>,
        %get3A_677 = vector.shape_cast %get3A_676 : vector<1x16xf32> to vector<16xf32>
        %add3A_678 = arith.addf %get3A_677, %get3A_669 : vector<16xf32>
        %mul3A_679 = arith.mulf %get3A_673, %add3A_678 : vector<16xf32>
        %add3A_680 = arith.addf %add3A_665, %mul3A_679 : vector<16xf32>
        %gather3A_681 = vector.shape_cast %broadcast_in_dim3A_35 : vector<16x1xi32> to vector<16xi32>
        %gather3A_682 = tpu.dynamic_gather %add3A_680[%gather3A_681] in [0] : vector<16xf32>, vector<16xi32> -> vector<16xf32>
        %add3A_683 = arith.addf %add3A_680, %gather3A_682 : vector<16xf32>
        %gather3A_684 = vector.shape_cast %broadcast_in_dim3A_39 : vector<16x1xi32> to vector<16xi32>
        %gather3A_685 = tpu.dynamic_gather %add3A_683[%gather3A_684] in [0] : vector<16xf32>, vector<16xi32> -> vector<16xf32>
        %add3A_686 = arith.addf %add3A_683, %gather3A_685 : vector<16xf32>
        %gather3A_687 = vector.shape_cast %broadcast_in_dim3A_43 : vector<16x1xi32> to vector<16xi32>
        %gather3A_688 = tpu.dynamic_gather %add3A_686[%gather3A_687] in [0] : vector<16xf32>, vector<16xi32> -> vector<16xf32>
        %add3A_689 = arith.addf %add3A_686, %gather3A_688 : vector<16xf32>
        %gather3A_690 = vector.shape_cast %broadcast_in_dim3A_47 : vector<16x1xi32> to vector<16xi32>
        %gather3A_691 = tpu.dynamic_gather %add3A_689[%gather3A_690] in [0] : vector<16xf32>, vector<16xi32> -> vector<16xf32>
        %add3A_692 = arith.addf %add3A_689, %gather3A_691 : vector<16xf32>
        %mul3A_693 = arith.constant 1.250000e-01 : f32
        %mul3A_694 = vector.broadcast %mul3A_693 : f32 to vector<16xf32>
        %mul3A_695 = arith.mulf %add3A_692, %mul3A_694 : vector<16xf32>
        %exp3A_696 = math.exp %mul3A_695 : vector<16xf32>
        %get3A_697 = arith.index_cast %add3A_616 : i32 to index
        %get3A_698 = arith.constant 64 : index
        %get3A_699 = tpu.vector_load %arg13[%get3A_697, %get3A_698] {strides = array<i32>} : memref<80x128xf32, #tpu.memory_space<vmem>>, vector<1x16xf32>,
        %get3A_700 = vector.shape_cast %get3A_699 : vector<1x16xf32> to vector<16xf32>
        %add3A_701 = arith.addf %get3A_700, %get3A_624 : vector<16xf32>
        %mul3A_702 = arith.mulf %exp3A_696, %add3A_701 : vector<16xf32>
        %swap3A_703 = arith.index_cast %add3A_616 : i32 to index
        %swap3A_704 = arith.constant 0 : index
        %swap3A_705 = tpu.vector_load %arg16[%swap3A_703, %swap3A_704] {strides = array<i32>} : memref<80x128xf32, #tpu.memory_space<vmem>>, vector<1x16xf32>,
        %swap3A_706 = vector.shape_cast %swap3A_705 : vector<1x16xf32> to vector<16xf32>
        %swap3A_707 = vector.shape_cast %mul3A_702 : vector<16xf32> to vector<1x16xf32>
        tpu.vector_store %arg16[%swap3A_703, %swap3A_704], %swap3A_707 {strides = array<i32>} : memref<80x128xf32, #tpu.memory_space<vmem>>, vector<1x16xf32>,
        %get3A_708 = arith.index_cast %add3A_616 : i32 to index
        %get3A_709 = arith.constant 80 : index
        %get3A_710 = tpu.vector_load %arg13[%get3A_708, %get3A_709] {strides = array<i32>} : memref<80x128xf32, #tpu.memory_space<vmem>>, vector<1x16xf32>,
        %get3A_711 = vector.shape_cast %get3A_710 : vector<1x16xf32> to vector<16xf32>
        %add3A_712 = arith.addf %get3A_711, %get3A_639 : vector<16xf32>
        %mul3A_713 = arith.mulf %exp3A_696, %add3A_712 : vector<16xf32>
        %swap3A_714 = arith.index_cast %add3A_616 : i32 to index
        %swap3A_715 = arith.constant 16 : index
        %swap3A_716 = tpu.vector_load %arg16[%swap3A_714, %swap3A_715] {strides = array<i32>} : memref<80x128xf32, #tpu.memory_space<vmem>>, vector<1x16xf32>,
        %swap3A_717 = vector.shape_cast %swap3A_716 : vector<1x16xf32> to vector<16xf32>
        %swap3A_718 = vector.shape_cast %mul3A_713 : vector<16xf32> to vector<1x16xf32>
        tpu.vector_store %arg16[%swap3A_714, %swap3A_715], %swap3A_718 {strides = array<i32>} : memref<80x128xf32, #tpu.memory_space<vmem>>, vector<1x16xf32>,
        %get3A_719 = arith.index_cast %add3A_616 : i32 to index
        %get3A_720 = arith.constant 96 : index
        %get3A_721 = tpu.vector_load %arg13[%get3A_719, %get3A_720] {strides = array<i32>} : memref<80x128xf32, #tpu.memory_space<vmem>>, vector<1x16xf32>,
        %get3A_722 = vector.shape_cast %get3A_721 : vector<1x16xf32> to vector<16xf32>
        %add3A_723 = arith.addf %get3A_722, %get3A_654 : vector<16xf32>
        %mul3A_724 = arith.mulf %exp3A_696, %add3A_723 : vector<16xf32>
        %swap3A_725 = arith.index_cast %add3A_616 : i32 to index
        %swap3A_726 = arith.constant 32 : index
        %swap3A_727 = tpu.vector_load %arg16[%swap3A_725, %swap3A_726] {strides = array<i32>} : memref<80x128xf32, #tpu.memory_space<vmem>>, vector<1x16xf32>,
        %swap3A_728 = vector.shape_cast %swap3A_727 : vector<1x16xf32> to vector<16xf32>
        %swap3A_729 = vector.shape_cast %mul3A_724 : vector<16xf32> to vector<1x16xf32>
        tpu.vector_store %arg16[%swap3A_725, %swap3A_726], %swap3A_729 {strides = array<i32>} : memref<80x128xf32, #tpu.memory_space<vmem>>, vector<1x16xf32>,
        %get3A_730 = arith.index_cast %add3A_616 : i32 to index
        %get3A_731 = arith.constant 112 : index
        %get3A_732 = tpu.vector_load %arg13[%get3A_730, %get3A_731] {strides = array<i32>} : memref<80x128xf32, #tpu.memory_space<vmem>>, vector<1x16xf32>,
        %get3A_733 = vector.shape_cast %get3A_732 : vector<1x16xf32> to vector<16xf32>
        %add3A_734 = arith.addf %get3A_733, %get3A_669 : vector<16xf32>
        %mul3A_735 = arith.mulf %exp3A_696, %add3A_734 : vector<16xf32>
        %swap3A_736 = arith.index_cast %add3A_616 : i32 to index
        %swap3A_737 = arith.constant 48 : index
        %swap3A_738 = tpu.vector_load %arg16[%swap3A_736, %swap3A_737] {strides = array<i32>} : memref<80x128xf32, #tpu.memory_space<vmem>>, vector<1x16xf32>,
        %swap3A_739 = vector.shape_cast %swap3A_738 : vector<1x16xf32> to vector<16xf32>
        %swap3A_740 = vector.shape_cast %mul3A_735 : vector<16xf32> to vector<1x16xf32>
        tpu.vector_store %arg16[%swap3A_736, %swap3A_737], %swap3A_740 {strides = array<i32>} : memref<80x128xf32, #tpu.memory_space<vmem>>, vector<1x16xf32>,
        %mul3A_741 = arith.mulf %exp3A_696, %select_n3A : vector<16xf32>
        %swap3A_742 = arith.index_cast %add3A_616 : i32 to index
        %swap3A_743 = arith.constant 64 : index
        %swap3A_744 = tpu.vector_load %arg16[%swap3A_742, %swap3A_743] {strides = array<i32>} : memref<80x128xf32, #tpu.memory_space<vmem>>, vector<1x16xf32>,
        %swap3A_745 = vector.shape_cast %swap3A_744 : vector<1x16xf32> to vector<16xf32>
        %swap3A_746 = vector.shape_cast %mul3A_741 : vector<16xf32> to vector<1x16xf32>
        tpu.vector_store %arg16[%swap3A_742, %swap3A_743], %swap3A_746 {strides = array<i32>} : memref<80x128xf32, #tpu.memory_space<vmem>>, vector<1x16xf32>,
        %add3A_747 = arith.constant 2 : i32
        %add3A_748 = arith.addi %mul3A_484, %add3A_747 : i32
        %add3A_749 = arith.constant 1 : i32
        %add3A_750 = arith.addi %mul3A_486, %add3A_749 : i32
        %broadcast_in_dim3A_751 = arith.constant 0.000000e+00 : f32
        %broadcast_in_dim3A_752 = vector.broadcast %broadcast_in_dim3A_751 : f32 to vector<16xf32>
        %get3A_753 = arith.index_cast %add3A_750 : i32 to index
        %get3A_754 = arith.constant 0 : index
        %get3A_755 = tpu.vector_load %arg14[%get3A_753, %get3A_754] {strides = array<i32>} : memref<40x128xf32, #tpu.memory_space<vmem>>, vector<1x16xf32>,
        %get3A_756 = vector.shape_cast %get3A_755 : vector<1x16xf32> to vector<16xf32>
        %get3A_757 = arith.index_cast %add3A_748 : i32 to index
        %get3A_758 = arith.constant 0 : index
        %get3A_759 = tpu.vector_load %arg12[%get3A_757, %get3A_758] {strides = array<i32>} : memref<80x128xf32, #tpu.memory_space<vmem>>, vector<1x16xf32>,
        %get3A_760 = vector.shape_cast %get3A_759 : vector<1x16xf32> to vector<16xf32>
        %get3A_761 = arith.index_cast %add3A_748 : i32 to index
        %get3A_762 = arith.constant 0 : index
        %get3A_763 = tpu.vector_load %arg13[%get3A_761, %get3A_762] {strides = array<i32>} : memref<80x128xf32, #tpu.memory_space<vmem>>, vector<1x16xf32>,
        %get3A_764 = vector.shape_cast %get3A_763 : vector<1x16xf32> to vector<16xf32>
        %add3A_765 = arith.addf %get3A_764, %get3A_756 : vector<16xf32>
        %mul3A_766 = arith.mulf %get3A_760, %add3A_765 : vector<16xf32>
        %add3A_767 = arith.addf %broadcast_in_dim3A_752, %mul3A_766 : vector<16xf32>
        %get3A_768 = arith.index_cast %add3A_750 : i32 to index
        %get3A_769 = arith.constant 16 : index
        %get3A_770 = tpu.vector_load %arg14[%get3A_768, %get3A_769] {strides = array<i32>} : memref<40x128xf32, #tpu.memory_space<vmem>>, vector<1x16xf32>,
        %get3A_771 = vector.shape_cast %get3A_770 : vector<1x16xf32> to vector<16xf32>
        %get3A_772 = arith.index_cast %add3A_748 : i32 to index
        %get3A_773 = arith.constant 16 : index
        %get3A_774 = tpu.vector_load %arg12[%get3A_772, %get3A_773] {strides = array<i32>} : memref<80x128xf32, #tpu.memory_space<vmem>>, vector<1x16xf32>,
        %get3A_775 = vector.shape_cast %get3A_774 : vector<1x16xf32> to vector<16xf32>
        %get3A_776 = arith.index_cast %add3A_748 : i32 to index
        %get3A_777 = arith.constant 16 : index
        %get3A_778 = tpu.vector_load %arg13[%get3A_776, %get3A_777] {strides = array<i32>} : memref<80x128xf32, #tpu.memory_space<vmem>>, vector<1x16xf32>,
        %get3A_779 = vector.shape_cast %get3A_778 : vector<1x16xf32> to vector<16xf32>
        %add3A_780 = arith.addf %get3A_779, %get3A_771 : vector<16xf32>
        %mul3A_781 = arith.mulf %get3A_775, %add3A_780 : vector<16xf32>
        %add3A_782 = arith.addf %add3A_767, %mul3A_781 : vector<16xf32>
        %get3A_783 = arith.index_cast %add3A_750 : i32 to index
        %get3A_784 = arith.constant 32 : index
        %get3A_785 = tpu.vector_load %arg14[%get3A_783, %get3A_784] {strides = array<i32>} : memref<40x128xf32, #tpu.memory_space<vmem>>, vector<1x16xf32>,
        %get3A_786 = vector.shape_cast %get3A_785 : vector<1x16xf32> to vector<16xf32>
        %get3A_787 = arith.index_cast %add3A_748 : i32 to index
        %get3A_788 = arith.constant 32 : index
        %get3A_789 = tpu.vector_load %arg12[%get3A_787, %get3A_788] {strides = array<i32>} : memref<80x128xf32, #tpu.memory_space<vmem>>, vector<1x16xf32>,
        %get3A_790 = vector.shape_cast %get3A_789 : vector<1x16xf32> to vector<16xf32>
        %get3A_791 = arith.index_cast %add3A_748 : i32 to index
        %get3A_792 = arith.constant 32 : index
        %get3A_793 = tpu.vector_load %arg13[%get3A_791, %get3A_792] {strides = array<i32>} : memref<80x128xf32, #tpu.memory_space<vmem>>, vector<1x16xf32>,
        %get3A_794 = vector.shape_cast %get3A_793 : vector<1x16xf32> to vector<16xf32>
        %add3A_795 = arith.addf %get3A_794, %get3A_786 : vector<16xf32>
        %mul3A_796 = arith.mulf %get3A_790, %add3A_795 : vector<16xf32>
        %add3A_797 = arith.addf %add3A_782, %mul3A_796 : vector<16xf32>
        %get3A_798 = arith.index_cast %add3A_750 : i32 to index
        %get3A_799 = arith.constant 48 : index
        %get3A_800 = tpu.vector_load %arg14[%get3A_798, %get3A_799] {strides = array<i32>} : memref<40x128xf32, #tpu.memory_space<vmem>>, vector<1x16xf32>,
        %get3A_801 = vector.shape_cast %get3A_800 : vector<1x16xf32> to vector<16xf32>
        %get3A_802 = arith.index_cast %add3A_748 : i32 to index
        %get3A_803 = arith.constant 48 : index
        %get3A_804 = tpu.vector_load %arg12[%get3A_802, %get3A_803] {strides = array<i32>} : memref<80x128xf32, #tpu.memory_space<vmem>>, vector<1x16xf32>,
        %get3A_805 = vector.shape_cast %get3A_804 : vector<1x16xf32> to vector<16xf32>
        %get3A_806 = arith.index_cast %add3A_748 : i32 to index
        %get3A_807 = arith.constant 48 : index
        %get3A_808 = tpu.vector_load %arg13[%get3A_806, %get3A_807] {strides = array<i32>} : memref<80x128xf32, #tpu.memory_space<vmem>>, vector<1x16xf32>,
        %get3A_809 = vector.shape_cast %get3A_808 : vector<1x16xf32> to vector<16xf32>
        %add3A_810 = arith.addf %get3A_809, %get3A_801 : vector<16xf32>
        %mul3A_811 = arith.mulf %get3A_805, %add3A_810 : vector<16xf32>
        %add3A_812 = arith.addf %add3A_797, %mul3A_811 : vector<16xf32>
        %gather3A_813 = vector.shape_cast %broadcast_in_dim3A_35 : vector<16x1xi32> to vector<16xi32>
        %gather3A_814 = tpu.dynamic_gather %add3A_812[%gather3A_813] in [0] : vector<16xf32>, vector<16xi32> -> vector<16xf32>
        %add3A_815 = arith.addf %add3A_812, %gather3A_814 : vector<16xf32>
        %gather3A_816 = vector.shape_cast %broadcast_in_dim3A_39 : vector<16x1xi32> to vector<16xi32>
        %gather3A_817 = tpu.dynamic_gather %add3A_815[%gather3A_816] in [0] : vector<16xf32>, vector<16xi32> -> vector<16xf32>
        %add3A_818 = arith.addf %add3A_815, %gather3A_817 : vector<16xf32>
        %gather3A_819 = vector.shape_cast %broadcast_in_dim3A_43 : vector<16x1xi32> to vector<16xi32>
        %gather3A_820 = tpu.dynamic_gather %add3A_818[%gather3A_819] in [0] : vector<16xf32>, vector<16xi32> -> vector<16xf32>
        %add3A_821 = arith.addf %add3A_818, %gather3A_820 : vector<16xf32>
        %gather3A_822 = vector.shape_cast %broadcast_in_dim3A_47 : vector<16x1xi32> to vector<16xi32>
        %gather3A_823 = tpu.dynamic_gather %add3A_821[%gather3A_822] in [0] : vector<16xf32>, vector<16xi32> -> vector<16xf32>
        %add3A_824 = arith.addf %add3A_821, %gather3A_823 : vector<16xf32>
        %mul3A_825 = arith.constant 1.250000e-01 : f32
        %mul3A_826 = vector.broadcast %mul3A_825 : f32 to vector<16xf32>
        %mul3A_827 = arith.mulf %add3A_824, %mul3A_826 : vector<16xf32>
        %exp3A_828 = math.exp %mul3A_827 : vector<16xf32>
        %get3A_829 = arith.index_cast %add3A_748 : i32 to index
        %get3A_830 = arith.constant 64 : index
        %get3A_831 = tpu.vector_load %arg13[%get3A_829, %get3A_830] {strides = array<i32>} : memref<80x128xf32, #tpu.memory_space<vmem>>, vector<1x16xf32>,
        %get3A_832 = vector.shape_cast %get3A_831 : vector<1x16xf32> to vector<16xf32>
        %add3A_833 = arith.addf %get3A_832, %get3A_756 : vector<16xf32>
        %mul3A_834 = arith.mulf %exp3A_828, %add3A_833 : vector<16xf32>
        %swap3A_835 = arith.index_cast %add3A_748 : i32 to index
        %swap3A_836 = arith.constant 0 : index
        %swap3A_837 = tpu.vector_load %arg16[%swap3A_835, %swap3A_836] {strides = array<i32>} : memref<80x128xf32, #tpu.memory_space<vmem>>, vector<1x16xf32>,
        %swap3A_838 = vector.shape_cast %swap3A_837 : vector<1x16xf32> to vector<16xf32>
        %swap3A_839 = vector.shape_cast %mul3A_834 : vector<16xf32> to vector<1x16xf32>
        tpu.vector_store %arg16[%swap3A_835, %swap3A_836], %swap3A_839 {strides = array<i32>} : memref<80x128xf32, #tpu.memory_space<vmem>>, vector<1x16xf32>,
        %get3A_840 = arith.index_cast %add3A_748 : i32 to index
        %get3A_841 = arith.constant 80 : index
        %get3A_842 = tpu.vector_load %arg13[%get3A_840, %get3A_841] {strides = array<i32>} : memref<80x128xf32, #tpu.memory_space<vmem>>, vector<1x16xf32>,
        %get3A_843 = vector.shape_cast %get3A_842 : vector<1x16xf32> to vector<16xf32>
        %add3A_844 = arith.addf %get3A_843, %get3A_771 : vector<16xf32>
        %mul3A_845 = arith.mulf %exp3A_828, %add3A_844 : vector<16xf32>
        %swap3A_846 = arith.index_cast %add3A_748 : i32 to index
        %swap3A_847 = arith.constant 16 : index
        %swap3A_848 = tpu.vector_load %arg16[%swap3A_846, %swap3A_847] {strides = array<i32>} : memref<80x128xf32, #tpu.memory_space<vmem>>, vector<1x16xf32>,
        %swap3A_849 = vector.shape_cast %swap3A_848 : vector<1x16xf32> to vector<16xf32>
        %swap3A_850 = vector.shape_cast %mul3A_845 : vector<16xf32> to vector<1x16xf32>
        tpu.vector_store %arg16[%swap3A_846, %swap3A_847], %swap3A_850 {strides = array<i32>} : memref<80x128xf32, #tpu.memory_space<vmem>>, vector<1x16xf32>,
        %get3A_851 = arith.index_cast %add3A_748 : i32 to index
        %get3A_852 = arith.constant 96 : index
        %get3A_853 = tpu.vector_load %arg13[%get3A_851, %get3A_852] {strides = array<i32>} : memref<80x128xf32, #tpu.memory_space<vmem>>, vector<1x16xf32>,
        %get3A_854 = vector.shape_cast %get3A_853 : vector<1x16xf32> to vector<16xf32>
        %add3A_855 = arith.addf %get3A_854, %get3A_786 : vector<16xf32>
        %mul3A_856 = arith.mulf %exp3A_828, %add3A_855 : vector<16xf32>
        %swap3A_857 = arith.index_cast %add3A_748 : i32 to index
        %swap3A_858 = arith.constant 32 : index
        %swap3A_859 = tpu.vector_load %arg16[%swap3A_857, %swap3A_858] {strides = array<i32>} : memref<80x128xf32, #tpu.memory_space<vmem>>, vector<1x16xf32>,
        %swap3A_860 = vector.shape_cast %swap3A_859 : vector<1x16xf32> to vector<16xf32>
        %swap3A_861 = vector.shape_cast %mul3A_856 : vector<16xf32> to vector<1x16xf32>
        tpu.vector_store %arg16[%swap3A_857, %swap3A_858], %swap3A_861 {strides = array<i32>} : memref<80x128xf32, #tpu.memory_space<vmem>>, vector<1x16xf32>,
        %get3A_862 = arith.index_cast %add3A_748 : i32 to index
        %get3A_863 = arith.constant 112 : index
        %get3A_864 = tpu.vector_load %arg13[%get3A_862, %get3A_863] {strides = array<i32>} : memref<80x128xf32, #tpu.memory_space<vmem>>, vector<1x16xf32>,
        %get3A_865 = vector.shape_cast %get3A_864 : vector<1x16xf32> to vector<16xf32>
        %add3A_866 = arith.addf %get3A_865, %get3A_801 : vector<16xf32>
        %mul3A_867 = arith.mulf %exp3A_828, %add3A_866 : vector<16xf32>
        %swap3A_868 = arith.index_cast %add3A_748 : i32 to index
        %swap3A_869 = arith.constant 48 : index
        %swap3A_870 = tpu.vector_load %arg16[%swap3A_868, %swap3A_869] {strides = array<i32>} : memref<80x128xf32, #tpu.memory_space<vmem>>, vector<1x16xf32>,
        %swap3A_871 = vector.shape_cast %swap3A_870 : vector<1x16xf32> to vector<16xf32>
        %swap3A_872 = vector.shape_cast %mul3A_867 : vector<16xf32> to vector<1x16xf32>
        tpu.vector_store %arg16[%swap3A_868, %swap3A_869], %swap3A_872 {strides = array<i32>} : memref<80x128xf32, #tpu.memory_space<vmem>>, vector<1x16xf32>,
        %mul3A_873 = arith.mulf %exp3A_828, %select_n3A : vector<16xf32>
        %swap3A_874 = arith.index_cast %add3A_748 : i32 to index
        %swap3A_875 = arith.constant 64 : index
        %swap3A_876 = tpu.vector_load %arg16[%swap3A_874, %swap3A_875] {strides = array<i32>} : memref<80x128xf32, #tpu.memory_space<vmem>>, vector<1x16xf32>,
        %swap3A_877 = vector.shape_cast %swap3A_876 : vector<1x16xf32> to vector<16xf32>
        %swap3A_878 = vector.shape_cast %mul3A_873 : vector<16xf32> to vector<1x16xf32>
        tpu.vector_store %arg16[%swap3A_874, %swap3A_875], %swap3A_878 {strides = array<i32>} : memref<80x128xf32, #tpu.memory_space<vmem>>, vector<1x16xf32>,
        %add3A_879 = arith.constant 3 : i32
        %add3A_880 = arith.addi %mul3A_484, %add3A_879 : i32
        %add3A_881 = arith.constant 1 : i32
        %add3A_882 = arith.addi %mul3A_486, %add3A_881 : i32
        %broadcast_in_dim3A_883 = arith.constant 0.000000e+00 : f32
        %broadcast_in_dim3A_884 = vector.broadcast %broadcast_in_dim3A_883 : f32 to vector<16xf32>
        %get3A_885 = arith.index_cast %add3A_882 : i32 to index
        %get3A_886 = arith.constant 64 : index
        %get3A_887 = tpu.vector_load %arg14[%get3A_885, %get3A_886] {strides = array<i32>} : memref<40x128xf32, #tpu.memory_space<vmem>>, vector<1x16xf32>,
        %get3A_888 = vector.shape_cast %get3A_887 : vector<1x16xf32> to vector<16xf32>
        %get3A_889 = arith.index_cast %add3A_880 : i32 to index
        %get3A_890 = arith.constant 0 : index
        %get3A_891 = tpu.vector_load %arg12[%get3A_889, %get3A_890] {strides = array<i32>} : memref<80x128xf32, #tpu.memory_space<vmem>>, vector<1x16xf32>,
        %get3A_892 = vector.shape_cast %get3A_891 : vector<1x16xf32> to vector<16xf32>
        %get3A_893 = arith.index_cast %add3A_880 : i32 to index
        %get3A_894 = arith.constant 0 : index
        %get3A_895 = tpu.vector_load %arg13[%get3A_893, %get3A_894] {strides = array<i32>} : memref<80x128xf32, #tpu.memory_space<vmem>>, vector<1x16xf32>,
        %get3A_896 = vector.shape_cast %get3A_895 : vector<1x16xf32> to vector<16xf32>
        %add3A_897 = arith.addf %get3A_896, %get3A_888 : vector<16xf32>
        %mul3A_898 = arith.mulf %get3A_892, %add3A_897 : vector<16xf32>
        %add3A_899 = arith.addf %broadcast_in_dim3A_884, %mul3A_898 : vector<16xf32>
        %get3A_900 = arith.index_cast %add3A_882 : i32 to index
        %get3A_901 = arith.constant 80 : index
        %get3A_902 = tpu.vector_load %arg14[%get3A_900, %get3A_901] {strides = array<i32>} : memref<40x128xf32, #tpu.memory_space<vmem>>, vector<1x16xf32>,
        %get3A_903 = vector.shape_cast %get3A_902 : vector<1x16xf32> to vector<16xf32>
        %get3A_904 = arith.index_cast %add3A_880 : i32 to index
        %get3A_905 = arith.constant 16 : index
        %get3A_906 = tpu.vector_load %arg12[%get3A_904, %get3A_905] {strides = array<i32>} : memref<80x128xf32, #tpu.memory_space<vmem>>, vector<1x16xf32>,
        %get3A_907 = vector.shape_cast %get3A_906 : vector<1x16xf32> to vector<16xf32>
        %get3A_908 = arith.index_cast %add3A_880 : i32 to index
        %get3A_909 = arith.constant 16 : index
        %get3A_910 = tpu.vector_load %arg13[%get3A_908, %get3A_909] {strides = array<i32>} : memref<80x128xf32, #tpu.memory_space<vmem>>, vector<1x16xf32>,
        %get3A_911 = vector.shape_cast %get3A_910 : vector<1x16xf32> to vector<16xf32>
        %add3A_912 = arith.addf %get3A_911, %get3A_903 : vector<16xf32>
        %mul3A_913 = arith.mulf %get3A_907, %add3A_912 : vector<16xf32>
        %add3A_914 = arith.addf %add3A_899, %mul3A_913 : vector<16xf32>
        %get3A_915 = arith.index_cast %add3A_882 : i32 to index
        %get3A_916 = arith.constant 96 : index
        %get3A_917 = tpu.vector_load %arg14[%get3A_915, %get3A_916] {strides = array<i32>} : memref<40x128xf32, #tpu.memory_space<vmem>>, vector<1x16xf32>,
        %get3A_918 = vector.shape_cast %get3A_917 : vector<1x16xf32> to vector<16xf32>
        %get3A_919 = arith.index_cast %add3A_880 : i32 to index
        %get3A_920 = arith.constant 32 : index
        %get3A_921 = tpu.vector_load %arg12[%get3A_919, %get3A_920] {strides = array<i32>} : memref<80x128xf32, #tpu.memory_space<vmem>>, vector<1x16xf32>,
        %get3A_922 = vector.shape_cast %get3A_921 : vector<1x16xf32> to vector<16xf32>
        %get3A_923 = arith.index_cast %add3A_880 : i32 to index
        %get3A_924 = arith.constant 32 : index
        %get3A_925 = tpu.vector_load %arg13[%get3A_923, %get3A_924] {strides = array<i32>} : memref<80x128xf32, #tpu.memory_space<vmem>>, vector<1x16xf32>,
        %get3A_926 = vector.shape_cast %get3A_925 : vector<1x16xf32> to vector<16xf32>
        %add3A_927 = arith.addf %get3A_926, %get3A_918 : vector<16xf32>
        %mul3A_928 = arith.mulf %get3A_922, %add3A_927 : vector<16xf32>
        %add3A_929 = arith.addf %add3A_914, %mul3A_928 : vector<16xf32>
        %get3A_930 = arith.index_cast %add3A_882 : i32 to index
        %get3A_931 = arith.constant 112 : index
        %get3A_932 = tpu.vector_load %arg14[%get3A_930, %get3A_931] {strides = array<i32>} : memref<40x128xf32, #tpu.memory_space<vmem>>, vector<1x16xf32>,
        %get3A_933 = vector.shape_cast %get3A_932 : vector<1x16xf32> to vector<16xf32>
        %get3A_934 = arith.index_cast %add3A_880 : i32 to index
        %get3A_935 = arith.constant 48 : index
        %get3A_936 = tpu.vector_load %arg12[%get3A_934, %get3A_935] {strides = array<i32>} : memref<80x128xf32, #tpu.memory_space<vmem>>, vector<1x16xf32>,
        %get3A_937 = vector.shape_cast %get3A_936 : vector<1x16xf32> to vector<16xf32>
        %get3A_938 = arith.index_cast %add3A_880 : i32 to index
        %get3A_939 = arith.constant 48 : index
        %get3A_940 = tpu.vector_load %arg13[%get3A_938, %get3A_939] {strides = array<i32>} : memref<80x128xf32, #tpu.memory_space<vmem>>, vector<1x16xf32>,
        %get3A_941 = vector.shape_cast %get3A_940 : vector<1x16xf32> to vector<16xf32>
        %add3A_942 = arith.addf %get3A_941, %get3A_933 : vector<16xf32>
        %mul3A_943 = arith.mulf %get3A_937, %add3A_942 : vector<16xf32>
        %add3A_944 = arith.addf %add3A_929, %mul3A_943 : vector<16xf32>
        %gather3A_945 = vector.shape_cast %broadcast_in_dim3A_35 : vector<16x1xi32> to vector<16xi32>
        %gather3A_946 = tpu.dynamic_gather %add3A_944[%gather3A_945] in [0] : vector<16xf32>, vector<16xi32> -> vector<16xf32>
        %add3A_947 = arith.addf %add3A_944, %gather3A_946 : vector<16xf32>
        %gather3A_948 = vector.shape_cast %broadcast_in_dim3A_39 : vector<16x1xi32> to vector<16xi32>
        %gather3A_949 = tpu.dynamic_gather %add3A_947[%gather3A_948] in [0] : vector<16xf32>, vector<16xi32> -> vector<16xf32>
        %add3A_950 = arith.addf %add3A_947, %gather3A_949 : vector<16xf32>
        %gather3A_951 = vector.shape_cast %broadcast_in_dim3A_43 : vector<16x1xi32> to vector<16xi32>
        %gather3A_952 = tpu.dynamic_gather %add3A_950[%gather3A_951] in [0] : vector<16xf32>, vector<16xi32> -> vector<16xf32>
        %add3A_953 = arith.addf %add3A_950, %gather3A_952 : vector<16xf32>
        %gather3A_954 = vector.shape_cast %broadcast_in_dim3A_47 : vector<16x1xi32> to vector<16xi32>
        %gather3A_955 = tpu.dynamic_gather %add3A_953[%gather3A_954] in [0] : vector<16xf32>, vector<16xi32> -> vector<16xf32>
        %add3A_956 = arith.addf %add3A_953, %gather3A_955 : vector<16xf32>
        %mul3A_957 = arith.constant 1.250000e-01 : f32
        %mul3A_958 = vector.broadcast %mul3A_957 : f32 to vector<16xf32>
        %mul3A_959 = arith.mulf %add3A_956, %mul3A_958 : vector<16xf32>
        %exp3A_960 = math.exp %mul3A_959 : vector<16xf32>
        %get3A_961 = arith.index_cast %add3A_880 : i32 to index
        %get3A_962 = arith.constant 64 : index
        %get3A_963 = tpu.vector_load %arg13[%get3A_961, %get3A_962] {strides = array<i32>} : memref<80x128xf32, #tpu.memory_space<vmem>>, vector<1x16xf32>,
        %get3A_964 = vector.shape_cast %get3A_963 : vector<1x16xf32> to vector<16xf32>
        %add3A_965 = arith.addf %get3A_964, %get3A_888 : vector<16xf32>
        %mul3A_966 = arith.mulf %exp3A_960, %add3A_965 : vector<16xf32>
        %swap3A_967 = arith.index_cast %add3A_880 : i32 to index
        %swap3A_968 = arith.constant 0 : index
        %swap3A_969 = tpu.vector_load %arg16[%swap3A_967, %swap3A_968] {strides = array<i32>} : memref<80x128xf32, #tpu.memory_space<vmem>>, vector<1x16xf32>,
        %swap3A_970 = vector.shape_cast %swap3A_969 : vector<1x16xf32> to vector<16xf32>
        %swap3A_971 = vector.shape_cast %mul3A_966 : vector<16xf32> to vector<1x16xf32>
        tpu.vector_store %arg16[%swap3A_967, %swap3A_968], %swap3A_971 {strides = array<i32>} : memref<80x128xf32, #tpu.memory_space<vmem>>, vector<1x16xf32>,
        %get3A_972 = arith.index_cast %add3A_880 : i32 to index
        %get3A_973 = arith.constant 80 : index
        %get3A_974 = tpu.vector_load %arg13[%get3A_972, %get3A_973] {strides = array<i32>} : memref<80x128xf32, #tpu.memory_space<vmem>>, vector<1x16xf32>,
        %get3A_975 = vector.shape_cast %get3A_974 : vector<1x16xf32> to vector<16xf32>
        %add3A_976 = arith.addf %get3A_975, %get3A_903 : vector<16xf32>
        %mul3A_977 = arith.mulf %exp3A_960, %add3A_976 : vector<16xf32>
        %swap3A_978 = arith.index_cast %add3A_880 : i32 to index
        %swap3A_979 = arith.constant 16 : index
        %swap3A_980 = tpu.vector_load %arg16[%swap3A_978, %swap3A_979] {strides = array<i32>} : memref<80x128xf32, #tpu.memory_space<vmem>>, vector<1x16xf32>,
        %swap3A_981 = vector.shape_cast %swap3A_980 : vector<1x16xf32> to vector<16xf32>
        %swap3A_982 = vector.shape_cast %mul3A_977 : vector<16xf32> to vector<1x16xf32>
        tpu.vector_store %arg16[%swap3A_978, %swap3A_979], %swap3A_982 {strides = array<i32>} : memref<80x128xf32, #tpu.memory_space<vmem>>, vector<1x16xf32>,
        %get3A_983 = arith.index_cast %add3A_880 : i32 to index
        %get3A_984 = arith.constant 96 : index
        %get3A_985 = tpu.vector_load %arg13[%get3A_983, %get3A_984] {strides = array<i32>} : memref<80x128xf32, #tpu.memory_space<vmem>>, vector<1x16xf32>,
        %get3A_986 = vector.shape_cast %get3A_985 : vector<1x16xf32> to vector<16xf32>
        %add3A_987 = arith.addf %get3A_986, %get3A_918 : vector<16xf32>
        %mul3A_988 = arith.mulf %exp3A_960, %add3A_987 : vector<16xf32>
        %swap3A_989 = arith.index_cast %add3A_880 : i32 to index
        %swap3A_990 = arith.constant 32 : index
        %swap3A_991 = tpu.vector_load %arg16[%swap3A_989, %swap3A_990] {strides = array<i32>} : memref<80x128xf32, #tpu.memory_space<vmem>>, vector<1x16xf32>,
        %swap3A_992 = vector.shape_cast %swap3A_991 : vector<1x16xf32> to vector<16xf32>
        %swap3A_993 = vector.shape_cast %mul3A_988 : vector<16xf32> to vector<1x16xf32>
        tpu.vector_store %arg16[%swap3A_989, %swap3A_990], %swap3A_993 {strides = array<i32>} : memref<80x128xf32, #tpu.memory_space<vmem>>, vector<1x16xf32>,
        %get3A_994 = arith.index_cast %add3A_880 : i32 to index
        %get3A_995 = arith.constant 112 : index
        %get3A_996 = tpu.vector_load %arg13[%get3A_994, %get3A_995] {strides = array<i32>} : memref<80x128xf32, #tpu.memory_space<vmem>>, vector<1x16xf32>,
        %get3A_997 = vector.shape_cast %get3A_996 : vector<1x16xf32> to vector<16xf32>
        %add3A_998 = arith.addf %get3A_997, %get3A_933 : vector<16xf32>
        %mul3A_999 = arith.mulf %exp3A_960, %add3A_998 : vector<16xf32>
        %swap3A_1000 = arith.index_cast %add3A_880 : i32 to index
        %swap3A_1001 = arith.constant 48 : index
        %swap3A_1002 = tpu.vector_load %arg16[%swap3A_1000, %swap3A_1001] {strides = array<i32>} : memref<80x128xf32, #tpu.memory_space<vmem>>, vector<1x16xf32>,
        %swap3A_1003 = vector.shape_cast %swap3A_1002 : vector<1x16xf32> to vector<16xf32>
        %swap3A_1004 = vector.shape_cast %mul3A_999 : vector<16xf32> to vector<1x16xf32>
        tpu.vector_store %arg16[%swap3A_1000, %swap3A_1001], %swap3A_1004 {strides = array<i32>} : memref<80x128xf32, #tpu.memory_space<vmem>>, vector<1x16xf32>,
        %mul3A_1005 = arith.mulf %exp3A_960, %select_n3A : vector<16xf32>
        %swap3A_1006 = arith.index_cast %add3A_880 : i32 to index
        %swap3A_1007 = arith.constant 64 : index
        %swap3A_1008 = tpu.vector_load %arg16[%swap3A_1006, %swap3A_1007] {strides = array<i32>} : memref<80x128xf32, #tpu.memory_space<vmem>>, vector<1x16xf32>,
        %swap3A_1009 = vector.shape_cast %swap3A_1008 : vector<1x16xf32> to vector<16xf32>
        %swap3A_1010 = vector.shape_cast %mul3A_1005 : vector<16xf32> to vector<1x16xf32>
        tpu.vector_store %arg16[%swap3A_1006, %swap3A_1007], %swap3A_1010 {strides = array<i32>} : memref<80x128xf32, #tpu.memory_space<vmem>>, vector<1x16xf32>,
        %add3A_1011 = arith.constant 4 : i32
        %add3A_1012 = arith.addi %mul3A_484, %add3A_1011 : i32
        %add3A_1013 = arith.constant 2 : i32
        %add3A_1014 = arith.addi %mul3A_486, %add3A_1013 : i32
        %broadcast_in_dim3A_1015 = arith.constant 0.000000e+00 : f32
        %broadcast_in_dim3A_1016 = vector.broadcast %broadcast_in_dim3A_1015 : f32 to vector<16xf32>
        %get3A_1017 = arith.index_cast %add3A_1014 : i32 to index
        %get3A_1018 = arith.constant 0 : index
        %get3A_1019 = tpu.vector_load %arg14[%get3A_1017, %get3A_1018] {strides = array<i32>} : memref<40x128xf32, #tpu.memory_space<vmem>>, vector<1x16xf32>,
        %get3A_1020 = vector.shape_cast %get3A_1019 : vector<1x16xf32> to vector<16xf32>
        %get3A_1021 = arith.index_cast %add3A_1012 : i32 to index
        %get3A_1022 = arith.constant 0 : index
        %get3A_1023 = tpu.vector_load %arg12[%get3A_1021, %get3A_1022] {strides = array<i32>} : memref<80x128xf32, #tpu.memory_space<vmem>>, vector<1x16xf32>,
        %get3A_1024 = vector.shape_cast %get3A_1023 : vector<1x16xf32> to vector<16xf32>
        %get3A_1025 = arith.index_cast %add3A_1012 : i32 to index
        %get3A_1026 = arith.constant 0 : index
        %get3A_1027 = tpu.vector_load %arg13[%get3A_1025, %get3A_1026] {strides = array<i32>} : memref<80x128xf32, #tpu.memory_space<vmem>>, vector<1x16xf32>,
        %get3A_1028 = vector.shape_cast %get3A_1027 : vector<1x16xf32> to vector<16xf32>
        %add3A_1029 = arith.addf %get3A_1028, %get3A_1020 : vector<16xf32>
        %mul3A_1030 = arith.mulf %get3A_1024, %add3A_1029 : vector<16xf32>
        %add3A_1031 = arith.addf %broadcast_in_dim3A_1016, %mul3A_1030 : vector<16xf32>
        %get3A_1032 = arith.index_cast %add3A_1014 : i32 to index
        %get3A_1033 = arith.constant 16 : index
        %get3A_1034 = tpu.vector_load %arg14[%get3A_1032, %get3A_1033] {strides = array<i32>} : memref<40x128xf32, #tpu.memory_space<vmem>>, vector<1x16xf32>,
        %get3A_1035 = vector.shape_cast %get3A_1034 : vector<1x16xf32> to vector<16xf32>
        %get3A_1036 = arith.index_cast %add3A_1012 : i32 to index
        %get3A_1037 = arith.constant 16 : index
        %get3A_1038 = tpu.vector_load %arg12[%get3A_1036, %get3A_1037] {strides = array<i32>} : memref<80x128xf32, #tpu.memory_space<vmem>>, vector<1x16xf32>,
        %get3A_1039 = vector.shape_cast %get3A_1038 : vector<1x16xf32> to vector<16xf32>
        %get3A_1040 = arith.index_cast %add3A_1012 : i32 to index
        %get3A_1041 = arith.constant 16 : index
        %get3A_1042 = tpu.vector_load %arg13[%get3A_1040, %get3A_1041] {strides = array<i32>} : memref<80x128xf32, #tpu.memory_space<vmem>>, vector<1x16xf32>,
        %get3A_1043 = vector.shape_cast %get3A_1042 : vector<1x16xf32> to vector<16xf32>
        %add3A_1044 = arith.addf %get3A_1043, %get3A_1035 : vector<16xf32>
        %mul3A_1045 = arith.mulf %get3A_1039, %add3A_1044 : vector<16xf32>
        %add3A_1046 = arith.addf %add3A_1031, %mul3A_1045 : vector<16xf32>
        %get3A_1047 = arith.index_cast %add3A_1014 : i32 to index
        %get3A_1048 = arith.constant 32 : index
        %get3A_1049 = tpu.vector_load %arg14[%get3A_1047, %get3A_1048] {strides = array<i32>} : memref<40x128xf32, #tpu.memory_space<vmem>>, vector<1x16xf32>,
        %get3A_1050 = vector.shape_cast %get3A_1049 : vector<1x16xf32> to vector<16xf32>
        %get3A_1051 = arith.index_cast %add3A_1012 : i32 to index
        %get3A_1052 = arith.constant 32 : index
        %get3A_1053 = tpu.vector_load %arg12[%get3A_1051, %get3A_1052] {strides = array<i32>} : memref<80x128xf32, #tpu.memory_space<vmem>>, vector<1x16xf32>,
        %get3A_1054 = vector.shape_cast %get3A_1053 : vector<1x16xf32> to vector<16xf32>
        %get3A_1055 = arith.index_cast %add3A_1012 : i32 to index
        %get3A_1056 = arith.constant 32 : index
        %get3A_1057 = tpu.vector_load %arg13[%get3A_1055, %get3A_1056] {strides = array<i32>} : memref<80x128xf32, #tpu.memory_space<vmem>>, vector<1x16xf32>,
        %get3A_1058 = vector.shape_cast %get3A_1057 : vector<1x16xf32> to vector<16xf32>
        %add3A_1059 = arith.addf %get3A_1058, %get3A_1050 : vector<16xf32>
        %mul3A_1060 = arith.mulf %get3A_1054, %add3A_1059 : vector<16xf32>
        %add3A_1061 = arith.addf %add3A_1046, %mul3A_1060 : vector<16xf32>
        %get3A_1062 = arith.index_cast %add3A_1014 : i32 to index
        %get3A_1063 = arith.constant 48 : index
        %get3A_1064 = tpu.vector_load %arg14[%get3A_1062, %get3A_1063] {strides = array<i32>} : memref<40x128xf32, #tpu.memory_space<vmem>>, vector<1x16xf32>,
        %get3A_1065 = vector.shape_cast %get3A_1064 : vector<1x16xf32> to vector<16xf32>
        %get3A_1066 = arith.index_cast %add3A_1012 : i32 to index
        %get3A_1067 = arith.constant 48 : index
        %get3A_1068 = tpu.vector_load %arg12[%get3A_1066, %get3A_1067] {strides = array<i32>} : memref<80x128xf32, #tpu.memory_space<vmem>>, vector<1x16xf32>,
        %get3A_1069 = vector.shape_cast %get3A_1068 : vector<1x16xf32> to vector<16xf32>
        %get3A_1070 = arith.index_cast %add3A_1012 : i32 to index
        %get3A_1071 = arith.constant 48 : index
        %get3A_1072 = tpu.vector_load %arg13[%get3A_1070, %get3A_1071] {strides = array<i32>} : memref<80x128xf32, #tpu.memory_space<vmem>>, vector<1x16xf32>,
        %get3A_1073 = vector.shape_cast %get3A_1072 : vector<1x16xf32> to vector<16xf32>
        %add3A_1074 = arith.addf %get3A_1073, %get3A_1065 : vector<16xf32>
        %mul3A_1075 = arith.mulf %get3A_1069, %add3A_1074 : vector<16xf32>
        %add3A_1076 = arith.addf %add3A_1061, %mul3A_1075 : vector<16xf32>
        %gather3A_1077 = vector.shape_cast %broadcast_in_dim3A_35 : vector<16x1xi32> to vector<16xi32>
        %gather3A_1078 = tpu.dynamic_gather %add3A_1076[%gather3A_1077] in [0] : vector<16xf32>, vector<16xi32> -> vector<16xf32>
        %add3A_1079 = arith.addf %add3A_1076, %gather3A_1078 : vector<16xf32>
        %gather3A_1080 = vector.shape_cast %broadcast_in_dim3A_39 : vector<16x1xi32> to vector<16xi32>
        %gather3A_1081 = tpu.dynamic_gather %add3A_1079[%gather3A_1080] in [0] : vector<16xf32>, vector<16xi32> -> vector<16xf32>
        %add3A_1082 = arith.addf %add3A_1079, %gather3A_1081 : vector<16xf32>
        %gather3A_1083 = vector.shape_cast %broadcast_in_dim3A_43 : vector<16x1xi32> to vector<16xi32>
        %gather3A_1084 = tpu.dynamic_gather %add3A_1082[%gather3A_1083] in [0] : vector<16xf32>, vector<16xi32> -> vector<16xf32>
        %add3A_1085 = arith.addf %add3A_1082, %gather3A_1084 : vector<16xf32>
        %gather3A_1086 = vector.shape_cast %broadcast_in_dim3A_47 : vector<16x1xi32> to vector<16xi32>
        %gather3A_1087 = tpu.dynamic_gather %add3A_1085[%gather3A_1086] in [0] : vector<16xf32>, vector<16xi32> -> vector<16xf32>
        %add3A_1088 = arith.addf %add3A_1085, %gather3A_1087 : vector<16xf32>
        %mul3A_1089 = arith.constant 1.250000e-01 : f32
        %mul3A_1090 = vector.broadcast %mul3A_1089 : f32 to vector<16xf32>
        %mul3A_1091 = arith.mulf %add3A_1088, %mul3A_1090 : vector<16xf32>
        %exp3A_1092 = math.exp %mul3A_1091 : vector<16xf32>
        %get3A_1093 = arith.index_cast %add3A_1012 : i32 to index
        %get3A_1094 = arith.constant 64 : index
        %get3A_1095 = tpu.vector_load %arg13[%get3A_1093, %get3A_1094] {strides = array<i32>} : memref<80x128xf32, #tpu.memory_space<vmem>>, vector<1x16xf32>,
        %get3A_1096 = vector.shape_cast %get3A_1095 : vector<1x16xf32> to vector<16xf32>
        %add3A_1097 = arith.addf %get3A_1096, %get3A_1020 : vector<16xf32>
        %mul3A_1098 = arith.mulf %exp3A_1092, %add3A_1097 : vector<16xf32>
        %swap3A_1099 = arith.index_cast %add3A_1012 : i32 to index
        %swap3A_1100 = arith.constant 0 : index
        %swap3A_1101 = tpu.vector_load %arg16[%swap3A_1099, %swap3A_1100] {strides = array<i32>} : memref<80x128xf32, #tpu.memory_space<vmem>>, vector<1x16xf32>,
        %swap3A_1102 = vector.shape_cast %swap3A_1101 : vector<1x16xf32> to vector<16xf32>
        %swap3A_1103 = vector.shape_cast %mul3A_1098 : vector<16xf32> to vector<1x16xf32>
        tpu.vector_store %arg16[%swap3A_1099, %swap3A_1100], %swap3A_1103 {strides = array<i32>} : memref<80x128xf32, #tpu.memory_space<vmem>>, vector<1x16xf32>,
        %get3A_1104 = arith.index_cast %add3A_1012 : i32 to index
        %get3A_1105 = arith.constant 80 : index
        %get3A_1106 = tpu.vector_load %arg13[%get3A_1104, %get3A_1105] {strides = array<i32>} : memref<80x128xf32, #tpu.memory_space<vmem>>, vector<1x16xf32>,
        %get3A_1107 = vector.shape_cast %get3A_1106 : vector<1x16xf32> to vector<16xf32>
        %add3A_1108 = arith.addf %get3A_1107, %get3A_1035 : vector<16xf32>
        %mul3A_1109 = arith.mulf %exp3A_1092, %add3A_1108 : vector<16xf32>
        %swap3A_1110 = arith.index_cast %add3A_1012 : i32 to index
        %swap3A_1111 = arith.constant 16 : index
        %swap3A_1112 = tpu.vector_load %arg16[%swap3A_1110, %swap3A_1111] {strides = array<i32>} : memref<80x128xf32, #tpu.memory_space<vmem>>, vector<1x16xf32>,
        %swap3A_1113 = vector.shape_cast %swap3A_1112 : vector<1x16xf32> to vector<16xf32>
        %swap3A_1114 = vector.shape_cast %mul3A_1109 : vector<16xf32> to vector<1x16xf32>
        tpu.vector_store %arg16[%swap3A_1110, %swap3A_1111], %swap3A_1114 {strides = array<i32>} : memref<80x128xf32, #tpu.memory_space<vmem>>, vector<1x16xf32>,
        %get3A_1115 = arith.index_cast %add3A_1012 : i32 to index
        %get3A_1116 = arith.constant 96 : index
        %get3A_1117 = tpu.vector_load %arg13[%get3A_1115, %get3A_1116] {strides = array<i32>} : memref<80x128xf32, #tpu.memory_space<vmem>>, vector<1x16xf32>,
        %get3A_1118 = vector.shape_cast %get3A_1117 : vector<1x16xf32> to vector<16xf32>
        %add3A_1119 = arith.addf %get3A_1118, %get3A_1050 : vector<16xf32>
        %mul3A_1120 = arith.mulf %exp3A_1092, %add3A_1119 : vector<16xf32>
        %swap3A_1121 = arith.index_cast %add3A_1012 : i32 to index
        %swap3A_1122 = arith.constant 32 : index
        %swap3A_1123 = tpu.vector_load %arg16[%swap3A_1121, %swap3A_1122] {strides = array<i32>} : memref<80x128xf32, #tpu.memory_space<vmem>>, vector<1x16xf32>,
        %swap3A_1124 = vector.shape_cast %swap3A_1123 : vector<1x16xf32> to vector<16xf32>
        %swap3A_1125 = vector.shape_cast %mul3A_1120 : vector<16xf32> to vector<1x16xf32>
        tpu.vector_store %arg16[%swap3A_1121, %swap3A_1122], %swap3A_1125 {strides = array<i32>} : memref<80x128xf32, #tpu.memory_space<vmem>>, vector<1x16xf32>,
        %get3A_1126 = arith.index_cast %add3A_1012 : i32 to index
        %get3A_1127 = arith.constant 112 : index
        %get3A_1128 = tpu.vector_load %arg13[%get3A_1126, %get3A_1127] {strides = array<i32>} : memref<80x128xf32, #tpu.memory_space<vmem>>, vector<1x16xf32>,
        %get3A_1129 = vector.shape_cast %get3A_1128 : vector<1x16xf32> to vector<16xf32>
        %add3A_1130 = arith.addf %get3A_1129, %get3A_1065 : vector<16xf32>
        %mul3A_1131 = arith.mulf %exp3A_1092, %add3A_1130 : vector<16xf32>
        %swap3A_1132 = arith.index_cast %add3A_1012 : i32 to index
        %swap3A_1133 = arith.constant 48 : index
        %swap3A_1134 = tpu.vector_load %arg16[%swap3A_1132, %swap3A_1133] {strides = array<i32>} : memref<80x128xf32, #tpu.memory_space<vmem>>, vector<1x16xf32>,
        %swap3A_1135 = vector.shape_cast %swap3A_1134 : vector<1x16xf32> to vector<16xf32>
        %swap3A_1136 = vector.shape_cast %mul3A_1131 : vector<16xf32> to vector<1x16xf32>
        tpu.vector_store %arg16[%swap3A_1132, %swap3A_1133], %swap3A_1136 {strides = array<i32>} : memref<80x128xf32, #tpu.memory_space<vmem>>, vector<1x16xf32>,
        %mul3A_1137 = arith.mulf %exp3A_1092, %select_n3A : vector<16xf32>
        %swap3A_1138 = arith.index_cast %add3A_1012 : i32 to index
        %swap3A_1139 = arith.constant 64 : index
        %swap3A_1140 = tpu.vector_load %arg16[%swap3A_1138, %swap3A_1139] {strides = array<i32>} : memref<80x128xf32, #tpu.memory_space<vmem>>, vector<1x16xf32>,
        %swap3A_1141 = vector.shape_cast %swap3A_1140 : vector<1x16xf32> to vector<16xf32>
        %swap3A_1142 = vector.shape_cast %mul3A_1137 : vector<16xf32> to vector<1x16xf32>
        tpu.vector_store %arg16[%swap3A_1138, %swap3A_1139], %swap3A_1142 {strides = array<i32>} : memref<80x128xf32, #tpu.memory_space<vmem>>, vector<1x16xf32>,
        %add3A_1143 = arith.constant 5 : i32
        %add3A_1144 = arith.addi %mul3A_484, %add3A_1143 : i32
        %add3A_1145 = arith.constant 2 : i32
        %add3A_1146 = arith.addi %mul3A_486, %add3A_1145 : i32
        %broadcast_in_dim3A_1147 = arith.constant 0.000000e+00 : f32
        %broadcast_in_dim3A_1148 = vector.broadcast %broadcast_in_dim3A_1147 : f32 to vector<16xf32>
        %get3A_1149 = arith.index_cast %add3A_1146 : i32 to index
        %get3A_1150 = arith.constant 64 : index
        %get3A_1151 = tpu.vector_load %arg14[%get3A_1149, %get3A_1150] {strides = array<i32>} : memref<40x128xf32, #tpu.memory_space<vmem>>, vector<1x16xf32>,
        %get3A_1152 = vector.shape_cast %get3A_1151 : vector<1x16xf32> to vector<16xf32>
        %get3A_1153 = arith.index_cast %add3A_1144 : i32 to index
        %get3A_1154 = arith.constant 0 : index
        %get3A_1155 = tpu.vector_load %arg12[%get3A_1153, %get3A_1154] {strides = array<i32>} : memref<80x128xf32, #tpu.memory_space<vmem>>, vector<1x16xf32>,
        %get3A_1156 = vector.shape_cast %get3A_1155 : vector<1x16xf32> to vector<16xf32>
        %get3A_1157 = arith.index_cast %add3A_1144 : i32 to index
        %get3A_1158 = arith.constant 0 : index
        %get3A_1159 = tpu.vector_load %arg13[%get3A_1157, %get3A_1158] {strides = array<i32>} : memref<80x128xf32, #tpu.memory_space<vmem>>, vector<1x16xf32>,
        %get3A_1160 = vector.shape_cast %get3A_1159 : vector<1x16xf32> to vector<16xf32>
        %add3A_1161 = arith.addf %get3A_1160, %get3A_1152 : vector<16xf32>
        %mul3A_1162 = arith.mulf %get3A_1156, %add3A_1161 : vector<16xf32>
        %add3A_1163 = arith.addf %broadcast_in_dim3A_1148, %mul3A_1162 : vector<16xf32>
        %get3A_1164 = arith.index_cast %add3A_1146 : i32 to index
        %get3A_1165 = arith.constant 80 : index
        %get3A_1166 = tpu.vector_load %arg14[%get3A_1164, %get3A_1165] {strides = array<i32>} : memref<40x128xf32, #tpu.memory_space<vmem>>, vector<1x16xf32>,
        %get3A_1167 = vector.shape_cast %get3A_1166 : vector<1x16xf32> to vector<16xf32>
        %get3A_1168 = arith.index_cast %add3A_1144 : i32 to index
        %get3A_1169 = arith.constant 16 : index
        %get3A_1170 = tpu.vector_load %arg12[%get3A_1168, %get3A_1169] {strides = array<i32>} : memref<80x128xf32, #tpu.memory_space<vmem>>, vector<1x16xf32>,
        %get3A_1171 = vector.shape_cast %get3A_1170 : vector<1x16xf32> to vector<16xf32>
        %get3A_1172 = arith.index_cast %add3A_1144 : i32 to index
        %get3A_1173 = arith.constant 16 : index
        %get3A_1174 = tpu.vector_load %arg13[%get3A_1172, %get3A_1173] {strides = array<i32>} : memref<80x128xf32, #tpu.memory_space<vmem>>, vector<1x16xf32>,
        %get3A_1175 = vector.shape_cast %get3A_1174 : vector<1x16xf32> to vector<16xf32>
        %add3A_1176 = arith.addf %get3A_1175, %get3A_1167 : vector<16xf32>
        %mul3A_1177 = arith.mulf %get3A_1171, %add3A_1176 : vector<16xf32>
        %add3A_1178 = arith.addf %add3A_1163, %mul3A_1177 : vector<16xf32>
        %get3A_1179 = arith.index_cast %add3A_1146 : i32 to index
        %get3A_1180 = arith.constant 96 : index
        %get3A_1181 = tpu.vector_load %arg14[%get3A_1179, %get3A_1180] {strides = array<i32>} : memref<40x128xf32, #tpu.memory_space<vmem>>, vector<1x16xf32>,
        %get3A_1182 = vector.shape_cast %get3A_1181 : vector<1x16xf32> to vector<16xf32>
        %get3A_1183 = arith.index_cast %add3A_1144 : i32 to index
        %get3A_1184 = arith.constant 32 : index
        %get3A_1185 = tpu.vector_load %arg12[%get3A_1183, %get3A_1184] {strides = array<i32>} : memref<80x128xf32, #tpu.memory_space<vmem>>, vector<1x16xf32>,
        %get3A_1186 = vector.shape_cast %get3A_1185 : vector<1x16xf32> to vector<16xf32>
        %get3A_1187 = arith.index_cast %add3A_1144 : i32 to index
        %get3A_1188 = arith.constant 32 : index
        %get3A_1189 = tpu.vector_load %arg13[%get3A_1187, %get3A_1188] {strides = array<i32>} : memref<80x128xf32, #tpu.memory_space<vmem>>, vector<1x16xf32>,
        %get3A_1190 = vector.shape_cast %get3A_1189 : vector<1x16xf32> to vector<16xf32>
        %add3A_1191 = arith.addf %get3A_1190, %get3A_1182 : vector<16xf32>
        %mul3A_1192 = arith.mulf %get3A_1186, %add3A_1191 : vector<16xf32>
        %add3A_1193 = arith.addf %add3A_1178, %mul3A_1192 : vector<16xf32>
        %get3A_1194 = arith.index_cast %add3A_1146 : i32 to index
        %get3A_1195 = arith.constant 112 : index
        %get3A_1196 = tpu.vector_load %arg14[%get3A_1194, %get3A_1195] {strides = array<i32>} : memref<40x128xf32, #tpu.memory_space<vmem>>, vector<1x16xf32>,
        %get3A_1197 = vector.shape_cast %get3A_1196 : vector<1x16xf32> to vector<16xf32>
        %get3A_1198 = arith.index_cast %add3A_1144 : i32 to index
        %get3A_1199 = arith.constant 48 : index
        %get3A_1200 = tpu.vector_load %arg12[%get3A_1198, %get3A_1199] {strides = array<i32>} : memref<80x128xf32, #tpu.memory_space<vmem>>, vector<1x16xf32>,
        %get3A_1201 = vector.shape_cast %get3A_1200 : vector<1x16xf32> to vector<16xf32>
        %get3A_1202 = arith.index_cast %add3A_1144 : i32 to index
        %get3A_1203 = arith.constant 48 : index
        %get3A_1204 = tpu.vector_load %arg13[%get3A_1202, %get3A_1203] {strides = array<i32>} : memref<80x128xf32, #tpu.memory_space<vmem>>, vector<1x16xf32>,
        %get3A_1205 = vector.shape_cast %get3A_1204 : vector<1x16xf32> to vector<16xf32>
        %add3A_1206 = arith.addf %get3A_1205, %get3A_1197 : vector<16xf32>
        %mul3A_1207 = arith.mulf %get3A_1201, %add3A_1206 : vector<16xf32>
        %add3A_1208 = arith.addf %add3A_1193, %mul3A_1207 : vector<16xf32>
        %gather3A_1209 = vector.shape_cast %broadcast_in_dim3A_35 : vector<16x1xi32> to vector<16xi32>
        %gather3A_1210 = tpu.dynamic_gather %add3A_1208[%gather3A_1209] in [0] : vector<16xf32>, vector<16xi32> -> vector<16xf32>
        %add3A_1211 = arith.addf %add3A_1208, %gather3A_1210 : vector<16xf32>
        %gather3A_1212 = vector.shape_cast %broadcast_in_dim3A_39 : vector<16x1xi32> to vector<16xi32>
        %gather3A_1213 = tpu.dynamic_gather %add3A_1211[%gather3A_1212] in [0] : vector<16xf32>, vector<16xi32> -> vector<16xf32>
        %add3A_1214 = arith.addf %add3A_1211, %gather3A_1213 : vector<16xf32>
        %gather3A_1215 = vector.shape_cast %broadcast_in_dim3A_43 : vector<16x1xi32> to vector<16xi32>
        %gather3A_1216 = tpu.dynamic_gather %add3A_1214[%gather3A_1215] in [0] : vector<16xf32>, vector<16xi32> -> vector<16xf32>
        %add3A_1217 = arith.addf %add3A_1214, %gather3A_1216 : vector<16xf32>
        %gather3A_1218 = vector.shape_cast %broadcast_in_dim3A_47 : vector<16x1xi32> to vector<16xi32>
        %gather3A_1219 = tpu.dynamic_gather %add3A_1217[%gather3A_1218] in [0] : vector<16xf32>, vector<16xi32> -> vector<16xf32>
        %add3A_1220 = arith.addf %add3A_1217, %gather3A_1219 : vector<16xf32>
        %mul3A_1221 = arith.constant 1.250000e-01 : f32
        %mul3A_1222 = vector.broadcast %mul3A_1221 : f32 to vector<16xf32>
        %mul3A_1223 = arith.mulf %add3A_1220, %mul3A_1222 : vector<16xf32>
        %exp3A_1224 = math.exp %mul3A_1223 : vector<16xf32>
        %get3A_1225 = arith.index_cast %add3A_1144 : i32 to index
        %get3A_1226 = arith.constant 64 : index
        %get3A_1227 = tpu.vector_load %arg13[%get3A_1225, %get3A_1226] {strides = array<i32>} : memref<80x128xf32, #tpu.memory_space<vmem>>, vector<1x16xf32>,
        %get3A_1228 = vector.shape_cast %get3A_1227 : vector<1x16xf32> to vector<16xf32>
        %add3A_1229 = arith.addf %get3A_1228, %get3A_1152 : vector<16xf32>
        %mul3A_1230 = arith.mulf %exp3A_1224, %add3A_1229 : vector<16xf32>
        %swap3A_1231 = arith.index_cast %add3A_1144 : i32 to index
        %swap3A_1232 = arith.constant 0 : index
        %swap3A_1233 = tpu.vector_load %arg16[%swap3A_1231, %swap3A_1232] {strides = array<i32>} : memref<80x128xf32, #tpu.memory_space<vmem>>, vector<1x16xf32>,
        %swap3A_1234 = vector.shape_cast %swap3A_1233 : vector<1x16xf32> to vector<16xf32>
        %swap3A_1235 = vector.shape_cast %mul3A_1230 : vector<16xf32> to vector<1x16xf32>
        tpu.vector_store %arg16[%swap3A_1231, %swap3A_1232], %swap3A_1235 {strides = array<i32>} : memref<80x128xf32, #tpu.memory_space<vmem>>, vector<1x16xf32>,
        %get3A_1236 = arith.index_cast %add3A_1144 : i32 to index
        %get3A_1237 = arith.constant 80 : index
        %get3A_1238 = tpu.vector_load %arg13[%get3A_1236, %get3A_1237] {strides = array<i32>} : memref<80x128xf32, #tpu.memory_space<vmem>>, vector<1x16xf32>,
        %get3A_1239 = vector.shape_cast %get3A_1238 : vector<1x16xf32> to vector<16xf32>
        %add3A_1240 = arith.addf %get3A_1239, %get3A_1167 : vector<16xf32>
        %mul3A_1241 = arith.mulf %exp3A_1224, %add3A_1240 : vector<16xf32>
        %swap3A_1242 = arith.index_cast %add3A_1144 : i32 to index
        %swap3A_1243 = arith.constant 16 : index
        %swap3A_1244 = tpu.vector_load %arg16[%swap3A_1242, %swap3A_1243] {strides = array<i32>} : memref<80x128xf32, #tpu.memory_space<vmem>>, vector<1x16xf32>,
        %swap3A_1245 = vector.shape_cast %swap3A_1244 : vector<1x16xf32> to vector<16xf32>
        %swap3A_1246 = vector.shape_cast %mul3A_1241 : vector<16xf32> to vector<1x16xf32>
        tpu.vector_store %arg16[%swap3A_1242, %swap3A_1243], %swap3A_1246 {strides = array<i32>} : memref<80x128xf32, #tpu.memory_space<vmem>>, vector<1x16xf32>,
        %get3A_1247 = arith.index_cast %add3A_1144 : i32 to index
        %get3A_1248 = arith.constant 96 : index
        %get3A_1249 = tpu.vector_load %arg13[%get3A_1247, %get3A_1248] {strides = array<i32>} : memref<80x128xf32, #tpu.memory_space<vmem>>, vector<1x16xf32>,
        %get3A_1250 = vector.shape_cast %get3A_1249 : vector<1x16xf32> to vector<16xf32>
        %add3A_1251 = arith.addf %get3A_1250, %get3A_1182 : vector<16xf32>
        %mul3A_1252 = arith.mulf %exp3A_1224, %add3A_1251 : vector<16xf32>
        %swap3A_1253 = arith.index_cast %add3A_1144 : i32 to index
        %swap3A_1254 = arith.constant 32 : index
        %swap3A_1255 = tpu.vector_load %arg16[%swap3A_1253, %swap3A_1254] {strides = array<i32>} : memref<80x128xf32, #tpu.memory_space<vmem>>, vector<1x16xf32>,
        %swap3A_1256 = vector.shape_cast %swap3A_1255 : vector<1x16xf32> to vector<16xf32>
        %swap3A_1257 = vector.shape_cast %mul3A_1252 : vector<16xf32> to vector<1x16xf32>
        tpu.vector_store %arg16[%swap3A_1253, %swap3A_1254], %swap3A_1257 {strides = array<i32>} : memref<80x128xf32, #tpu.memory_space<vmem>>, vector<1x16xf32>,
        %get3A_1258 = arith.index_cast %add3A_1144 : i32 to index
        %get3A_1259 = arith.constant 112 : index
        %get3A_1260 = tpu.vector_load %arg13[%get3A_1258, %get3A_1259] {strides = array<i32>} : memref<80x128xf32, #tpu.memory_space<vmem>>, vector<1x16xf32>,
        %get3A_1261 = vector.shape_cast %get3A_1260 : vector<1x16xf32> to vector<16xf32>
        %add3A_1262 = arith.addf %get3A_1261, %get3A_1197 : vector<16xf32>
        %mul3A_1263 = arith.mulf %exp3A_1224, %add3A_1262 : vector<16xf32>
        %swap3A_1264 = arith.index_cast %add3A_1144 : i32 to index
        %swap3A_1265 = arith.constant 48 : index
        %swap3A_1266 = tpu.vector_load %arg16[%swap3A_1264, %swap3A_1265] {strides = array<i32>} : memref<80x128xf32, #tpu.memory_space<vmem>>, vector<1x16xf32>,
        %swap3A_1267 = vector.shape_cast %swap3A_1266 : vector<1x16xf32> to vector<16xf32>
        %swap3A_1268 = vector.shape_cast %mul3A_1263 : vector<16xf32> to vector<1x16xf32>
        tpu.vector_store %arg16[%swap3A_1264, %swap3A_1265], %swap3A_1268 {strides = array<i32>} : memref<80x128xf32, #tpu.memory_space<vmem>>, vector<1x16xf32>,
        %mul3A_1269 = arith.mulf %exp3A_1224, %select_n3A : vector<16xf32>
        %swap3A_1270 = arith.index_cast %add3A_1144 : i32 to index
        %swap3A_1271 = arith.constant 64 : index
        %swap3A_1272 = tpu.vector_load %arg16[%swap3A_1270, %swap3A_1271] {strides = array<i32>} : memref<80x128xf32, #tpu.memory_space<vmem>>, vector<1x16xf32>,
        %swap3A_1273 = vector.shape_cast %swap3A_1272 : vector<1x16xf32> to vector<16xf32>
        %swap3A_1274 = vector.shape_cast %mul3A_1269 : vector<16xf32> to vector<1x16xf32>
        tpu.vector_store %arg16[%swap3A_1270, %swap3A_1271], %swap3A_1274 {strides = array<i32>} : memref<80x128xf32, #tpu.memory_space<vmem>>, vector<1x16xf32>,
        %add3A_1275 = arith.constant 6 : i32
        %add3A_1276 = arith.addi %mul3A_484, %add3A_1275 : i32
        %add3A_1277 = arith.constant 3 : i32
        %add3A_1278 = arith.addi %mul3A_486, %add3A_1277 : i32
        %broadcast_in_dim3A_1279 = arith.constant 0.000000e+00 : f32
        %broadcast_in_dim3A_1280 = vector.broadcast %broadcast_in_dim3A_1279 : f32 to vector<16xf32>
        %get3A_1281 = arith.index_cast %add3A_1278 : i32 to index
        %get3A_1282 = arith.constant 0 : index
        %get3A_1283 = tpu.vector_load %arg14[%get3A_1281, %get3A_1282] {strides = array<i32>} : memref<40x128xf32, #tpu.memory_space<vmem>>, vector<1x16xf32>,
        %get3A_1284 = vector.shape_cast %get3A_1283 : vector<1x16xf32> to vector<16xf32>
        %get3A_1285 = arith.index_cast %add3A_1276 : i32 to index
        %get3A_1286 = arith.constant 0 : index
        %get3A_1287 = tpu.vector_load %arg12[%get3A_1285, %get3A_1286] {strides = array<i32>} : memref<80x128xf32, #tpu.memory_space<vmem>>, vector<1x16xf32>,
        %get3A_1288 = vector.shape_cast %get3A_1287 : vector<1x16xf32> to vector<16xf32>
        %get3A_1289 = arith.index_cast %add3A_1276 : i32 to index
        %get3A_1290 = arith.constant 0 : index
        %get3A_1291 = tpu.vector_load %arg13[%get3A_1289, %get3A_1290] {strides = array<i32>} : memref<80x128xf32, #tpu.memory_space<vmem>>, vector<1x16xf32>,
        %get3A_1292 = vector.shape_cast %get3A_1291 : vector<1x16xf32> to vector<16xf32>
        %add3A_1293 = arith.addf %get3A_1292, %get3A_1284 : vector<16xf32>
        %mul3A_1294 = arith.mulf %get3A_1288, %add3A_1293 : vector<16xf32>
        %add3A_1295 = arith.addf %broadcast_in_dim3A_1280, %mul3A_1294 : vector<16xf32>
        %get3A_1296 = arith.index_cast %add3A_1278 : i32 to index
        %get3A_1297 = arith.constant 16 : index
        %get3A_1298 = tpu.vector_load %arg14[%get3A_1296, %get3A_1297] {strides = array<i32>} : memref<40x128xf32, #tpu.memory_space<vmem>>, vector<1x16xf32>,
        %get3A_1299 = vector.shape_cast %get3A_1298 : vector<1x16xf32> to vector<16xf32>
        %get3A_1300 = arith.index_cast %add3A_1276 : i32 to index
        %get3A_1301 = arith.constant 16 : index
        %get3A_1302 = tpu.vector_load %arg12[%get3A_1300, %get3A_1301] {strides = array<i32>} : memref<80x128xf32, #tpu.memory_space<vmem>>, vector<1x16xf32>,
        %get3A_1303 = vector.shape_cast %get3A_1302 : vector<1x16xf32> to vector<16xf32>
        %get3A_1304 = arith.index_cast %add3A_1276 : i32 to index
        %get3A_1305 = arith.constant 16 : index
        %get3A_1306 = tpu.vector_load %arg13[%get3A_1304, %get3A_1305] {strides = array<i32>} : memref<80x128xf32, #tpu.memory_space<vmem>>, vector<1x16xf32>,
        %get3A_1307 = vector.shape_cast %get3A_1306 : vector<1x16xf32> to vector<16xf32>
        %add3A_1308 = arith.addf %get3A_1307, %get3A_1299 : vector<16xf32>
        %mul3A_1309 = arith.mulf %get3A_1303, %add3A_1308 : vector<16xf32>
        %add3A_1310 = arith.addf %add3A_1295, %mul3A_1309 : vector<16xf32>
        %get3A_1311 = arith.index_cast %add3A_1278 : i32 to index
        %get3A_1312 = arith.constant 32 : index
        %get3A_1313 = tpu.vector_load %arg14[%get3A_1311, %get3A_1312] {strides = array<i32>} : memref<40x128xf32, #tpu.memory_space<vmem>>, vector<1x16xf32>,
        %get3A_1314 = vector.shape_cast %get3A_1313 : vector<1x16xf32> to vector<16xf32>
        %get3A_1315 = arith.index_cast %add3A_1276 : i32 to index
        %get3A_1316 = arith.constant 32 : index
        %get3A_1317 = tpu.vector_load %arg12[%get3A_1315, %get3A_1316] {strides = array<i32>} : memref<80x128xf32, #tpu.memory_space<vmem>>, vector<1x16xf32>,
        %get3A_1318 = vector.shape_cast %get3A_1317 : vector<1x16xf32> to vector<16xf32>
        %get3A_1319 = arith.index_cast %add3A_1276 : i32 to index
        %get3A_1320 = arith.constant 32 : index
        %get3A_1321 = tpu.vector_load %arg13[%get3A_1319, %get3A_1320] {strides = array<i32>} : memref<80x128xf32, #tpu.memory_space<vmem>>, vector<1x16xf32>,
        %get3A_1322 = vector.shape_cast %get3A_1321 : vector<1x16xf32> to vector<16xf32>
        %add3A_1323 = arith.addf %get3A_1322, %get3A_1314 : vector<16xf32>
        %mul3A_1324 = arith.mulf %get3A_1318, %add3A_1323 : vector<16xf32>
        %add3A_1325 = arith.addf %add3A_1310, %mul3A_1324 : vector<16xf32>
        %get3A_1326 = arith.index_cast %add3A_1278 : i32 to index
        %get3A_1327 = arith.constant 48 : index
        %get3A_1328 = tpu.vector_load %arg14[%get3A_1326, %get3A_1327] {strides = array<i32>} : memref<40x128xf32, #tpu.memory_space<vmem>>, vector<1x16xf32>,
        %get3A_1329 = vector.shape_cast %get3A_1328 : vector<1x16xf32> to vector<16xf32>
        %get3A_1330 = arith.index_cast %add3A_1276 : i32 to index
        %get3A_1331 = arith.constant 48 : index
        %get3A_1332 = tpu.vector_load %arg12[%get3A_1330, %get3A_1331] {strides = array<i32>} : memref<80x128xf32, #tpu.memory_space<vmem>>, vector<1x16xf32>,
        %get3A_1333 = vector.shape_cast %get3A_1332 : vector<1x16xf32> to vector<16xf32>
        %get3A_1334 = arith.index_cast %add3A_1276 : i32 to index
        %get3A_1335 = arith.constant 48 : index
        %get3A_1336 = tpu.vector_load %arg13[%get3A_1334, %get3A_1335] {strides = array<i32>} : memref<80x128xf32, #tpu.memory_space<vmem>>, vector<1x16xf32>,
        %get3A_1337 = vector.shape_cast %get3A_1336 : vector<1x16xf32> to vector<16xf32>
        %add3A_1338 = arith.addf %get3A_1337, %get3A_1329 : vector<16xf32>
        %mul3A_1339 = arith.mulf %get3A_1333, %add3A_1338 : vector<16xf32>
        %add3A_1340 = arith.addf %add3A_1325, %mul3A_1339 : vector<16xf32>
        %gather3A_1341 = vector.shape_cast %broadcast_in_dim3A_35 : vector<16x1xi32> to vector<16xi32>
        %gather3A_1342 = tpu.dynamic_gather %add3A_1340[%gather3A_1341] in [0] : vector<16xf32>, vector<16xi32> -> vector<16xf32>
        %add3A_1343 = arith.addf %add3A_1340, %gather3A_1342 : vector<16xf32>
        %gather3A_1344 = vector.shape_cast %broadcast_in_dim3A_39 : vector<16x1xi32> to vector<16xi32>
        %gather3A_1345 = tpu.dynamic_gather %add3A_1343[%gather3A_1344] in [0] : vector<16xf32>, vector<16xi32> -> vector<16xf32>
        %add3A_1346 = arith.addf %add3A_1343, %gather3A_1345 : vector<16xf32>
        %gather3A_1347 = vector.shape_cast %broadcast_in_dim3A_43 : vector<16x1xi32> to vector<16xi32>
        %gather3A_1348 = tpu.dynamic_gather %add3A_1346[%gather3A_1347] in [0] : vector<16xf32>, vector<16xi32> -> vector<16xf32>
        %add3A_1349 = arith.addf %add3A_1346, %gather3A_1348 : vector<16xf32>
        %gather3A_1350 = vector.shape_cast %broadcast_in_dim3A_47 : vector<16x1xi32> to vector<16xi32>
        %gather3A_1351 = tpu.dynamic_gather %add3A_1349[%gather3A_1350] in [0] : vector<16xf32>, vector<16xi32> -> vector<16xf32>
        %add3A_1352 = arith.addf %add3A_1349, %gather3A_1351 : vector<16xf32>
        %mul3A_1353 = arith.constant 1.250000e-01 : f32
        %mul3A_1354 = vector.broadcast %mul3A_1353 : f32 to vector<16xf32>
        %mul3A_1355 = arith.mulf %add3A_1352, %mul3A_1354 : vector<16xf32>
        %exp3A_1356 = math.exp %mul3A_1355 : vector<16xf32>
        %get3A_1357 = arith.index_cast %add3A_1276 : i32 to index
        %get3A_1358 = arith.constant 64 : index
        %get3A_1359 = tpu.vector_load %arg13[%get3A_1357, %get3A_1358] {strides = array<i32>} : memref<80x128xf32, #tpu.memory_space<vmem>>, vector<1x16xf32>,
        %get3A_1360 = vector.shape_cast %get3A_1359 : vector<1x16xf32> to vector<16xf32>
        %add3A_1361 = arith.addf %get3A_1360, %get3A_1284 : vector<16xf32>
        %mul3A_1362 = arith.mulf %exp3A_1356, %add3A_1361 : vector<16xf32>
        %swap3A_1363 = arith.index_cast %add3A_1276 : i32 to index
        %swap3A_1364 = arith.constant 0 : index
        %swap3A_1365 = tpu.vector_load %arg16[%swap3A_1363, %swap3A_1364] {strides = array<i32>} : memref<80x128xf32, #tpu.memory_space<vmem>>, vector<1x16xf32>,
        %swap3A_1366 = vector.shape_cast %swap3A_1365 : vector<1x16xf32> to vector<16xf32>
        %swap3A_1367 = vector.shape_cast %mul3A_1362 : vector<16xf32> to vector<1x16xf32>
        tpu.vector_store %arg16[%swap3A_1363, %swap3A_1364], %swap3A_1367 {strides = array<i32>} : memref<80x128xf32, #tpu.memory_space<vmem>>, vector<1x16xf32>,
        %get3A_1368 = arith.index_cast %add3A_1276 : i32 to index
        %get3A_1369 = arith.constant 80 : index
        %get3A_1370 = tpu.vector_load %arg13[%get3A_1368, %get3A_1369] {strides = array<i32>} : memref<80x128xf32, #tpu.memory_space<vmem>>, vector<1x16xf32>,
        %get3A_1371 = vector.shape_cast %get3A_1370 : vector<1x16xf32> to vector<16xf32>
        %add3A_1372 = arith.addf %get3A_1371, %get3A_1299 : vector<16xf32>
        %mul3A_1373 = arith.mulf %exp3A_1356, %add3A_1372 : vector<16xf32>
        %swap3A_1374 = arith.index_cast %add3A_1276 : i32 to index
        %swap3A_1375 = arith.constant 16 : index
        %swap3A_1376 = tpu.vector_load %arg16[%swap3A_1374, %swap3A_1375] {strides = array<i32>} : memref<80x128xf32, #tpu.memory_space<vmem>>, vector<1x16xf32>,
        %swap3A_1377 = vector.shape_cast %swap3A_1376 : vector<1x16xf32> to vector<16xf32>
        %swap3A_1378 = vector.shape_cast %mul3A_1373 : vector<16xf32> to vector<1x16xf32>
        tpu.vector_store %arg16[%swap3A_1374, %swap3A_1375], %swap3A_1378 {strides = array<i32>} : memref<80x128xf32, #tpu.memory_space<vmem>>, vector<1x16xf32>,
        %get3A_1379 = arith.index_cast %add3A_1276 : i32 to index
        %get3A_1380 = arith.constant 96 : index
        %get3A_1381 = tpu.vector_load %arg13[%get3A_1379, %get3A_1380] {strides = array<i32>} : memref<80x128xf32, #tpu.memory_space<vmem>>, vector<1x16xf32>,
        %get3A_1382 = vector.shape_cast %get3A_1381 : vector<1x16xf32> to vector<16xf32>
        %add3A_1383 = arith.addf %get3A_1382, %get3A_1314 : vector<16xf32>
        %mul3A_1384 = arith.mulf %exp3A_1356, %add3A_1383 : vector<16xf32>
        %swap3A_1385 = arith.index_cast %add3A_1276 : i32 to index
        %swap3A_1386 = arith.constant 32 : index
        %swap3A_1387 = tpu.vector_load %arg16[%swap3A_1385, %swap3A_1386] {strides = array<i32>} : memref<80x128xf32, #tpu.memory_space<vmem>>, vector<1x16xf32>,
        %swap3A_1388 = vector.shape_cast %swap3A_1387 : vector<1x16xf32> to vector<16xf32>
        %swap3A_1389 = vector.shape_cast %mul3A_1384 : vector<16xf32> to vector<1x16xf32>
        tpu.vector_store %arg16[%swap3A_1385, %swap3A_1386], %swap3A_1389 {strides = array<i32>} : memref<80x128xf32, #tpu.memory_space<vmem>>, vector<1x16xf32>,
        %get3A_1390 = arith.index_cast %add3A_1276 : i32 to index
        %get3A_1391 = arith.constant 112 : index
        %get3A_1392 = tpu.vector_load %arg13[%get3A_1390, %get3A_1391] {strides = array<i32>} : memref<80x128xf32, #tpu.memory_space<vmem>>, vector<1x16xf32>,
        %get3A_1393 = vector.shape_cast %get3A_1392 : vector<1x16xf32> to vector<16xf32>
        %add3A_1394 = arith.addf %get3A_1393, %get3A_1329 : vector<16xf32>
        %mul3A_1395 = arith.mulf %exp3A_1356, %add3A_1394 : vector<16xf32>
        %swap3A_1396 = arith.index_cast %add3A_1276 : i32 to index
        %swap3A_1397 = arith.constant 48 : index
        %swap3A_1398 = tpu.vector_load %arg16[%swap3A_1396, %swap3A_1397] {strides = array<i32>} : memref<80x128xf32, #tpu.memory_space<vmem>>, vector<1x16xf32>,
        %swap3A_1399 = vector.shape_cast %swap3A_1398 : vector<1x16xf32> to vector<16xf32>
        %swap3A_1400 = vector.shape_cast %mul3A_1395 : vector<16xf32> to vector<1x16xf32>
        tpu.vector_store %arg16[%swap3A_1396, %swap3A_1397], %swap3A_1400 {strides = array<i32>} : memref<80x128xf32, #tpu.memory_space<vmem>>, vector<1x16xf32>,
        %mul3A_1401 = arith.mulf %exp3A_1356, %select_n3A : vector<16xf32>
        %swap3A_1402 = arith.index_cast %add3A_1276 : i32 to index
        %swap3A_1403 = arith.constant 64 : index
        %swap3A_1404 = tpu.vector_load %arg16[%swap3A_1402, %swap3A_1403] {strides = array<i32>} : memref<80x128xf32, #tpu.memory_space<vmem>>, vector<1x16xf32>,
        %swap3A_1405 = vector.shape_cast %swap3A_1404 : vector<1x16xf32> to vector<16xf32>
        %swap3A_1406 = vector.shape_cast %mul3A_1401 : vector<16xf32> to vector<1x16xf32>
        tpu.vector_store %arg16[%swap3A_1402, %swap3A_1403], %swap3A_1406 {strides = array<i32>} : memref<80x128xf32, #tpu.memory_space<vmem>>, vector<1x16xf32>,
        %add3A_1407 = arith.constant 7 : i32
        %add3A_1408 = arith.addi %mul3A_484, %add3A_1407 : i32
        %add3A_1409 = arith.constant 3 : i32
        %add3A_1410 = arith.addi %mul3A_486, %add3A_1409 : i32
        %broadcast_in_dim3A_1411 = arith.constant 0.000000e+00 : f32
        %broadcast_in_dim3A_1412 = vector.broadcast %broadcast_in_dim3A_1411 : f32 to vector<16xf32>
        %get3A_1413 = arith.index_cast %add3A_1410 : i32 to index
        %get3A_1414 = arith.constant 64 : index
        %get3A_1415 = tpu.vector_load %arg14[%get3A_1413, %get3A_1414] {strides = array<i32>} : memref<40x128xf32, #tpu.memory_space<vmem>>, vector<1x16xf32>,
        %get3A_1416 = vector.shape_cast %get3A_1415 : vector<1x16xf32> to vector<16xf32>
        %get3A_1417 = arith.index_cast %add3A_1408 : i32 to index
        %get3A_1418 = arith.constant 0 : index
        %get3A_1419 = tpu.vector_load %arg12[%get3A_1417, %get3A_1418] {strides = array<i32>} : memref<80x128xf32, #tpu.memory_space<vmem>>, vector<1x16xf32>,
        %get3A_1420 = vector.shape_cast %get3A_1419 : vector<1x16xf32> to vector<16xf32>
        %get3A_1421 = arith.index_cast %add3A_1408 : i32 to index
        %get3A_1422 = arith.constant 0 : index
        %get3A_1423 = tpu.vector_load %arg13[%get3A_1421, %get3A_1422] {strides = array<i32>} : memref<80x128xf32, #tpu.memory_space<vmem>>, vector<1x16xf32>,
        %get3A_1424 = vector.shape_cast %get3A_1423 : vector<1x16xf32> to vector<16xf32>
        %add3A_1425 = arith.addf %get3A_1424, %get3A_1416 : vector<16xf32>
        %mul3A_1426 = arith.mulf %get3A_1420, %add3A_1425 : vector<16xf32>
        %add3A_1427 = arith.addf %broadcast_in_dim3A_1412, %mul3A_1426 : vector<16xf32>
        %get3A_1428 = arith.index_cast %add3A_1410 : i32 to index
        %get3A_1429 = arith.constant 80 : index
        %get3A_1430 = tpu.vector_load %arg14[%get3A_1428, %get3A_1429] {strides = array<i32>} : memref<40x128xf32, #tpu.memory_space<vmem>>, vector<1x16xf32>,
        %get3A_1431 = vector.shape_cast %get3A_1430 : vector<1x16xf32> to vector<16xf32>
        %get3A_1432 = arith.index_cast %add3A_1408 : i32 to index
        %get3A_1433 = arith.constant 16 : index
        %get3A_1434 = tpu.vector_load %arg12[%get3A_1432, %get3A_1433] {strides = array<i32>} : memref<80x128xf32, #tpu.memory_space<vmem>>, vector<1x16xf32>,
        %get3A_1435 = vector.shape_cast %get3A_1434 : vector<1x16xf32> to vector<16xf32>
        %get3A_1436 = arith.index_cast %add3A_1408 : i32 to index
        %get3A_1437 = arith.constant 16 : index
        %get3A_1438 = tpu.vector_load %arg13[%get3A_1436, %get3A_1437] {strides = array<i32>} : memref<80x128xf32, #tpu.memory_space<vmem>>, vector<1x16xf32>,
        %get3A_1439 = vector.shape_cast %get3A_1438 : vector<1x16xf32> to vector<16xf32>
        %add3A_1440 = arith.addf %get3A_1439, %get3A_1431 : vector<16xf32>
        %mul3A_1441 = arith.mulf %get3A_1435, %add3A_1440 : vector<16xf32>
        %add3A_1442 = arith.addf %add3A_1427, %mul3A_1441 : vector<16xf32>
        %get3A_1443 = arith.index_cast %add3A_1410 : i32 to index
        %get3A_1444 = arith.constant 96 : index
        %get3A_1445 = tpu.vector_load %arg14[%get3A_1443, %get3A_1444] {strides = array<i32>} : memref<40x128xf32, #tpu.memory_space<vmem>>, vector<1x16xf32>,
        %get3A_1446 = vector.shape_cast %get3A_1445 : vector<1x16xf32> to vector<16xf32>
        %get3A_1447 = arith.index_cast %add3A_1408 : i32 to index
        %get3A_1448 = arith.constant 32 : index
        %get3A_1449 = tpu.vector_load %arg12[%get3A_1447, %get3A_1448] {strides = array<i32>} : memref<80x128xf32, #tpu.memory_space<vmem>>, vector<1x16xf32>,
        %get3A_1450 = vector.shape_cast %get3A_1449 : vector<1x16xf32> to vector<16xf32>
        %get3A_1451 = arith.index_cast %add3A_1408 : i32 to index
        %get3A_1452 = arith.constant 32 : index
        %get3A_1453 = tpu.vector_load %arg13[%get3A_1451, %get3A_1452] {strides = array<i32>} : memref<80x128xf32, #tpu.memory_space<vmem>>, vector<1x16xf32>,
        %get3A_1454 = vector.shape_cast %get3A_1453 : vector<1x16xf32> to vector<16xf32>
        %add3A_1455 = arith.addf %get3A_1454, %get3A_1446 : vector<16xf32>
        %mul3A_1456 = arith.mulf %get3A_1450, %add3A_1455 : vector<16xf32>
        %add3A_1457 = arith.addf %add3A_1442, %mul3A_1456 : vector<16xf32>
        %get3A_1458 = arith.index_cast %add3A_1410 : i32 to index
        %get3A_1459 = arith.constant 112 : index
        %get3A_1460 = tpu.vector_load %arg14[%get3A_1458, %get3A_1459] {strides = array<i32>} : memref<40x128xf32, #tpu.memory_space<vmem>>, vector<1x16xf32>,
        %get3A_1461 = vector.shape_cast %get3A_1460 : vector<1x16xf32> to vector<16xf32>
        %get3A_1462 = arith.index_cast %add3A_1408 : i32 to index
        %get3A_1463 = arith.constant 48 : index
        %get3A_1464 = tpu.vector_load %arg12[%get3A_1462, %get3A_1463] {strides = array<i32>} : memref<80x128xf32, #tpu.memory_space<vmem>>, vector<1x16xf32>,
        %get3A_1465 = vector.shape_cast %get3A_1464 : vector<1x16xf32> to vector<16xf32>
        %get3A_1466 = arith.index_cast %add3A_1408 : i32 to index
        %get3A_1467 = arith.constant 48 : index
        %get3A_1468 = tpu.vector_load %arg13[%get3A_1466, %get3A_1467] {strides = array<i32>} : memref<80x128xf32, #tpu.memory_space<vmem>>, vector<1x16xf32>,
        %get3A_1469 = vector.shape_cast %get3A_1468 : vector<1x16xf32> to vector<16xf32>
        %add3A_1470 = arith.addf %get3A_1469, %get3A_1461 : vector<16xf32>
        %mul3A_1471 = arith.mulf %get3A_1465, %add3A_1470 : vector<16xf32>
        %add3A_1472 = arith.addf %add3A_1457, %mul3A_1471 : vector<16xf32>
        %gather3A_1473 = vector.shape_cast %broadcast_in_dim3A_35 : vector<16x1xi32> to vector<16xi32>
        %gather3A_1474 = tpu.dynamic_gather %add3A_1472[%gather3A_1473] in [0] : vector<16xf32>, vector<16xi32> -> vector<16xf32>
        %add3A_1475 = arith.addf %add3A_1472, %gather3A_1474 : vector<16xf32>
        %gather3A_1476 = vector.shape_cast %broadcast_in_dim3A_39 : vector<16x1xi32> to vector<16xi32>
        %gather3A_1477 = tpu.dynamic_gather %add3A_1475[%gather3A_1476] in [0] : vector<16xf32>, vector<16xi32> -> vector<16xf32>
        %add3A_1478 = arith.addf %add3A_1475, %gather3A_1477 : vector<16xf32>
        %gather3A_1479 = vector.shape_cast %broadcast_in_dim3A_43 : vector<16x1xi32> to vector<16xi32>
        %gather3A_1480 = tpu.dynamic_gather %add3A_1478[%gather3A_1479] in [0] : vector<16xf32>, vector<16xi32> -> vector<16xf32>
        %add3A_1481 = arith.addf %add3A_1478, %gather3A_1480 : vector<16xf32>
        %gather3A_1482 = vector.shape_cast %broadcast_in_dim3A_47 : vector<16x1xi32> to vector<16xi32>
        %gather3A_1483 = tpu.dynamic_gather %add3A_1481[%gather3A_1482] in [0] : vector<16xf32>, vector<16xi32> -> vector<16xf32>
        %add3A_1484 = arith.addf %add3A_1481, %gather3A_1483 : vector<16xf32>
        %mul3A_1485 = arith.constant 1.250000e-01 : f32
        %mul3A_1486 = vector.broadcast %mul3A_1485 : f32 to vector<16xf32>
        %mul3A_1487 = arith.mulf %add3A_1484, %mul3A_1486 : vector<16xf32>
        %exp3A_1488 = math.exp %mul3A_1487 : vector<16xf32>
        %get3A_1489 = arith.index_cast %add3A_1408 : i32 to index
        %get3A_1490 = arith.constant 64 : index
        %get3A_1491 = tpu.vector_load %arg13[%get3A_1489, %get3A_1490] {strides = array<i32>} : memref<80x128xf32, #tpu.memory_space<vmem>>, vector<1x16xf32>,
        %get3A_1492 = vector.shape_cast %get3A_1491 : vector<1x16xf32> to vector<16xf32>
        %add3A_1493 = arith.addf %get3A_1492, %get3A_1416 : vector<16xf32>
        %mul3A_1494 = arith.mulf %exp3A_1488, %add3A_1493 : vector<16xf32>
        %swap3A_1495 = arith.index_cast %add3A_1408 : i32 to index
        %swap3A_1496 = arith.constant 0 : index
        %swap3A_1497 = tpu.vector_load %arg16[%swap3A_1495, %swap3A_1496] {strides = array<i32>} : memref<80x128xf32, #tpu.memory_space<vmem>>, vector<1x16xf32>,
        %swap3A_1498 = vector.shape_cast %swap3A_1497 : vector<1x16xf32> to vector<16xf32>
        %swap3A_1499 = vector.shape_cast %mul3A_1494 : vector<16xf32> to vector<1x16xf32>
        tpu.vector_store %arg16[%swap3A_1495, %swap3A_1496], %swap3A_1499 {strides = array<i32>} : memref<80x128xf32, #tpu.memory_space<vmem>>, vector<1x16xf32>,
        %get3A_1500 = arith.index_cast %add3A_1408 : i32 to index
        %get3A_1501 = arith.constant 80 : index
        %get3A_1502 = tpu.vector_load %arg13[%get3A_1500, %get3A_1501] {strides = array<i32>} : memref<80x128xf32, #tpu.memory_space<vmem>>, vector<1x16xf32>,
        %get3A_1503 = vector.shape_cast %get3A_1502 : vector<1x16xf32> to vector<16xf32>
        %add3A_1504 = arith.addf %get3A_1503, %get3A_1431 : vector<16xf32>
        %mul3A_1505 = arith.mulf %exp3A_1488, %add3A_1504 : vector<16xf32>
        %swap3A_1506 = arith.index_cast %add3A_1408 : i32 to index
        %swap3A_1507 = arith.constant 16 : index
        %swap3A_1508 = tpu.vector_load %arg16[%swap3A_1506, %swap3A_1507] {strides = array<i32>} : memref<80x128xf32, #tpu.memory_space<vmem>>, vector<1x16xf32>,
        %swap3A_1509 = vector.shape_cast %swap3A_1508 : vector<1x16xf32> to vector<16xf32>
        %swap3A_1510 = vector.shape_cast %mul3A_1505 : vector<16xf32> to vector<1x16xf32>
        tpu.vector_store %arg16[%swap3A_1506, %swap3A_1507], %swap3A_1510 {strides = array<i32>} : memref<80x128xf32, #tpu.memory_space<vmem>>, vector<1x16xf32>,
        %get3A_1511 = arith.index_cast %add3A_1408 : i32 to index
        %get3A_1512 = arith.constant 96 : index
        %get3A_1513 = tpu.vector_load %arg13[%get3A_1511, %get3A_1512] {strides = array<i32>} : memref<80x128xf32, #tpu.memory_space<vmem>>, vector<1x16xf32>,
        %get3A_1514 = vector.shape_cast %get3A_1513 : vector<1x16xf32> to vector<16xf32>
        %add3A_1515 = arith.addf %get3A_1514, %get3A_1446 : vector<16xf32>
        %mul3A_1516 = arith.mulf %exp3A_1488, %add3A_1515 : vector<16xf32>
        %swap3A_1517 = arith.index_cast %add3A_1408 : i32 to index
        %swap3A_1518 = arith.constant 32 : index
        %swap3A_1519 = tpu.vector_load %arg16[%swap3A_1517, %swap3A_1518] {strides = array<i32>} : memref<80x128xf32, #tpu.memory_space<vmem>>, vector<1x16xf32>,
        %swap3A_1520 = vector.shape_cast %swap3A_1519 : vector<1x16xf32> to vector<16xf32>
        %swap3A_1521 = vector.shape_cast %mul3A_1516 : vector<16xf32> to vector<1x16xf32>
        tpu.vector_store %arg16[%swap3A_1517, %swap3A_1518], %swap3A_1521 {strides = array<i32>} : memref<80x128xf32, #tpu.memory_space<vmem>>, vector<1x16xf32>,
        %get3A_1522 = arith.index_cast %add3A_1408 : i32 to index
        %get3A_1523 = arith.constant 112 : index
        %get3A_1524 = tpu.vector_load %arg13[%get3A_1522, %get3A_1523] {strides = array<i32>} : memref<80x128xf32, #tpu.memory_space<vmem>>, vector<1x16xf32>,
        %get3A_1525 = vector.shape_cast %get3A_1524 : vector<1x16xf32> to vector<16xf32>
        %add3A_1526 = arith.addf %get3A_1525, %get3A_1461 : vector<16xf32>
        %mul3A_1527 = arith.mulf %exp3A_1488, %add3A_1526 : vector<16xf32>
        %swap3A_1528 = arith.index_cast %add3A_1408 : i32 to index
        %swap3A_1529 = arith.constant 48 : index
        %swap3A_1530 = tpu.vector_load %arg16[%swap3A_1528, %swap3A_1529] {strides = array<i32>} : memref<80x128xf32, #tpu.memory_space<vmem>>, vector<1x16xf32>,
        %swap3A_1531 = vector.shape_cast %swap3A_1530 : vector<1x16xf32> to vector<16xf32>
        %swap3A_1532 = vector.shape_cast %mul3A_1527 : vector<16xf32> to vector<1x16xf32>
        tpu.vector_store %arg16[%swap3A_1528, %swap3A_1529], %swap3A_1532 {strides = array<i32>} : memref<80x128xf32, #tpu.memory_space<vmem>>, vector<1x16xf32>,
        %mul3A_1533 = arith.mulf %exp3A_1488, %select_n3A : vector<16xf32>
        %swap3A_1534 = arith.index_cast %add3A_1408 : i32 to index
        %swap3A_1535 = arith.constant 64 : index
        %swap3A_1536 = tpu.vector_load %arg16[%swap3A_1534, %swap3A_1535] {strides = array<i32>} : memref<80x128xf32, #tpu.memory_space<vmem>>, vector<1x16xf32>,
        %swap3A_1537 = vector.shape_cast %swap3A_1536 : vector<1x16xf32> to vector<16xf32>
        %swap3A_1538 = vector.shape_cast %mul3A_1533 : vector<16xf32> to vector<1x16xf32>
        tpu.vector_store %arg16[%swap3A_1534, %swap3A_1535], %swap3A_1538 {strides = array<i32>} : memref<80x128xf32, #tpu.memory_space<vmem>>, vector<1x16xf32>,
      }
      %scan3A_340 = arith.constant 10 : i32
      "tpu.region"() ({
        %run_scoped3A = tpu.sem_alloc : memref<!tpu.dma_semaphore, #tpu.memory_space<semaphore_mem>>
        %dma_start3A_482 = arith.constant 0 : i32
        %dma_start3A_483 = arith.constant 0 : i32
        %dma_start3A_484 = tpu.memref_slice %arg17[%dma_start3A_482, %dma_start3A_483] : memref<10112x128xf32, #tpu.memory_space<vmem_shared>> -> memref<10112x128xf32, #tpu.memory_space<vmem_shared>>
        tpu.enqueue_indirect_dma source(%arg16 : memref<80x128xf32, #tpu.memory_space<vmem>>) target(%dma_start3A_484 : memref<10112x128xf32, #tpu.memory_space<vmem_shared>>) offsets(%arg10 : memref<80xi32, #tpu.memory_space<vmem>>) semaphore(%run_scoped3A : memref<!tpu.dma_semaphore, #tpu.memory_space<semaphore_mem>>) {add = true}
        %dma_wait3A_485 = arith.constant 0 : i32
        %dma_wait3A_486 = arith.constant 0 : i32
        %dma_wait3A_487 = tpu.memref_slice %arg17[%dma_wait3A_485, %dma_wait3A_486] : memref<10112x128xf32, #tpu.memory_space<vmem_shared>> -> memref<10112x128xf32, #tpu.memory_space<vmem_shared>>
        tpu.wait_indirect_dma semaphore(%run_scoped3A : memref<!tpu.dma_semaphore, #tpu.memory_space<semaphore_mem>>) src(%arg16 : memref<80x128xf32, #tpu.memory_space<vmem>>) dst(%dma_wait3A_487 : memref<10112x128xf32, #tpu.memory_space<vmem_shared>>)
        tpu.yield
      }) : () -> ()
      %add3A_341 = arith.constant 2 : i32
      %add3A_342 = arith.addi %mul3A_285, %add3A_341 : i32
      %min3A_343 = arith.constant 124 : i32
      %min3A_344 = arith.minsi %add3A_342, %min3A_343 : i32
      %mul3A_345 = arith.constant 80 : i32
      %mul3A_346 = arith.muli %min3A_344, %mul3A_345 : i32
      %add3A_347 = arith.addi %mul3A_4, %mul3A_346 : i32
      %multiple_of3A_348 = tpu.assume_multiple %add3A_347, 16 : i32
      %jit3A_349 = arith.constant 2 : i32
      %div3A_350 = arith.divsi %multiple_of3A_348, %jit3A_349 : i32
      %sign3A_351 = arith.constant 0 : i32
      %sign3A_352 = arith.cmpi sgt, %multiple_of3A_348, %sign3A_351 : i32
      %sign3A_353 = arith.extui %sign3A_352 : i1 to i32
      %sign3A_354 = arith.constant 0 : i32
      %sign3A_355 = arith.cmpi slt, %multiple_of3A_348, %sign3A_354 : i32
      %sign3A_356 = arith.extui %sign3A_355 : i1 to i32
      %sign3A_357 = arith.subi %sign3A_353, %sign3A_356 : i32
      %sign3A_358 = arith.constant 0 : i32
      %sign3A_359 = arith.cmpi sgt, %jit3A_349, %sign3A_358 : i32
      %sign3A_360 = arith.extui %sign3A_359 : i1 to i32
      %sign3A_361 = arith.constant 0 : i32
      %sign3A_362 = arith.cmpi slt, %jit3A_349, %sign3A_361 : i32
      %sign3A_363 = arith.extui %sign3A_362 : i1 to i32
      %sign3A_364 = arith.subi %sign3A_360, %sign3A_363 : i32
      %ne3A_365 = arith.cmpi ne, %sign3A_357, %sign3A_364 : i32
      %rem3A_366 = arith.remsi %multiple_of3A_348, %jit3A_349 : i32
      %ne3A_367 = arith.constant 0 : i32
      %ne3A_368 = arith.cmpi ne, %rem3A_366, %ne3A_367 : i32
      %and3A_369 = arith.andi %ne3A_365, %ne3A_368 : i1
      %sub3A_370 = arith.constant 1 : i32
      %sub3A_371 = arith.subi %div3A_350, %sub3A_370 : i32
      %select_n3A_372 = arith.select %and3A_369, %sub3A_371, %div3A_350 : i32
      %multiple_of3A_373 = tpu.assume_multiple %select_n3A_372, 8 : i32
      %dma_start3A_374 = tpu.memref_slice %arg2[%multiple_of3A_348] : memref<320000xi32, #tpu.memory_space<hbm>> -> memref<80xi32, #tpu.memory_space<hbm>>
      %dma_start3A_375 = tpu.memref_slice %arg2[%multiple_of3A_348] : memref<320000xi32, #tpu.memory_space<hbm>> -> memref<80xi32, #tpu.memory_space<hbm>>
      tpu.enqueue_dma source(%dma_start3A_375 : memref<80xi32, #tpu.memory_space<hbm>>) target(%arg8 : memref<80xi32, #tpu.memory_space<vmem>>) target_semaphore(%arg19 : memref<!tpu.dma_semaphore, #tpu.memory_space<semaphore_mem>>)
      %dma_start3A_376 = tpu.memref_slice %arg3[%multiple_of3A_348] : memref<320000xi32, #tpu.memory_space<hbm>> -> memref<80xi32, #tpu.memory_space<hbm>>
      %dma_start3A_377 = tpu.memref_slice %arg3[%multiple_of3A_348] : memref<320000xi32, #tpu.memory_space<hbm>> -> memref<80xi32, #tpu.memory_space<hbm>>
      tpu.enqueue_dma source(%dma_start3A_377 : memref<80xi32, #tpu.memory_space<hbm>>) target(%arg10 : memref<80xi32, #tpu.memory_space<vmem>>) target_semaphore(%arg19 : memref<!tpu.dma_semaphore, #tpu.memory_space<semaphore_mem>>)
      %dma_start3A_378 = arith.constant 0 : i32
      %dma_start3A_379 = tpu.memref_slice %arg6[%multiple_of3A_373, %dma_start3A_378] : memref<160000x128xf32, #tpu.memory_space<hbm>> -> memref<40x128xf32, #tpu.memory_space<hbm>>
      %dma_start3A_380 = arith.constant 0 : i32
      %dma_start3A_381 = tpu.memref_slice %arg6[%multiple_of3A_373, %dma_start3A_380] : memref<160000x128xf32, #tpu.memory_space<hbm>> -> memref<40x128xf32, #tpu.memory_space<hbm>>
      tpu.enqueue_dma source(%dma_start3A_381 : memref<40x128xf32, #tpu.memory_space<hbm>>) target(%arg14 : memref<40x128xf32, #tpu.memory_space<vmem>>) target_semaphore(%arg19 : memref<!tpu.dma_semaphore, #tpu.memory_space<semaphore_mem>>)
      %mul3A_382 = arith.constant 2 : i32
      %mul3A_383 = arith.muli %scan3A_283, %mul3A_382 : i32
      %add3A_384 = arith.constant 1 : i32
      %add3A_385 = arith.addi %mul3A_383, %add3A_384 : i32
      %mul3A_386 = arith.constant 80 : i32
      %mul3A_387 = arith.muli %add3A_385, %mul3A_386 : i32
      %add3A_388 = arith.addi %mul3A_4, %mul3A_387 : i32
      %multiple_of3A_389 = tpu.assume_multiple %add3A_388, 16 : i32
      %jit3A_390 = arith.constant 2 : i32
      %div3A_391 = arith.divsi %multiple_of3A_389, %jit3A_390 : i32
      %sign3A_392 = arith.constant 0 : i32
      %sign3A_393 = arith.cmpi sgt, %multiple_of3A_389, %sign3A_392 : i32
      %sign3A_394 = arith.extui %sign3A_393 : i1 to i32
      %sign3A_395 = arith.constant 0 : i32
      %sign3A_396 = arith.cmpi slt, %multiple_of3A_389, %sign3A_395 : i32
      %sign3A_397 = arith.extui %sign3A_396 : i1 to i32
      %sign3A_398 = arith.subi %sign3A_394, %sign3A_397 : i32
      %sign3A_399 = arith.constant 0 : i32
      %sign3A_400 = arith.cmpi sgt, %jit3A_390, %sign3A_399 : i32
      %sign3A_401 = arith.extui %sign3A_400 : i1 to i32
      %sign3A_402 = arith.constant 0 : i32
      %sign3A_403 = arith.cmpi slt, %jit3A_390, %sign3A_402 : i32
      %sign3A_404 = arith.extui %sign3A_403 : i1 to i32
      %sign3A_405 = arith.subi %sign3A_401, %sign3A_404 : i32
      %ne3A_406 = arith.cmpi ne, %sign3A_398, %sign3A_405 : i32
      %rem3A_407 = arith.remsi %multiple_of3A_389, %jit3A_390 : i32
      %ne3A_408 = arith.constant 0 : i32
      %ne3A_409 = arith.cmpi ne, %rem3A_407, %ne3A_408 : i32
      %and3A_410 = arith.andi %ne3A_406, %ne3A_409 : i1
      %sub3A_411 = arith.constant 1 : i32
      %sub3A_412 = arith.subi %div3A_391, %sub3A_411 : i32
      %select_n3A_413 = arith.select %and3A_410, %sub3A_412, %div3A_391 : i32
      %multiple_of3A_414 = tpu.assume_multiple %select_n3A_413, 8 : i32
      %dma_wait3A_415 = tpu.memref_slice %arg2[%multiple_of3A_389] : memref<320000xi32, #tpu.memory_space<hbm>> -> memref<80xi32, #tpu.memory_space<hbm>>
      %dma_wait3A_416 = tpu.memref_slice %arg2[%multiple_of3A_389] : memref<320000xi32, #tpu.memory_space<hbm>> -> memref<80xi32, #tpu.memory_space<hbm>>
      tpu.wait_dma2 semaphore(%arg20 : memref<!tpu.dma_semaphore, #tpu.memory_space<semaphore_mem>>) src(%dma_wait3A_416 : memref<80xi32, #tpu.memory_space<hbm>>) dst(%arg9 : memref<80xi32, #tpu.memory_space<vmem>>)
      %dma_wait3A_417 = tpu.memref_slice %arg3[%multiple_of3A_389] : memref<320000xi32, #tpu.memory_space<hbm>> -> memref<80xi32, #tpu.memory_space<hbm>>
      %dma_wait3A_418 = tpu.memref_slice %arg3[%multiple_of3A_389] : memref<320000xi32, #tpu.memory_space<hbm>> -> memref<80xi32, #tpu.memory_space<hbm>>
      tpu.wait_dma2 semaphore(%arg20 : memref<!tpu.dma_semaphore, #tpu.memory_space<semaphore_mem>>) src(%dma_wait3A_418 : memref<80xi32, #tpu.memory_space<hbm>>) dst(%arg11 : memref<80xi32, #tpu.memory_space<vmem>>)
      %dma_wait3A_419 = arith.constant 0 : i32
      %dma_wait3A_420 = tpu.memref_slice %arg6[%multiple_of3A_414, %dma_wait3A_419] : memref<160000x128xf32, #tpu.memory_space<hbm>> -> memref<40x128xf32, #tpu.memory_space<hbm>>
      %dma_wait3A_421 = arith.constant 0 : i32
      %dma_wait3A_422 = tpu.memref_slice %arg6[%multiple_of3A_414, %dma_wait3A_421] : memref<160000x128xf32, #tpu.memory_space<hbm>> -> memref<40x128xf32, #tpu.memory_space<hbm>>
      tpu.wait_dma2 semaphore(%arg20 : memref<!tpu.dma_semaphore, #tpu.memory_space<semaphore_mem>>) src(%dma_wait3A_422 : memref<40x128xf32, #tpu.memory_space<hbm>>) dst(%arg15 : memref<40x128xf32, #tpu.memory_space<vmem>>)
      %dma_start3A_423 = arith.constant 0 : i32
      %dma_start3A_424 = arith.constant 0 : i32
      %dma_start3A_425 = tpu.memref_slice %arg4[%dma_start3A_423, %dma_start3A_424] : memref<10000x128xf32, #tpu.memory_space<hbm>> -> memref<10000x128xf32, #tpu.memory_space<hbm>>
      tpu.enqueue_indirect_dma source(%dma_start3A_425 : memref<10000x128xf32, #tpu.memory_space<hbm>>) target(%arg12 : memref<80x128xf32, #tpu.memory_space<vmem>>) offsets(%arg11 : memref<80xi32, #tpu.memory_space<vmem>>) semaphore(%arg18 : memref<!tpu.dma_semaphore, #tpu.memory_space<semaphore_mem>>)
      %dma_start3A_426 = arith.constant 0 : i32
      %dma_start3A_427 = arith.constant 0 : i32
      %dma_start3A_428 = tpu.memref_slice %arg5[%dma_start3A_426, %dma_start3A_427] : memref<10000x128xf32, #tpu.memory_space<hbm>> -> memref<10000x128xf32, #tpu.memory_space<hbm>>
      tpu.enqueue_indirect_dma source(%dma_start3A_428 : memref<10000x128xf32, #tpu.memory_space<hbm>>) target(%arg13 : memref<80x128xf32, #tpu.memory_space<vmem>>) offsets(%arg9 : memref<80xi32, #tpu.memory_space<vmem>>) semaphore(%arg18 : memref<!tpu.dma_semaphore, #tpu.memory_space<semaphore_mem>>)
      %dma_wait3A_429 = arith.constant 0 : i32
      %dma_wait3A_430 = arith.constant 0 : i32
      %dma_wait3A_431 = tpu.memref_slice %arg4[%dma_wait3A_429, %dma_wait3A_430] : memref<10000x128xf32, #tpu.memory_space<hbm>> -> memref<10000x128xf32, #tpu.memory_space<hbm>>
      tpu.wait_indirect_dma semaphore(%arg18 : memref<!tpu.dma_semaphore, #tpu.memory_space<semaphore_mem>>) src(%dma_wait3A_431 : memref<10000x128xf32, #tpu.memory_space<hbm>>) dst(%arg12 : memref<80x128xf32, #tpu.memory_space<vmem>>)
      %dma_wait3A_432 = arith.constant 0 : i32
      %dma_wait3A_433 = arith.constant 0 : i32
      %dma_wait3A_434 = tpu.memref_slice %arg5[%dma_wait3A_432, %dma_wait3A_433] : memref<10000x128xf32, #tpu.memory_space<hbm>> -> memref<10000x128xf32, #tpu.memory_space<hbm>>
      tpu.wait_indirect_dma semaphore(%arg18 : memref<!tpu.dma_semaphore, #tpu.memory_space<semaphore_mem>>) src(%dma_wait3A_434 : memref<10000x128xf32, #tpu.memory_space<hbm>>) dst(%arg13 : memref<80x128xf32, #tpu.memory_space<vmem>>)
      %scan3A_435 = arith.constant 0 : i32
      %scan3A_436 = arith.constant 0 : i32
      %scan3A_437 = arith.constant 10 : i32
      %scan3A_438 = arith.addi %scan3A_436, %scan3A_437 : i32
      %scan3A_439 = arith.constant 1 : i32
      scf.for %scan3A_482 = %scan3A_436 to %scan3A_438 step %scan3A_439  : i32 {
        %mul3A_483 = arith.constant 8 : i32
        %mul3A_484 = arith.muli %scan3A_482, %mul3A_483 : i32
        %mul3A_485 = arith.constant 4 : i32
        %mul3A_486 = arith.muli %scan3A_482, %mul3A_485 : i32
        %add3A_487 = arith.constant 0 : i32
        %add3A_488 = arith.addi %mul3A_484, %add3A_487 : i32
        %add3A_489 = arith.constant 0 : i32
        %add3A_490 = arith.addi %mul3A_486, %add3A_489 : i32
        %broadcast_in_dim3A_491 = arith.constant 0.000000e+00 : f32
        %broadcast_in_dim3A_492 = vector.broadcast %broadcast_in_dim3A_491 : f32 to vector<16xf32>
        %get3A = arith.index_cast %add3A_490 : i32 to index
        %get3A_493 = arith.constant 0 : index
        %get3A_494 = tpu.vector_load %arg15[%get3A, %get3A_493] {strides = array<i32>} : memref<40x128xf32, #tpu.memory_space<vmem>>, vector<1x16xf32>,
        %get3A_495 = vector.shape_cast %get3A_494 : vector<1x16xf32> to vector<16xf32>
        %get3A_496 = arith.index_cast %add3A_488 : i32 to index
        %get3A_497 = arith.constant 0 : index
        %get3A_498 = tpu.vector_load %arg12[%get3A_496, %get3A_497] {strides = array<i32>} : memref<80x128xf32, #tpu.memory_space<vmem>>, vector<1x16xf32>,
        %get3A_499 = vector.shape_cast %get3A_498 : vector<1x16xf32> to vector<16xf32>
        %get3A_500 = arith.index_cast %add3A_488 : i32 to index
        %get3A_501 = arith.constant 0 : index
        %get3A_502 = tpu.vector_load %arg13[%get3A_500, %get3A_501] {strides = array<i32>} : memref<80x128xf32, #tpu.memory_space<vmem>>, vector<1x16xf32>,
        %get3A_503 = vector.shape_cast %get3A_502 : vector<1x16xf32> to vector<16xf32>
        %add3A_504 = arith.addf %get3A_503, %get3A_495 : vector<16xf32>
        %mul3A_505 = arith.mulf %get3A_499, %add3A_504 : vector<16xf32>
        %add3A_506 = arith.addf %broadcast_in_dim3A_492, %mul3A_505 : vector<16xf32>
        %get3A_507 = arith.index_cast %add3A_490 : i32 to index
        %get3A_508 = arith.constant 16 : index
        %get3A_509 = tpu.vector_load %arg15[%get3A_507, %get3A_508] {strides = array<i32>} : memref<40x128xf32, #tpu.memory_space<vmem>>, vector<1x16xf32>,
        %get3A_510 = vector.shape_cast %get3A_509 : vector<1x16xf32> to vector<16xf32>
        %get3A_511 = arith.index_cast %add3A_488 : i32 to index
        %get3A_512 = arith.constant 16 : index
        %get3A_513 = tpu.vector_load %arg12[%get3A_511, %get3A_512] {strides = array<i32>} : memref<80x128xf32, #tpu.memory_space<vmem>>, vector<1x16xf32>,
        %get3A_514 = vector.shape_cast %get3A_513 : vector<1x16xf32> to vector<16xf32>
        %get3A_515 = arith.index_cast %add3A_488 : i32 to index
        %get3A_516 = arith.constant 16 : index
        %get3A_517 = tpu.vector_load %arg13[%get3A_515, %get3A_516] {strides = array<i32>} : memref<80x128xf32, #tpu.memory_space<vmem>>, vector<1x16xf32>,
        %get3A_518 = vector.shape_cast %get3A_517 : vector<1x16xf32> to vector<16xf32>
        %add3A_519 = arith.addf %get3A_518, %get3A_510 : vector<16xf32>
        %mul3A_520 = arith.mulf %get3A_514, %add3A_519 : vector<16xf32>
        %add3A_521 = arith.addf %add3A_506, %mul3A_520 : vector<16xf32>
        %get3A_522 = arith.index_cast %add3A_490 : i32 to index
        %get3A_523 = arith.constant 32 : index
        %get3A_524 = tpu.vector_load %arg15[%get3A_522, %get3A_523] {strides = array<i32>} : memref<40x128xf32, #tpu.memory_space<vmem>>, vector<1x16xf32>,
        %get3A_525 = vector.shape_cast %get3A_524 : vector<1x16xf32> to vector<16xf32>
        %get3A_526 = arith.index_cast %add3A_488 : i32 to index
        %get3A_527 = arith.constant 32 : index
        %get3A_528 = tpu.vector_load %arg12[%get3A_526, %get3A_527] {strides = array<i32>} : memref<80x128xf32, #tpu.memory_space<vmem>>, vector<1x16xf32>,
        %get3A_529 = vector.shape_cast %get3A_528 : vector<1x16xf32> to vector<16xf32>
        %get3A_530 = arith.index_cast %add3A_488 : i32 to index
        %get3A_531 = arith.constant 32 : index
        %get3A_532 = tpu.vector_load %arg13[%get3A_530, %get3A_531] {strides = array<i32>} : memref<80x128xf32, #tpu.memory_space<vmem>>, vector<1x16xf32>,
        %get3A_533 = vector.shape_cast %get3A_532 : vector<1x16xf32> to vector<16xf32>
        %add3A_534 = arith.addf %get3A_533, %get3A_525 : vector<16xf32>
        %mul3A_535 = arith.mulf %get3A_529, %add3A_534 : vector<16xf32>
        %add3A_536 = arith.addf %add3A_521, %mul3A_535 : vector<16xf32>
        %get3A_537 = arith.index_cast %add3A_490 : i32 to index
        %get3A_538 = arith.constant 48 : index
        %get3A_539 = tpu.vector_load %arg15[%get3A_537, %get3A_538] {strides = array<i32>} : memref<40x128xf32, #tpu.memory_space<vmem>>, vector<1x16xf32>,
        %get3A_540 = vector.shape_cast %get3A_539 : vector<1x16xf32> to vector<16xf32>
        %get3A_541 = arith.index_cast %add3A_488 : i32 to index
        %get3A_542 = arith.constant 48 : index
        %get3A_543 = tpu.vector_load %arg12[%get3A_541, %get3A_542] {strides = array<i32>} : memref<80x128xf32, #tpu.memory_space<vmem>>, vector<1x16xf32>,
        %get3A_544 = vector.shape_cast %get3A_543 : vector<1x16xf32> to vector<16xf32>
        %get3A_545 = arith.index_cast %add3A_488 : i32 to index
        %get3A_546 = arith.constant 48 : index
        %get3A_547 = tpu.vector_load %arg13[%get3A_545, %get3A_546] {strides = array<i32>} : memref<80x128xf32, #tpu.memory_space<vmem>>, vector<1x16xf32>,
        %get3A_548 = vector.shape_cast %get3A_547 : vector<1x16xf32> to vector<16xf32>
        %add3A_549 = arith.addf %get3A_548, %get3A_540 : vector<16xf32>
        %mul3A_550 = arith.mulf %get3A_544, %add3A_549 : vector<16xf32>
        %add3A_551 = arith.addf %add3A_536, %mul3A_550 : vector<16xf32>
        %gather3A = vector.shape_cast %broadcast_in_dim3A_35 : vector<16x1xi32> to vector<16xi32>
        %gather3A_552 = tpu.dynamic_gather %add3A_551[%gather3A] in [0] : vector<16xf32>, vector<16xi32> -> vector<16xf32>
        %add3A_553 = arith.addf %add3A_551, %gather3A_552 : vector<16xf32>
        %gather3A_554 = vector.shape_cast %broadcast_in_dim3A_39 : vector<16x1xi32> to vector<16xi32>
        %gather3A_555 = tpu.dynamic_gather %add3A_553[%gather3A_554] in [0] : vector<16xf32>, vector<16xi32> -> vector<16xf32>
        %add3A_556 = arith.addf %add3A_553, %gather3A_555 : vector<16xf32>
        %gather3A_557 = vector.shape_cast %broadcast_in_dim3A_43 : vector<16x1xi32> to vector<16xi32>
        %gather3A_558 = tpu.dynamic_gather %add3A_556[%gather3A_557] in [0] : vector<16xf32>, vector<16xi32> -> vector<16xf32>
        %add3A_559 = arith.addf %add3A_556, %gather3A_558 : vector<16xf32>
        %gather3A_560 = vector.shape_cast %broadcast_in_dim3A_47 : vector<16x1xi32> to vector<16xi32>
        %gather3A_561 = tpu.dynamic_gather %add3A_559[%gather3A_560] in [0] : vector<16xf32>, vector<16xi32> -> vector<16xf32>
        %add3A_562 = arith.addf %add3A_559, %gather3A_561 : vector<16xf32>
        %mul3A_563 = arith.constant 1.250000e-01 : f32
        %mul3A_564 = vector.broadcast %mul3A_563 : f32 to vector<16xf32>
        %mul3A_565 = arith.mulf %add3A_562, %mul3A_564 : vector<16xf32>
        %exp3A = math.exp %mul3A_565 : vector<16xf32>
        %get3A_566 = arith.index_cast %add3A_488 : i32 to index
        %get3A_567 = arith.constant 64 : index
        %get3A_568 = tpu.vector_load %arg13[%get3A_566, %get3A_567] {strides = array<i32>} : memref<80x128xf32, #tpu.memory_space<vmem>>, vector<1x16xf32>,
        %get3A_569 = vector.shape_cast %get3A_568 : vector<1x16xf32> to vector<16xf32>
        %add3A_570 = arith.addf %get3A_569, %get3A_495 : vector<16xf32>
        %mul3A_571 = arith.mulf %exp3A, %add3A_570 : vector<16xf32>
        %swap3A = arith.index_cast %add3A_488 : i32 to index
        %swap3A_572 = arith.constant 0 : index
        %swap3A_573 = tpu.vector_load %arg16[%swap3A, %swap3A_572] {strides = array<i32>} : memref<80x128xf32, #tpu.memory_space<vmem>>, vector<1x16xf32>,
        %swap3A_574 = vector.shape_cast %swap3A_573 : vector<1x16xf32> to vector<16xf32>
        %swap3A_575 = vector.shape_cast %mul3A_571 : vector<16xf32> to vector<1x16xf32>
        tpu.vector_store %arg16[%swap3A, %swap3A_572], %swap3A_575 {strides = array<i32>} : memref<80x128xf32, #tpu.memory_space<vmem>>, vector<1x16xf32>,
        %get3A_576 = arith.index_cast %add3A_488 : i32 to index
        %get3A_577 = arith.constant 80 : index
        %get3A_578 = tpu.vector_load %arg13[%get3A_576, %get3A_577] {strides = array<i32>} : memref<80x128xf32, #tpu.memory_space<vmem>>, vector<1x16xf32>,
        %get3A_579 = vector.shape_cast %get3A_578 : vector<1x16xf32> to vector<16xf32>
        %add3A_580 = arith.addf %get3A_579, %get3A_510 : vector<16xf32>
        %mul3A_581 = arith.mulf %exp3A, %add3A_580 : vector<16xf32>
        %swap3A_582 = arith.index_cast %add3A_488 : i32 to index
        %swap3A_583 = arith.constant 16 : index
        %swap3A_584 = tpu.vector_load %arg16[%swap3A_582, %swap3A_583] {strides = array<i32>} : memref<80x128xf32, #tpu.memory_space<vmem>>, vector<1x16xf32>,
        %swap3A_585 = vector.shape_cast %swap3A_584 : vector<1x16xf32> to vector<16xf32>
        %swap3A_586 = vector.shape_cast %mul3A_581 : vector<16xf32> to vector<1x16xf32>
        tpu.vector_store %arg16[%swap3A_582, %swap3A_583], %swap3A_586 {strides = array<i32>} : memref<80x128xf32, #tpu.memory_space<vmem>>, vector<1x16xf32>,
        %get3A_587 = arith.index_cast %add3A_488 : i32 to index
        %get3A_588 = arith.constant 96 : index
        %get3A_589 = tpu.vector_load %arg13[%get3A_587, %get3A_588] {strides = array<i32>} : memref<80x128xf32, #tpu.memory_space<vmem>>, vector<1x16xf32>,
        %get3A_590 = vector.shape_cast %get3A_589 : vector<1x16xf32> to vector<16xf32>
        %add3A_591 = arith.addf %get3A_590, %get3A_525 : vector<16xf32>
        %mul3A_592 = arith.mulf %exp3A, %add3A_591 : vector<16xf32>
        %swap3A_593 = arith.index_cast %add3A_488 : i32 to index
        %swap3A_594 = arith.constant 32 : index
        %swap3A_595 = tpu.vector_load %arg16[%swap3A_593, %swap3A_594] {strides = array<i32>} : memref<80x128xf32, #tpu.memory_space<vmem>>, vector<1x16xf32>,
        %swap3A_596 = vector.shape_cast %swap3A_595 : vector<1x16xf32> to vector<16xf32>
        %swap3A_597 = vector.shape_cast %mul3A_592 : vector<16xf32> to vector<1x16xf32>
        tpu.vector_store %arg16[%swap3A_593, %swap3A_594], %swap3A_597 {strides = array<i32>} : memref<80x128xf32, #tpu.memory_space<vmem>>, vector<1x16xf32>,
        %get3A_598 = arith.index_cast %add3A_488 : i32 to index
        %get3A_599 = arith.constant 112 : index
        %get3A_600 = tpu.vector_load %arg13[%get3A_598, %get3A_599] {strides = array<i32>} : memref<80x128xf32, #tpu.memory_space<vmem>>, vector<1x16xf32>,
        %get3A_601 = vector.shape_cast %get3A_600 : vector<1x16xf32> to vector<16xf32>
        %add3A_602 = arith.addf %get3A_601, %get3A_540 : vector<16xf32>
        %mul3A_603 = arith.mulf %exp3A, %add3A_602 : vector<16xf32>
        %swap3A_604 = arith.index_cast %add3A_488 : i32 to index
        %swap3A_605 = arith.constant 48 : index
        %swap3A_606 = tpu.vector_load %arg16[%swap3A_604, %swap3A_605] {strides = array<i32>} : memref<80x128xf32, #tpu.memory_space<vmem>>, vector<1x16xf32>,
        %swap3A_607 = vector.shape_cast %swap3A_606 : vector<1x16xf32> to vector<16xf32>
        %swap3A_608 = vector.shape_cast %mul3A_603 : vector<16xf32> to vector<1x16xf32>
        tpu.vector_store %arg16[%swap3A_604, %swap3A_605], %swap3A_608 {strides = array<i32>} : memref<80x128xf32, #tpu.memory_space<vmem>>, vector<1x16xf32>,
        %mul3A_609 = arith.mulf %exp3A, %select_n3A : vector<16xf32>
        %swap3A_610 = arith.index_cast %add3A_488 : i32 to index
        %swap3A_611 = arith.constant 64 : index
        %swap3A_612 = tpu.vector_load %arg16[%swap3A_610, %swap3A_611] {strides = array<i32>} : memref<80x128xf32, #tpu.memory_space<vmem>>, vector<1x16xf32>,
        %swap3A_613 = vector.shape_cast %swap3A_612 : vector<1x16xf32> to vector<16xf32>
        %swap3A_614 = vector.shape_cast %mul3A_609 : vector<16xf32> to vector<1x16xf32>
        tpu.vector_store %arg16[%swap3A_610, %swap3A_611], %swap3A_614 {strides = array<i32>} : memref<80x128xf32, #tpu.memory_space<vmem>>, vector<1x16xf32>,
        %add3A_615 = arith.constant 1 : i32
        %add3A_616 = arith.addi %mul3A_484, %add3A_615 : i32
        %add3A_617 = arith.constant 0 : i32
        %add3A_618 = arith.addi %mul3A_486, %add3A_617 : i32
        %broadcast_in_dim3A_619 = arith.constant 0.000000e+00 : f32
        %broadcast_in_dim3A_620 = vector.broadcast %broadcast_in_dim3A_619 : f32 to vector<16xf32>
        %get3A_621 = arith.index_cast %add3A_618 : i32 to index
        %get3A_622 = arith.constant 64 : index
        %get3A_623 = tpu.vector_load %arg15[%get3A_621, %get3A_622] {strides = array<i32>} : memref<40x128xf32, #tpu.memory_space<vmem>>, vector<1x16xf32>,
        %get3A_624 = vector.shape_cast %get3A_623 : vector<1x16xf32> to vector<16xf32>
        %get3A_625 = arith.index_cast %add3A_616 : i32 to index
        %get3A_626 = arith.constant 0 : index
        %get3A_627 = tpu.vector_load %arg12[%get3A_625, %get3A_626] {strides = array<i32>} : memref<80x128xf32, #tpu.memory_space<vmem>>, vector<1x16xf32>,
        %get3A_628 = vector.shape_cast %get3A_627 : vector<1x16xf32> to vector<16xf32>
        %get3A_629 = arith.index_cast %add3A_616 : i32 to index
        %get3A_630 = arith.constant 0 : index
        %get3A_631 = tpu.vector_load %arg13[%get3A_629, %get3A_630] {strides = array<i32>} : memref<80x128xf32, #tpu.memory_space<vmem>>, vector<1x16xf32>,
        %get3A_632 = vector.shape_cast %get3A_631 : vector<1x16xf32> to vector<16xf32>
        %add3A_633 = arith.addf %get3A_632, %get3A_624 : vector<16xf32>
        %mul3A_634 = arith.mulf %get3A_628, %add3A_633 : vector<16xf32>
        %add3A_635 = arith.addf %broadcast_in_dim3A_620, %mul3A_634 : vector<16xf32>
        %get3A_636 = arith.index_cast %add3A_618 : i32 to index
        %get3A_637 = arith.constant 80 : index
        %get3A_638 = tpu.vector_load %arg15[%get3A_636, %get3A_637] {strides = array<i32>} : memref<40x128xf32, #tpu.memory_space<vmem>>, vector<1x16xf32>,
        %get3A_639 = vector.shape_cast %get3A_638 : vector<1x16xf32> to vector<16xf32>
        %get3A_640 = arith.index_cast %add3A_616 : i32 to index
        %get3A_641 = arith.constant 16 : index
        %get3A_642 = tpu.vector_load %arg12[%get3A_640, %get3A_641] {strides = array<i32>} : memref<80x128xf32, #tpu.memory_space<vmem>>, vector<1x16xf32>,
        %get3A_643 = vector.shape_cast %get3A_642 : vector<1x16xf32> to vector<16xf32>
        %get3A_644 = arith.index_cast %add3A_616 : i32 to index
        %get3A_645 = arith.constant 16 : index
        %get3A_646 = tpu.vector_load %arg13[%get3A_644, %get3A_645] {strides = array<i32>} : memref<80x128xf32, #tpu.memory_space<vmem>>, vector<1x16xf32>,
        %get3A_647 = vector.shape_cast %get3A_646 : vector<1x16xf32> to vector<16xf32>
        %add3A_648 = arith.addf %get3A_647, %get3A_639 : vector<16xf32>
        %mul3A_649 = arith.mulf %get3A_643, %add3A_648 : vector<16xf32>
        %add3A_650 = arith.addf %add3A_635, %mul3A_649 : vector<16xf32>
        %get3A_651 = arith.index_cast %add3A_618 : i32 to index
        %get3A_652 = arith.constant 96 : index
        %get3A_653 = tpu.vector_load %arg15[%get3A_651, %get3A_652] {strides = array<i32>} : memref<40x128xf32, #tpu.memory_space<vmem>>, vector<1x16xf32>,
        %get3A_654 = vector.shape_cast %get3A_653 : vector<1x16xf32> to vector<16xf32>
        %get3A_655 = arith.index_cast %add3A_616 : i32 to index
        %get3A_656 = arith.constant 32 : index
        %get3A_657 = tpu.vector_load %arg12[%get3A_655, %get3A_656] {strides = array<i32>} : memref<80x128xf32, #tpu.memory_space<vmem>>, vector<1x16xf32>,
        %get3A_658 = vector.shape_cast %get3A_657 : vector<1x16xf32> to vector<16xf32>
        %get3A_659 = arith.index_cast %add3A_616 : i32 to index
        %get3A_660 = arith.constant 32 : index
        %get3A_661 = tpu.vector_load %arg13[%get3A_659, %get3A_660] {strides = array<i32>} : memref<80x128xf32, #tpu.memory_space<vmem>>, vector<1x16xf32>,
        %get3A_662 = vector.shape_cast %get3A_661 : vector<1x16xf32> to vector<16xf32>
        %add3A_663 = arith.addf %get3A_662, %get3A_654 : vector<16xf32>
        %mul3A_664 = arith.mulf %get3A_658, %add3A_663 : vector<16xf32>
        %add3A_665 = arith.addf %add3A_650, %mul3A_664 : vector<16xf32>
        %get3A_666 = arith.index_cast %add3A_618 : i32 to index
        %get3A_667 = arith.constant 112 : index
        %get3A_668 = tpu.vector_load %arg15[%get3A_666, %get3A_667] {strides = array<i32>} : memref<40x128xf32, #tpu.memory_space<vmem>>, vector<1x16xf32>,
        %get3A_669 = vector.shape_cast %get3A_668 : vector<1x16xf32> to vector<16xf32>
        %get3A_670 = arith.index_cast %add3A_616 : i32 to index
        %get3A_671 = arith.constant 48 : index
        %get3A_672 = tpu.vector_load %arg12[%get3A_670, %get3A_671] {strides = array<i32>} : memref<80x128xf32, #tpu.memory_space<vmem>>, vector<1x16xf32>,
        %get3A_673 = vector.shape_cast %get3A_672 : vector<1x16xf32> to vector<16xf32>
        %get3A_674 = arith.index_cast %add3A_616 : i32 to index
        %get3A_675 = arith.constant 48 : index
        %get3A_676 = tpu.vector_load %arg13[%get3A_674, %get3A_675] {strides = array<i32>} : memref<80x128xf32, #tpu.memory_space<vmem>>, vector<1x16xf32>,
        %get3A_677 = vector.shape_cast %get3A_676 : vector<1x16xf32> to vector<16xf32>
        %add3A_678 = arith.addf %get3A_677, %get3A_669 : vector<16xf32>
        %mul3A_679 = arith.mulf %get3A_673, %add3A_678 : vector<16xf32>
        %add3A_680 = arith.addf %add3A_665, %mul3A_679 : vector<16xf32>
        %gather3A_681 = vector.shape_cast %broadcast_in_dim3A_35 : vector<16x1xi32> to vector<16xi32>
        %gather3A_682 = tpu.dynamic_gather %add3A_680[%gather3A_681] in [0] : vector<16xf32>, vector<16xi32> -> vector<16xf32>
        %add3A_683 = arith.addf %add3A_680, %gather3A_682 : vector<16xf32>
        %gather3A_684 = vector.shape_cast %broadcast_in_dim3A_39 : vector<16x1xi32> to vector<16xi32>
        %gather3A_685 = tpu.dynamic_gather %add3A_683[%gather3A_684] in [0] : vector<16xf32>, vector<16xi32> -> vector<16xf32>
        %add3A_686 = arith.addf %add3A_683, %gather3A_685 : vector<16xf32>
        %gather3A_687 = vector.shape_cast %broadcast_in_dim3A_43 : vector<16x1xi32> to vector<16xi32>
        %gather3A_688 = tpu.dynamic_gather %add3A_686[%gather3A_687] in [0] : vector<16xf32>, vector<16xi32> -> vector<16xf32>
        %add3A_689 = arith.addf %add3A_686, %gather3A_688 : vector<16xf32>
        %gather3A_690 = vector.shape_cast %broadcast_in_dim3A_47 : vector<16x1xi32> to vector<16xi32>
        %gather3A_691 = tpu.dynamic_gather %add3A_689[%gather3A_690] in [0] : vector<16xf32>, vector<16xi32> -> vector<16xf32>
        %add3A_692 = arith.addf %add3A_689, %gather3A_691 : vector<16xf32>
        %mul3A_693 = arith.constant 1.250000e-01 : f32
        %mul3A_694 = vector.broadcast %mul3A_693 : f32 to vector<16xf32>
        %mul3A_695 = arith.mulf %add3A_692, %mul3A_694 : vector<16xf32>
        %exp3A_696 = math.exp %mul3A_695 : vector<16xf32>
        %get3A_697 = arith.index_cast %add3A_616 : i32 to index
        %get3A_698 = arith.constant 64 : index
        %get3A_699 = tpu.vector_load %arg13[%get3A_697, %get3A_698] {strides = array<i32>} : memref<80x128xf32, #tpu.memory_space<vmem>>, vector<1x16xf32>,
        %get3A_700 = vector.shape_cast %get3A_699 : vector<1x16xf32> to vector<16xf32>
        %add3A_701 = arith.addf %get3A_700, %get3A_624 : vector<16xf32>
        %mul3A_702 = arith.mulf %exp3A_696, %add3A_701 : vector<16xf32>
        %swap3A_703 = arith.index_cast %add3A_616 : i32 to index
        %swap3A_704 = arith.constant 0 : index
        %swap3A_705 = tpu.vector_load %arg16[%swap3A_703, %swap3A_704] {strides = array<i32>} : memref<80x128xf32, #tpu.memory_space<vmem>>, vector<1x16xf32>,
        %swap3A_706 = vector.shape_cast %swap3A_705 : vector<1x16xf32> to vector<16xf32>
        %swap3A_707 = vector.shape_cast %mul3A_702 : vector<16xf32> to vector<1x16xf32>
        tpu.vector_store %arg16[%swap3A_703, %swap3A_704], %swap3A_707 {strides = array<i32>} : memref<80x128xf32, #tpu.memory_space<vmem>>, vector<1x16xf32>,
        %get3A_708 = arith.index_cast %add3A_616 : i32 to index
        %get3A_709 = arith.constant 80 : index
        %get3A_710 = tpu.vector_load %arg13[%get3A_708, %get3A_709] {strides = array<i32>} : memref<80x128xf32, #tpu.memory_space<vmem>>, vector<1x16xf32>,
        %get3A_711 = vector.shape_cast %get3A_710 : vector<1x16xf32> to vector<16xf32>
        %add3A_712 = arith.addf %get3A_711, %get3A_639 : vector<16xf32>
        %mul3A_713 = arith.mulf %exp3A_696, %add3A_712 : vector<16xf32>
        %swap3A_714 = arith.index_cast %add3A_616 : i32 to index
        %swap3A_715 = arith.constant 16 : index
        %swap3A_716 = tpu.vector_load %arg16[%swap3A_714, %swap3A_715] {strides = array<i32>} : memref<80x128xf32, #tpu.memory_space<vmem>>, vector<1x16xf32>,
        %swap3A_717 = vector.shape_cast %swap3A_716 : vector<1x16xf32> to vector<16xf32>
        %swap3A_718 = vector.shape_cast %mul3A_713 : vector<16xf32> to vector<1x16xf32>
        tpu.vector_store %arg16[%swap3A_714, %swap3A_715], %swap3A_718 {strides = array<i32>} : memref<80x128xf32, #tpu.memory_space<vmem>>, vector<1x16xf32>,
        %get3A_719 = arith.index_cast %add3A_616 : i32 to index
        %get3A_720 = arith.constant 96 : index
        %get3A_721 = tpu.vector_load %arg13[%get3A_719, %get3A_720] {strides = array<i32>} : memref<80x128xf32, #tpu.memory_space<vmem>>, vector<1x16xf32>,
        %get3A_722 = vector.shape_cast %get3A_721 : vector<1x16xf32> to vector<16xf32>
        %add3A_723 = arith.addf %get3A_722, %get3A_654 : vector<16xf32>
        %mul3A_724 = arith.mulf %exp3A_696, %add3A_723 : vector<16xf32>
        %swap3A_725 = arith.index_cast %add3A_616 : i32 to index
        %swap3A_726 = arith.constant 32 : index
        %swap3A_727 = tpu.vector_load %arg16[%swap3A_725, %swap3A_726] {strides = array<i32>} : memref<80x128xf32, #tpu.memory_space<vmem>>, vector<1x16xf32>,
        %swap3A_728 = vector.shape_cast %swap3A_727 : vector<1x16xf32> to vector<16xf32>
        %swap3A_729 = vector.shape_cast %mul3A_724 : vector<16xf32> to vector<1x16xf32>
        tpu.vector_store %arg16[%swap3A_725, %swap3A_726], %swap3A_729 {strides = array<i32>} : memref<80x128xf32, #tpu.memory_space<vmem>>, vector<1x16xf32>,
        %get3A_730 = arith.index_cast %add3A_616 : i32 to index
        %get3A_731 = arith.constant 112 : index
        %get3A_732 = tpu.vector_load %arg13[%get3A_730, %get3A_731] {strides = array<i32>} : memref<80x128xf32, #tpu.memory_space<vmem>>, vector<1x16xf32>,
        %get3A_733 = vector.shape_cast %get3A_732 : vector<1x16xf32> to vector<16xf32>
        %add3A_734 = arith.addf %get3A_733, %get3A_669 : vector<16xf32>
        %mul3A_735 = arith.mulf %exp3A_696, %add3A_734 : vector<16xf32>
        %swap3A_736 = arith.index_cast %add3A_616 : i32 to index
        %swap3A_737 = arith.constant 48 : index
        %swap3A_738 = tpu.vector_load %arg16[%swap3A_736, %swap3A_737] {strides = array<i32>} : memref<80x128xf32, #tpu.memory_space<vmem>>, vector<1x16xf32>,
        %swap3A_739 = vector.shape_cast %swap3A_738 : vector<1x16xf32> to vector<16xf32>
        %swap3A_740 = vector.shape_cast %mul3A_735 : vector<16xf32> to vector<1x16xf32>
        tpu.vector_store %arg16[%swap3A_736, %swap3A_737], %swap3A_740 {strides = array<i32>} : memref<80x128xf32, #tpu.memory_space<vmem>>, vector<1x16xf32>,
        %mul3A_741 = arith.mulf %exp3A_696, %select_n3A : vector<16xf32>
        %swap3A_742 = arith.index_cast %add3A_616 : i32 to index
        %swap3A_743 = arith.constant 64 : index
        %swap3A_744 = tpu.vector_load %arg16[%swap3A_742, %swap3A_743] {strides = array<i32>} : memref<80x128xf32, #tpu.memory_space<vmem>>, vector<1x16xf32>,
        %swap3A_745 = vector.shape_cast %swap3A_744 : vector<1x16xf32> to vector<16xf32>
        %swap3A_746 = vector.shape_cast %mul3A_741 : vector<16xf32> to vector<1x16xf32>
        tpu.vector_store %arg16[%swap3A_742, %swap3A_743], %swap3A_746 {strides = array<i32>} : memref<80x128xf32, #tpu.memory_space<vmem>>, vector<1x16xf32>,
        %add3A_747 = arith.constant 2 : i32
        %add3A_748 = arith.addi %mul3A_484, %add3A_747 : i32
        %add3A_749 = arith.constant 1 : i32
        %add3A_750 = arith.addi %mul3A_486, %add3A_749 : i32
        %broadcast_in_dim3A_751 = arith.constant 0.000000e+00 : f32
        %broadcast_in_dim3A_752 = vector.broadcast %broadcast_in_dim3A_751 : f32 to vector<16xf32>
        %get3A_753 = arith.index_cast %add3A_750 : i32 to index
        %get3A_754 = arith.constant 0 : index
        %get3A_755 = tpu.vector_load %arg15[%get3A_753, %get3A_754] {strides = array<i32>} : memref<40x128xf32, #tpu.memory_space<vmem>>, vector<1x16xf32>,
        %get3A_756 = vector.shape_cast %get3A_755 : vector<1x16xf32> to vector<16xf32>
        %get3A_757 = arith.index_cast %add3A_748 : i32 to index
        %get3A_758 = arith.constant 0 : index
        %get3A_759 = tpu.vector_load %arg12[%get3A_757, %get3A_758] {strides = array<i32>} : memref<80x128xf32, #tpu.memory_space<vmem>>, vector<1x16xf32>,
        %get3A_760 = vector.shape_cast %get3A_759 : vector<1x16xf32> to vector<16xf32>
        %get3A_761 = arith.index_cast %add3A_748 : i32 to index
        %get3A_762 = arith.constant 0 : index
        %get3A_763 = tpu.vector_load %arg13[%get3A_761, %get3A_762] {strides = array<i32>} : memref<80x128xf32, #tpu.memory_space<vmem>>, vector<1x16xf32>,
        %get3A_764 = vector.shape_cast %get3A_763 : vector<1x16xf32> to vector<16xf32>
        %add3A_765 = arith.addf %get3A_764, %get3A_756 : vector<16xf32>
        %mul3A_766 = arith.mulf %get3A_760, %add3A_765 : vector<16xf32>
        %add3A_767 = arith.addf %broadcast_in_dim3A_752, %mul3A_766 : vector<16xf32>
        %get3A_768 = arith.index_cast %add3A_750 : i32 to index
        %get3A_769 = arith.constant 16 : index
        %get3A_770 = tpu.vector_load %arg15[%get3A_768, %get3A_769] {strides = array<i32>} : memref<40x128xf32, #tpu.memory_space<vmem>>, vector<1x16xf32>,
        %get3A_771 = vector.shape_cast %get3A_770 : vector<1x16xf32> to vector<16xf32>
        %get3A_772 = arith.index_cast %add3A_748 : i32 to index
        %get3A_773 = arith.constant 16 : index
        %get3A_774 = tpu.vector_load %arg12[%get3A_772, %get3A_773] {strides = array<i32>} : memref<80x128xf32, #tpu.memory_space<vmem>>, vector<1x16xf32>,
        %get3A_775 = vector.shape_cast %get3A_774 : vector<1x16xf32> to vector<16xf32>
        %get3A_776 = arith.index_cast %add3A_748 : i32 to index
        %get3A_777 = arith.constant 16 : index
        %get3A_778 = tpu.vector_load %arg13[%get3A_776, %get3A_777] {strides = array<i32>} : memref<80x128xf32, #tpu.memory_space<vmem>>, vector<1x16xf32>,
        %get3A_779 = vector.shape_cast %get3A_778 : vector<1x16xf32> to vector<16xf32>
        %add3A_780 = arith.addf %get3A_779, %get3A_771 : vector<16xf32>
        %mul3A_781 = arith.mulf %get3A_775, %add3A_780 : vector<16xf32>
        %add3A_782 = arith.addf %add3A_767, %mul3A_781 : vector<16xf32>
        %get3A_783 = arith.index_cast %add3A_750 : i32 to index
        %get3A_784 = arith.constant 32 : index
        %get3A_785 = tpu.vector_load %arg15[%get3A_783, %get3A_784] {strides = array<i32>} : memref<40x128xf32, #tpu.memory_space<vmem>>, vector<1x16xf32>,
        %get3A_786 = vector.shape_cast %get3A_785 : vector<1x16xf32> to vector<16xf32>
        %get3A_787 = arith.index_cast %add3A_748 : i32 to index
        %get3A_788 = arith.constant 32 : index
        %get3A_789 = tpu.vector_load %arg12[%get3A_787, %get3A_788] {strides = array<i32>} : memref<80x128xf32, #tpu.memory_space<vmem>>, vector<1x16xf32>,
        %get3A_790 = vector.shape_cast %get3A_789 : vector<1x16xf32> to vector<16xf32>
        %get3A_791 = arith.index_cast %add3A_748 : i32 to index
        %get3A_792 = arith.constant 32 : index
        %get3A_793 = tpu.vector_load %arg13[%get3A_791, %get3A_792] {strides = array<i32>} : memref<80x128xf32, #tpu.memory_space<vmem>>, vector<1x16xf32>,
        %get3A_794 = vector.shape_cast %get3A_793 : vector<1x16xf32> to vector<16xf32>
        %add3A_795 = arith.addf %get3A_794, %get3A_786 : vector<16xf32>
        %mul3A_796 = arith.mulf %get3A_790, %add3A_795 : vector<16xf32>
        %add3A_797 = arith.addf %add3A_782, %mul3A_796 : vector<16xf32>
        %get3A_798 = arith.index_cast %add3A_750 : i32 to index
        %get3A_799 = arith.constant 48 : index
        %get3A_800 = tpu.vector_load %arg15[%get3A_798, %get3A_799] {strides = array<i32>} : memref<40x128xf32, #tpu.memory_space<vmem>>, vector<1x16xf32>,
        %get3A_801 = vector.shape_cast %get3A_800 : vector<1x16xf32> to vector<16xf32>
        %get3A_802 = arith.index_cast %add3A_748 : i32 to index
        %get3A_803 = arith.constant 48 : index
        %get3A_804 = tpu.vector_load %arg12[%get3A_802, %get3A_803] {strides = array<i32>} : memref<80x128xf32, #tpu.memory_space<vmem>>, vector<1x16xf32>,
        %get3A_805 = vector.shape_cast %get3A_804 : vector<1x16xf32> to vector<16xf32>
        %get3A_806 = arith.index_cast %add3A_748 : i32 to index
        %get3A_807 = arith.constant 48 : index
        %get3A_808 = tpu.vector_load %arg13[%get3A_806, %get3A_807] {strides = array<i32>} : memref<80x128xf32, #tpu.memory_space<vmem>>, vector<1x16xf32>,
        %get3A_809 = vector.shape_cast %get3A_808 : vector<1x16xf32> to vector<16xf32>
        %add3A_810 = arith.addf %get3A_809, %get3A_801 : vector<16xf32>
        %mul3A_811 = arith.mulf %get3A_805, %add3A_810 : vector<16xf32>
        %add3A_812 = arith.addf %add3A_797, %mul3A_811 : vector<16xf32>
        %gather3A_813 = vector.shape_cast %broadcast_in_dim3A_35 : vector<16x1xi32> to vector<16xi32>
        %gather3A_814 = tpu.dynamic_gather %add3A_812[%gather3A_813] in [0] : vector<16xf32>, vector<16xi32> -> vector<16xf32>
        %add3A_815 = arith.addf %add3A_812, %gather3A_814 : vector<16xf32>
        %gather3A_816 = vector.shape_cast %broadcast_in_dim3A_39 : vector<16x1xi32> to vector<16xi32>
        %gather3A_817 = tpu.dynamic_gather %add3A_815[%gather3A_816] in [0] : vector<16xf32>, vector<16xi32> -> vector<16xf32>
        %add3A_818 = arith.addf %add3A_815, %gather3A_817 : vector<16xf32>
        %gather3A_819 = vector.shape_cast %broadcast_in_dim3A_43 : vector<16x1xi32> to vector<16xi32>
        %gather3A_820 = tpu.dynamic_gather %add3A_818[%gather3A_819] in [0] : vector<16xf32>, vector<16xi32> -> vector<16xf32>
        %add3A_821 = arith.addf %add3A_818, %gather3A_820 : vector<16xf32>
        %gather3A_822 = vector.shape_cast %broadcast_in_dim3A_47 : vector<16x1xi32> to vector<16xi32>
        %gather3A_823 = tpu.dynamic_gather %add3A_821[%gather3A_822] in [0] : vector<16xf32>, vector<16xi32> -> vector<16xf32>
        %add3A_824 = arith.addf %add3A_821, %gather3A_823 : vector<16xf32>
        %mul3A_825 = arith.constant 1.250000e-01 : f32
        %mul3A_826 = vector.broadcast %mul3A_825 : f32 to vector<16xf32>
        %mul3A_827 = arith.mulf %add3A_824, %mul3A_826 : vector<16xf32>
        %exp3A_828 = math.exp %mul3A_827 : vector<16xf32>
        %get3A_829 = arith.index_cast %add3A_748 : i32 to index
        %get3A_830 = arith.constant 64 : index
        %get3A_831 = tpu.vector_load %arg13[%get3A_829, %get3A_830] {strides = array<i32>} : memref<80x128xf32, #tpu.memory_space<vmem>>, vector<1x16xf32>,
        %get3A_832 = vector.shape_cast %get3A_831 : vector<1x16xf32> to vector<16xf32>
        %add3A_833 = arith.addf %get3A_832, %get3A_756 : vector<16xf32>
        %mul3A_834 = arith.mulf %exp3A_828, %add3A_833 : vector<16xf32>
        %swap3A_835 = arith.index_cast %add3A_748 : i32 to index
        %swap3A_836 = arith.constant 0 : index
        %swap3A_837 = tpu.vector_load %arg16[%swap3A_835, %swap3A_836] {strides = array<i32>} : memref<80x128xf32, #tpu.memory_space<vmem>>, vector<1x16xf32>,
        %swap3A_838 = vector.shape_cast %swap3A_837 : vector<1x16xf32> to vector<16xf32>
        %swap3A_839 = vector.shape_cast %mul3A_834 : vector<16xf32> to vector<1x16xf32>
        tpu.vector_store %arg16[%swap3A_835, %swap3A_836], %swap3A_839 {strides = array<i32>} : memref<80x128xf32, #tpu.memory_space<vmem>>, vector<1x16xf32>,
        %get3A_840 = arith.index_cast %add3A_748 : i32 to index
        %get3A_841 = arith.constant 80 : index
        %get3A_842 = tpu.vector_load %arg13[%get3A_840, %get3A_841] {strides = array<i32>} : memref<80x128xf32, #tpu.memory_space<vmem>>, vector<1x16xf32>,
        %get3A_843 = vector.shape_cast %get3A_842 : vector<1x16xf32> to vector<16xf32>
        %add3A_844 = arith.addf %get3A_843, %get3A_771 : vector<16xf32>
        %mul3A_845 = arith.mulf %exp3A_828, %add3A_844 : vector<16xf32>
        %swap3A_846 = arith.index_cast %add3A_748 : i32 to index
        %swap3A_847 = arith.constant 16 : index
        %swap3A_848 = tpu.vector_load %arg16[%swap3A_846, %swap3A_847] {strides = array<i32>} : memref<80x128xf32, #tpu.memory_space<vmem>>, vector<1x16xf32>,
        %swap3A_849 = vector.shape_cast %swap3A_848 : vector<1x16xf32> to vector<16xf32>
        %swap3A_850 = vector.shape_cast %mul3A_845 : vector<16xf32> to vector<1x16xf32>
        tpu.vector_store %arg16[%swap3A_846, %swap3A_847], %swap3A_850 {strides = array<i32>} : memref<80x128xf32, #tpu.memory_space<vmem>>, vector<1x16xf32>,
        %get3A_851 = arith.index_cast %add3A_748 : i32 to index
        %get3A_852 = arith.constant 96 : index
        %get3A_853 = tpu.vector_load %arg13[%get3A_851, %get3A_852] {strides = array<i32>} : memref<80x128xf32, #tpu.memory_space<vmem>>, vector<1x16xf32>,
        %get3A_854 = vector.shape_cast %get3A_853 : vector<1x16xf32> to vector<16xf32>
        %add3A_855 = arith.addf %get3A_854, %get3A_786 : vector<16xf32>
        %mul3A_856 = arith.mulf %exp3A_828, %add3A_855 : vector<16xf32>
        %swap3A_857 = arith.index_cast %add3A_748 : i32 to index
        %swap3A_858 = arith.constant 32 : index
        %swap3A_859 = tpu.vector_load %arg16[%swap3A_857, %swap3A_858] {strides = array<i32>} : memref<80x128xf32, #tpu.memory_space<vmem>>, vector<1x16xf32>,
        %swap3A_860 = vector.shape_cast %swap3A_859 : vector<1x16xf32> to vector<16xf32>
        %swap3A_861 = vector.shape_cast %mul3A_856 : vector<16xf32> to vector<1x16xf32>
        tpu.vector_store %arg16[%swap3A_857, %swap3A_858], %swap3A_861 {strides = array<i32>} : memref<80x128xf32, #tpu.memory_space<vmem>>, vector<1x16xf32>,
        %get3A_862 = arith.index_cast %add3A_748 : i32 to index
        %get3A_863 = arith.constant 112 : index
        %get3A_864 = tpu.vector_load %arg13[%get3A_862, %get3A_863] {strides = array<i32>} : memref<80x128xf32, #tpu.memory_space<vmem>>, vector<1x16xf32>,
        %get3A_865 = vector.shape_cast %get3A_864 : vector<1x16xf32> to vector<16xf32>
        %add3A_866 = arith.addf %get3A_865, %get3A_801 : vector<16xf32>
        %mul3A_867 = arith.mulf %exp3A_828, %add3A_866 : vector<16xf32>
        %swap3A_868 = arith.index_cast %add3A_748 : i32 to index
        %swap3A_869 = arith.constant 48 : index
        %swap3A_870 = tpu.vector_load %arg16[%swap3A_868, %swap3A_869] {strides = array<i32>} : memref<80x128xf32, #tpu.memory_space<vmem>>, vector<1x16xf32>,
        %swap3A_871 = vector.shape_cast %swap3A_870 : vector<1x16xf32> to vector<16xf32>
        %swap3A_872 = vector.shape_cast %mul3A_867 : vector<16xf32> to vector<1x16xf32>
        tpu.vector_store %arg16[%swap3A_868, %swap3A_869], %swap3A_872 {strides = array<i32>} : memref<80x128xf32, #tpu.memory_space<vmem>>, vector<1x16xf32>,
        %mul3A_873 = arith.mulf %exp3A_828, %select_n3A : vector<16xf32>
        %swap3A_874 = arith.index_cast %add3A_748 : i32 to index
        %swap3A_875 = arith.constant 64 : index
        %swap3A_876 = tpu.vector_load %arg16[%swap3A_874, %swap3A_875] {strides = array<i32>} : memref<80x128xf32, #tpu.memory_space<vmem>>, vector<1x16xf32>,
        %swap3A_877 = vector.shape_cast %swap3A_876 : vector<1x16xf32> to vector<16xf32>
        %swap3A_878 = vector.shape_cast %mul3A_873 : vector<16xf32> to vector<1x16xf32>
        tpu.vector_store %arg16[%swap3A_874, %swap3A_875], %swap3A_878 {strides = array<i32>} : memref<80x128xf32, #tpu.memory_space<vmem>>, vector<1x16xf32>,
        %add3A_879 = arith.constant 3 : i32
        %add3A_880 = arith.addi %mul3A_484, %add3A_879 : i32
        %add3A_881 = arith.constant 1 : i32
        %add3A_882 = arith.addi %mul3A_486, %add3A_881 : i32
        %broadcast_in_dim3A_883 = arith.constant 0.000000e+00 : f32
        %broadcast_in_dim3A_884 = vector.broadcast %broadcast_in_dim3A_883 : f32 to vector<16xf32>
        %get3A_885 = arith.index_cast %add3A_882 : i32 to index
        %get3A_886 = arith.constant 64 : index
        %get3A_887 = tpu.vector_load %arg15[%get3A_885, %get3A_886] {strides = array<i32>} : memref<40x128xf32, #tpu.memory_space<vmem>>, vector<1x16xf32>,
        %get3A_888 = vector.shape_cast %get3A_887 : vector<1x16xf32> to vector<16xf32>
        %get3A_889 = arith.index_cast %add3A_880 : i32 to index
        %get3A_890 = arith.constant 0 : index
        %get3A_891 = tpu.vector_load %arg12[%get3A_889, %get3A_890] {strides = array<i32>} : memref<80x128xf32, #tpu.memory_space<vmem>>, vector<1x16xf32>,
        %get3A_892 = vector.shape_cast %get3A_891 : vector<1x16xf32> to vector<16xf32>
        %get3A_893 = arith.index_cast %add3A_880 : i32 to index
        %get3A_894 = arith.constant 0 : index
        %get3A_895 = tpu.vector_load %arg13[%get3A_893, %get3A_894] {strides = array<i32>} : memref<80x128xf32, #tpu.memory_space<vmem>>, vector<1x16xf32>,
        %get3A_896 = vector.shape_cast %get3A_895 : vector<1x16xf32> to vector<16xf32>
        %add3A_897 = arith.addf %get3A_896, %get3A_888 : vector<16xf32>
        %mul3A_898 = arith.mulf %get3A_892, %add3A_897 : vector<16xf32>
        %add3A_899 = arith.addf %broadcast_in_dim3A_884, %mul3A_898 : vector<16xf32>
        %get3A_900 = arith.index_cast %add3A_882 : i32 to index
        %get3A_901 = arith.constant 80 : index
        %get3A_902 = tpu.vector_load %arg15[%get3A_900, %get3A_901] {strides = array<i32>} : memref<40x128xf32, #tpu.memory_space<vmem>>, vector<1x16xf32>,
        %get3A_903 = vector.shape_cast %get3A_902 : vector<1x16xf32> to vector<16xf32>
        %get3A_904 = arith.index_cast %add3A_880 : i32 to index
        %get3A_905 = arith.constant 16 : index
        %get3A_906 = tpu.vector_load %arg12[%get3A_904, %get3A_905] {strides = array<i32>} : memref<80x128xf32, #tpu.memory_space<vmem>>, vector<1x16xf32>,
        %get3A_907 = vector.shape_cast %get3A_906 : vector<1x16xf32> to vector<16xf32>
        %get3A_908 = arith.index_cast %add3A_880 : i32 to index
        %get3A_909 = arith.constant 16 : index
        %get3A_910 = tpu.vector_load %arg13[%get3A_908, %get3A_909] {strides = array<i32>} : memref<80x128xf32, #tpu.memory_space<vmem>>, vector<1x16xf32>,
        %get3A_911 = vector.shape_cast %get3A_910 : vector<1x16xf32> to vector<16xf32>
        %add3A_912 = arith.addf %get3A_911, %get3A_903 : vector<16xf32>
        %mul3A_913 = arith.mulf %get3A_907, %add3A_912 : vector<16xf32>
        %add3A_914 = arith.addf %add3A_899, %mul3A_913 : vector<16xf32>
        %get3A_915 = arith.index_cast %add3A_882 : i32 to index
        %get3A_916 = arith.constant 96 : index
        %get3A_917 = tpu.vector_load %arg15[%get3A_915, %get3A_916] {strides = array<i32>} : memref<40x128xf32, #tpu.memory_space<vmem>>, vector<1x16xf32>,
        %get3A_918 = vector.shape_cast %get3A_917 : vector<1x16xf32> to vector<16xf32>
        %get3A_919 = arith.index_cast %add3A_880 : i32 to index
        %get3A_920 = arith.constant 32 : index
        %get3A_921 = tpu.vector_load %arg12[%get3A_919, %get3A_920] {strides = array<i32>} : memref<80x128xf32, #tpu.memory_space<vmem>>, vector<1x16xf32>,
        %get3A_922 = vector.shape_cast %get3A_921 : vector<1x16xf32> to vector<16xf32>
        %get3A_923 = arith.index_cast %add3A_880 : i32 to index
        %get3A_924 = arith.constant 32 : index
        %get3A_925 = tpu.vector_load %arg13[%get3A_923, %get3A_924] {strides = array<i32>} : memref<80x128xf32, #tpu.memory_space<vmem>>, vector<1x16xf32>,
        %get3A_926 = vector.shape_cast %get3A_925 : vector<1x16xf32> to vector<16xf32>
        %add3A_927 = arith.addf %get3A_926, %get3A_918 : vector<16xf32>
        %mul3A_928 = arith.mulf %get3A_922, %add3A_927 : vector<16xf32>
        %add3A_929 = arith.addf %add3A_914, %mul3A_928 : vector<16xf32>
        %get3A_930 = arith.index_cast %add3A_882 : i32 to index
        %get3A_931 = arith.constant 112 : index
        %get3A_932 = tpu.vector_load %arg15[%get3A_930, %get3A_931] {strides = array<i32>} : memref<40x128xf32, #tpu.memory_space<vmem>>, vector<1x16xf32>,
        %get3A_933 = vector.shape_cast %get3A_932 : vector<1x16xf32> to vector<16xf32>
        %get3A_934 = arith.index_cast %add3A_880 : i32 to index
        %get3A_935 = arith.constant 48 : index
        %get3A_936 = tpu.vector_load %arg12[%get3A_934, %get3A_935] {strides = array<i32>} : memref<80x128xf32, #tpu.memory_space<vmem>>, vector<1x16xf32>,
        %get3A_937 = vector.shape_cast %get3A_936 : vector<1x16xf32> to vector<16xf32>
        %get3A_938 = arith.index_cast %add3A_880 : i32 to index
        %get3A_939 = arith.constant 48 : index
        %get3A_940 = tpu.vector_load %arg13[%get3A_938, %get3A_939] {strides = array<i32>} : memref<80x128xf32, #tpu.memory_space<vmem>>, vector<1x16xf32>,
        %get3A_941 = vector.shape_cast %get3A_940 : vector<1x16xf32> to vector<16xf32>
        %add3A_942 = arith.addf %get3A_941, %get3A_933 : vector<16xf32>
        %mul3A_943 = arith.mulf %get3A_937, %add3A_942 : vector<16xf32>
        %add3A_944 = arith.addf %add3A_929, %mul3A_943 : vector<16xf32>
        %gather3A_945 = vector.shape_cast %broadcast_in_dim3A_35 : vector<16x1xi32> to vector<16xi32>
        %gather3A_946 = tpu.dynamic_gather %add3A_944[%gather3A_945] in [0] : vector<16xf32>, vector<16xi32> -> vector<16xf32>
        %add3A_947 = arith.addf %add3A_944, %gather3A_946 : vector<16xf32>
        %gather3A_948 = vector.shape_cast %broadcast_in_dim3A_39 : vector<16x1xi32> to vector<16xi32>
        %gather3A_949 = tpu.dynamic_gather %add3A_947[%gather3A_948] in [0] : vector<16xf32>, vector<16xi32> -> vector<16xf32>
        %add3A_950 = arith.addf %add3A_947, %gather3A_949 : vector<16xf32>
        %gather3A_951 = vector.shape_cast %broadcast_in_dim3A_43 : vector<16x1xi32> to vector<16xi32>
        %gather3A_952 = tpu.dynamic_gather %add3A_950[%gather3A_951] in [0] : vector<16xf32>, vector<16xi32> -> vector<16xf32>
        %add3A_953 = arith.addf %add3A_950, %gather3A_952 : vector<16xf32>
        %gather3A_954 = vector.shape_cast %broadcast_in_dim3A_47 : vector<16x1xi32> to vector<16xi32>
        %gather3A_955 = tpu.dynamic_gather %add3A_953[%gather3A_954] in [0] : vector<16xf32>, vector<16xi32> -> vector<16xf32>
        %add3A_956 = arith.addf %add3A_953, %gather3A_955 : vector<16xf32>
        %mul3A_957 = arith.constant 1.250000e-01 : f32
        %mul3A_958 = vector.broadcast %mul3A_957 : f32 to vector<16xf32>
        %mul3A_959 = arith.mulf %add3A_956, %mul3A_958 : vector<16xf32>
        %exp3A_960 = math.exp %mul3A_959 : vector<16xf32>
        %get3A_961 = arith.index_cast %add3A_880 : i32 to index
        %get3A_962 = arith.constant 64 : index
        %get3A_963 = tpu.vector_load %arg13[%get3A_961, %get3A_962] {strides = array<i32>} : memref<80x128xf32, #tpu.memory_space<vmem>>, vector<1x16xf32>,
        %get3A_964 = vector.shape_cast %get3A_963 : vector<1x16xf32> to vector<16xf32>
        %add3A_965 = arith.addf %get3A_964, %get3A_888 : vector<16xf32>
        %mul3A_966 = arith.mulf %exp3A_960, %add3A_965 : vector<16xf32>
        %swap3A_967 = arith.index_cast %add3A_880 : i32 to index
        %swap3A_968 = arith.constant 0 : index
        %swap3A_969 = tpu.vector_load %arg16[%swap3A_967, %swap3A_968] {strides = array<i32>} : memref<80x128xf32, #tpu.memory_space<vmem>>, vector<1x16xf32>,
        %swap3A_970 = vector.shape_cast %swap3A_969 : vector<1x16xf32> to vector<16xf32>
        %swap3A_971 = vector.shape_cast %mul3A_966 : vector<16xf32> to vector<1x16xf32>
        tpu.vector_store %arg16[%swap3A_967, %swap3A_968], %swap3A_971 {strides = array<i32>} : memref<80x128xf32, #tpu.memory_space<vmem>>, vector<1x16xf32>,
        %get3A_972 = arith.index_cast %add3A_880 : i32 to index
        %get3A_973 = arith.constant 80 : index
        %get3A_974 = tpu.vector_load %arg13[%get3A_972, %get3A_973] {strides = array<i32>} : memref<80x128xf32, #tpu.memory_space<vmem>>, vector<1x16xf32>,
        %get3A_975 = vector.shape_cast %get3A_974 : vector<1x16xf32> to vector<16xf32>
        %add3A_976 = arith.addf %get3A_975, %get3A_903 : vector<16xf32>
        %mul3A_977 = arith.mulf %exp3A_960, %add3A_976 : vector<16xf32>
        %swap3A_978 = arith.index_cast %add3A_880 : i32 to index
        %swap3A_979 = arith.constant 16 : index
        %swap3A_980 = tpu.vector_load %arg16[%swap3A_978, %swap3A_979] {strides = array<i32>} : memref<80x128xf32, #tpu.memory_space<vmem>>, vector<1x16xf32>,
        %swap3A_981 = vector.shape_cast %swap3A_980 : vector<1x16xf32> to vector<16xf32>
        %swap3A_982 = vector.shape_cast %mul3A_977 : vector<16xf32> to vector<1x16xf32>
        tpu.vector_store %arg16[%swap3A_978, %swap3A_979], %swap3A_982 {strides = array<i32>} : memref<80x128xf32, #tpu.memory_space<vmem>>, vector<1x16xf32>,
        %get3A_983 = arith.index_cast %add3A_880 : i32 to index
        %get3A_984 = arith.constant 96 : index
        %get3A_985 = tpu.vector_load %arg13[%get3A_983, %get3A_984] {strides = array<i32>} : memref<80x128xf32, #tpu.memory_space<vmem>>, vector<1x16xf32>,
        %get3A_986 = vector.shape_cast %get3A_985 : vector<1x16xf32> to vector<16xf32>
        %add3A_987 = arith.addf %get3A_986, %get3A_918 : vector<16xf32>
        %mul3A_988 = arith.mulf %exp3A_960, %add3A_987 : vector<16xf32>
        %swap3A_989 = arith.index_cast %add3A_880 : i32 to index
        %swap3A_990 = arith.constant 32 : index
        %swap3A_991 = tpu.vector_load %arg16[%swap3A_989, %swap3A_990] {strides = array<i32>} : memref<80x128xf32, #tpu.memory_space<vmem>>, vector<1x16xf32>,
        %swap3A_992 = vector.shape_cast %swap3A_991 : vector<1x16xf32> to vector<16xf32>
        %swap3A_993 = vector.shape_cast %mul3A_988 : vector<16xf32> to vector<1x16xf32>
        tpu.vector_store %arg16[%swap3A_989, %swap3A_990], %swap3A_993 {strides = array<i32>} : memref<80x128xf32, #tpu.memory_space<vmem>>, vector<1x16xf32>,
        %get3A_994 = arith.index_cast %add3A_880 : i32 to index
        %get3A_995 = arith.constant 112 : index
        %get3A_996 = tpu.vector_load %arg13[%get3A_994, %get3A_995] {strides = array<i32>} : memref<80x128xf32, #tpu.memory_space<vmem>>, vector<1x16xf32>,
        %get3A_997 = vector.shape_cast %get3A_996 : vector<1x16xf32> to vector<16xf32>
        %add3A_998 = arith.addf %get3A_997, %get3A_933 : vector<16xf32>
        %mul3A_999 = arith.mulf %exp3A_960, %add3A_998 : vector<16xf32>
        %swap3A_1000 = arith.index_cast %add3A_880 : i32 to index
        %swap3A_1001 = arith.constant 48 : index
        %swap3A_1002 = tpu.vector_load %arg16[%swap3A_1000, %swap3A_1001] {strides = array<i32>} : memref<80x128xf32, #tpu.memory_space<vmem>>, vector<1x16xf32>,
        %swap3A_1003 = vector.shape_cast %swap3A_1002 : vector<1x16xf32> to vector<16xf32>
        %swap3A_1004 = vector.shape_cast %mul3A_999 : vector<16xf32> to vector<1x16xf32>
        tpu.vector_store %arg16[%swap3A_1000, %swap3A_1001], %swap3A_1004 {strides = array<i32>} : memref<80x128xf32, #tpu.memory_space<vmem>>, vector<1x16xf32>,
        %mul3A_1005 = arith.mulf %exp3A_960, %select_n3A : vector<16xf32>
        %swap3A_1006 = arith.index_cast %add3A_880 : i32 to index
        %swap3A_1007 = arith.constant 64 : index
        %swap3A_1008 = tpu.vector_load %arg16[%swap3A_1006, %swap3A_1007] {strides = array<i32>} : memref<80x128xf32, #tpu.memory_space<vmem>>, vector<1x16xf32>,
        %swap3A_1009 = vector.shape_cast %swap3A_1008 : vector<1x16xf32> to vector<16xf32>
        %swap3A_1010 = vector.shape_cast %mul3A_1005 : vector<16xf32> to vector<1x16xf32>
        tpu.vector_store %arg16[%swap3A_1006, %swap3A_1007], %swap3A_1010 {strides = array<i32>} : memref<80x128xf32, #tpu.memory_space<vmem>>, vector<1x16xf32>,
        %add3A_1011 = arith.constant 4 : i32
        %add3A_1012 = arith.addi %mul3A_484, %add3A_1011 : i32
        %add3A_1013 = arith.constant 2 : i32
        %add3A_1014 = arith.addi %mul3A_486, %add3A_1013 : i32
        %broadcast_in_dim3A_1015 = arith.constant 0.000000e+00 : f32
        %broadcast_in_dim3A_1016 = vector.broadcast %broadcast_in_dim3A_1015 : f32 to vector<16xf32>
        %get3A_1017 = arith.index_cast %add3A_1014 : i32 to index
        %get3A_1018 = arith.constant 0 : index
        %get3A_1019 = tpu.vector_load %arg15[%get3A_1017, %get3A_1018] {strides = array<i32>} : memref<40x128xf32, #tpu.memory_space<vmem>>, vector<1x16xf32>,
        %get3A_1020 = vector.shape_cast %get3A_1019 : vector<1x16xf32> to vector<16xf32>
        %get3A_1021 = arith.index_cast %add3A_1012 : i32 to index
        %get3A_1022 = arith.constant 0 : index
        %get3A_1023 = tpu.vector_load %arg12[%get3A_1021, %get3A_1022] {strides = array<i32>} : memref<80x128xf32, #tpu.memory_space<vmem>>, vector<1x16xf32>,
        %get3A_1024 = vector.shape_cast %get3A_1023 : vector<1x16xf32> to vector<16xf32>
        %get3A_1025 = arith.index_cast %add3A_1012 : i32 to index
        %get3A_1026 = arith.constant 0 : index
        %get3A_1027 = tpu.vector_load %arg13[%get3A_1025, %get3A_1026] {strides = array<i32>} : memref<80x128xf32, #tpu.memory_space<vmem>>, vector<1x16xf32>,
        %get3A_1028 = vector.shape_cast %get3A_1027 : vector<1x16xf32> to vector<16xf32>
        %add3A_1029 = arith.addf %get3A_1028, %get3A_1020 : vector<16xf32>
        %mul3A_1030 = arith.mulf %get3A_1024, %add3A_1029 : vector<16xf32>
        %add3A_1031 = arith.addf %broadcast_in_dim3A_1016, %mul3A_1030 : vector<16xf32>
        %get3A_1032 = arith.index_cast %add3A_1014 : i32 to index
        %get3A_1033 = arith.constant 16 : index
        %get3A_1034 = tpu.vector_load %arg15[%get3A_1032, %get3A_1033] {strides = array<i32>} : memref<40x128xf32, #tpu.memory_space<vmem>>, vector<1x16xf32>,
        %get3A_1035 = vector.shape_cast %get3A_1034 : vector<1x16xf32> to vector<16xf32>
        %get3A_1036 = arith.index_cast %add3A_1012 : i32 to index
        %get3A_1037 = arith.constant 16 : index
        %get3A_1038 = tpu.vector_load %arg12[%get3A_1036, %get3A_1037] {strides = array<i32>} : memref<80x128xf32, #tpu.memory_space<vmem>>, vector<1x16xf32>,
        %get3A_1039 = vector.shape_cast %get3A_1038 : vector<1x16xf32> to vector<16xf32>
        %get3A_1040 = arith.index_cast %add3A_1012 : i32 to index
        %get3A_1041 = arith.constant 16 : index
        %get3A_1042 = tpu.vector_load %arg13[%get3A_1040, %get3A_1041] {strides = array<i32>} : memref<80x128xf32, #tpu.memory_space<vmem>>, vector<1x16xf32>,
        %get3A_1043 = vector.shape_cast %get3A_1042 : vector<1x16xf32> to vector<16xf32>
        %add3A_1044 = arith.addf %get3A_1043, %get3A_1035 : vector<16xf32>
        %mul3A_1045 = arith.mulf %get3A_1039, %add3A_1044 : vector<16xf32>
        %add3A_1046 = arith.addf %add3A_1031, %mul3A_1045 : vector<16xf32>
        %get3A_1047 = arith.index_cast %add3A_1014 : i32 to index
        %get3A_1048 = arith.constant 32 : index
        %get3A_1049 = tpu.vector_load %arg15[%get3A_1047, %get3A_1048] {strides = array<i32>} : memref<40x128xf32, #tpu.memory_space<vmem>>, vector<1x16xf32>,
        %get3A_1050 = vector.shape_cast %get3A_1049 : vector<1x16xf32> to vector<16xf32>
        %get3A_1051 = arith.index_cast %add3A_1012 : i32 to index
        %get3A_1052 = arith.constant 32 : index
        %get3A_1053 = tpu.vector_load %arg12[%get3A_1051, %get3A_1052] {strides = array<i32>} : memref<80x128xf32, #tpu.memory_space<vmem>>, vector<1x16xf32>,
        %get3A_1054 = vector.shape_cast %get3A_1053 : vector<1x16xf32> to vector<16xf32>
        %get3A_1055 = arith.index_cast %add3A_1012 : i32 to index
        %get3A_1056 = arith.constant 32 : index
        %get3A_1057 = tpu.vector_load %arg13[%get3A_1055, %get3A_1056] {strides = array<i32>} : memref<80x128xf32, #tpu.memory_space<vmem>>, vector<1x16xf32>,
        %get3A_1058 = vector.shape_cast %get3A_1057 : vector<1x16xf32> to vector<16xf32>
        %add3A_1059 = arith.addf %get3A_1058, %get3A_1050 : vector<16xf32>
        %mul3A_1060 = arith.mulf %get3A_1054, %add3A_1059 : vector<16xf32>
        %add3A_1061 = arith.addf %add3A_1046, %mul3A_1060 : vector<16xf32>
        %get3A_1062 = arith.index_cast %add3A_1014 : i32 to index
        %get3A_1063 = arith.constant 48 : index
        %get3A_1064 = tpu.vector_load %arg15[%get3A_1062, %get3A_1063] {strides = array<i32>} : memref<40x128xf32, #tpu.memory_space<vmem>>, vector<1x16xf32>,
        %get3A_1065 = vector.shape_cast %get3A_1064 : vector<1x16xf32> to vector<16xf32>
        %get3A_1066 = arith.index_cast %add3A_1012 : i32 to index
        %get3A_1067 = arith.constant 48 : index
        %get3A_1068 = tpu.vector_load %arg12[%get3A_1066, %get3A_1067] {strides = array<i32>} : memref<80x128xf32, #tpu.memory_space<vmem>>, vector<1x16xf32>,
        %get3A_1069 = vector.shape_cast %get3A_1068 : vector<1x16xf32> to vector<16xf32>
        %get3A_1070 = arith.index_cast %add3A_1012 : i32 to index
        %get3A_1071 = arith.constant 48 : index
        %get3A_1072 = tpu.vector_load %arg13[%get3A_1070, %get3A_1071] {strides = array<i32>} : memref<80x128xf32, #tpu.memory_space<vmem>>, vector<1x16xf32>,
        %get3A_1073 = vector.shape_cast %get3A_1072 : vector<1x16xf32> to vector<16xf32>
        %add3A_1074 = arith.addf %get3A_1073, %get3A_1065 : vector<16xf32>
        %mul3A_1075 = arith.mulf %get3A_1069, %add3A_1074 : vector<16xf32>
        %add3A_1076 = arith.addf %add3A_1061, %mul3A_1075 : vector<16xf32>
        %gather3A_1077 = vector.shape_cast %broadcast_in_dim3A_35 : vector<16x1xi32> to vector<16xi32>
        %gather3A_1078 = tpu.dynamic_gather %add3A_1076[%gather3A_1077] in [0] : vector<16xf32>, vector<16xi32> -> vector<16xf32>
        %add3A_1079 = arith.addf %add3A_1076, %gather3A_1078 : vector<16xf32>
        %gather3A_1080 = vector.shape_cast %broadcast_in_dim3A_39 : vector<16x1xi32> to vector<16xi32>
        %gather3A_1081 = tpu.dynamic_gather %add3A_1079[%gather3A_1080] in [0] : vector<16xf32>, vector<16xi32> -> vector<16xf32>
        %add3A_1082 = arith.addf %add3A_1079, %gather3A_1081 : vector<16xf32>
        %gather3A_1083 = vector.shape_cast %broadcast_in_dim3A_43 : vector<16x1xi32> to vector<16xi32>
        %gather3A_1084 = tpu.dynamic_gather %add3A_1082[%gather3A_1083] in [0] : vector<16xf32>, vector<16xi32> -> vector<16xf32>
        %add3A_1085 = arith.addf %add3A_1082, %gather3A_1084 : vector<16xf32>
        %gather3A_1086 = vector.shape_cast %broadcast_in_dim3A_47 : vector<16x1xi32> to vector<16xi32>
        %gather3A_1087 = tpu.dynamic_gather %add3A_1085[%gather3A_1086] in [0] : vector<16xf32>, vector<16xi32> -> vector<16xf32>
        %add3A_1088 = arith.addf %add3A_1085, %gather3A_1087 : vector<16xf32>
        %mul3A_1089 = arith.constant 1.250000e-01 : f32
        %mul3A_1090 = vector.broadcast %mul3A_1089 : f32 to vector<16xf32>
        %mul3A_1091 = arith.mulf %add3A_1088, %mul3A_1090 : vector<16xf32>
        %exp3A_1092 = math.exp %mul3A_1091 : vector<16xf32>
        %get3A_1093 = arith.index_cast %add3A_1012 : i32 to index
        %get3A_1094 = arith.constant 64 : index
        %get3A_1095 = tpu.vector_load %arg13[%get3A_1093, %get3A_1094] {strides = array<i32>} : memref<80x128xf32, #tpu.memory_space<vmem>>, vector<1x16xf32>,
        %get3A_1096 = vector.shape_cast %get3A_1095 : vector<1x16xf32> to vector<16xf32>
        %add3A_1097 = arith.addf %get3A_1096, %get3A_1020 : vector<16xf32>
        %mul3A_1098 = arith.mulf %exp3A_1092, %add3A_1097 : vector<16xf32>
        %swap3A_1099 = arith.index_cast %add3A_1012 : i32 to index
        %swap3A_1100 = arith.constant 0 : index
        %swap3A_1101 = tpu.vector_load %arg16[%swap3A_1099, %swap3A_1100] {strides = array<i32>} : memref<80x128xf32, #tpu.memory_space<vmem>>, vector<1x16xf32>,
        %swap3A_1102 = vector.shape_cast %swap3A_1101 : vector<1x16xf32> to vector<16xf32>
        %swap3A_1103 = vector.shape_cast %mul3A_1098 : vector<16xf32> to vector<1x16xf32>
        tpu.vector_store %arg16[%swap3A_1099, %swap3A_1100], %swap3A_1103 {strides = array<i32>} : memref<80x128xf32, #tpu.memory_space<vmem>>, vector<1x16xf32>,
        %get3A_1104 = arith.index_cast %add3A_1012 : i32 to index
        %get3A_1105 = arith.constant 80 : index
        %get3A_1106 = tpu.vector_load %arg13[%get3A_1104, %get3A_1105] {strides = array<i32>} : memref<80x128xf32, #tpu.memory_space<vmem>>, vector<1x16xf32>,
        %get3A_1107 = vector.shape_cast %get3A_1106 : vector<1x16xf32> to vector<16xf32>
        %add3A_1108 = arith.addf %get3A_1107, %get3A_1035 : vector<16xf32>
        %mul3A_1109 = arith.mulf %exp3A_1092, %add3A_1108 : vector<16xf32>
        %swap3A_1110 = arith.index_cast %add3A_1012 : i32 to index
        %swap3A_1111 = arith.constant 16 : index
        %swap3A_1112 = tpu.vector_load %arg16[%swap3A_1110, %swap3A_1111] {strides = array<i32>} : memref<80x128xf32, #tpu.memory_space<vmem>>, vector<1x16xf32>,
        %swap3A_1113 = vector.shape_cast %swap3A_1112 : vector<1x16xf32> to vector<16xf32>
        %swap3A_1114 = vector.shape_cast %mul3A_1109 : vector<16xf32> to vector<1x16xf32>
        tpu.vector_store %arg16[%swap3A_1110, %swap3A_1111], %swap3A_1114 {strides = array<i32>} : memref<80x128xf32, #tpu.memory_space<vmem>>, vector<1x16xf32>,
        %get3A_1115 = arith.index_cast %add3A_1012 : i32 to index
        %get3A_1116 = arith.constant 96 : index
        %get3A_1117 = tpu.vector_load %arg13[%get3A_1115, %get3A_1116] {strides = array<i32>} : memref<80x128xf32, #tpu.memory_space<vmem>>, vector<1x16xf32>,
        %get3A_1118 = vector.shape_cast %get3A_1117 : vector<1x16xf32> to vector<16xf32>
        %add3A_1119 = arith.addf %get3A_1118, %get3A_1050 : vector<16xf32>
        %mul3A_1120 = arith.mulf %exp3A_1092, %add3A_1119 : vector<16xf32>
        %swap3A_1121 = arith.index_cast %add3A_1012 : i32 to index
        %swap3A_1122 = arith.constant 32 : index
        %swap3A_1123 = tpu.vector_load %arg16[%swap3A_1121, %swap3A_1122] {strides = array<i32>} : memref<80x128xf32, #tpu.memory_space<vmem>>, vector<1x16xf32>,
        %swap3A_1124 = vector.shape_cast %swap3A_1123 : vector<1x16xf32> to vector<16xf32>
        %swap3A_1125 = vector.shape_cast %mul3A_1120 : vector<16xf32> to vector<1x16xf32>
        tpu.vector_store %arg16[%swap3A_1121, %swap3A_1122], %swap3A_1125 {strides = array<i32>} : memref<80x128xf32, #tpu.memory_space<vmem>>, vector<1x16xf32>,
        %get3A_1126 = arith.index_cast %add3A_1012 : i32 to index
        %get3A_1127 = arith.constant 112 : index
        %get3A_1128 = tpu.vector_load %arg13[%get3A_1126, %get3A_1127] {strides = array<i32>} : memref<80x128xf32, #tpu.memory_space<vmem>>, vector<1x16xf32>,
        %get3A_1129 = vector.shape_cast %get3A_1128 : vector<1x16xf32> to vector<16xf32>
        %add3A_1130 = arith.addf %get3A_1129, %get3A_1065 : vector<16xf32>
        %mul3A_1131 = arith.mulf %exp3A_1092, %add3A_1130 : vector<16xf32>
        %swap3A_1132 = arith.index_cast %add3A_1012 : i32 to index
        %swap3A_1133 = arith.constant 48 : index
        %swap3A_1134 = tpu.vector_load %arg16[%swap3A_1132, %swap3A_1133] {strides = array<i32>} : memref<80x128xf32, #tpu.memory_space<vmem>>, vector<1x16xf32>,
        %swap3A_1135 = vector.shape_cast %swap3A_1134 : vector<1x16xf32> to vector<16xf32>
        %swap3A_1136 = vector.shape_cast %mul3A_1131 : vector<16xf32> to vector<1x16xf32>
        tpu.vector_store %arg16[%swap3A_1132, %swap3A_1133], %swap3A_1136 {strides = array<i32>} : memref<80x128xf32, #tpu.memory_space<vmem>>, vector<1x16xf32>,
        %mul3A_1137 = arith.mulf %exp3A_1092, %select_n3A : vector<16xf32>
        %swap3A_1138 = arith.index_cast %add3A_1012 : i32 to index
        %swap3A_1139 = arith.constant 64 : index
        %swap3A_1140 = tpu.vector_load %arg16[%swap3A_1138, %swap3A_1139] {strides = array<i32>} : memref<80x128xf32, #tpu.memory_space<vmem>>, vector<1x16xf32>,
        %swap3A_1141 = vector.shape_cast %swap3A_1140 : vector<1x16xf32> to vector<16xf32>
        %swap3A_1142 = vector.shape_cast %mul3A_1137 : vector<16xf32> to vector<1x16xf32>
        tpu.vector_store %arg16[%swap3A_1138, %swap3A_1139], %swap3A_1142 {strides = array<i32>} : memref<80x128xf32, #tpu.memory_space<vmem>>, vector<1x16xf32>,
        %add3A_1143 = arith.constant 5 : i32
        %add3A_1144 = arith.addi %mul3A_484, %add3A_1143 : i32
        %add3A_1145 = arith.constant 2 : i32
        %add3A_1146 = arith.addi %mul3A_486, %add3A_1145 : i32
        %broadcast_in_dim3A_1147 = arith.constant 0.000000e+00 : f32
        %broadcast_in_dim3A_1148 = vector.broadcast %broadcast_in_dim3A_1147 : f32 to vector<16xf32>
        %get3A_1149 = arith.index_cast %add3A_1146 : i32 to index
        %get3A_1150 = arith.constant 64 : index
        %get3A_1151 = tpu.vector_load %arg15[%get3A_1149, %get3A_1150] {strides = array<i32>} : memref<40x128xf32, #tpu.memory_space<vmem>>, vector<1x16xf32>,
        %get3A_1152 = vector.shape_cast %get3A_1151 : vector<1x16xf32> to vector<16xf32>
        %get3A_1153 = arith.index_cast %add3A_1144 : i32 to index
        %get3A_1154 = arith.constant 0 : index
        %get3A_1155 = tpu.vector_load %arg12[%get3A_1153, %get3A_1154] {strides = array<i32>} : memref<80x128xf32, #tpu.memory_space<vmem>>, vector<1x16xf32>,
        %get3A_1156 = vector.shape_cast %get3A_1155 : vector<1x16xf32> to vector<16xf32>
        %get3A_1157 = arith.index_cast %add3A_1144 : i32 to index
        %get3A_1158 = arith.constant 0 : index
        %get3A_1159 = tpu.vector_load %arg13[%get3A_1157, %get3A_1158] {strides = array<i32>} : memref<80x128xf32, #tpu.memory_space<vmem>>, vector<1x16xf32>,
        %get3A_1160 = vector.shape_cast %get3A_1159 : vector<1x16xf32> to vector<16xf32>
        %add3A_1161 = arith.addf %get3A_1160, %get3A_1152 : vector<16xf32>
        %mul3A_1162 = arith.mulf %get3A_1156, %add3A_1161 : vector<16xf32>
        %add3A_1163 = arith.addf %broadcast_in_dim3A_1148, %mul3A_1162 : vector<16xf32>
        %get3A_1164 = arith.index_cast %add3A_1146 : i32 to index
        %get3A_1165 = arith.constant 80 : index
        %get3A_1166 = tpu.vector_load %arg15[%get3A_1164, %get3A_1165] {strides = array<i32>} : memref<40x128xf32, #tpu.memory_space<vmem>>, vector<1x16xf32>,
        %get3A_1167 = vector.shape_cast %get3A_1166 : vector<1x16xf32> to vector<16xf32>
        %get3A_1168 = arith.index_cast %add3A_1144 : i32 to index
        %get3A_1169 = arith.constant 16 : index
        %get3A_1170 = tpu.vector_load %arg12[%get3A_1168, %get3A_1169] {strides = array<i32>} : memref<80x128xf32, #tpu.memory_space<vmem>>, vector<1x16xf32>,
        %get3A_1171 = vector.shape_cast %get3A_1170 : vector<1x16xf32> to vector<16xf32>
        %get3A_1172 = arith.index_cast %add3A_1144 : i32 to index
        %get3A_1173 = arith.constant 16 : index
        %get3A_1174 = tpu.vector_load %arg13[%get3A_1172, %get3A_1173] {strides = array<i32>} : memref<80x128xf32, #tpu.memory_space<vmem>>, vector<1x16xf32>,
        %get3A_1175 = vector.shape_cast %get3A_1174 : vector<1x16xf32> to vector<16xf32>
        %add3A_1176 = arith.addf %get3A_1175, %get3A_1167 : vector<16xf32>
        %mul3A_1177 = arith.mulf %get3A_1171, %add3A_1176 : vector<16xf32>
        %add3A_1178 = arith.addf %add3A_1163, %mul3A_1177 : vector<16xf32>
        %get3A_1179 = arith.index_cast %add3A_1146 : i32 to index
        %get3A_1180 = arith.constant 96 : index
        %get3A_1181 = tpu.vector_load %arg15[%get3A_1179, %get3A_1180] {strides = array<i32>} : memref<40x128xf32, #tpu.memory_space<vmem>>, vector<1x16xf32>,
        %get3A_1182 = vector.shape_cast %get3A_1181 : vector<1x16xf32> to vector<16xf32>
        %get3A_1183 = arith.index_cast %add3A_1144 : i32 to index
        %get3A_1184 = arith.constant 32 : index
        %get3A_1185 = tpu.vector_load %arg12[%get3A_1183, %get3A_1184] {strides = array<i32>} : memref<80x128xf32, #tpu.memory_space<vmem>>, vector<1x16xf32>,
        %get3A_1186 = vector.shape_cast %get3A_1185 : vector<1x16xf32> to vector<16xf32>
        %get3A_1187 = arith.index_cast %add3A_1144 : i32 to index
        %get3A_1188 = arith.constant 32 : index
        %get3A_1189 = tpu.vector_load %arg13[%get3A_1187, %get3A_1188] {strides = array<i32>} : memref<80x128xf32, #tpu.memory_space<vmem>>, vector<1x16xf32>,
        %get3A_1190 = vector.shape_cast %get3A_1189 : vector<1x16xf32> to vector<16xf32>
        %add3A_1191 = arith.addf %get3A_1190, %get3A_1182 : vector<16xf32>
        %mul3A_1192 = arith.mulf %get3A_1186, %add3A_1191 : vector<16xf32>
        %add3A_1193 = arith.addf %add3A_1178, %mul3A_1192 : vector<16xf32>
        %get3A_1194 = arith.index_cast %add3A_1146 : i32 to index
        %get3A_1195 = arith.constant 112 : index
        %get3A_1196 = tpu.vector_load %arg15[%get3A_1194, %get3A_1195] {strides = array<i32>} : memref<40x128xf32, #tpu.memory_space<vmem>>, vector<1x16xf32>,
        %get3A_1197 = vector.shape_cast %get3A_1196 : vector<1x16xf32> to vector<16xf32>
        %get3A_1198 = arith.index_cast %add3A_1144 : i32 to index
        %get3A_1199 = arith.constant 48 : index
        %get3A_1200 = tpu.vector_load %arg12[%get3A_1198, %get3A_1199] {strides = array<i32>} : memref<80x128xf32, #tpu.memory_space<vmem>>, vector<1x16xf32>,
        %get3A_1201 = vector.shape_cast %get3A_1200 : vector<1x16xf32> to vector<16xf32>
        %get3A_1202 = arith.index_cast %add3A_1144 : i32 to index
        %get3A_1203 = arith.constant 48 : index
        %get3A_1204 = tpu.vector_load %arg13[%get3A_1202, %get3A_1203] {strides = array<i32>} : memref<80x128xf32, #tpu.memory_space<vmem>>, vector<1x16xf32>,
        %get3A_1205 = vector.shape_cast %get3A_1204 : vector<1x16xf32> to vector<16xf32>
        %add3A_1206 = arith.addf %get3A_1205, %get3A_1197 : vector<16xf32>
        %mul3A_1207 = arith.mulf %get3A_1201, %add3A_1206 : vector<16xf32>
        %add3A_1208 = arith.addf %add3A_1193, %mul3A_1207 : vector<16xf32>
        %gather3A_1209 = vector.shape_cast %broadcast_in_dim3A_35 : vector<16x1xi32> to vector<16xi32>
        %gather3A_1210 = tpu.dynamic_gather %add3A_1208[%gather3A_1209] in [0] : vector<16xf32>, vector<16xi32> -> vector<16xf32>
        %add3A_1211 = arith.addf %add3A_1208, %gather3A_1210 : vector<16xf32>
        %gather3A_1212 = vector.shape_cast %broadcast_in_dim3A_39 : vector<16x1xi32> to vector<16xi32>
        %gather3A_1213 = tpu.dynamic_gather %add3A_1211[%gather3A_1212] in [0] : vector<16xf32>, vector<16xi32> -> vector<16xf32>
        %add3A_1214 = arith.addf %add3A_1211, %gather3A_1213 : vector<16xf32>
        %gather3A_1215 = vector.shape_cast %broadcast_in_dim3A_43 : vector<16x1xi32> to vector<16xi32>
        %gather3A_1216 = tpu.dynamic_gather %add3A_1214[%gather3A_1215] in [0] : vector<16xf32>, vector<16xi32> -> vector<16xf32>
        %add3A_1217 = arith.addf %add3A_1214, %gather3A_1216 : vector<16xf32>
        %gather3A_1218 = vector.shape_cast %broadcast_in_dim3A_47 : vector<16x1xi32> to vector<16xi32>
        %gather3A_1219 = tpu.dynamic_gather %add3A_1217[%gather3A_1218] in [0] : vector<16xf32>, vector<16xi32> -> vector<16xf32>
        %add3A_1220 = arith.addf %add3A_1217, %gather3A_1219 : vector<16xf32>
        %mul3A_1221 = arith.constant 1.250000e-01 : f32
        %mul3A_1222 = vector.broadcast %mul3A_1221 : f32 to vector<16xf32>
        %mul3A_1223 = arith.mulf %add3A_1220, %mul3A_1222 : vector<16xf32>
        %exp3A_1224 = math.exp %mul3A_1223 : vector<16xf32>
        %get3A_1225 = arith.index_cast %add3A_1144 : i32 to index
        %get3A_1226 = arith.constant 64 : index
        %get3A_1227 = tpu.vector_load %arg13[%get3A_1225, %get3A_1226] {strides = array<i32>} : memref<80x128xf32, #tpu.memory_space<vmem>>, vector<1x16xf32>,
        %get3A_1228 = vector.shape_cast %get3A_1227 : vector<1x16xf32> to vector<16xf32>
        %add3A_1229 = arith.addf %get3A_1228, %get3A_1152 : vector<16xf32>
        %mul3A_1230 = arith.mulf %exp3A_1224, %add3A_1229 : vector<16xf32>
        %swap3A_1231 = arith.index_cast %add3A_1144 : i32 to index
        %swap3A_1232 = arith.constant 0 : index
        %swap3A_1233 = tpu.vector_load %arg16[%swap3A_1231, %swap3A_1232] {strides = array<i32>} : memref<80x128xf32, #tpu.memory_space<vmem>>, vector<1x16xf32>,
        %swap3A_1234 = vector.shape_cast %swap3A_1233 : vector<1x16xf32> to vector<16xf32>
        %swap3A_1235 = vector.shape_cast %mul3A_1230 : vector<16xf32> to vector<1x16xf32>
        tpu.vector_store %arg16[%swap3A_1231, %swap3A_1232], %swap3A_1235 {strides = array<i32>} : memref<80x128xf32, #tpu.memory_space<vmem>>, vector<1x16xf32>,
        %get3A_1236 = arith.index_cast %add3A_1144 : i32 to index
        %get3A_1237 = arith.constant 80 : index
        %get3A_1238 = tpu.vector_load %arg13[%get3A_1236, %get3A_1237] {strides = array<i32>} : memref<80x128xf32, #tpu.memory_space<vmem>>, vector<1x16xf32>,
        %get3A_1239 = vector.shape_cast %get3A_1238 : vector<1x16xf32> to vector<16xf32>
        %add3A_1240 = arith.addf %get3A_1239, %get3A_1167 : vector<16xf32>
        %mul3A_1241 = arith.mulf %exp3A_1224, %add3A_1240 : vector<16xf32>
        %swap3A_1242 = arith.index_cast %add3A_1144 : i32 to index
        %swap3A_1243 = arith.constant 16 : index
        %swap3A_1244 = tpu.vector_load %arg16[%swap3A_1242, %swap3A_1243] {strides = array<i32>} : memref<80x128xf32, #tpu.memory_space<vmem>>, vector<1x16xf32>,
        %swap3A_1245 = vector.shape_cast %swap3A_1244 : vector<1x16xf32> to vector<16xf32>
        %swap3A_1246 = vector.shape_cast %mul3A_1241 : vector<16xf32> to vector<1x16xf32>
        tpu.vector_store %arg16[%swap3A_1242, %swap3A_1243], %swap3A_1246 {strides = array<i32>} : memref<80x128xf32, #tpu.memory_space<vmem>>, vector<1x16xf32>,
        %get3A_1247 = arith.index_cast %add3A_1144 : i32 to index
        %get3A_1248 = arith.constant 96 : index
        %get3A_1249 = tpu.vector_load %arg13[%get3A_1247, %get3A_1248] {strides = array<i32>} : memref<80x128xf32, #tpu.memory_space<vmem>>, vector<1x16xf32>,
        %get3A_1250 = vector.shape_cast %get3A_1249 : vector<1x16xf32> to vector<16xf32>
        %add3A_1251 = arith.addf %get3A_1250, %get3A_1182 : vector<16xf32>
        %mul3A_1252 = arith.mulf %exp3A_1224, %add3A_1251 : vector<16xf32>
        %swap3A_1253 = arith.index_cast %add3A_1144 : i32 to index
        %swap3A_1254 = arith.constant 32 : index
        %swap3A_1255 = tpu.vector_load %arg16[%swap3A_1253, %swap3A_1254] {strides = array<i32>} : memref<80x128xf32, #tpu.memory_space<vmem>>, vector<1x16xf32>,
        %swap3A_1256 = vector.shape_cast %swap3A_1255 : vector<1x16xf32> to vector<16xf32>
        %swap3A_1257 = vector.shape_cast %mul3A_1252 : vector<16xf32> to vector<1x16xf32>
        tpu.vector_store %arg16[%swap3A_1253, %swap3A_1254], %swap3A_1257 {strides = array<i32>} : memref<80x128xf32, #tpu.memory_space<vmem>>, vector<1x16xf32>,
        %get3A_1258 = arith.index_cast %add3A_1144 : i32 to index
        %get3A_1259 = arith.constant 112 : index
        %get3A_1260 = tpu.vector_load %arg13[%get3A_1258, %get3A_1259] {strides = array<i32>} : memref<80x128xf32, #tpu.memory_space<vmem>>, vector<1x16xf32>,
        %get3A_1261 = vector.shape_cast %get3A_1260 : vector<1x16xf32> to vector<16xf32>
        %add3A_1262 = arith.addf %get3A_1261, %get3A_1197 : vector<16xf32>
        %mul3A_1263 = arith.mulf %exp3A_1224, %add3A_1262 : vector<16xf32>
        %swap3A_1264 = arith.index_cast %add3A_1144 : i32 to index
        %swap3A_1265 = arith.constant 48 : index
        %swap3A_1266 = tpu.vector_load %arg16[%swap3A_1264, %swap3A_1265] {strides = array<i32>} : memref<80x128xf32, #tpu.memory_space<vmem>>, vector<1x16xf32>,
        %swap3A_1267 = vector.shape_cast %swap3A_1266 : vector<1x16xf32> to vector<16xf32>
        %swap3A_1268 = vector.shape_cast %mul3A_1263 : vector<16xf32> to vector<1x16xf32>
        tpu.vector_store %arg16[%swap3A_1264, %swap3A_1265], %swap3A_1268 {strides = array<i32>} : memref<80x128xf32, #tpu.memory_space<vmem>>, vector<1x16xf32>,
        %mul3A_1269 = arith.mulf %exp3A_1224, %select_n3A : vector<16xf32>
        %swap3A_1270 = arith.index_cast %add3A_1144 : i32 to index
        %swap3A_1271 = arith.constant 64 : index
        %swap3A_1272 = tpu.vector_load %arg16[%swap3A_1270, %swap3A_1271] {strides = array<i32>} : memref<80x128xf32, #tpu.memory_space<vmem>>, vector<1x16xf32>,
        %swap3A_1273 = vector.shape_cast %swap3A_1272 : vector<1x16xf32> to vector<16xf32>
        %swap3A_1274 = vector.shape_cast %mul3A_1269 : vector<16xf32> to vector<1x16xf32>
        tpu.vector_store %arg16[%swap3A_1270, %swap3A_1271], %swap3A_1274 {strides = array<i32>} : memref<80x128xf32, #tpu.memory_space<vmem>>, vector<1x16xf32>,
        %add3A_1275 = arith.constant 6 : i32
        %add3A_1276 = arith.addi %mul3A_484, %add3A_1275 : i32
        %add3A_1277 = arith.constant 3 : i32
        %add3A_1278 = arith.addi %mul3A_486, %add3A_1277 : i32
        %broadcast_in_dim3A_1279 = arith.constant 0.000000e+00 : f32
        %broadcast_in_dim3A_1280 = vector.broadcast %broadcast_in_dim3A_1279 : f32 to vector<16xf32>
        %get3A_1281 = arith.index_cast %add3A_1278 : i32 to index
        %get3A_1282 = arith.constant 0 : index
        %get3A_1283 = tpu.vector_load %arg15[%get3A_1281, %get3A_1282] {strides = array<i32>} : memref<40x128xf32, #tpu.memory_space<vmem>>, vector<1x16xf32>,
        %get3A_1284 = vector.shape_cast %get3A_1283 : vector<1x16xf32> to vector<16xf32>
        %get3A_1285 = arith.index_cast %add3A_1276 : i32 to index
        %get3A_1286 = arith.constant 0 : index
        %get3A_1287 = tpu.vector_load %arg12[%get3A_1285, %get3A_1286] {strides = array<i32>} : memref<80x128xf32, #tpu.memory_space<vmem>>, vector<1x16xf32>,
        %get3A_1288 = vector.shape_cast %get3A_1287 : vector<1x16xf32> to vector<16xf32>
        %get3A_1289 = arith.index_cast %add3A_1276 : i32 to index
        %get3A_1290 = arith.constant 0 : index
        %get3A_1291 = tpu.vector_load %arg13[%get3A_1289, %get3A_1290] {strides = array<i32>} : memref<80x128xf32, #tpu.memory_space<vmem>>, vector<1x16xf32>,
        %get3A_1292 = vector.shape_cast %get3A_1291 : vector<1x16xf32> to vector<16xf32>
        %add3A_1293 = arith.addf %get3A_1292, %get3A_1284 : vector<16xf32>
        %mul3A_1294 = arith.mulf %get3A_1288, %add3A_1293 : vector<16xf32>
        %add3A_1295 = arith.addf %broadcast_in_dim3A_1280, %mul3A_1294 : vector<16xf32>
        %get3A_1296 = arith.index_cast %add3A_1278 : i32 to index
        %get3A_1297 = arith.constant 16 : index
        %get3A_1298 = tpu.vector_load %arg15[%get3A_1296, %get3A_1297] {strides = array<i32>} : memref<40x128xf32, #tpu.memory_space<vmem>>, vector<1x16xf32>,
        %get3A_1299 = vector.shape_cast %get3A_1298 : vector<1x16xf32> to vector<16xf32>
        %get3A_1300 = arith.index_cast %add3A_1276 : i32 to index
        %get3A_1301 = arith.constant 16 : index
        %get3A_1302 = tpu.vector_load %arg12[%get3A_1300, %get3A_1301] {strides = array<i32>} : memref<80x128xf32, #tpu.memory_space<vmem>>, vector<1x16xf32>,
        %get3A_1303 = vector.shape_cast %get3A_1302 : vector<1x16xf32> to vector<16xf32>
        %get3A_1304 = arith.index_cast %add3A_1276 : i32 to index
        %get3A_1305 = arith.constant 16 : index
        %get3A_1306 = tpu.vector_load %arg13[%get3A_1304, %get3A_1305] {strides = array<i32>} : memref<80x128xf32, #tpu.memory_space<vmem>>, vector<1x16xf32>,
        %get3A_1307 = vector.shape_cast %get3A_1306 : vector<1x16xf32> to vector<16xf32>
        %add3A_1308 = arith.addf %get3A_1307, %get3A_1299 : vector<16xf32>
        %mul3A_1309 = arith.mulf %get3A_1303, %add3A_1308 : vector<16xf32>
        %add3A_1310 = arith.addf %add3A_1295, %mul3A_1309 : vector<16xf32>
        %get3A_1311 = arith.index_cast %add3A_1278 : i32 to index
        %get3A_1312 = arith.constant 32 : index
        %get3A_1313 = tpu.vector_load %arg15[%get3A_1311, %get3A_1312] {strides = array<i32>} : memref<40x128xf32, #tpu.memory_space<vmem>>, vector<1x16xf32>,
        %get3A_1314 = vector.shape_cast %get3A_1313 : vector<1x16xf32> to vector<16xf32>
        %get3A_1315 = arith.index_cast %add3A_1276 : i32 to index
        %get3A_1316 = arith.constant 32 : index
        %get3A_1317 = tpu.vector_load %arg12[%get3A_1315, %get3A_1316] {strides = array<i32>} : memref<80x128xf32, #tpu.memory_space<vmem>>, vector<1x16xf32>,
        %get3A_1318 = vector.shape_cast %get3A_1317 : vector<1x16xf32> to vector<16xf32>
        %get3A_1319 = arith.index_cast %add3A_1276 : i32 to index
        %get3A_1320 = arith.constant 32 : index
        %get3A_1321 = tpu.vector_load %arg13[%get3A_1319, %get3A_1320] {strides = array<i32>} : memref<80x128xf32, #tpu.memory_space<vmem>>, vector<1x16xf32>,
        %get3A_1322 = vector.shape_cast %get3A_1321 : vector<1x16xf32> to vector<16xf32>
        %add3A_1323 = arith.addf %get3A_1322, %get3A_1314 : vector<16xf32>
        %mul3A_1324 = arith.mulf %get3A_1318, %add3A_1323 : vector<16xf32>
        %add3A_1325 = arith.addf %add3A_1310, %mul3A_1324 : vector<16xf32>
        %get3A_1326 = arith.index_cast %add3A_1278 : i32 to index
        %get3A_1327 = arith.constant 48 : index
        %get3A_1328 = tpu.vector_load %arg15[%get3A_1326, %get3A_1327] {strides = array<i32>} : memref<40x128xf32, #tpu.memory_space<vmem>>, vector<1x16xf32>,
        %get3A_1329 = vector.shape_cast %get3A_1328 : vector<1x16xf32> to vector<16xf32>
        %get3A_1330 = arith.index_cast %add3A_1276 : i32 to index
        %get3A_1331 = arith.constant 48 : index
        %get3A_1332 = tpu.vector_load %arg12[%get3A_1330, %get3A_1331] {strides = array<i32>} : memref<80x128xf32, #tpu.memory_space<vmem>>, vector<1x16xf32>,
        %get3A_1333 = vector.shape_cast %get3A_1332 : vector<1x16xf32> to vector<16xf32>
        %get3A_1334 = arith.index_cast %add3A_1276 : i32 to index
        %get3A_1335 = arith.constant 48 : index
        %get3A_1336 = tpu.vector_load %arg13[%get3A_1334, %get3A_1335] {strides = array<i32>} : memref<80x128xf32, #tpu.memory_space<vmem>>, vector<1x16xf32>,
        %get3A_1337 = vector.shape_cast %get3A_1336 : vector<1x16xf32> to vector<16xf32>
        %add3A_1338 = arith.addf %get3A_1337, %get3A_1329 : vector<16xf32>
        %mul3A_1339 = arith.mulf %get3A_1333, %add3A_1338 : vector<16xf32>
        %add3A_1340 = arith.addf %add3A_1325, %mul3A_1339 : vector<16xf32>
        %gather3A_1341 = vector.shape_cast %broadcast_in_dim3A_35 : vector<16x1xi32> to vector<16xi32>
        %gather3A_1342 = tpu.dynamic_gather %add3A_1340[%gather3A_1341] in [0] : vector<16xf32>, vector<16xi32> -> vector<16xf32>
        %add3A_1343 = arith.addf %add3A_1340, %gather3A_1342 : vector<16xf32>
        %gather3A_1344 = vector.shape_cast %broadcast_in_dim3A_39 : vector<16x1xi32> to vector<16xi32>
        %gather3A_1345 = tpu.dynamic_gather %add3A_1343[%gather3A_1344] in [0] : vector<16xf32>, vector<16xi32> -> vector<16xf32>
        %add3A_1346 = arith.addf %add3A_1343, %gather3A_1345 : vector<16xf32>
        %gather3A_1347 = vector.shape_cast %broadcast_in_dim3A_43 : vector<16x1xi32> to vector<16xi32>
        %gather3A_1348 = tpu.dynamic_gather %add3A_1346[%gather3A_1347] in [0] : vector<16xf32>, vector<16xi32> -> vector<16xf32>
        %add3A_1349 = arith.addf %add3A_1346, %gather3A_1348 : vector<16xf32>
        %gather3A_1350 = vector.shape_cast %broadcast_in_dim3A_47 : vector<16x1xi32> to vector<16xi32>
        %gather3A_1351 = tpu.dynamic_gather %add3A_1349[%gather3A_1350] in [0] : vector<16xf32>, vector<16xi32> -> vector<16xf32>
        %add3A_1352 = arith.addf %add3A_1349, %gather3A_1351 : vector<16xf32>
        %mul3A_1353 = arith.constant 1.250000e-01 : f32
        %mul3A_1354 = vector.broadcast %mul3A_1353 : f32 to vector<16xf32>
        %mul3A_1355 = arith.mulf %add3A_1352, %mul3A_1354 : vector<16xf32>
        %exp3A_1356 = math.exp %mul3A_1355 : vector<16xf32>
        %get3A_1357 = arith.index_cast %add3A_1276 : i32 to index
        %get3A_1358 = arith.constant 64 : index
        %get3A_1359 = tpu.vector_load %arg13[%get3A_1357, %get3A_1358] {strides = array<i32>} : memref<80x128xf32, #tpu.memory_space<vmem>>, vector<1x16xf32>,
        %get3A_1360 = vector.shape_cast %get3A_1359 : vector<1x16xf32> to vector<16xf32>
        %add3A_1361 = arith.addf %get3A_1360, %get3A_1284 : vector<16xf32>
        %mul3A_1362 = arith.mulf %exp3A_1356, %add3A_1361 : vector<16xf32>
        %swap3A_1363 = arith.index_cast %add3A_1276 : i32 to index
        %swap3A_1364 = arith.constant 0 : index
        %swap3A_1365 = tpu.vector_load %arg16[%swap3A_1363, %swap3A_1364] {strides = array<i32>} : memref<80x128xf32, #tpu.memory_space<vmem>>, vector<1x16xf32>,
        %swap3A_1366 = vector.shape_cast %swap3A_1365 : vector<1x16xf32> to vector<16xf32>
        %swap3A_1367 = vector.shape_cast %mul3A_1362 : vector<16xf32> to vector<1x16xf32>
        tpu.vector_store %arg16[%swap3A_1363, %swap3A_1364], %swap3A_1367 {strides = array<i32>} : memref<80x128xf32, #tpu.memory_space<vmem>>, vector<1x16xf32>,
        %get3A_1368 = arith.index_cast %add3A_1276 : i32 to index
        %get3A_1369 = arith.constant 80 : index
        %get3A_1370 = tpu.vector_load %arg13[%get3A_1368, %get3A_1369] {strides = array<i32>} : memref<80x128xf32, #tpu.memory_space<vmem>>, vector<1x16xf32>,
        %get3A_1371 = vector.shape_cast %get3A_1370 : vector<1x16xf32> to vector<16xf32>
        %add3A_1372 = arith.addf %get3A_1371, %get3A_1299 : vector<16xf32>
        %mul3A_1373 = arith.mulf %exp3A_1356, %add3A_1372 : vector<16xf32>
        %swap3A_1374 = arith.index_cast %add3A_1276 : i32 to index
        %swap3A_1375 = arith.constant 16 : index
        %swap3A_1376 = tpu.vector_load %arg16[%swap3A_1374, %swap3A_1375] {strides = array<i32>} : memref<80x128xf32, #tpu.memory_space<vmem>>, vector<1x16xf32>,
        %swap3A_1377 = vector.shape_cast %swap3A_1376 : vector<1x16xf32> to vector<16xf32>
        %swap3A_1378 = vector.shape_cast %mul3A_1373 : vector<16xf32> to vector<1x16xf32>
        tpu.vector_store %arg16[%swap3A_1374, %swap3A_1375], %swap3A_1378 {strides = array<i32>} : memref<80x128xf32, #tpu.memory_space<vmem>>, vector<1x16xf32>,
        %get3A_1379 = arith.index_cast %add3A_1276 : i32 to index
        %get3A_1380 = arith.constant 96 : index
        %get3A_1381 = tpu.vector_load %arg13[%get3A_1379, %get3A_1380] {strides = array<i32>} : memref<80x128xf32, #tpu.memory_space<vmem>>, vector<1x16xf32>,
        %get3A_1382 = vector.shape_cast %get3A_1381 : vector<1x16xf32> to vector<16xf32>
        %add3A_1383 = arith.addf %get3A_1382, %get3A_1314 : vector<16xf32>
        %mul3A_1384 = arith.mulf %exp3A_1356, %add3A_1383 : vector<16xf32>
        %swap3A_1385 = arith.index_cast %add3A_1276 : i32 to index
        %swap3A_1386 = arith.constant 32 : index
        %swap3A_1387 = tpu.vector_load %arg16[%swap3A_1385, %swap3A_1386] {strides = array<i32>} : memref<80x128xf32, #tpu.memory_space<vmem>>, vector<1x16xf32>,
        %swap3A_1388 = vector.shape_cast %swap3A_1387 : vector<1x16xf32> to vector<16xf32>
        %swap3A_1389 = vector.shape_cast %mul3A_1384 : vector<16xf32> to vector<1x16xf32>
        tpu.vector_store %arg16[%swap3A_1385, %swap3A_1386], %swap3A_1389 {strides = array<i32>} : memref<80x128xf32, #tpu.memory_space<vmem>>, vector<1x16xf32>,
        %get3A_1390 = arith.index_cast %add3A_1276 : i32 to index
        %get3A_1391 = arith.constant 112 : index
        %get3A_1392 = tpu.vector_load %arg13[%get3A_1390, %get3A_1391] {strides = array<i32>} : memref<80x128xf32, #tpu.memory_space<vmem>>, vector<1x16xf32>,
        %get3A_1393 = vector.shape_cast %get3A_1392 : vector<1x16xf32> to vector<16xf32>
        %add3A_1394 = arith.addf %get3A_1393, %get3A_1329 : vector<16xf32>
        %mul3A_1395 = arith.mulf %exp3A_1356, %add3A_1394 : vector<16xf32>
        %swap3A_1396 = arith.index_cast %add3A_1276 : i32 to index
        %swap3A_1397 = arith.constant 48 : index
        %swap3A_1398 = tpu.vector_load %arg16[%swap3A_1396, %swap3A_1397] {strides = array<i32>} : memref<80x128xf32, #tpu.memory_space<vmem>>, vector<1x16xf32>,
        %swap3A_1399 = vector.shape_cast %swap3A_1398 : vector<1x16xf32> to vector<16xf32>
        %swap3A_1400 = vector.shape_cast %mul3A_1395 : vector<16xf32> to vector<1x16xf32>
        tpu.vector_store %arg16[%swap3A_1396, %swap3A_1397], %swap3A_1400 {strides = array<i32>} : memref<80x128xf32, #tpu.memory_space<vmem>>, vector<1x16xf32>,
        %mul3A_1401 = arith.mulf %exp3A_1356, %select_n3A : vector<16xf32>
        %swap3A_1402 = arith.index_cast %add3A_1276 : i32 to index
        %swap3A_1403 = arith.constant 64 : index
        %swap3A_1404 = tpu.vector_load %arg16[%swap3A_1402, %swap3A_1403] {strides = array<i32>} : memref<80x128xf32, #tpu.memory_space<vmem>>, vector<1x16xf32>,
        %swap3A_1405 = vector.shape_cast %swap3A_1404 : vector<1x16xf32> to vector<16xf32>
        %swap3A_1406 = vector.shape_cast %mul3A_1401 : vector<16xf32> to vector<1x16xf32>
        tpu.vector_store %arg16[%swap3A_1402, %swap3A_1403], %swap3A_1406 {strides = array<i32>} : memref<80x128xf32, #tpu.memory_space<vmem>>, vector<1x16xf32>,
        %add3A_1407 = arith.constant 7 : i32
        %add3A_1408 = arith.addi %mul3A_484, %add3A_1407 : i32
        %add3A_1409 = arith.constant 3 : i32
        %add3A_1410 = arith.addi %mul3A_486, %add3A_1409 : i32
        %broadcast_in_dim3A_1411 = arith.constant 0.000000e+00 : f32
        %broadcast_in_dim3A_1412 = vector.broadcast %broadcast_in_dim3A_1411 : f32 to vector<16xf32>
        %get3A_1413 = arith.index_cast %add3A_1410 : i32 to index
        %get3A_1414 = arith.constant 64 : index
        %get3A_1415 = tpu.vector_load %arg15[%get3A_1413, %get3A_1414] {strides = array<i32>} : memref<40x128xf32, #tpu.memory_space<vmem>>, vector<1x16xf32>,
        %get3A_1416 = vector.shape_cast %get3A_1415 : vector<1x16xf32> to vector<16xf32>
        %get3A_1417 = arith.index_cast %add3A_1408 : i32 to index
        %get3A_1418 = arith.constant 0 : index
        %get3A_1419 = tpu.vector_load %arg12[%get3A_1417, %get3A_1418] {strides = array<i32>} : memref<80x128xf32, #tpu.memory_space<vmem>>, vector<1x16xf32>,
        %get3A_1420 = vector.shape_cast %get3A_1419 : vector<1x16xf32> to vector<16xf32>
        %get3A_1421 = arith.index_cast %add3A_1408 : i32 to index
        %get3A_1422 = arith.constant 0 : index
        %get3A_1423 = tpu.vector_load %arg13[%get3A_1421, %get3A_1422] {strides = array<i32>} : memref<80x128xf32, #tpu.memory_space<vmem>>, vector<1x16xf32>,
        %get3A_1424 = vector.shape_cast %get3A_1423 : vector<1x16xf32> to vector<16xf32>
        %add3A_1425 = arith.addf %get3A_1424, %get3A_1416 : vector<16xf32>
        %mul3A_1426 = arith.mulf %get3A_1420, %add3A_1425 : vector<16xf32>
        %add3A_1427 = arith.addf %broadcast_in_dim3A_1412, %mul3A_1426 : vector<16xf32>
        %get3A_1428 = arith.index_cast %add3A_1410 : i32 to index
        %get3A_1429 = arith.constant 80 : index
        %get3A_1430 = tpu.vector_load %arg15[%get3A_1428, %get3A_1429] {strides = array<i32>} : memref<40x128xf32, #tpu.memory_space<vmem>>, vector<1x16xf32>,
        %get3A_1431 = vector.shape_cast %get3A_1430 : vector<1x16xf32> to vector<16xf32>
        %get3A_1432 = arith.index_cast %add3A_1408 : i32 to index
        %get3A_1433 = arith.constant 16 : index
        %get3A_1434 = tpu.vector_load %arg12[%get3A_1432, %get3A_1433] {strides = array<i32>} : memref<80x128xf32, #tpu.memory_space<vmem>>, vector<1x16xf32>,
        %get3A_1435 = vector.shape_cast %get3A_1434 : vector<1x16xf32> to vector<16xf32>
        %get3A_1436 = arith.index_cast %add3A_1408 : i32 to index
        %get3A_1437 = arith.constant 16 : index
        %get3A_1438 = tpu.vector_load %arg13[%get3A_1436, %get3A_1437] {strides = array<i32>} : memref<80x128xf32, #tpu.memory_space<vmem>>, vector<1x16xf32>,
        %get3A_1439 = vector.shape_cast %get3A_1438 : vector<1x16xf32> to vector<16xf32>
        %add3A_1440 = arith.addf %get3A_1439, %get3A_1431 : vector<16xf32>
        %mul3A_1441 = arith.mulf %get3A_1435, %add3A_1440 : vector<16xf32>
        %add3A_1442 = arith.addf %add3A_1427, %mul3A_1441 : vector<16xf32>
        %get3A_1443 = arith.index_cast %add3A_1410 : i32 to index
        %get3A_1444 = arith.constant 96 : index
        %get3A_1445 = tpu.vector_load %arg15[%get3A_1443, %get3A_1444] {strides = array<i32>} : memref<40x128xf32, #tpu.memory_space<vmem>>, vector<1x16xf32>,
        %get3A_1446 = vector.shape_cast %get3A_1445 : vector<1x16xf32> to vector<16xf32>
        %get3A_1447 = arith.index_cast %add3A_1408 : i32 to index
        %get3A_1448 = arith.constant 32 : index
        %get3A_1449 = tpu.vector_load %arg12[%get3A_1447, %get3A_1448] {strides = array<i32>} : memref<80x128xf32, #tpu.memory_space<vmem>>, vector<1x16xf32>,
        %get3A_1450 = vector.shape_cast %get3A_1449 : vector<1x16xf32> to vector<16xf32>
        %get3A_1451 = arith.index_cast %add3A_1408 : i32 to index
        %get3A_1452 = arith.constant 32 : index
        %get3A_1453 = tpu.vector_load %arg13[%get3A_1451, %get3A_1452] {strides = array<i32>} : memref<80x128xf32, #tpu.memory_space<vmem>>, vector<1x16xf32>,
        %get3A_1454 = vector.shape_cast %get3A_1453 : vector<1x16xf32> to vector<16xf32>
        %add3A_1455 = arith.addf %get3A_1454, %get3A_1446 : vector<16xf32>
        %mul3A_1456 = arith.mulf %get3A_1450, %add3A_1455 : vector<16xf32>
        %add3A_1457 = arith.addf %add3A_1442, %mul3A_1456 : vector<16xf32>
        %get3A_1458 = arith.index_cast %add3A_1410 : i32 to index
        %get3A_1459 = arith.constant 112 : index
        %get3A_1460 = tpu.vector_load %arg15[%get3A_1458, %get3A_1459] {strides = array<i32>} : memref<40x128xf32, #tpu.memory_space<vmem>>, vector<1x16xf32>,
        %get3A_1461 = vector.shape_cast %get3A_1460 : vector<1x16xf32> to vector<16xf32>
        %get3A_1462 = arith.index_cast %add3A_1408 : i32 to index
        %get3A_1463 = arith.constant 48 : index
        %get3A_1464 = tpu.vector_load %arg12[%get3A_1462, %get3A_1463] {strides = array<i32>} : memref<80x128xf32, #tpu.memory_space<vmem>>, vector<1x16xf32>,
        %get3A_1465 = vector.shape_cast %get3A_1464 : vector<1x16xf32> to vector<16xf32>
        %get3A_1466 = arith.index_cast %add3A_1408 : i32 to index
        %get3A_1467 = arith.constant 48 : index
        %get3A_1468 = tpu.vector_load %arg13[%get3A_1466, %get3A_1467] {strides = array<i32>} : memref<80x128xf32, #tpu.memory_space<vmem>>, vector<1x16xf32>,
        %get3A_1469 = vector.shape_cast %get3A_1468 : vector<1x16xf32> to vector<16xf32>
        %add3A_1470 = arith.addf %get3A_1469, %get3A_1461 : vector<16xf32>
        %mul3A_1471 = arith.mulf %get3A_1465, %add3A_1470 : vector<16xf32>
        %add3A_1472 = arith.addf %add3A_1457, %mul3A_1471 : vector<16xf32>
        %gather3A_1473 = vector.shape_cast %broadcast_in_dim3A_35 : vector<16x1xi32> to vector<16xi32>
        %gather3A_1474 = tpu.dynamic_gather %add3A_1472[%gather3A_1473] in [0] : vector<16xf32>, vector<16xi32> -> vector<16xf32>
        %add3A_1475 = arith.addf %add3A_1472, %gather3A_1474 : vector<16xf32>
        %gather3A_1476 = vector.shape_cast %broadcast_in_dim3A_39 : vector<16x1xi32> to vector<16xi32>
        %gather3A_1477 = tpu.dynamic_gather %add3A_1475[%gather3A_1476] in [0] : vector<16xf32>, vector<16xi32> -> vector<16xf32>
        %add3A_1478 = arith.addf %add3A_1475, %gather3A_1477 : vector<16xf32>
        %gather3A_1479 = vector.shape_cast %broadcast_in_dim3A_43 : vector<16x1xi32> to vector<16xi32>
        %gather3A_1480 = tpu.dynamic_gather %add3A_1478[%gather3A_1479] in [0] : vector<16xf32>, vector<16xi32> -> vector<16xf32>
        %add3A_1481 = arith.addf %add3A_1478, %gather3A_1480 : vector<16xf32>
        %gather3A_1482 = vector.shape_cast %broadcast_in_dim3A_47 : vector<16x1xi32> to vector<16xi32>
        %gather3A_1483 = tpu.dynamic_gather %add3A_1481[%gather3A_1482] in [0] : vector<16xf32>, vector<16xi32> -> vector<16xf32>
        %add3A_1484 = arith.addf %add3A_1481, %gather3A_1483 : vector<16xf32>
        %mul3A_1485 = arith.constant 1.250000e-01 : f32
        %mul3A_1486 = vector.broadcast %mul3A_1485 : f32 to vector<16xf32>
        %mul3A_1487 = arith.mulf %add3A_1484, %mul3A_1486 : vector<16xf32>
        %exp3A_1488 = math.exp %mul3A_1487 : vector<16xf32>
        %get3A_1489 = arith.index_cast %add3A_1408 : i32 to index
        %get3A_1490 = arith.constant 64 : index
        %get3A_1491 = tpu.vector_load %arg13[%get3A_1489, %get3A_1490] {strides = array<i32>} : memref<80x128xf32, #tpu.memory_space<vmem>>, vector<1x16xf32>,
        %get3A_1492 = vector.shape_cast %get3A_1491 : vector<1x16xf32> to vector<16xf32>
        %add3A_1493 = arith.addf %get3A_1492, %get3A_1416 : vector<16xf32>
        %mul3A_1494 = arith.mulf %exp3A_1488, %add3A_1493 : vector<16xf32>
        %swap3A_1495 = arith.index_cast %add3A_1408 : i32 to index
        %swap3A_1496 = arith.constant 0 : index
        %swap3A_1497 = tpu.vector_load %arg16[%swap3A_1495, %swap3A_1496] {strides = array<i32>} : memref<80x128xf32, #tpu.memory_space<vmem>>, vector<1x16xf32>,
        %swap3A_1498 = vector.shape_cast %swap3A_1497 : vector<1x16xf32> to vector<16xf32>
        %swap3A_1499 = vector.shape_cast %mul3A_1494 : vector<16xf32> to vector<1x16xf32>
        tpu.vector_store %arg16[%swap3A_1495, %swap3A_1496], %swap3A_1499 {strides = array<i32>} : memref<80x128xf32, #tpu.memory_space<vmem>>, vector<1x16xf32>,
        %get3A_1500 = arith.index_cast %add3A_1408 : i32 to index
        %get3A_1501 = arith.constant 80 : index
        %get3A_1502 = tpu.vector_load %arg13[%get3A_1500, %get3A_1501] {strides = array<i32>} : memref<80x128xf32, #tpu.memory_space<vmem>>, vector<1x16xf32>,
        %get3A_1503 = vector.shape_cast %get3A_1502 : vector<1x16xf32> to vector<16xf32>
        %add3A_1504 = arith.addf %get3A_1503, %get3A_1431 : vector<16xf32>
        %mul3A_1505 = arith.mulf %exp3A_1488, %add3A_1504 : vector<16xf32>
        %swap3A_1506 = arith.index_cast %add3A_1408 : i32 to index
        %swap3A_1507 = arith.constant 16 : index
        %swap3A_1508 = tpu.vector_load %arg16[%swap3A_1506, %swap3A_1507] {strides = array<i32>} : memref<80x128xf32, #tpu.memory_space<vmem>>, vector<1x16xf32>,
        %swap3A_1509 = vector.shape_cast %swap3A_1508 : vector<1x16xf32> to vector<16xf32>
        %swap3A_1510 = vector.shape_cast %mul3A_1505 : vector<16xf32> to vector<1x16xf32>
        tpu.vector_store %arg16[%swap3A_1506, %swap3A_1507], %swap3A_1510 {strides = array<i32>} : memref<80x128xf32, #tpu.memory_space<vmem>>, vector<1x16xf32>,
        %get3A_1511 = arith.index_cast %add3A_1408 : i32 to index
        %get3A_1512 = arith.constant 96 : index
        %get3A_1513 = tpu.vector_load %arg13[%get3A_1511, %get3A_1512] {strides = array<i32>} : memref<80x128xf32, #tpu.memory_space<vmem>>, vector<1x16xf32>,
        %get3A_1514 = vector.shape_cast %get3A_1513 : vector<1x16xf32> to vector<16xf32>
        %add3A_1515 = arith.addf %get3A_1514, %get3A_1446 : vector<16xf32>
        %mul3A_1516 = arith.mulf %exp3A_1488, %add3A_1515 : vector<16xf32>
        %swap3A_1517 = arith.index_cast %add3A_1408 : i32 to index
        %swap3A_1518 = arith.constant 32 : index
        %swap3A_1519 = tpu.vector_load %arg16[%swap3A_1517, %swap3A_1518] {strides = array<i32>} : memref<80x128xf32, #tpu.memory_space<vmem>>, vector<1x16xf32>,
        %swap3A_1520 = vector.shape_cast %swap3A_1519 : vector<1x16xf32> to vector<16xf32>
        %swap3A_1521 = vector.shape_cast %mul3A_1516 : vector<16xf32> to vector<1x16xf32>
        tpu.vector_store %arg16[%swap3A_1517, %swap3A_1518], %swap3A_1521 {strides = array<i32>} : memref<80x128xf32, #tpu.memory_space<vmem>>, vector<1x16xf32>,
        %get3A_1522 = arith.index_cast %add3A_1408 : i32 to index
        %get3A_1523 = arith.constant 112 : index
        %get3A_1524 = tpu.vector_load %arg13[%get3A_1522, %get3A_1523] {strides = array<i32>} : memref<80x128xf32, #tpu.memory_space<vmem>>, vector<1x16xf32>,
        %get3A_1525 = vector.shape_cast %get3A_1524 : vector<1x16xf32> to vector<16xf32>
        %add3A_1526 = arith.addf %get3A_1525, %get3A_1461 : vector<16xf32>
        %mul3A_1527 = arith.mulf %exp3A_1488, %add3A_1526 : vector<16xf32>
        %swap3A_1528 = arith.index_cast %add3A_1408 : i32 to index
        %swap3A_1529 = arith.constant 48 : index
        %swap3A_1530 = tpu.vector_load %arg16[%swap3A_1528, %swap3A_1529] {strides = array<i32>} : memref<80x128xf32, #tpu.memory_space<vmem>>, vector<1x16xf32>,
        %swap3A_1531 = vector.shape_cast %swap3A_1530 : vector<1x16xf32> to vector<16xf32>
        %swap3A_1532 = vector.shape_cast %mul3A_1527 : vector<16xf32> to vector<1x16xf32>
        tpu.vector_store %arg16[%swap3A_1528, %swap3A_1529], %swap3A_1532 {strides = array<i32>} : memref<80x128xf32, #tpu.memory_space<vmem>>, vector<1x16xf32>,
        %mul3A_1533 = arith.mulf %exp3A_1488, %select_n3A : vector<16xf32>
        %swap3A_1534 = arith.index_cast %add3A_1408 : i32 to index
        %swap3A_1535 = arith.constant 64 : index
        %swap3A_1536 = tpu.vector_load %arg16[%swap3A_1534, %swap3A_1535] {strides = array<i32>} : memref<80x128xf32, #tpu.memory_space<vmem>>, vector<1x16xf32>,
        %swap3A_1537 = vector.shape_cast %swap3A_1536 : vector<1x16xf32> to vector<16xf32>
        %swap3A_1538 = vector.shape_cast %mul3A_1533 : vector<16xf32> to vector<1x16xf32>
        tpu.vector_store %arg16[%swap3A_1534, %swap3A_1535], %swap3A_1538 {strides = array<i32>} : memref<80x128xf32, #tpu.memory_space<vmem>>, vector<1x16xf32>,
      }
      %scan3A_440 = arith.constant 10 : i32
      "tpu.region"() ({
        %run_scoped3A = tpu.sem_alloc : memref<!tpu.dma_semaphore, #tpu.memory_space<semaphore_mem>>
        %dma_start3A_482 = arith.constant 0 : i32
        %dma_start3A_483 = arith.constant 0 : i32
        %dma_start3A_484 = tpu.memref_slice %arg17[%dma_start3A_482, %dma_start3A_483] : memref<10112x128xf32, #tpu.memory_space<vmem_shared>> -> memref<10112x128xf32, #tpu.memory_space<vmem_shared>>
        tpu.enqueue_indirect_dma source(%arg16 : memref<80x128xf32, #tpu.memory_space<vmem>>) target(%dma_start3A_484 : memref<10112x128xf32, #tpu.memory_space<vmem_shared>>) offsets(%arg11 : memref<80xi32, #tpu.memory_space<vmem>>) semaphore(%run_scoped3A : memref<!tpu.dma_semaphore, #tpu.memory_space<semaphore_mem>>) {add = true}
        %dma_wait3A_485 = arith.constant 0 : i32
        %dma_wait3A_486 = arith.constant 0 : i32
        %dma_wait3A_487 = tpu.memref_slice %arg17[%dma_wait3A_485, %dma_wait3A_486] : memref<10112x128xf32, #tpu.memory_space<vmem_shared>> -> memref<10112x128xf32, #tpu.memory_space<vmem_shared>>
        tpu.wait_indirect_dma semaphore(%run_scoped3A : memref<!tpu.dma_semaphore, #tpu.memory_space<semaphore_mem>>) src(%arg16 : memref<80x128xf32, #tpu.memory_space<vmem>>) dst(%dma_wait3A_487 : memref<10112x128xf32, #tpu.memory_space<vmem_shared>>)
        tpu.yield
      }) : () -> ()
      %add3A_441 = arith.constant 2 : i32
      %add3A_442 = arith.addi %add3A_385, %add3A_441 : i32
      %min3A_443 = arith.constant 124 : i32
      %min3A_444 = arith.minsi %add3A_442, %min3A_443 : i32
      %mul3A_445 = arith.constant 80 : i32
      %mul3A_446 = arith.muli %min3A_444, %mul3A_445 : i32
      %add3A_447 = arith.addi %mul3A_4, %mul3A_446 : i32
      %multiple_of3A_448 = tpu.assume_multiple %add3A_447, 16 : i32
      %jit3A_449 = arith.constant 2 : i32
      %div3A_450 = arith.divsi %multiple_of3A_448, %jit3A_449 : i32
      %sign3A_451 = arith.constant 0 : i32
      %sign3A_452 = arith.cmpi sgt, %multiple_of3A_448, %sign3A_451 : i32
      %sign3A_453 = arith.extui %sign3A_452 : i1 to i32
      %sign3A_454 = arith.constant 0 : i32
      %sign3A_455 = arith.cmpi slt, %multiple_of3A_448, %sign3A_454 : i32
      %sign3A_456 = arith.extui %sign3A_455 : i1 to i32
      %sign3A_457 = arith.subi %sign3A_453, %sign3A_456 : i32
      %sign3A_458 = arith.constant 0 : i32
      %sign3A_459 = arith.cmpi sgt, %jit3A_449, %sign3A_458 : i32
      %sign3A_460 = arith.extui %sign3A_459 : i1 to i32
      %sign3A_461 = arith.constant 0 : i32
      %sign3A_462 = arith.cmpi slt, %jit3A_449, %sign3A_461 : i32
      %sign3A_463 = arith.extui %sign3A_462 : i1 to i32
      %sign3A_464 = arith.subi %sign3A_460, %sign3A_463 : i32
      %ne3A_465 = arith.cmpi ne, %sign3A_457, %sign3A_464 : i32
      %rem3A_466 = arith.remsi %multiple_of3A_448, %jit3A_449 : i32
      %ne3A_467 = arith.constant 0 : i32
      %ne3A_468 = arith.cmpi ne, %rem3A_466, %ne3A_467 : i32
      %and3A_469 = arith.andi %ne3A_465, %ne3A_468 : i1
      %sub3A_470 = arith.constant 1 : i32
      %sub3A_471 = arith.subi %div3A_450, %sub3A_470 : i32
      %select_n3A_472 = arith.select %and3A_469, %sub3A_471, %div3A_450 : i32
      %multiple_of3A_473 = tpu.assume_multiple %select_n3A_472, 8 : i32
      %dma_start3A_474 = tpu.memref_slice %arg2[%multiple_of3A_448] : memref<320000xi32, #tpu.memory_space<hbm>> -> memref<80xi32, #tpu.memory_space<hbm>>
      %dma_start3A_475 = tpu.memref_slice %arg2[%multiple_of3A_448] : memref<320000xi32, #tpu.memory_space<hbm>> -> memref<80xi32, #tpu.memory_space<hbm>>
      tpu.enqueue_dma source(%dma_start3A_475 : memref<80xi32, #tpu.memory_space<hbm>>) target(%arg9 : memref<80xi32, #tpu.memory_space<vmem>>) target_semaphore(%arg20 : memref<!tpu.dma_semaphore, #tpu.memory_space<semaphore_mem>>)
      %dma_start3A_476 = tpu.memref_slice %arg3[%multiple_of3A_448] : memref<320000xi32, #tpu.memory_space<hbm>> -> memref<80xi32, #tpu.memory_space<hbm>>
      %dma_start3A_477 = tpu.memref_slice %arg3[%multiple_of3A_448] : memref<320000xi32, #tpu.memory_space<hbm>> -> memref<80xi32, #tpu.memory_space<hbm>>
      tpu.enqueue_dma source(%dma_start3A_477 : memref<80xi32, #tpu.memory_space<hbm>>) target(%arg11 : memref<80xi32, #tpu.memory_space<vmem>>) target_semaphore(%arg20 : memref<!tpu.dma_semaphore, #tpu.memory_space<semaphore_mem>>)
      %dma_start3A_478 = arith.constant 0 : i32
      %dma_start3A_479 = tpu.memref_slice %arg6[%multiple_of3A_473, %dma_start3A_478] : memref<160000x128xf32, #tpu.memory_space<hbm>> -> memref<40x128xf32, #tpu.memory_space<hbm>>
      %dma_start3A_480 = arith.constant 0 : i32
      %dma_start3A_481 = tpu.memref_slice %arg6[%multiple_of3A_473, %dma_start3A_480] : memref<160000x128xf32, #tpu.memory_space<hbm>> -> memref<40x128xf32, #tpu.memory_space<hbm>>
      tpu.enqueue_dma source(%dma_start3A_481 : memref<40x128xf32, #tpu.memory_space<hbm>>) target(%arg15 : memref<40x128xf32, #tpu.memory_space<vmem>>) target_semaphore(%arg20 : memref<!tpu.dma_semaphore, #tpu.memory_space<semaphore_mem>>)
    }
    %scan3A_117 = arith.constant 62 : i32
    %add3A_118 = arith.constant 9920 : i32
    %add3A_119 = arith.addi %mul3A_4, %add3A_118 : i32
    %multiple_of3A_120 = tpu.assume_multiple %add3A_119, 16 : i32
    %jit3A_121 = arith.constant 2 : i32
    %div3A_122 = arith.divsi %multiple_of3A_120, %jit3A_121 : i32
    %sign3A_123 = arith.constant 0 : i32
    %sign3A_124 = arith.cmpi sgt, %multiple_of3A_120, %sign3A_123 : i32
    %sign3A_125 = arith.extui %sign3A_124 : i1 to i32
    %sign3A_126 = arith.constant 0 : i32
    %sign3A_127 = arith.cmpi slt, %multiple_of3A_120, %sign3A_126 : i32
    %sign3A_128 = arith.extui %sign3A_127 : i1 to i32
    %sign3A_129 = arith.subi %sign3A_125, %sign3A_128 : i32
    %sign3A_130 = arith.constant 0 : i32
    %sign3A_131 = arith.cmpi sgt, %jit3A_121, %sign3A_130 : i32
    %sign3A_132 = arith.extui %sign3A_131 : i1 to i32
    %sign3A_133 = arith.constant 0 : i32
    %sign3A_134 = arith.cmpi slt, %jit3A_121, %sign3A_133 : i32
    %sign3A_135 = arith.extui %sign3A_134 : i1 to i32
    %sign3A_136 = arith.subi %sign3A_132, %sign3A_135 : i32
    %ne3A_137 = arith.cmpi ne, %sign3A_129, %sign3A_136 : i32
    %rem3A_138 = arith.remsi %multiple_of3A_120, %jit3A_121 : i32
    %ne3A_139 = arith.constant 0 : i32
    %ne3A_140 = arith.cmpi ne, %rem3A_138, %ne3A_139 : i32
    %and3A_141 = arith.andi %ne3A_137, %ne3A_140 : i1
    %sub3A_142 = arith.constant 1 : i32
    %sub3A_143 = arith.subi %div3A_122, %sub3A_142 : i32
    %select_n3A_144 = arith.select %and3A_141, %sub3A_143, %div3A_122 : i32
    %multiple_of3A_145 = tpu.assume_multiple %select_n3A_144, 8 : i32
    %dma_wait3A = tpu.memref_slice %arg2[%multiple_of3A_120] : memref<320000xi32, #tpu.memory_space<hbm>> -> memref<80xi32, #tpu.memory_space<hbm>>
    %dma_wait3A_146 = tpu.memref_slice %arg2[%multiple_of3A_120] : memref<320000xi32, #tpu.memory_space<hbm>> -> memref<80xi32, #tpu.memory_space<hbm>>
    tpu.wait_dma2 semaphore(%arg19 : memref<!tpu.dma_semaphore, #tpu.memory_space<semaphore_mem>>) src(%dma_wait3A_146 : memref<80xi32, #tpu.memory_space<hbm>>) dst(%arg8 : memref<80xi32, #tpu.memory_space<vmem>>)
    %dma_wait3A_147 = tpu.memref_slice %arg3[%multiple_of3A_120] : memref<320000xi32, #tpu.memory_space<hbm>> -> memref<80xi32, #tpu.memory_space<hbm>>
    %dma_wait3A_148 = tpu.memref_slice %arg3[%multiple_of3A_120] : memref<320000xi32, #tpu.memory_space<hbm>> -> memref<80xi32, #tpu.memory_space<hbm>>
    tpu.wait_dma2 semaphore(%arg19 : memref<!tpu.dma_semaphore, #tpu.memory_space<semaphore_mem>>) src(%dma_wait3A_148 : memref<80xi32, #tpu.memory_space<hbm>>) dst(%arg10 : memref<80xi32, #tpu.memory_space<vmem>>)
    %dma_wait3A_149 = arith.constant 0 : i32
    %dma_wait3A_150 = tpu.memref_slice %arg6[%multiple_of3A_145, %dma_wait3A_149] : memref<160000x128xf32, #tpu.memory_space<hbm>> -> memref<40x128xf32, #tpu.memory_space<hbm>>
    %dma_wait3A_151 = arith.constant 0 : i32
    %dma_wait3A_152 = tpu.memref_slice %arg6[%multiple_of3A_145, %dma_wait3A_151] : memref<160000x128xf32, #tpu.memory_space<hbm>> -> memref<40x128xf32, #tpu.memory_space<hbm>>
    tpu.wait_dma2 semaphore(%arg19 : memref<!tpu.dma_semaphore, #tpu.memory_space<semaphore_mem>>) src(%dma_wait3A_152 : memref<40x128xf32, #tpu.memory_space<hbm>>) dst(%arg14 : memref<40x128xf32, #tpu.memory_space<vmem>>)
    %dma_start3A_153 = arith.constant 0 : i32
    %dma_start3A_154 = arith.constant 0 : i32
    %dma_start3A_155 = tpu.memref_slice %arg4[%dma_start3A_153, %dma_start3A_154] : memref<10000x128xf32, #tpu.memory_space<hbm>> -> memref<10000x128xf32, #tpu.memory_space<hbm>>
    tpu.enqueue_indirect_dma source(%dma_start3A_155 : memref<10000x128xf32, #tpu.memory_space<hbm>>) target(%arg12 : memref<80x128xf32, #tpu.memory_space<vmem>>) offsets(%arg10 : memref<80xi32, #tpu.memory_space<vmem>>) semaphore(%arg18 : memref<!tpu.dma_semaphore, #tpu.memory_space<semaphore_mem>>)
    %dma_start3A_156 = arith.constant 0 : i32
    %dma_start3A_157 = arith.constant 0 : i32
    %dma_start3A_158 = tpu.memref_slice %arg5[%dma_start3A_156, %dma_start3A_157] : memref<10000x128xf32, #tpu.memory_space<hbm>> -> memref<10000x128xf32, #tpu.memory_space<hbm>>
    tpu.enqueue_indirect_dma source(%dma_start3A_158 : memref<10000x128xf32, #tpu.memory_space<hbm>>) target(%arg13 : memref<80x128xf32, #tpu.memory_space<vmem>>) offsets(%arg8 : memref<80xi32, #tpu.memory_space<vmem>>) semaphore(%arg18 : memref<!tpu.dma_semaphore, #tpu.memory_space<semaphore_mem>>)
    %dma_wait3A_159 = arith.constant 0 : i32
    %dma_wait3A_160 = arith.constant 0 : i32
    %dma_wait3A_161 = tpu.memref_slice %arg4[%dma_wait3A_159, %dma_wait3A_160] : memref<10000x128xf32, #tpu.memory_space<hbm>> -> memref<10000x128xf32, #tpu.memory_space<hbm>>
    tpu.wait_indirect_dma semaphore(%arg18 : memref<!tpu.dma_semaphore, #tpu.memory_space<semaphore_mem>>) src(%dma_wait3A_161 : memref<10000x128xf32, #tpu.memory_space<hbm>>) dst(%arg12 : memref<80x128xf32, #tpu.memory_space<vmem>>)
    %dma_wait3A_162 = arith.constant 0 : i32
    %dma_wait3A_163 = arith.constant 0 : i32
    %dma_wait3A_164 = tpu.memref_slice %arg5[%dma_wait3A_162, %dma_wait3A_163] : memref<10000x128xf32, #tpu.memory_space<hbm>> -> memref<10000x128xf32, #tpu.memory_space<hbm>>
    tpu.wait_indirect_dma semaphore(%arg18 : memref<!tpu.dma_semaphore, #tpu.memory_space<semaphore_mem>>) src(%dma_wait3A_164 : memref<10000x128xf32, #tpu.memory_space<hbm>>) dst(%arg13 : memref<80x128xf32, #tpu.memory_space<vmem>>)
    %scan3A_165 = arith.constant 0 : i32
    %scan3A_166 = arith.constant 0 : i32
    %scan3A_167 = arith.constant 10 : i32
    %scan3A_168 = arith.addi %scan3A_166, %scan3A_167 : i32
    %scan3A_169 = arith.constant 1 : i32
    scf.for %scan3A_283 = %scan3A_166 to %scan3A_168 step %scan3A_169  : i32 {
      %mul3A_284 = arith.constant 8 : i32
      %mul3A_285 = arith.muli %scan3A_283, %mul3A_284 : i32
      %mul3A_286 = arith.constant 4 : i32
      %mul3A_287 = arith.muli %scan3A_283, %mul3A_286 : i32
      %add3A_288 = arith.constant 0 : i32
      %add3A_289 = arith.addi %mul3A_285, %add3A_288 : i32
      %add3A_290 = arith.constant 0 : i32
      %add3A_291 = arith.addi %mul3A_287, %add3A_290 : i32
      %broadcast_in_dim3A_292 = arith.constant 0.000000e+00 : f32
      %broadcast_in_dim3A_293 = vector.broadcast %broadcast_in_dim3A_292 : f32 to vector<16xf32>
      %get3A = arith.index_cast %add3A_291 : i32 to index
      %get3A_294 = arith.constant 0 : index
      %get3A_295 = tpu.vector_load %arg14[%get3A, %get3A_294] {strides = array<i32>} : memref<40x128xf32, #tpu.memory_space<vmem>>, vector<1x16xf32>,
      %get3A_296 = vector.shape_cast %get3A_295 : vector<1x16xf32> to vector<16xf32>
      %get3A_297 = arith.index_cast %add3A_289 : i32 to index
      %get3A_298 = arith.constant 0 : index
      %get3A_299 = tpu.vector_load %arg12[%get3A_297, %get3A_298] {strides = array<i32>} : memref<80x128xf32, #tpu.memory_space<vmem>>, vector<1x16xf32>,
      %get3A_300 = vector.shape_cast %get3A_299 : vector<1x16xf32> to vector<16xf32>
      %get3A_301 = arith.index_cast %add3A_289 : i32 to index
      %get3A_302 = arith.constant 0 : index
      %get3A_303 = tpu.vector_load %arg13[%get3A_301, %get3A_302] {strides = array<i32>} : memref<80x128xf32, #tpu.memory_space<vmem>>, vector<1x16xf32>,
      %get3A_304 = vector.shape_cast %get3A_303 : vector<1x16xf32> to vector<16xf32>
      %add3A_305 = arith.addf %get3A_304, %get3A_296 : vector<16xf32>
      %mul3A_306 = arith.mulf %get3A_300, %add3A_305 : vector<16xf32>
      %add3A_307 = arith.addf %broadcast_in_dim3A_293, %mul3A_306 : vector<16xf32>
      %get3A_308 = arith.index_cast %add3A_291 : i32 to index
      %get3A_309 = arith.constant 16 : index
      %get3A_310 = tpu.vector_load %arg14[%get3A_308, %get3A_309] {strides = array<i32>} : memref<40x128xf32, #tpu.memory_space<vmem>>, vector<1x16xf32>,
      %get3A_311 = vector.shape_cast %get3A_310 : vector<1x16xf32> to vector<16xf32>
      %get3A_312 = arith.index_cast %add3A_289 : i32 to index
      %get3A_313 = arith.constant 16 : index
      %get3A_314 = tpu.vector_load %arg12[%get3A_312, %get3A_313] {strides = array<i32>} : memref<80x128xf32, #tpu.memory_space<vmem>>, vector<1x16xf32>,
      %get3A_315 = vector.shape_cast %get3A_314 : vector<1x16xf32> to vector<16xf32>
      %get3A_316 = arith.index_cast %add3A_289 : i32 to index
      %get3A_317 = arith.constant 16 : index
      %get3A_318 = tpu.vector_load %arg13[%get3A_316, %get3A_317] {strides = array<i32>} : memref<80x128xf32, #tpu.memory_space<vmem>>, vector<1x16xf32>,
      %get3A_319 = vector.shape_cast %get3A_318 : vector<1x16xf32> to vector<16xf32>
      %add3A_320 = arith.addf %get3A_319, %get3A_311 : vector<16xf32>
      %mul3A_321 = arith.mulf %get3A_315, %add3A_320 : vector<16xf32>
      %add3A_322 = arith.addf %add3A_307, %mul3A_321 : vector<16xf32>
      %get3A_323 = arith.index_cast %add3A_291 : i32 to index
      %get3A_324 = arith.constant 32 : index
      %get3A_325 = tpu.vector_load %arg14[%get3A_323, %get3A_324] {strides = array<i32>} : memref<40x128xf32, #tpu.memory_space<vmem>>, vector<1x16xf32>,
      %get3A_326 = vector.shape_cast %get3A_325 : vector<1x16xf32> to vector<16xf32>
      %get3A_327 = arith.index_cast %add3A_289 : i32 to index
      %get3A_328 = arith.constant 32 : index
      %get3A_329 = tpu.vector_load %arg12[%get3A_327, %get3A_328] {strides = array<i32>} : memref<80x128xf32, #tpu.memory_space<vmem>>, vector<1x16xf32>,
      %get3A_330 = vector.shape_cast %get3A_329 : vector<1x16xf32> to vector<16xf32>
      %get3A_331 = arith.index_cast %add3A_289 : i32 to index
      %get3A_332 = arith.constant 32 : index
      %get3A_333 = tpu.vector_load %arg13[%get3A_331, %get3A_332] {strides = array<i32>} : memref<80x128xf32, #tpu.memory_space<vmem>>, vector<1x16xf32>,
      %get3A_334 = vector.shape_cast %get3A_333 : vector<1x16xf32> to vector<16xf32>
      %add3A_335 = arith.addf %get3A_334, %get3A_326 : vector<16xf32>
      %mul3A_336 = arith.mulf %get3A_330, %add3A_335 : vector<16xf32>
      %add3A_337 = arith.addf %add3A_322, %mul3A_336 : vector<16xf32>
      %get3A_338 = arith.index_cast %add3A_291 : i32 to index
      %get3A_339 = arith.constant 48 : index
      %get3A_340 = tpu.vector_load %arg14[%get3A_338, %get3A_339] {strides = array<i32>} : memref<40x128xf32, #tpu.memory_space<vmem>>, vector<1x16xf32>,
      %get3A_341 = vector.shape_cast %get3A_340 : vector<1x16xf32> to vector<16xf32>
      %get3A_342 = arith.index_cast %add3A_289 : i32 to index
      %get3A_343 = arith.constant 48 : index
      %get3A_344 = tpu.vector_load %arg12[%get3A_342, %get3A_343] {strides = array<i32>} : memref<80x128xf32, #tpu.memory_space<vmem>>, vector<1x16xf32>,
      %get3A_345 = vector.shape_cast %get3A_344 : vector<1x16xf32> to vector<16xf32>
      %get3A_346 = arith.index_cast %add3A_289 : i32 to index
      %get3A_347 = arith.constant 48 : index
      %get3A_348 = tpu.vector_load %arg13[%get3A_346, %get3A_347] {strides = array<i32>} : memref<80x128xf32, #tpu.memory_space<vmem>>, vector<1x16xf32>,
      %get3A_349 = vector.shape_cast %get3A_348 : vector<1x16xf32> to vector<16xf32>
      %add3A_350 = arith.addf %get3A_349, %get3A_341 : vector<16xf32>
      %mul3A_351 = arith.mulf %get3A_345, %add3A_350 : vector<16xf32>
      %add3A_352 = arith.addf %add3A_337, %mul3A_351 : vector<16xf32>
      %gather3A = vector.shape_cast %broadcast_in_dim3A_35 : vector<16x1xi32> to vector<16xi32>
      %gather3A_353 = tpu.dynamic_gather %add3A_352[%gather3A] in [0] : vector<16xf32>, vector<16xi32> -> vector<16xf32>
      %add3A_354 = arith.addf %add3A_352, %gather3A_353 : vector<16xf32>
      %gather3A_355 = vector.shape_cast %broadcast_in_dim3A_39 : vector<16x1xi32> to vector<16xi32>
      %gather3A_356 = tpu.dynamic_gather %add3A_354[%gather3A_355] in [0] : vector<16xf32>, vector<16xi32> -> vector<16xf32>
      %add3A_357 = arith.addf %add3A_354, %gather3A_356 : vector<16xf32>
      %gather3A_358 = vector.shape_cast %broadcast_in_dim3A_43 : vector<16x1xi32> to vector<16xi32>
      %gather3A_359 = tpu.dynamic_gather %add3A_357[%gather3A_358] in [0] : vector<16xf32>, vector<16xi32> -> vector<16xf32>
      %add3A_360 = arith.addf %add3A_357, %gather3A_359 : vector<16xf32>
      %gather3A_361 = vector.shape_cast %broadcast_in_dim3A_47 : vector<16x1xi32> to vector<16xi32>
      %gather3A_362 = tpu.dynamic_gather %add3A_360[%gather3A_361] in [0] : vector<16xf32>, vector<16xi32> -> vector<16xf32>
      %add3A_363 = arith.addf %add3A_360, %gather3A_362 : vector<16xf32>
      %mul3A_364 = arith.constant 1.250000e-01 : f32
      %mul3A_365 = vector.broadcast %mul3A_364 : f32 to vector<16xf32>
      %mul3A_366 = arith.mulf %add3A_363, %mul3A_365 : vector<16xf32>
      %exp3A = math.exp %mul3A_366 : vector<16xf32>
      %get3A_367 = arith.index_cast %add3A_289 : i32 to index
      %get3A_368 = arith.constant 64 : index
      %get3A_369 = tpu.vector_load %arg13[%get3A_367, %get3A_368] {strides = array<i32>} : memref<80x128xf32, #tpu.memory_space<vmem>>, vector<1x16xf32>,
      %get3A_370 = vector.shape_cast %get3A_369 : vector<1x16xf32> to vector<16xf32>
      %add3A_371 = arith.addf %get3A_370, %get3A_296 : vector<16xf32>
      %mul3A_372 = arith.mulf %exp3A, %add3A_371 : vector<16xf32>
      %swap3A = arith.index_cast %add3A_289 : i32 to index
      %swap3A_373 = arith.constant 0 : index
      %swap3A_374 = tpu.vector_load %arg16[%swap3A, %swap3A_373] {strides = array<i32>} : memref<80x128xf32, #tpu.memory_space<vmem>>, vector<1x16xf32>,
      %swap3A_375 = vector.shape_cast %swap3A_374 : vector<1x16xf32> to vector<16xf32>
      %swap3A_376 = vector.shape_cast %mul3A_372 : vector<16xf32> to vector<1x16xf32>
      tpu.vector_store %arg16[%swap3A, %swap3A_373], %swap3A_376 {strides = array<i32>} : memref<80x128xf32, #tpu.memory_space<vmem>>, vector<1x16xf32>,
      %get3A_377 = arith.index_cast %add3A_289 : i32 to index
      %get3A_378 = arith.constant 80 : index
      %get3A_379 = tpu.vector_load %arg13[%get3A_377, %get3A_378] {strides = array<i32>} : memref<80x128xf32, #tpu.memory_space<vmem>>, vector<1x16xf32>,
      %get3A_380 = vector.shape_cast %get3A_379 : vector<1x16xf32> to vector<16xf32>
      %add3A_381 = arith.addf %get3A_380, %get3A_311 : vector<16xf32>
      %mul3A_382 = arith.mulf %exp3A, %add3A_381 : vector<16xf32>
      %swap3A_383 = arith.index_cast %add3A_289 : i32 to index
      %swap3A_384 = arith.constant 16 : index
      %swap3A_385 = tpu.vector_load %arg16[%swap3A_383, %swap3A_384] {strides = array<i32>} : memref<80x128xf32, #tpu.memory_space<vmem>>, vector<1x16xf32>,
      %swap3A_386 = vector.shape_cast %swap3A_385 : vector<1x16xf32> to vector<16xf32>
      %swap3A_387 = vector.shape_cast %mul3A_382 : vector<16xf32> to vector<1x16xf32>
      tpu.vector_store %arg16[%swap3A_383, %swap3A_384], %swap3A_387 {strides = array<i32>} : memref<80x128xf32, #tpu.memory_space<vmem>>, vector<1x16xf32>,
      %get3A_388 = arith.index_cast %add3A_289 : i32 to index
      %get3A_389 = arith.constant 96 : index
      %get3A_390 = tpu.vector_load %arg13[%get3A_388, %get3A_389] {strides = array<i32>} : memref<80x128xf32, #tpu.memory_space<vmem>>, vector<1x16xf32>,
      %get3A_391 = vector.shape_cast %get3A_390 : vector<1x16xf32> to vector<16xf32>
      %add3A_392 = arith.addf %get3A_391, %get3A_326 : vector<16xf32>
      %mul3A_393 = arith.mulf %exp3A, %add3A_392 : vector<16xf32>
      %swap3A_394 = arith.index_cast %add3A_289 : i32 to index
      %swap3A_395 = arith.constant 32 : index
      %swap3A_396 = tpu.vector_load %arg16[%swap3A_394, %swap3A_395] {strides = array<i32>} : memref<80x128xf32, #tpu.memory_space<vmem>>, vector<1x16xf32>,
      %swap3A_397 = vector.shape_cast %swap3A_396 : vector<1x16xf32> to vector<16xf32>
      %swap3A_398 = vector.shape_cast %mul3A_393 : vector<16xf32> to vector<1x16xf32>
      tpu.vector_store %arg16[%swap3A_394, %swap3A_395], %swap3A_398 {strides = array<i32>} : memref<80x128xf32, #tpu.memory_space<vmem>>, vector<1x16xf32>,
      %get3A_399 = arith.index_cast %add3A_289 : i32 to index
      %get3A_400 = arith.constant 112 : index
      %get3A_401 = tpu.vector_load %arg13[%get3A_399, %get3A_400] {strides = array<i32>} : memref<80x128xf32, #tpu.memory_space<vmem>>, vector<1x16xf32>,
      %get3A_402 = vector.shape_cast %get3A_401 : vector<1x16xf32> to vector<16xf32>
      %add3A_403 = arith.addf %get3A_402, %get3A_341 : vector<16xf32>
      %mul3A_404 = arith.mulf %exp3A, %add3A_403 : vector<16xf32>
      %swap3A_405 = arith.index_cast %add3A_289 : i32 to index
      %swap3A_406 = arith.constant 48 : index
      %swap3A_407 = tpu.vector_load %arg16[%swap3A_405, %swap3A_406] {strides = array<i32>} : memref<80x128xf32, #tpu.memory_space<vmem>>, vector<1x16xf32>,
      %swap3A_408 = vector.shape_cast %swap3A_407 : vector<1x16xf32> to vector<16xf32>
      %swap3A_409 = vector.shape_cast %mul3A_404 : vector<16xf32> to vector<1x16xf32>
      tpu.vector_store %arg16[%swap3A_405, %swap3A_406], %swap3A_409 {strides = array<i32>} : memref<80x128xf32, #tpu.memory_space<vmem>>, vector<1x16xf32>,
      %mul3A_410 = arith.mulf %exp3A, %select_n3A : vector<16xf32>
      %swap3A_411 = arith.index_cast %add3A_289 : i32 to index
      %swap3A_412 = arith.constant 64 : index
      %swap3A_413 = tpu.vector_load %arg16[%swap3A_411, %swap3A_412] {strides = array<i32>} : memref<80x128xf32, #tpu.memory_space<vmem>>, vector<1x16xf32>,
      %swap3A_414 = vector.shape_cast %swap3A_413 : vector<1x16xf32> to vector<16xf32>
      %swap3A_415 = vector.shape_cast %mul3A_410 : vector<16xf32> to vector<1x16xf32>
      tpu.vector_store %arg16[%swap3A_411, %swap3A_412], %swap3A_415 {strides = array<i32>} : memref<80x128xf32, #tpu.memory_space<vmem>>, vector<1x16xf32>,
      %add3A_416 = arith.constant 1 : i32
      %add3A_417 = arith.addi %mul3A_285, %add3A_416 : i32
      %add3A_418 = arith.constant 0 : i32
      %add3A_419 = arith.addi %mul3A_287, %add3A_418 : i32
      %broadcast_in_dim3A_420 = arith.constant 0.000000e+00 : f32
      %broadcast_in_dim3A_421 = vector.broadcast %broadcast_in_dim3A_420 : f32 to vector<16xf32>
      %get3A_422 = arith.index_cast %add3A_419 : i32 to index
      %get3A_423 = arith.constant 64 : index
      %get3A_424 = tpu.vector_load %arg14[%get3A_422, %get3A_423] {strides = array<i32>} : memref<40x128xf32, #tpu.memory_space<vmem>>, vector<1x16xf32>,
      %get3A_425 = vector.shape_cast %get3A_424 : vector<1x16xf32> to vector<16xf32>
      %get3A_426 = arith.index_cast %add3A_417 : i32 to index
      %get3A_427 = arith.constant 0 : index
      %get3A_428 = tpu.vector_load %arg12[%get3A_426, %get3A_427] {strides = array<i32>} : memref<80x128xf32, #tpu.memory_space<vmem>>, vector<1x16xf32>,
      %get3A_429 = vector.shape_cast %get3A_428 : vector<1x16xf32> to vector<16xf32>
      %get3A_430 = arith.index_cast %add3A_417 : i32 to index
      %get3A_431 = arith.constant 0 : index
      %get3A_432 = tpu.vector_load %arg13[%get3A_430, %get3A_431] {strides = array<i32>} : memref<80x128xf32, #tpu.memory_space<vmem>>, vector<1x16xf32>,
      %get3A_433 = vector.shape_cast %get3A_432 : vector<1x16xf32> to vector<16xf32>
      %add3A_434 = arith.addf %get3A_433, %get3A_425 : vector<16xf32>
      %mul3A_435 = arith.mulf %get3A_429, %add3A_434 : vector<16xf32>
      %add3A_436 = arith.addf %broadcast_in_dim3A_421, %mul3A_435 : vector<16xf32>
      %get3A_437 = arith.index_cast %add3A_419 : i32 to index
      %get3A_438 = arith.constant 80 : index
      %get3A_439 = tpu.vector_load %arg14[%get3A_437, %get3A_438] {strides = array<i32>} : memref<40x128xf32, #tpu.memory_space<vmem>>, vector<1x16xf32>,
      %get3A_440 = vector.shape_cast %get3A_439 : vector<1x16xf32> to vector<16xf32>
      %get3A_441 = arith.index_cast %add3A_417 : i32 to index
      %get3A_442 = arith.constant 16 : index
      %get3A_443 = tpu.vector_load %arg12[%get3A_441, %get3A_442] {strides = array<i32>} : memref<80x128xf32, #tpu.memory_space<vmem>>, vector<1x16xf32>,
      %get3A_444 = vector.shape_cast %get3A_443 : vector<1x16xf32> to vector<16xf32>
      %get3A_445 = arith.index_cast %add3A_417 : i32 to index
      %get3A_446 = arith.constant 16 : index
      %get3A_447 = tpu.vector_load %arg13[%get3A_445, %get3A_446] {strides = array<i32>} : memref<80x128xf32, #tpu.memory_space<vmem>>, vector<1x16xf32>,
      %get3A_448 = vector.shape_cast %get3A_447 : vector<1x16xf32> to vector<16xf32>
      %add3A_449 = arith.addf %get3A_448, %get3A_440 : vector<16xf32>
      %mul3A_450 = arith.mulf %get3A_444, %add3A_449 : vector<16xf32>
      %add3A_451 = arith.addf %add3A_436, %mul3A_450 : vector<16xf32>
      %get3A_452 = arith.index_cast %add3A_419 : i32 to index
      %get3A_453 = arith.constant 96 : index
      %get3A_454 = tpu.vector_load %arg14[%get3A_452, %get3A_453] {strides = array<i32>} : memref<40x128xf32, #tpu.memory_space<vmem>>, vector<1x16xf32>,
      %get3A_455 = vector.shape_cast %get3A_454 : vector<1x16xf32> to vector<16xf32>
      %get3A_456 = arith.index_cast %add3A_417 : i32 to index
      %get3A_457 = arith.constant 32 : index
      %get3A_458 = tpu.vector_load %arg12[%get3A_456, %get3A_457] {strides = array<i32>} : memref<80x128xf32, #tpu.memory_space<vmem>>, vector<1x16xf32>,
      %get3A_459 = vector.shape_cast %get3A_458 : vector<1x16xf32> to vector<16xf32>
      %get3A_460 = arith.index_cast %add3A_417 : i32 to index
      %get3A_461 = arith.constant 32 : index
      %get3A_462 = tpu.vector_load %arg13[%get3A_460, %get3A_461] {strides = array<i32>} : memref<80x128xf32, #tpu.memory_space<vmem>>, vector<1x16xf32>,
      %get3A_463 = vector.shape_cast %get3A_462 : vector<1x16xf32> to vector<16xf32>
      %add3A_464 = arith.addf %get3A_463, %get3A_455 : vector<16xf32>
      %mul3A_465 = arith.mulf %get3A_459, %add3A_464 : vector<16xf32>
      %add3A_466 = arith.addf %add3A_451, %mul3A_465 : vector<16xf32>
      %get3A_467 = arith.index_cast %add3A_419 : i32 to index
      %get3A_468 = arith.constant 112 : index
      %get3A_469 = tpu.vector_load %arg14[%get3A_467, %get3A_468] {strides = array<i32>} : memref<40x128xf32, #tpu.memory_space<vmem>>, vector<1x16xf32>,
      %get3A_470 = vector.shape_cast %get3A_469 : vector<1x16xf32> to vector<16xf32>
      %get3A_471 = arith.index_cast %add3A_417 : i32 to index
      %get3A_472 = arith.constant 48 : index
      %get3A_473 = tpu.vector_load %arg12[%get3A_471, %get3A_472] {strides = array<i32>} : memref<80x128xf32, #tpu.memory_space<vmem>>, vector<1x16xf32>,
      %get3A_474 = vector.shape_cast %get3A_473 : vector<1x16xf32> to vector<16xf32>
      %get3A_475 = arith.index_cast %add3A_417 : i32 to index
      %get3A_476 = arith.constant 48 : index
      %get3A_477 = tpu.vector_load %arg13[%get3A_475, %get3A_476] {strides = array<i32>} : memref<80x128xf32, #tpu.memory_space<vmem>>, vector<1x16xf32>,
      %get3A_478 = vector.shape_cast %get3A_477 : vector<1x16xf32> to vector<16xf32>
      %add3A_479 = arith.addf %get3A_478, %get3A_470 : vector<16xf32>
      %mul3A_480 = arith.mulf %get3A_474, %add3A_479 : vector<16xf32>
      %add3A_481 = arith.addf %add3A_466, %mul3A_480 : vector<16xf32>
      %gather3A_482 = vector.shape_cast %broadcast_in_dim3A_35 : vector<16x1xi32> to vector<16xi32>
      %gather3A_483 = tpu.dynamic_gather %add3A_481[%gather3A_482] in [0] : vector<16xf32>, vector<16xi32> -> vector<16xf32>
      %add3A_484 = arith.addf %add3A_481, %gather3A_483 : vector<16xf32>
      %gather3A_485 = vector.shape_cast %broadcast_in_dim3A_39 : vector<16x1xi32> to vector<16xi32>
      %gather3A_486 = tpu.dynamic_gather %add3A_484[%gather3A_485] in [0] : vector<16xf32>, vector<16xi32> -> vector<16xf32>
      %add3A_487 = arith.addf %add3A_484, %gather3A_486 : vector<16xf32>
      %gather3A_488 = vector.shape_cast %broadcast_in_dim3A_43 : vector<16x1xi32> to vector<16xi32>
      %gather3A_489 = tpu.dynamic_gather %add3A_487[%gather3A_488] in [0] : vector<16xf32>, vector<16xi32> -> vector<16xf32>
      %add3A_490 = arith.addf %add3A_487, %gather3A_489 : vector<16xf32>
      %gather3A_491 = vector.shape_cast %broadcast_in_dim3A_47 : vector<16x1xi32> to vector<16xi32>
      %gather3A_492 = tpu.dynamic_gather %add3A_490[%gather3A_491] in [0] : vector<16xf32>, vector<16xi32> -> vector<16xf32>
      %add3A_493 = arith.addf %add3A_490, %gather3A_492 : vector<16xf32>
      %mul3A_494 = arith.constant 1.250000e-01 : f32
      %mul3A_495 = vector.broadcast %mul3A_494 : f32 to vector<16xf32>
      %mul3A_496 = arith.mulf %add3A_493, %mul3A_495 : vector<16xf32>
      %exp3A_497 = math.exp %mul3A_496 : vector<16xf32>
      %get3A_498 = arith.index_cast %add3A_417 : i32 to index
      %get3A_499 = arith.constant 64 : index
      %get3A_500 = tpu.vector_load %arg13[%get3A_498, %get3A_499] {strides = array<i32>} : memref<80x128xf32, #tpu.memory_space<vmem>>, vector<1x16xf32>,
      %get3A_501 = vector.shape_cast %get3A_500 : vector<1x16xf32> to vector<16xf32>
      %add3A_502 = arith.addf %get3A_501, %get3A_425 : vector<16xf32>
      %mul3A_503 = arith.mulf %exp3A_497, %add3A_502 : vector<16xf32>
      %swap3A_504 = arith.index_cast %add3A_417 : i32 to index
      %swap3A_505 = arith.constant 0 : index
      %swap3A_506 = tpu.vector_load %arg16[%swap3A_504, %swap3A_505] {strides = array<i32>} : memref<80x128xf32, #tpu.memory_space<vmem>>, vector<1x16xf32>,
      %swap3A_507 = vector.shape_cast %swap3A_506 : vector<1x16xf32> to vector<16xf32>
      %swap3A_508 = vector.shape_cast %mul3A_503 : vector<16xf32> to vector<1x16xf32>
      tpu.vector_store %arg16[%swap3A_504, %swap3A_505], %swap3A_508 {strides = array<i32>} : memref<80x128xf32, #tpu.memory_space<vmem>>, vector<1x16xf32>,
      %get3A_509 = arith.index_cast %add3A_417 : i32 to index
      %get3A_510 = arith.constant 80 : index
      %get3A_511 = tpu.vector_load %arg13[%get3A_509, %get3A_510] {strides = array<i32>} : memref<80x128xf32, #tpu.memory_space<vmem>>, vector<1x16xf32>,
      %get3A_512 = vector.shape_cast %get3A_511 : vector<1x16xf32> to vector<16xf32>
      %add3A_513 = arith.addf %get3A_512, %get3A_440 : vector<16xf32>
      %mul3A_514 = arith.mulf %exp3A_497, %add3A_513 : vector<16xf32>
      %swap3A_515 = arith.index_cast %add3A_417 : i32 to index
      %swap3A_516 = arith.constant 16 : index
      %swap3A_517 = tpu.vector_load %arg16[%swap3A_515, %swap3A_516] {strides = array<i32>} : memref<80x128xf32, #tpu.memory_space<vmem>>, vector<1x16xf32>,
      %swap3A_518 = vector.shape_cast %swap3A_517 : vector<1x16xf32> to vector<16xf32>
      %swap3A_519 = vector.shape_cast %mul3A_514 : vector<16xf32> to vector<1x16xf32>
      tpu.vector_store %arg16[%swap3A_515, %swap3A_516], %swap3A_519 {strides = array<i32>} : memref<80x128xf32, #tpu.memory_space<vmem>>, vector<1x16xf32>,
      %get3A_520 = arith.index_cast %add3A_417 : i32 to index
      %get3A_521 = arith.constant 96 : index
      %get3A_522 = tpu.vector_load %arg13[%get3A_520, %get3A_521] {strides = array<i32>} : memref<80x128xf32, #tpu.memory_space<vmem>>, vector<1x16xf32>,
      %get3A_523 = vector.shape_cast %get3A_522 : vector<1x16xf32> to vector<16xf32>
      %add3A_524 = arith.addf %get3A_523, %get3A_455 : vector<16xf32>
      %mul3A_525 = arith.mulf %exp3A_497, %add3A_524 : vector<16xf32>
      %swap3A_526 = arith.index_cast %add3A_417 : i32 to index
      %swap3A_527 = arith.constant 32 : index
      %swap3A_528 = tpu.vector_load %arg16[%swap3A_526, %swap3A_527] {strides = array<i32>} : memref<80x128xf32, #tpu.memory_space<vmem>>, vector<1x16xf32>,
      %swap3A_529 = vector.shape_cast %swap3A_528 : vector<1x16xf32> to vector<16xf32>
      %swap3A_530 = vector.shape_cast %mul3A_525 : vector<16xf32> to vector<1x16xf32>
      tpu.vector_store %arg16[%swap3A_526, %swap3A_527], %swap3A_530 {strides = array<i32>} : memref<80x128xf32, #tpu.memory_space<vmem>>, vector<1x16xf32>,
      %get3A_531 = arith.index_cast %add3A_417 : i32 to index
      %get3A_532 = arith.constant 112 : index
      %get3A_533 = tpu.vector_load %arg13[%get3A_531, %get3A_532] {strides = array<i32>} : memref<80x128xf32, #tpu.memory_space<vmem>>, vector<1x16xf32>,
      %get3A_534 = vector.shape_cast %get3A_533 : vector<1x16xf32> to vector<16xf32>
      %add3A_535 = arith.addf %get3A_534, %get3A_470 : vector<16xf32>
      %mul3A_536 = arith.mulf %exp3A_497, %add3A_535 : vector<16xf32>
      %swap3A_537 = arith.index_cast %add3A_417 : i32 to index
      %swap3A_538 = arith.constant 48 : index
      %swap3A_539 = tpu.vector_load %arg16[%swap3A_537, %swap3A_538] {strides = array<i32>} : memref<80x128xf32, #tpu.memory_space<vmem>>, vector<1x16xf32>,
      %swap3A_540 = vector.shape_cast %swap3A_539 : vector<1x16xf32> to vector<16xf32>
      %swap3A_541 = vector.shape_cast %mul3A_536 : vector<16xf32> to vector<1x16xf32>
      tpu.vector_store %arg16[%swap3A_537, %swap3A_538], %swap3A_541 {strides = array<i32>} : memref<80x128xf32, #tpu.memory_space<vmem>>, vector<1x16xf32>,
      %mul3A_542 = arith.mulf %exp3A_497, %select_n3A : vector<16xf32>
      %swap3A_543 = arith.index_cast %add3A_417 : i32 to index
      %swap3A_544 = arith.constant 64 : index
      %swap3A_545 = tpu.vector_load %arg16[%swap3A_543, %swap3A_544] {strides = array<i32>} : memref<80x128xf32, #tpu.memory_space<vmem>>, vector<1x16xf32>,
      %swap3A_546 = vector.shape_cast %swap3A_545 : vector<1x16xf32> to vector<16xf32>
      %swap3A_547 = vector.shape_cast %mul3A_542 : vector<16xf32> to vector<1x16xf32>
      tpu.vector_store %arg16[%swap3A_543, %swap3A_544], %swap3A_547 {strides = array<i32>} : memref<80x128xf32, #tpu.memory_space<vmem>>, vector<1x16xf32>,
      %add3A_548 = arith.constant 2 : i32
      %add3A_549 = arith.addi %mul3A_285, %add3A_548 : i32
      %add3A_550 = arith.constant 1 : i32
      %add3A_551 = arith.addi %mul3A_287, %add3A_550 : i32
      %broadcast_in_dim3A_552 = arith.constant 0.000000e+00 : f32
      %broadcast_in_dim3A_553 = vector.broadcast %broadcast_in_dim3A_552 : f32 to vector<16xf32>
      %get3A_554 = arith.index_cast %add3A_551 : i32 to index
      %get3A_555 = arith.constant 0 : index
      %get3A_556 = tpu.vector_load %arg14[%get3A_554, %get3A_555] {strides = array<i32>} : memref<40x128xf32, #tpu.memory_space<vmem>>, vector<1x16xf32>,
      %get3A_557 = vector.shape_cast %get3A_556 : vector<1x16xf32> to vector<16xf32>
      %get3A_558 = arith.index_cast %add3A_549 : i32 to index
      %get3A_559 = arith.constant 0 : index
      %get3A_560 = tpu.vector_load %arg12[%get3A_558, %get3A_559] {strides = array<i32>} : memref<80x128xf32, #tpu.memory_space<vmem>>, vector<1x16xf32>,
      %get3A_561 = vector.shape_cast %get3A_560 : vector<1x16xf32> to vector<16xf32>
      %get3A_562 = arith.index_cast %add3A_549 : i32 to index
      %get3A_563 = arith.constant 0 : index
      %get3A_564 = tpu.vector_load %arg13[%get3A_562, %get3A_563] {strides = array<i32>} : memref<80x128xf32, #tpu.memory_space<vmem>>, vector<1x16xf32>,
      %get3A_565 = vector.shape_cast %get3A_564 : vector<1x16xf32> to vector<16xf32>
      %add3A_566 = arith.addf %get3A_565, %get3A_557 : vector<16xf32>
      %mul3A_567 = arith.mulf %get3A_561, %add3A_566 : vector<16xf32>
      %add3A_568 = arith.addf %broadcast_in_dim3A_553, %mul3A_567 : vector<16xf32>
      %get3A_569 = arith.index_cast %add3A_551 : i32 to index
      %get3A_570 = arith.constant 16 : index
      %get3A_571 = tpu.vector_load %arg14[%get3A_569, %get3A_570] {strides = array<i32>} : memref<40x128xf32, #tpu.memory_space<vmem>>, vector<1x16xf32>,
      %get3A_572 = vector.shape_cast %get3A_571 : vector<1x16xf32> to vector<16xf32>
      %get3A_573 = arith.index_cast %add3A_549 : i32 to index
      %get3A_574 = arith.constant 16 : index
      %get3A_575 = tpu.vector_load %arg12[%get3A_573, %get3A_574] {strides = array<i32>} : memref<80x128xf32, #tpu.memory_space<vmem>>, vector<1x16xf32>,
      %get3A_576 = vector.shape_cast %get3A_575 : vector<1x16xf32> to vector<16xf32>
      %get3A_577 = arith.index_cast %add3A_549 : i32 to index
      %get3A_578 = arith.constant 16 : index
      %get3A_579 = tpu.vector_load %arg13[%get3A_577, %get3A_578] {strides = array<i32>} : memref<80x128xf32, #tpu.memory_space<vmem>>, vector<1x16xf32>,
      %get3A_580 = vector.shape_cast %get3A_579 : vector<1x16xf32> to vector<16xf32>
      %add3A_581 = arith.addf %get3A_580, %get3A_572 : vector<16xf32>
      %mul3A_582 = arith.mulf %get3A_576, %add3A_581 : vector<16xf32>
      %add3A_583 = arith.addf %add3A_568, %mul3A_582 : vector<16xf32>
      %get3A_584 = arith.index_cast %add3A_551 : i32 to index
      %get3A_585 = arith.constant 32 : index
      %get3A_586 = tpu.vector_load %arg14[%get3A_584, %get3A_585] {strides = array<i32>} : memref<40x128xf32, #tpu.memory_space<vmem>>, vector<1x16xf32>,
      %get3A_587 = vector.shape_cast %get3A_586 : vector<1x16xf32> to vector<16xf32>
      %get3A_588 = arith.index_cast %add3A_549 : i32 to index
      %get3A_589 = arith.constant 32 : index
      %get3A_590 = tpu.vector_load %arg12[%get3A_588, %get3A_589] {strides = array<i32>} : memref<80x128xf32, #tpu.memory_space<vmem>>, vector<1x16xf32>,
      %get3A_591 = vector.shape_cast %get3A_590 : vector<1x16xf32> to vector<16xf32>
      %get3A_592 = arith.index_cast %add3A_549 : i32 to index
      %get3A_593 = arith.constant 32 : index
      %get3A_594 = tpu.vector_load %arg13[%get3A_592, %get3A_593] {strides = array<i32>} : memref<80x128xf32, #tpu.memory_space<vmem>>, vector<1x16xf32>,
      %get3A_595 = vector.shape_cast %get3A_594 : vector<1x16xf32> to vector<16xf32>
      %add3A_596 = arith.addf %get3A_595, %get3A_587 : vector<16xf32>
      %mul3A_597 = arith.mulf %get3A_591, %add3A_596 : vector<16xf32>
      %add3A_598 = arith.addf %add3A_583, %mul3A_597 : vector<16xf32>
      %get3A_599 = arith.index_cast %add3A_551 : i32 to index
      %get3A_600 = arith.constant 48 : index
      %get3A_601 = tpu.vector_load %arg14[%get3A_599, %get3A_600] {strides = array<i32>} : memref<40x128xf32, #tpu.memory_space<vmem>>, vector<1x16xf32>,
      %get3A_602 = vector.shape_cast %get3A_601 : vector<1x16xf32> to vector<16xf32>
      %get3A_603 = arith.index_cast %add3A_549 : i32 to index
      %get3A_604 = arith.constant 48 : index
      %get3A_605 = tpu.vector_load %arg12[%get3A_603, %get3A_604] {strides = array<i32>} : memref<80x128xf32, #tpu.memory_space<vmem>>, vector<1x16xf32>,
      %get3A_606 = vector.shape_cast %get3A_605 : vector<1x16xf32> to vector<16xf32>
      %get3A_607 = arith.index_cast %add3A_549 : i32 to index
      %get3A_608 = arith.constant 48 : index
      %get3A_609 = tpu.vector_load %arg13[%get3A_607, %get3A_608] {strides = array<i32>} : memref<80x128xf32, #tpu.memory_space<vmem>>, vector<1x16xf32>,
      %get3A_610 = vector.shape_cast %get3A_609 : vector<1x16xf32> to vector<16xf32>
      %add3A_611 = arith.addf %get3A_610, %get3A_602 : vector<16xf32>
      %mul3A_612 = arith.mulf %get3A_606, %add3A_611 : vector<16xf32>
      %add3A_613 = arith.addf %add3A_598, %mul3A_612 : vector<16xf32>
      %gather3A_614 = vector.shape_cast %broadcast_in_dim3A_35 : vector<16x1xi32> to vector<16xi32>
      %gather3A_615 = tpu.dynamic_gather %add3A_613[%gather3A_614] in [0] : vector<16xf32>, vector<16xi32> -> vector<16xf32>
      %add3A_616 = arith.addf %add3A_613, %gather3A_615 : vector<16xf32>
      %gather3A_617 = vector.shape_cast %broadcast_in_dim3A_39 : vector<16x1xi32> to vector<16xi32>
      %gather3A_618 = tpu.dynamic_gather %add3A_616[%gather3A_617] in [0] : vector<16xf32>, vector<16xi32> -> vector<16xf32>
      %add3A_619 = arith.addf %add3A_616, %gather3A_618 : vector<16xf32>
      %gather3A_620 = vector.shape_cast %broadcast_in_dim3A_43 : vector<16x1xi32> to vector<16xi32>
      %gather3A_621 = tpu.dynamic_gather %add3A_619[%gather3A_620] in [0] : vector<16xf32>, vector<16xi32> -> vector<16xf32>
      %add3A_622 = arith.addf %add3A_619, %gather3A_621 : vector<16xf32>
      %gather3A_623 = vector.shape_cast %broadcast_in_dim3A_47 : vector<16x1xi32> to vector<16xi32>
      %gather3A_624 = tpu.dynamic_gather %add3A_622[%gather3A_623] in [0] : vector<16xf32>, vector<16xi32> -> vector<16xf32>
      %add3A_625 = arith.addf %add3A_622, %gather3A_624 : vector<16xf32>
      %mul3A_626 = arith.constant 1.250000e-01 : f32
      %mul3A_627 = vector.broadcast %mul3A_626 : f32 to vector<16xf32>
      %mul3A_628 = arith.mulf %add3A_625, %mul3A_627 : vector<16xf32>
      %exp3A_629 = math.exp %mul3A_628 : vector<16xf32>
      %get3A_630 = arith.index_cast %add3A_549 : i32 to index
      %get3A_631 = arith.constant 64 : index
      %get3A_632 = tpu.vector_load %arg13[%get3A_630, %get3A_631] {strides = array<i32>} : memref<80x128xf32, #tpu.memory_space<vmem>>, vector<1x16xf32>,
      %get3A_633 = vector.shape_cast %get3A_632 : vector<1x16xf32> to vector<16xf32>
      %add3A_634 = arith.addf %get3A_633, %get3A_557 : vector<16xf32>
      %mul3A_635 = arith.mulf %exp3A_629, %add3A_634 : vector<16xf32>
      %swap3A_636 = arith.index_cast %add3A_549 : i32 to index
      %swap3A_637 = arith.constant 0 : index
      %swap3A_638 = tpu.vector_load %arg16[%swap3A_636, %swap3A_637] {strides = array<i32>} : memref<80x128xf32, #tpu.memory_space<vmem>>, vector<1x16xf32>,
      %swap3A_639 = vector.shape_cast %swap3A_638 : vector<1x16xf32> to vector<16xf32>
      %swap3A_640 = vector.shape_cast %mul3A_635 : vector<16xf32> to vector<1x16xf32>
      tpu.vector_store %arg16[%swap3A_636, %swap3A_637], %swap3A_640 {strides = array<i32>} : memref<80x128xf32, #tpu.memory_space<vmem>>, vector<1x16xf32>,
      %get3A_641 = arith.index_cast %add3A_549 : i32 to index
      %get3A_642 = arith.constant 80 : index
      %get3A_643 = tpu.vector_load %arg13[%get3A_641, %get3A_642] {strides = array<i32>} : memref<80x128xf32, #tpu.memory_space<vmem>>, vector<1x16xf32>,
      %get3A_644 = vector.shape_cast %get3A_643 : vector<1x16xf32> to vector<16xf32>
      %add3A_645 = arith.addf %get3A_644, %get3A_572 : vector<16xf32>
      %mul3A_646 = arith.mulf %exp3A_629, %add3A_645 : vector<16xf32>
      %swap3A_647 = arith.index_cast %add3A_549 : i32 to index
      %swap3A_648 = arith.constant 16 : index
      %swap3A_649 = tpu.vector_load %arg16[%swap3A_647, %swap3A_648] {strides = array<i32>} : memref<80x128xf32, #tpu.memory_space<vmem>>, vector<1x16xf32>,
      %swap3A_650 = vector.shape_cast %swap3A_649 : vector<1x16xf32> to vector<16xf32>
      %swap3A_651 = vector.shape_cast %mul3A_646 : vector<16xf32> to vector<1x16xf32>
      tpu.vector_store %arg16[%swap3A_647, %swap3A_648], %swap3A_651 {strides = array<i32>} : memref<80x128xf32, #tpu.memory_space<vmem>>, vector<1x16xf32>,
      %get3A_652 = arith.index_cast %add3A_549 : i32 to index
      %get3A_653 = arith.constant 96 : index
      %get3A_654 = tpu.vector_load %arg13[%get3A_652, %get3A_653] {strides = array<i32>} : memref<80x128xf32, #tpu.memory_space<vmem>>, vector<1x16xf32>,
      %get3A_655 = vector.shape_cast %get3A_654 : vector<1x16xf32> to vector<16xf32>
      %add3A_656 = arith.addf %get3A_655, %get3A_587 : vector<16xf32>
      %mul3A_657 = arith.mulf %exp3A_629, %add3A_656 : vector<16xf32>
      %swap3A_658 = arith.index_cast %add3A_549 : i32 to index
      %swap3A_659 = arith.constant 32 : index
      %swap3A_660 = tpu.vector_load %arg16[%swap3A_658, %swap3A_659] {strides = array<i32>} : memref<80x128xf32, #tpu.memory_space<vmem>>, vector<1x16xf32>,
      %swap3A_661 = vector.shape_cast %swap3A_660 : vector<1x16xf32> to vector<16xf32>
      %swap3A_662 = vector.shape_cast %mul3A_657 : vector<16xf32> to vector<1x16xf32>
      tpu.vector_store %arg16[%swap3A_658, %swap3A_659], %swap3A_662 {strides = array<i32>} : memref<80x128xf32, #tpu.memory_space<vmem>>, vector<1x16xf32>,
      %get3A_663 = arith.index_cast %add3A_549 : i32 to index
      %get3A_664 = arith.constant 112 : index
      %get3A_665 = tpu.vector_load %arg13[%get3A_663, %get3A_664] {strides = array<i32>} : memref<80x128xf32, #tpu.memory_space<vmem>>, vector<1x16xf32>,
      %get3A_666 = vector.shape_cast %get3A_665 : vector<1x16xf32> to vector<16xf32>
      %add3A_667 = arith.addf %get3A_666, %get3A_602 : vector<16xf32>
      %mul3A_668 = arith.mulf %exp3A_629, %add3A_667 : vector<16xf32>
      %swap3A_669 = arith.index_cast %add3A_549 : i32 to index
      %swap3A_670 = arith.constant 48 : index
      %swap3A_671 = tpu.vector_load %arg16[%swap3A_669, %swap3A_670] {strides = array<i32>} : memref<80x128xf32, #tpu.memory_space<vmem>>, vector<1x16xf32>,
      %swap3A_672 = vector.shape_cast %swap3A_671 : vector<1x16xf32> to vector<16xf32>
      %swap3A_673 = vector.shape_cast %mul3A_668 : vector<16xf32> to vector<1x16xf32>
      tpu.vector_store %arg16[%swap3A_669, %swap3A_670], %swap3A_673 {strides = array<i32>} : memref<80x128xf32, #tpu.memory_space<vmem>>, vector<1x16xf32>,
      %mul3A_674 = arith.mulf %exp3A_629, %select_n3A : vector<16xf32>
      %swap3A_675 = arith.index_cast %add3A_549 : i32 to index
      %swap3A_676 = arith.constant 64 : index
      %swap3A_677 = tpu.vector_load %arg16[%swap3A_675, %swap3A_676] {strides = array<i32>} : memref<80x128xf32, #tpu.memory_space<vmem>>, vector<1x16xf32>,
      %swap3A_678 = vector.shape_cast %swap3A_677 : vector<1x16xf32> to vector<16xf32>
      %swap3A_679 = vector.shape_cast %mul3A_674 : vector<16xf32> to vector<1x16xf32>
      tpu.vector_store %arg16[%swap3A_675, %swap3A_676], %swap3A_679 {strides = array<i32>} : memref<80x128xf32, #tpu.memory_space<vmem>>, vector<1x16xf32>,
      %add3A_680 = arith.constant 3 : i32
      %add3A_681 = arith.addi %mul3A_285, %add3A_680 : i32
      %add3A_682 = arith.constant 1 : i32
      %add3A_683 = arith.addi %mul3A_287, %add3A_682 : i32
      %broadcast_in_dim3A_684 = arith.constant 0.000000e+00 : f32
      %broadcast_in_dim3A_685 = vector.broadcast %broadcast_in_dim3A_684 : f32 to vector<16xf32>
      %get3A_686 = arith.index_cast %add3A_683 : i32 to index
      %get3A_687 = arith.constant 64 : index
      %get3A_688 = tpu.vector_load %arg14[%get3A_686, %get3A_687] {strides = array<i32>} : memref<40x128xf32, #tpu.memory_space<vmem>>, vector<1x16xf32>,
      %get3A_689 = vector.shape_cast %get3A_688 : vector<1x16xf32> to vector<16xf32>
      %get3A_690 = arith.index_cast %add3A_681 : i32 to index
      %get3A_691 = arith.constant 0 : index
      %get3A_692 = tpu.vector_load %arg12[%get3A_690, %get3A_691] {strides = array<i32>} : memref<80x128xf32, #tpu.memory_space<vmem>>, vector<1x16xf32>,
      %get3A_693 = vector.shape_cast %get3A_692 : vector<1x16xf32> to vector<16xf32>
      %get3A_694 = arith.index_cast %add3A_681 : i32 to index
      %get3A_695 = arith.constant 0 : index
      %get3A_696 = tpu.vector_load %arg13[%get3A_694, %get3A_695] {strides = array<i32>} : memref<80x128xf32, #tpu.memory_space<vmem>>, vector<1x16xf32>,
      %get3A_697 = vector.shape_cast %get3A_696 : vector<1x16xf32> to vector<16xf32>
      %add3A_698 = arith.addf %get3A_697, %get3A_689 : vector<16xf32>
      %mul3A_699 = arith.mulf %get3A_693, %add3A_698 : vector<16xf32>
      %add3A_700 = arith.addf %broadcast_in_dim3A_685, %mul3A_699 : vector<16xf32>
      %get3A_701 = arith.index_cast %add3A_683 : i32 to index
      %get3A_702 = arith.constant 80 : index
      %get3A_703 = tpu.vector_load %arg14[%get3A_701, %get3A_702] {strides = array<i32>} : memref<40x128xf32, #tpu.memory_space<vmem>>, vector<1x16xf32>,
      %get3A_704 = vector.shape_cast %get3A_703 : vector<1x16xf32> to vector<16xf32>
      %get3A_705 = arith.index_cast %add3A_681 : i32 to index
      %get3A_706 = arith.constant 16 : index
      %get3A_707 = tpu.vector_load %arg12[%get3A_705, %get3A_706] {strides = array<i32>} : memref<80x128xf32, #tpu.memory_space<vmem>>, vector<1x16xf32>,
      %get3A_708 = vector.shape_cast %get3A_707 : vector<1x16xf32> to vector<16xf32>
      %get3A_709 = arith.index_cast %add3A_681 : i32 to index
      %get3A_710 = arith.constant 16 : index
      %get3A_711 = tpu.vector_load %arg13[%get3A_709, %get3A_710] {strides = array<i32>} : memref<80x128xf32, #tpu.memory_space<vmem>>, vector<1x16xf32>,
      %get3A_712 = vector.shape_cast %get3A_711 : vector<1x16xf32> to vector<16xf32>
      %add3A_713 = arith.addf %get3A_712, %get3A_704 : vector<16xf32>
      %mul3A_714 = arith.mulf %get3A_708, %add3A_713 : vector<16xf32>
      %add3A_715 = arith.addf %add3A_700, %mul3A_714 : vector<16xf32>
      %get3A_716 = arith.index_cast %add3A_683 : i32 to index
      %get3A_717 = arith.constant 96 : index
      %get3A_718 = tpu.vector_load %arg14[%get3A_716, %get3A_717] {strides = array<i32>} : memref<40x128xf32, #tpu.memory_space<vmem>>, vector<1x16xf32>,
      %get3A_719 = vector.shape_cast %get3A_718 : vector<1x16xf32> to vector<16xf32>
      %get3A_720 = arith.index_cast %add3A_681 : i32 to index
      %get3A_721 = arith.constant 32 : index
      %get3A_722 = tpu.vector_load %arg12[%get3A_720, %get3A_721] {strides = array<i32>} : memref<80x128xf32, #tpu.memory_space<vmem>>, vector<1x16xf32>,
      %get3A_723 = vector.shape_cast %get3A_722 : vector<1x16xf32> to vector<16xf32>
      %get3A_724 = arith.index_cast %add3A_681 : i32 to index
      %get3A_725 = arith.constant 32 : index
      %get3A_726 = tpu.vector_load %arg13[%get3A_724, %get3A_725] {strides = array<i32>} : memref<80x128xf32, #tpu.memory_space<vmem>>, vector<1x16xf32>,
      %get3A_727 = vector.shape_cast %get3A_726 : vector<1x16xf32> to vector<16xf32>
      %add3A_728 = arith.addf %get3A_727, %get3A_719 : vector<16xf32>
      %mul3A_729 = arith.mulf %get3A_723, %add3A_728 : vector<16xf32>
      %add3A_730 = arith.addf %add3A_715, %mul3A_729 : vector<16xf32>
      %get3A_731 = arith.index_cast %add3A_683 : i32 to index
      %get3A_732 = arith.constant 112 : index
      %get3A_733 = tpu.vector_load %arg14[%get3A_731, %get3A_732] {strides = array<i32>} : memref<40x128xf32, #tpu.memory_space<vmem>>, vector<1x16xf32>,
      %get3A_734 = vector.shape_cast %get3A_733 : vector<1x16xf32> to vector<16xf32>
      %get3A_735 = arith.index_cast %add3A_681 : i32 to index
      %get3A_736 = arith.constant 48 : index
      %get3A_737 = tpu.vector_load %arg12[%get3A_735, %get3A_736] {strides = array<i32>} : memref<80x128xf32, #tpu.memory_space<vmem>>, vector<1x16xf32>,
      %get3A_738 = vector.shape_cast %get3A_737 : vector<1x16xf32> to vector<16xf32>
      %get3A_739 = arith.index_cast %add3A_681 : i32 to index
      %get3A_740 = arith.constant 48 : index
      %get3A_741 = tpu.vector_load %arg13[%get3A_739, %get3A_740] {strides = array<i32>} : memref<80x128xf32, #tpu.memory_space<vmem>>, vector<1x16xf32>,
      %get3A_742 = vector.shape_cast %get3A_741 : vector<1x16xf32> to vector<16xf32>
      %add3A_743 = arith.addf %get3A_742, %get3A_734 : vector<16xf32>
      %mul3A_744 = arith.mulf %get3A_738, %add3A_743 : vector<16xf32>
      %add3A_745 = arith.addf %add3A_730, %mul3A_744 : vector<16xf32>
      %gather3A_746 = vector.shape_cast %broadcast_in_dim3A_35 : vector<16x1xi32> to vector<16xi32>
      %gather3A_747 = tpu.dynamic_gather %add3A_745[%gather3A_746] in [0] : vector<16xf32>, vector<16xi32> -> vector<16xf32>
      %add3A_748 = arith.addf %add3A_745, %gather3A_747 : vector<16xf32>
      %gather3A_749 = vector.shape_cast %broadcast_in_dim3A_39 : vector<16x1xi32> to vector<16xi32>
      %gather3A_750 = tpu.dynamic_gather %add3A_748[%gather3A_749] in [0] : vector<16xf32>, vector<16xi32> -> vector<16xf32>
      %add3A_751 = arith.addf %add3A_748, %gather3A_750 : vector<16xf32>
      %gather3A_752 = vector.shape_cast %broadcast_in_dim3A_43 : vector<16x1xi32> to vector<16xi32>
      %gather3A_753 = tpu.dynamic_gather %add3A_751[%gather3A_752] in [0] : vector<16xf32>, vector<16xi32> -> vector<16xf32>
      %add3A_754 = arith.addf %add3A_751, %gather3A_753 : vector<16xf32>
      %gather3A_755 = vector.shape_cast %broadcast_in_dim3A_47 : vector<16x1xi32> to vector<16xi32>
      %gather3A_756 = tpu.dynamic_gather %add3A_754[%gather3A_755] in [0] : vector<16xf32>, vector<16xi32> -> vector<16xf32>
      %add3A_757 = arith.addf %add3A_754, %gather3A_756 : vector<16xf32>
      %mul3A_758 = arith.constant 1.250000e-01 : f32
      %mul3A_759 = vector.broadcast %mul3A_758 : f32 to vector<16xf32>
      %mul3A_760 = arith.mulf %add3A_757, %mul3A_759 : vector<16xf32>
      %exp3A_761 = math.exp %mul3A_760 : vector<16xf32>
      %get3A_762 = arith.index_cast %add3A_681 : i32 to index
      %get3A_763 = arith.constant 64 : index
      %get3A_764 = tpu.vector_load %arg13[%get3A_762, %get3A_763] {strides = array<i32>} : memref<80x128xf32, #tpu.memory_space<vmem>>, vector<1x16xf32>,
      %get3A_765 = vector.shape_cast %get3A_764 : vector<1x16xf32> to vector<16xf32>
      %add3A_766 = arith.addf %get3A_765, %get3A_689 : vector<16xf32>
      %mul3A_767 = arith.mulf %exp3A_761, %add3A_766 : vector<16xf32>
      %swap3A_768 = arith.index_cast %add3A_681 : i32 to index
      %swap3A_769 = arith.constant 0 : index
      %swap3A_770 = tpu.vector_load %arg16[%swap3A_768, %swap3A_769] {strides = array<i32>} : memref<80x128xf32, #tpu.memory_space<vmem>>, vector<1x16xf32>,
      %swap3A_771 = vector.shape_cast %swap3A_770 : vector<1x16xf32> to vector<16xf32>
      %swap3A_772 = vector.shape_cast %mul3A_767 : vector<16xf32> to vector<1x16xf32>
      tpu.vector_store %arg16[%swap3A_768, %swap3A_769], %swap3A_772 {strides = array<i32>} : memref<80x128xf32, #tpu.memory_space<vmem>>, vector<1x16xf32>,
      %get3A_773 = arith.index_cast %add3A_681 : i32 to index
      %get3A_774 = arith.constant 80 : index
      %get3A_775 = tpu.vector_load %arg13[%get3A_773, %get3A_774] {strides = array<i32>} : memref<80x128xf32, #tpu.memory_space<vmem>>, vector<1x16xf32>,
      %get3A_776 = vector.shape_cast %get3A_775 : vector<1x16xf32> to vector<16xf32>
      %add3A_777 = arith.addf %get3A_776, %get3A_704 : vector<16xf32>
      %mul3A_778 = arith.mulf %exp3A_761, %add3A_777 : vector<16xf32>
      %swap3A_779 = arith.index_cast %add3A_681 : i32 to index
      %swap3A_780 = arith.constant 16 : index
      %swap3A_781 = tpu.vector_load %arg16[%swap3A_779, %swap3A_780] {strides = array<i32>} : memref<80x128xf32, #tpu.memory_space<vmem>>, vector<1x16xf32>,
      %swap3A_782 = vector.shape_cast %swap3A_781 : vector<1x16xf32> to vector<16xf32>
      %swap3A_783 = vector.shape_cast %mul3A_778 : vector<16xf32> to vector<1x16xf32>
      tpu.vector_store %arg16[%swap3A_779, %swap3A_780], %swap3A_783 {strides = array<i32>} : memref<80x128xf32, #tpu.memory_space<vmem>>, vector<1x16xf32>,
      %get3A_784 = arith.index_cast %add3A_681 : i32 to index
      %get3A_785 = arith.constant 96 : index
      %get3A_786 = tpu.vector_load %arg13[%get3A_784, %get3A_785] {strides = array<i32>} : memref<80x128xf32, #tpu.memory_space<vmem>>, vector<1x16xf32>,
      %get3A_787 = vector.shape_cast %get3A_786 : vector<1x16xf32> to vector<16xf32>
      %add3A_788 = arith.addf %get3A_787, %get3A_719 : vector<16xf32>
      %mul3A_789 = arith.mulf %exp3A_761, %add3A_788 : vector<16xf32>
      %swap3A_790 = arith.index_cast %add3A_681 : i32 to index
      %swap3A_791 = arith.constant 32 : index
      %swap3A_792 = tpu.vector_load %arg16[%swap3A_790, %swap3A_791] {strides = array<i32>} : memref<80x128xf32, #tpu.memory_space<vmem>>, vector<1x16xf32>,
      %swap3A_793 = vector.shape_cast %swap3A_792 : vector<1x16xf32> to vector<16xf32>
      %swap3A_794 = vector.shape_cast %mul3A_789 : vector<16xf32> to vector<1x16xf32>
      tpu.vector_store %arg16[%swap3A_790, %swap3A_791], %swap3A_794 {strides = array<i32>} : memref<80x128xf32, #tpu.memory_space<vmem>>, vector<1x16xf32>,
      %get3A_795 = arith.index_cast %add3A_681 : i32 to index
      %get3A_796 = arith.constant 112 : index
      %get3A_797 = tpu.vector_load %arg13[%get3A_795, %get3A_796] {strides = array<i32>} : memref<80x128xf32, #tpu.memory_space<vmem>>, vector<1x16xf32>,
      %get3A_798 = vector.shape_cast %get3A_797 : vector<1x16xf32> to vector<16xf32>
      %add3A_799 = arith.addf %get3A_798, %get3A_734 : vector<16xf32>
      %mul3A_800 = arith.mulf %exp3A_761, %add3A_799 : vector<16xf32>
      %swap3A_801 = arith.index_cast %add3A_681 : i32 to index
      %swap3A_802 = arith.constant 48 : index
      %swap3A_803 = tpu.vector_load %arg16[%swap3A_801, %swap3A_802] {strides = array<i32>} : memref<80x128xf32, #tpu.memory_space<vmem>>, vector<1x16xf32>,
      %swap3A_804 = vector.shape_cast %swap3A_803 : vector<1x16xf32> to vector<16xf32>
      %swap3A_805 = vector.shape_cast %mul3A_800 : vector<16xf32> to vector<1x16xf32>
      tpu.vector_store %arg16[%swap3A_801, %swap3A_802], %swap3A_805 {strides = array<i32>} : memref<80x128xf32, #tpu.memory_space<vmem>>, vector<1x16xf32>,
      %mul3A_806 = arith.mulf %exp3A_761, %select_n3A : vector<16xf32>
      %swap3A_807 = arith.index_cast %add3A_681 : i32 to index
      %swap3A_808 = arith.constant 64 : index
      %swap3A_809 = tpu.vector_load %arg16[%swap3A_807, %swap3A_808] {strides = array<i32>} : memref<80x128xf32, #tpu.memory_space<vmem>>, vector<1x16xf32>,
      %swap3A_810 = vector.shape_cast %swap3A_809 : vector<1x16xf32> to vector<16xf32>
      %swap3A_811 = vector.shape_cast %mul3A_806 : vector<16xf32> to vector<1x16xf32>
      tpu.vector_store %arg16[%swap3A_807, %swap3A_808], %swap3A_811 {strides = array<i32>} : memref<80x128xf32, #tpu.memory_space<vmem>>, vector<1x16xf32>,
      %add3A_812 = arith.constant 4 : i32
      %add3A_813 = arith.addi %mul3A_285, %add3A_812 : i32
      %add3A_814 = arith.constant 2 : i32
      %add3A_815 = arith.addi %mul3A_287, %add3A_814 : i32
      %broadcast_in_dim3A_816 = arith.constant 0.000000e+00 : f32
      %broadcast_in_dim3A_817 = vector.broadcast %broadcast_in_dim3A_816 : f32 to vector<16xf32>
      %get3A_818 = arith.index_cast %add3A_815 : i32 to index
      %get3A_819 = arith.constant 0 : index
      %get3A_820 = tpu.vector_load %arg14[%get3A_818, %get3A_819] {strides = array<i32>} : memref<40x128xf32, #tpu.memory_space<vmem>>, vector<1x16xf32>,
      %get3A_821 = vector.shape_cast %get3A_820 : vector<1x16xf32> to vector<16xf32>
      %get3A_822 = arith.index_cast %add3A_813 : i32 to index
      %get3A_823 = arith.constant 0 : index
      %get3A_824 = tpu.vector_load %arg12[%get3A_822, %get3A_823] {strides = array<i32>} : memref<80x128xf32, #tpu.memory_space<vmem>>, vector<1x16xf32>,
      %get3A_825 = vector.shape_cast %get3A_824 : vector<1x16xf32> to vector<16xf32>
      %get3A_826 = arith.index_cast %add3A_813 : i32 to index
      %get3A_827 = arith.constant 0 : index
      %get3A_828 = tpu.vector_load %arg13[%get3A_826, %get3A_827] {strides = array<i32>} : memref<80x128xf32, #tpu.memory_space<vmem>>, vector<1x16xf32>,
      %get3A_829 = vector.shape_cast %get3A_828 : vector<1x16xf32> to vector<16xf32>
      %add3A_830 = arith.addf %get3A_829, %get3A_821 : vector<16xf32>
      %mul3A_831 = arith.mulf %get3A_825, %add3A_830 : vector<16xf32>
      %add3A_832 = arith.addf %broadcast_in_dim3A_817, %mul3A_831 : vector<16xf32>
      %get3A_833 = arith.index_cast %add3A_815 : i32 to index
      %get3A_834 = arith.constant 16 : index
      %get3A_835 = tpu.vector_load %arg14[%get3A_833, %get3A_834] {strides = array<i32>} : memref<40x128xf32, #tpu.memory_space<vmem>>, vector<1x16xf32>,
      %get3A_836 = vector.shape_cast %get3A_835 : vector<1x16xf32> to vector<16xf32>
      %get3A_837 = arith.index_cast %add3A_813 : i32 to index
      %get3A_838 = arith.constant 16 : index
      %get3A_839 = tpu.vector_load %arg12[%get3A_837, %get3A_838] {strides = array<i32>} : memref<80x128xf32, #tpu.memory_space<vmem>>, vector<1x16xf32>,
      %get3A_840 = vector.shape_cast %get3A_839 : vector<1x16xf32> to vector<16xf32>
      %get3A_841 = arith.index_cast %add3A_813 : i32 to index
      %get3A_842 = arith.constant 16 : index
      %get3A_843 = tpu.vector_load %arg13[%get3A_841, %get3A_842] {strides = array<i32>} : memref<80x128xf32, #tpu.memory_space<vmem>>, vector<1x16xf32>,
      %get3A_844 = vector.shape_cast %get3A_843 : vector<1x16xf32> to vector<16xf32>
      %add3A_845 = arith.addf %get3A_844, %get3A_836 : vector<16xf32>
      %mul3A_846 = arith.mulf %get3A_840, %add3A_845 : vector<16xf32>
      %add3A_847 = arith.addf %add3A_832, %mul3A_846 : vector<16xf32>
      %get3A_848 = arith.index_cast %add3A_815 : i32 to index
      %get3A_849 = arith.constant 32 : index
      %get3A_850 = tpu.vector_load %arg14[%get3A_848, %get3A_849] {strides = array<i32>} : memref<40x128xf32, #tpu.memory_space<vmem>>, vector<1x16xf32>,
      %get3A_851 = vector.shape_cast %get3A_850 : vector<1x16xf32> to vector<16xf32>
      %get3A_852 = arith.index_cast %add3A_813 : i32 to index
      %get3A_853 = arith.constant 32 : index
      %get3A_854 = tpu.vector_load %arg12[%get3A_852, %get3A_853] {strides = array<i32>} : memref<80x128xf32, #tpu.memory_space<vmem>>, vector<1x16xf32>,
      %get3A_855 = vector.shape_cast %get3A_854 : vector<1x16xf32> to vector<16xf32>
      %get3A_856 = arith.index_cast %add3A_813 : i32 to index
      %get3A_857 = arith.constant 32 : index
      %get3A_858 = tpu.vector_load %arg13[%get3A_856, %get3A_857] {strides = array<i32>} : memref<80x128xf32, #tpu.memory_space<vmem>>, vector<1x16xf32>,
      %get3A_859 = vector.shape_cast %get3A_858 : vector<1x16xf32> to vector<16xf32>
      %add3A_860 = arith.addf %get3A_859, %get3A_851 : vector<16xf32>
      %mul3A_861 = arith.mulf %get3A_855, %add3A_860 : vector<16xf32>
      %add3A_862 = arith.addf %add3A_847, %mul3A_861 : vector<16xf32>
      %get3A_863 = arith.index_cast %add3A_815 : i32 to index
      %get3A_864 = arith.constant 48 : index
      %get3A_865 = tpu.vector_load %arg14[%get3A_863, %get3A_864] {strides = array<i32>} : memref<40x128xf32, #tpu.memory_space<vmem>>, vector<1x16xf32>,
      %get3A_866 = vector.shape_cast %get3A_865 : vector<1x16xf32> to vector<16xf32>
      %get3A_867 = arith.index_cast %add3A_813 : i32 to index
      %get3A_868 = arith.constant 48 : index
      %get3A_869 = tpu.vector_load %arg12[%get3A_867, %get3A_868] {strides = array<i32>} : memref<80x128xf32, #tpu.memory_space<vmem>>, vector<1x16xf32>,
      %get3A_870 = vector.shape_cast %get3A_869 : vector<1x16xf32> to vector<16xf32>
      %get3A_871 = arith.index_cast %add3A_813 : i32 to index
      %get3A_872 = arith.constant 48 : index
      %get3A_873 = tpu.vector_load %arg13[%get3A_871, %get3A_872] {strides = array<i32>} : memref<80x128xf32, #tpu.memory_space<vmem>>, vector<1x16xf32>,
      %get3A_874 = vector.shape_cast %get3A_873 : vector<1x16xf32> to vector<16xf32>
      %add3A_875 = arith.addf %get3A_874, %get3A_866 : vector<16xf32>
      %mul3A_876 = arith.mulf %get3A_870, %add3A_875 : vector<16xf32>
      %add3A_877 = arith.addf %add3A_862, %mul3A_876 : vector<16xf32>
      %gather3A_878 = vector.shape_cast %broadcast_in_dim3A_35 : vector<16x1xi32> to vector<16xi32>
      %gather3A_879 = tpu.dynamic_gather %add3A_877[%gather3A_878] in [0] : vector<16xf32>, vector<16xi32> -> vector<16xf32>
      %add3A_880 = arith.addf %add3A_877, %gather3A_879 : vector<16xf32>
      %gather3A_881 = vector.shape_cast %broadcast_in_dim3A_39 : vector<16x1xi32> to vector<16xi32>
      %gather3A_882 = tpu.dynamic_gather %add3A_880[%gather3A_881] in [0] : vector<16xf32>, vector<16xi32> -> vector<16xf32>
      %add3A_883 = arith.addf %add3A_880, %gather3A_882 : vector<16xf32>
      %gather3A_884 = vector.shape_cast %broadcast_in_dim3A_43 : vector<16x1xi32> to vector<16xi32>
      %gather3A_885 = tpu.dynamic_gather %add3A_883[%gather3A_884] in [0] : vector<16xf32>, vector<16xi32> -> vector<16xf32>
      %add3A_886 = arith.addf %add3A_883, %gather3A_885 : vector<16xf32>
      %gather3A_887 = vector.shape_cast %broadcast_in_dim3A_47 : vector<16x1xi32> to vector<16xi32>
      %gather3A_888 = tpu.dynamic_gather %add3A_886[%gather3A_887] in [0] : vector<16xf32>, vector<16xi32> -> vector<16xf32>
      %add3A_889 = arith.addf %add3A_886, %gather3A_888 : vector<16xf32>
      %mul3A_890 = arith.constant 1.250000e-01 : f32
      %mul3A_891 = vector.broadcast %mul3A_890 : f32 to vector<16xf32>
      %mul3A_892 = arith.mulf %add3A_889, %mul3A_891 : vector<16xf32>
      %exp3A_893 = math.exp %mul3A_892 : vector<16xf32>
      %get3A_894 = arith.index_cast %add3A_813 : i32 to index
      %get3A_895 = arith.constant 64 : index
      %get3A_896 = tpu.vector_load %arg13[%get3A_894, %get3A_895] {strides = array<i32>} : memref<80x128xf32, #tpu.memory_space<vmem>>, vector<1x16xf32>,
      %get3A_897 = vector.shape_cast %get3A_896 : vector<1x16xf32> to vector<16xf32>
      %add3A_898 = arith.addf %get3A_897, %get3A_821 : vector<16xf32>
      %mul3A_899 = arith.mulf %exp3A_893, %add3A_898 : vector<16xf32>
      %swap3A_900 = arith.index_cast %add3A_813 : i32 to index
      %swap3A_901 = arith.constant 0 : index
      %swap3A_902 = tpu.vector_load %arg16[%swap3A_900, %swap3A_901] {strides = array<i32>} : memref<80x128xf32, #tpu.memory_space<vmem>>, vector<1x16xf32>,
      %swap3A_903 = vector.shape_cast %swap3A_902 : vector<1x16xf32> to vector<16xf32>
      %swap3A_904 = vector.shape_cast %mul3A_899 : vector<16xf32> to vector<1x16xf32>
      tpu.vector_store %arg16[%swap3A_900, %swap3A_901], %swap3A_904 {strides = array<i32>} : memref<80x128xf32, #tpu.memory_space<vmem>>, vector<1x16xf32>,
      %get3A_905 = arith.index_cast %add3A_813 : i32 to index
      %get3A_906 = arith.constant 80 : index
      %get3A_907 = tpu.vector_load %arg13[%get3A_905, %get3A_906] {strides = array<i32>} : memref<80x128xf32, #tpu.memory_space<vmem>>, vector<1x16xf32>,
      %get3A_908 = vector.shape_cast %get3A_907 : vector<1x16xf32> to vector<16xf32>
      %add3A_909 = arith.addf %get3A_908, %get3A_836 : vector<16xf32>
      %mul3A_910 = arith.mulf %exp3A_893, %add3A_909 : vector<16xf32>
      %swap3A_911 = arith.index_cast %add3A_813 : i32 to index
      %swap3A_912 = arith.constant 16 : index
      %swap3A_913 = tpu.vector_load %arg16[%swap3A_911, %swap3A_912] {strides = array<i32>} : memref<80x128xf32, #tpu.memory_space<vmem>>, vector<1x16xf32>,
      %swap3A_914 = vector.shape_cast %swap3A_913 : vector<1x16xf32> to vector<16xf32>
      %swap3A_915 = vector.shape_cast %mul3A_910 : vector<16xf32> to vector<1x16xf32>
      tpu.vector_store %arg16[%swap3A_911, %swap3A_912], %swap3A_915 {strides = array<i32>} : memref<80x128xf32, #tpu.memory_space<vmem>>, vector<1x16xf32>,
      %get3A_916 = arith.index_cast %add3A_813 : i32 to index
      %get3A_917 = arith.constant 96 : index
      %get3A_918 = tpu.vector_load %arg13[%get3A_916, %get3A_917] {strides = array<i32>} : memref<80x128xf32, #tpu.memory_space<vmem>>, vector<1x16xf32>,
      %get3A_919 = vector.shape_cast %get3A_918 : vector<1x16xf32> to vector<16xf32>
      %add3A_920 = arith.addf %get3A_919, %get3A_851 : vector<16xf32>
      %mul3A_921 = arith.mulf %exp3A_893, %add3A_920 : vector<16xf32>
      %swap3A_922 = arith.index_cast %add3A_813 : i32 to index
      %swap3A_923 = arith.constant 32 : index
      %swap3A_924 = tpu.vector_load %arg16[%swap3A_922, %swap3A_923] {strides = array<i32>} : memref<80x128xf32, #tpu.memory_space<vmem>>, vector<1x16xf32>,
      %swap3A_925 = vector.shape_cast %swap3A_924 : vector<1x16xf32> to vector<16xf32>
      %swap3A_926 = vector.shape_cast %mul3A_921 : vector<16xf32> to vector<1x16xf32>
      tpu.vector_store %arg16[%swap3A_922, %swap3A_923], %swap3A_926 {strides = array<i32>} : memref<80x128xf32, #tpu.memory_space<vmem>>, vector<1x16xf32>,
      %get3A_927 = arith.index_cast %add3A_813 : i32 to index
      %get3A_928 = arith.constant 112 : index
      %get3A_929 = tpu.vector_load %arg13[%get3A_927, %get3A_928] {strides = array<i32>} : memref<80x128xf32, #tpu.memory_space<vmem>>, vector<1x16xf32>,
      %get3A_930 = vector.shape_cast %get3A_929 : vector<1x16xf32> to vector<16xf32>
      %add3A_931 = arith.addf %get3A_930, %get3A_866 : vector<16xf32>
      %mul3A_932 = arith.mulf %exp3A_893, %add3A_931 : vector<16xf32>
      %swap3A_933 = arith.index_cast %add3A_813 : i32 to index
      %swap3A_934 = arith.constant 48 : index
      %swap3A_935 = tpu.vector_load %arg16[%swap3A_933, %swap3A_934] {strides = array<i32>} : memref<80x128xf32, #tpu.memory_space<vmem>>, vector<1x16xf32>,
      %swap3A_936 = vector.shape_cast %swap3A_935 : vector<1x16xf32> to vector<16xf32>
      %swap3A_937 = vector.shape_cast %mul3A_932 : vector<16xf32> to vector<1x16xf32>
      tpu.vector_store %arg16[%swap3A_933, %swap3A_934], %swap3A_937 {strides = array<i32>} : memref<80x128xf32, #tpu.memory_space<vmem>>, vector<1x16xf32>,
      %mul3A_938 = arith.mulf %exp3A_893, %select_n3A : vector<16xf32>
      %swap3A_939 = arith.index_cast %add3A_813 : i32 to index
      %swap3A_940 = arith.constant 64 : index
      %swap3A_941 = tpu.vector_load %arg16[%swap3A_939, %swap3A_940] {strides = array<i32>} : memref<80x128xf32, #tpu.memory_space<vmem>>, vector<1x16xf32>,
      %swap3A_942 = vector.shape_cast %swap3A_941 : vector<1x16xf32> to vector<16xf32>
      %swap3A_943 = vector.shape_cast %mul3A_938 : vector<16xf32> to vector<1x16xf32>
      tpu.vector_store %arg16[%swap3A_939, %swap3A_940], %swap3A_943 {strides = array<i32>} : memref<80x128xf32, #tpu.memory_space<vmem>>, vector<1x16xf32>,
      %add3A_944 = arith.constant 5 : i32
      %add3A_945 = arith.addi %mul3A_285, %add3A_944 : i32
      %add3A_946 = arith.constant 2 : i32
      %add3A_947 = arith.addi %mul3A_287, %add3A_946 : i32
      %broadcast_in_dim3A_948 = arith.constant 0.000000e+00 : f32
      %broadcast_in_dim3A_949 = vector.broadcast %broadcast_in_dim3A_948 : f32 to vector<16xf32>
      %get3A_950 = arith.index_cast %add3A_947 : i32 to index
      %get3A_951 = arith.constant 64 : index
      %get3A_952 = tpu.vector_load %arg14[%get3A_950, %get3A_951] {strides = array<i32>} : memref<40x128xf32, #tpu.memory_space<vmem>>, vector<1x16xf32>,
      %get3A_953 = vector.shape_cast %get3A_952 : vector<1x16xf32> to vector<16xf32>
      %get3A_954 = arith.index_cast %add3A_945 : i32 to index
      %get3A_955 = arith.constant 0 : index
      %get3A_956 = tpu.vector_load %arg12[%get3A_954, %get3A_955] {strides = array<i32>} : memref<80x128xf32, #tpu.memory_space<vmem>>, vector<1x16xf32>,
      %get3A_957 = vector.shape_cast %get3A_956 : vector<1x16xf32> to vector<16xf32>
      %get3A_958 = arith.index_cast %add3A_945 : i32 to index
      %get3A_959 = arith.constant 0 : index
      %get3A_960 = tpu.vector_load %arg13[%get3A_958, %get3A_959] {strides = array<i32>} : memref<80x128xf32, #tpu.memory_space<vmem>>, vector<1x16xf32>,
      %get3A_961 = vector.shape_cast %get3A_960 : vector<1x16xf32> to vector<16xf32>
      %add3A_962 = arith.addf %get3A_961, %get3A_953 : vector<16xf32>
      %mul3A_963 = arith.mulf %get3A_957, %add3A_962 : vector<16xf32>
      %add3A_964 = arith.addf %broadcast_in_dim3A_949, %mul3A_963 : vector<16xf32>
      %get3A_965 = arith.index_cast %add3A_947 : i32 to index
      %get3A_966 = arith.constant 80 : index
      %get3A_967 = tpu.vector_load %arg14[%get3A_965, %get3A_966] {strides = array<i32>} : memref<40x128xf32, #tpu.memory_space<vmem>>, vector<1x16xf32>,
      %get3A_968 = vector.shape_cast %get3A_967 : vector<1x16xf32> to vector<16xf32>
      %get3A_969 = arith.index_cast %add3A_945 : i32 to index
      %get3A_970 = arith.constant 16 : index
      %get3A_971 = tpu.vector_load %arg12[%get3A_969, %get3A_970] {strides = array<i32>} : memref<80x128xf32, #tpu.memory_space<vmem>>, vector<1x16xf32>,
      %get3A_972 = vector.shape_cast %get3A_971 : vector<1x16xf32> to vector<16xf32>
      %get3A_973 = arith.index_cast %add3A_945 : i32 to index
      %get3A_974 = arith.constant 16 : index
      %get3A_975 = tpu.vector_load %arg13[%get3A_973, %get3A_974] {strides = array<i32>} : memref<80x128xf32, #tpu.memory_space<vmem>>, vector<1x16xf32>,
      %get3A_976 = vector.shape_cast %get3A_975 : vector<1x16xf32> to vector<16xf32>
      %add3A_977 = arith.addf %get3A_976, %get3A_968 : vector<16xf32>
      %mul3A_978 = arith.mulf %get3A_972, %add3A_977 : vector<16xf32>
      %add3A_979 = arith.addf %add3A_964, %mul3A_978 : vector<16xf32>
      %get3A_980 = arith.index_cast %add3A_947 : i32 to index
      %get3A_981 = arith.constant 96 : index
      %get3A_982 = tpu.vector_load %arg14[%get3A_980, %get3A_981] {strides = array<i32>} : memref<40x128xf32, #tpu.memory_space<vmem>>, vector<1x16xf32>,
      %get3A_983 = vector.shape_cast %get3A_982 : vector<1x16xf32> to vector<16xf32>
      %get3A_984 = arith.index_cast %add3A_945 : i32 to index
      %get3A_985 = arith.constant 32 : index
      %get3A_986 = tpu.vector_load %arg12[%get3A_984, %get3A_985] {strides = array<i32>} : memref<80x128xf32, #tpu.memory_space<vmem>>, vector<1x16xf32>,
      %get3A_987 = vector.shape_cast %get3A_986 : vector<1x16xf32> to vector<16xf32>
      %get3A_988 = arith.index_cast %add3A_945 : i32 to index
      %get3A_989 = arith.constant 32 : index
      %get3A_990 = tpu.vector_load %arg13[%get3A_988, %get3A_989] {strides = array<i32>} : memref<80x128xf32, #tpu.memory_space<vmem>>, vector<1x16xf32>,
      %get3A_991 = vector.shape_cast %get3A_990 : vector<1x16xf32> to vector<16xf32>
      %add3A_992 = arith.addf %get3A_991, %get3A_983 : vector<16xf32>
      %mul3A_993 = arith.mulf %get3A_987, %add3A_992 : vector<16xf32>
      %add3A_994 = arith.addf %add3A_979, %mul3A_993 : vector<16xf32>
      %get3A_995 = arith.index_cast %add3A_947 : i32 to index
      %get3A_996 = arith.constant 112 : index
      %get3A_997 = tpu.vector_load %arg14[%get3A_995, %get3A_996] {strides = array<i32>} : memref<40x128xf32, #tpu.memory_space<vmem>>, vector<1x16xf32>,
      %get3A_998 = vector.shape_cast %get3A_997 : vector<1x16xf32> to vector<16xf32>
      %get3A_999 = arith.index_cast %add3A_945 : i32 to index
      %get3A_1000 = arith.constant 48 : index
      %get3A_1001 = tpu.vector_load %arg12[%get3A_999, %get3A_1000] {strides = array<i32>} : memref<80x128xf32, #tpu.memory_space<vmem>>, vector<1x16xf32>,
      %get3A_1002 = vector.shape_cast %get3A_1001 : vector<1x16xf32> to vector<16xf32>
      %get3A_1003 = arith.index_cast %add3A_945 : i32 to index
      %get3A_1004 = arith.constant 48 : index
      %get3A_1005 = tpu.vector_load %arg13[%get3A_1003, %get3A_1004] {strides = array<i32>} : memref<80x128xf32, #tpu.memory_space<vmem>>, vector<1x16xf32>,
      %get3A_1006 = vector.shape_cast %get3A_1005 : vector<1x16xf32> to vector<16xf32>
      %add3A_1007 = arith.addf %get3A_1006, %get3A_998 : vector<16xf32>
      %mul3A_1008 = arith.mulf %get3A_1002, %add3A_1007 : vector<16xf32>
      %add3A_1009 = arith.addf %add3A_994, %mul3A_1008 : vector<16xf32>
      %gather3A_1010 = vector.shape_cast %broadcast_in_dim3A_35 : vector<16x1xi32> to vector<16xi32>
      %gather3A_1011 = tpu.dynamic_gather %add3A_1009[%gather3A_1010] in [0] : vector<16xf32>, vector<16xi32> -> vector<16xf32>
      %add3A_1012 = arith.addf %add3A_1009, %gather3A_1011 : vector<16xf32>
      %gather3A_1013 = vector.shape_cast %broadcast_in_dim3A_39 : vector<16x1xi32> to vector<16xi32>
      %gather3A_1014 = tpu.dynamic_gather %add3A_1012[%gather3A_1013] in [0] : vector<16xf32>, vector<16xi32> -> vector<16xf32>
      %add3A_1015 = arith.addf %add3A_1012, %gather3A_1014 : vector<16xf32>
      %gather3A_1016 = vector.shape_cast %broadcast_in_dim3A_43 : vector<16x1xi32> to vector<16xi32>
      %gather3A_1017 = tpu.dynamic_gather %add3A_1015[%gather3A_1016] in [0] : vector<16xf32>, vector<16xi32> -> vector<16xf32>
      %add3A_1018 = arith.addf %add3A_1015, %gather3A_1017 : vector<16xf32>
      %gather3A_1019 = vector.shape_cast %broadcast_in_dim3A_47 : vector<16x1xi32> to vector<16xi32>
      %gather3A_1020 = tpu.dynamic_gather %add3A_1018[%gather3A_1019] in [0] : vector<16xf32>, vector<16xi32> -> vector<16xf32>
      %add3A_1021 = arith.addf %add3A_1018, %gather3A_1020 : vector<16xf32>
      %mul3A_1022 = arith.constant 1.250000e-01 : f32
      %mul3A_1023 = vector.broadcast %mul3A_1022 : f32 to vector<16xf32>
      %mul3A_1024 = arith.mulf %add3A_1021, %mul3A_1023 : vector<16xf32>
      %exp3A_1025 = math.exp %mul3A_1024 : vector<16xf32>
      %get3A_1026 = arith.index_cast %add3A_945 : i32 to index
      %get3A_1027 = arith.constant 64 : index
      %get3A_1028 = tpu.vector_load %arg13[%get3A_1026, %get3A_1027] {strides = array<i32>} : memref<80x128xf32, #tpu.memory_space<vmem>>, vector<1x16xf32>,
      %get3A_1029 = vector.shape_cast %get3A_1028 : vector<1x16xf32> to vector<16xf32>
      %add3A_1030 = arith.addf %get3A_1029, %get3A_953 : vector<16xf32>
      %mul3A_1031 = arith.mulf %exp3A_1025, %add3A_1030 : vector<16xf32>
      %swap3A_1032 = arith.index_cast %add3A_945 : i32 to index
      %swap3A_1033 = arith.constant 0 : index
      %swap3A_1034 = tpu.vector_load %arg16[%swap3A_1032, %swap3A_1033] {strides = array<i32>} : memref<80x128xf32, #tpu.memory_space<vmem>>, vector<1x16xf32>,
      %swap3A_1035 = vector.shape_cast %swap3A_1034 : vector<1x16xf32> to vector<16xf32>
      %swap3A_1036 = vector.shape_cast %mul3A_1031 : vector<16xf32> to vector<1x16xf32>
      tpu.vector_store %arg16[%swap3A_1032, %swap3A_1033], %swap3A_1036 {strides = array<i32>} : memref<80x128xf32, #tpu.memory_space<vmem>>, vector<1x16xf32>,
      %get3A_1037 = arith.index_cast %add3A_945 : i32 to index
      %get3A_1038 = arith.constant 80 : index
      %get3A_1039 = tpu.vector_load %arg13[%get3A_1037, %get3A_1038] {strides = array<i32>} : memref<80x128xf32, #tpu.memory_space<vmem>>, vector<1x16xf32>,
      %get3A_1040 = vector.shape_cast %get3A_1039 : vector<1x16xf32> to vector<16xf32>
      %add3A_1041 = arith.addf %get3A_1040, %get3A_968 : vector<16xf32>
      %mul3A_1042 = arith.mulf %exp3A_1025, %add3A_1041 : vector<16xf32>
      %swap3A_1043 = arith.index_cast %add3A_945 : i32 to index
      %swap3A_1044 = arith.constant 16 : index
      %swap3A_1045 = tpu.vector_load %arg16[%swap3A_1043, %swap3A_1044] {strides = array<i32>} : memref<80x128xf32, #tpu.memory_space<vmem>>, vector<1x16xf32>,
      %swap3A_1046 = vector.shape_cast %swap3A_1045 : vector<1x16xf32> to vector<16xf32>
      %swap3A_1047 = vector.shape_cast %mul3A_1042 : vector<16xf32> to vector<1x16xf32>
      tpu.vector_store %arg16[%swap3A_1043, %swap3A_1044], %swap3A_1047 {strides = array<i32>} : memref<80x128xf32, #tpu.memory_space<vmem>>, vector<1x16xf32>,
      %get3A_1048 = arith.index_cast %add3A_945 : i32 to index
      %get3A_1049 = arith.constant 96 : index
      %get3A_1050 = tpu.vector_load %arg13[%get3A_1048, %get3A_1049] {strides = array<i32>} : memref<80x128xf32, #tpu.memory_space<vmem>>, vector<1x16xf32>,
      %get3A_1051 = vector.shape_cast %get3A_1050 : vector<1x16xf32> to vector<16xf32>
      %add3A_1052 = arith.addf %get3A_1051, %get3A_983 : vector<16xf32>
      %mul3A_1053 = arith.mulf %exp3A_1025, %add3A_1052 : vector<16xf32>
      %swap3A_1054 = arith.index_cast %add3A_945 : i32 to index
      %swap3A_1055 = arith.constant 32 : index
      %swap3A_1056 = tpu.vector_load %arg16[%swap3A_1054, %swap3A_1055] {strides = array<i32>} : memref<80x128xf32, #tpu.memory_space<vmem>>, vector<1x16xf32>,
      %swap3A_1057 = vector.shape_cast %swap3A_1056 : vector<1x16xf32> to vector<16xf32>
      %swap3A_1058 = vector.shape_cast %mul3A_1053 : vector<16xf32> to vector<1x16xf32>
      tpu.vector_store %arg16[%swap3A_1054, %swap3A_1055], %swap3A_1058 {strides = array<i32>} : memref<80x128xf32, #tpu.memory_space<vmem>>, vector<1x16xf32>,
      %get3A_1059 = arith.index_cast %add3A_945 : i32 to index
      %get3A_1060 = arith.constant 112 : index
      %get3A_1061 = tpu.vector_load %arg13[%get3A_1059, %get3A_1060] {strides = array<i32>} : memref<80x128xf32, #tpu.memory_space<vmem>>, vector<1x16xf32>,
      %get3A_1062 = vector.shape_cast %get3A_1061 : vector<1x16xf32> to vector<16xf32>
      %add3A_1063 = arith.addf %get3A_1062, %get3A_998 : vector<16xf32>
      %mul3A_1064 = arith.mulf %exp3A_1025, %add3A_1063 : vector<16xf32>
      %swap3A_1065 = arith.index_cast %add3A_945 : i32 to index
      %swap3A_1066 = arith.constant 48 : index
      %swap3A_1067 = tpu.vector_load %arg16[%swap3A_1065, %swap3A_1066] {strides = array<i32>} : memref<80x128xf32, #tpu.memory_space<vmem>>, vector<1x16xf32>,
      %swap3A_1068 = vector.shape_cast %swap3A_1067 : vector<1x16xf32> to vector<16xf32>
      %swap3A_1069 = vector.shape_cast %mul3A_1064 : vector<16xf32> to vector<1x16xf32>
      tpu.vector_store %arg16[%swap3A_1065, %swap3A_1066], %swap3A_1069 {strides = array<i32>} : memref<80x128xf32, #tpu.memory_space<vmem>>, vector<1x16xf32>,
      %mul3A_1070 = arith.mulf %exp3A_1025, %select_n3A : vector<16xf32>
      %swap3A_1071 = arith.index_cast %add3A_945 : i32 to index
      %swap3A_1072 = arith.constant 64 : index
      %swap3A_1073 = tpu.vector_load %arg16[%swap3A_1071, %swap3A_1072] {strides = array<i32>} : memref<80x128xf32, #tpu.memory_space<vmem>>, vector<1x16xf32>,
      %swap3A_1074 = vector.shape_cast %swap3A_1073 : vector<1x16xf32> to vector<16xf32>
      %swap3A_1075 = vector.shape_cast %mul3A_1070 : vector<16xf32> to vector<1x16xf32>
      tpu.vector_store %arg16[%swap3A_1071, %swap3A_1072], %swap3A_1075 {strides = array<i32>} : memref<80x128xf32, #tpu.memory_space<vmem>>, vector<1x16xf32>,
      %add3A_1076 = arith.constant 6 : i32
      %add3A_1077 = arith.addi %mul3A_285, %add3A_1076 : i32
      %add3A_1078 = arith.constant 3 : i32
      %add3A_1079 = arith.addi %mul3A_287, %add3A_1078 : i32
      %broadcast_in_dim3A_1080 = arith.constant 0.000000e+00 : f32
      %broadcast_in_dim3A_1081 = vector.broadcast %broadcast_in_dim3A_1080 : f32 to vector<16xf32>
      %get3A_1082 = arith.index_cast %add3A_1079 : i32 to index
      %get3A_1083 = arith.constant 0 : index
      %get3A_1084 = tpu.vector_load %arg14[%get3A_1082, %get3A_1083] {strides = array<i32>} : memref<40x128xf32, #tpu.memory_space<vmem>>, vector<1x16xf32>,
      %get3A_1085 = vector.shape_cast %get3A_1084 : vector<1x16xf32> to vector<16xf32>
      %get3A_1086 = arith.index_cast %add3A_1077 : i32 to index
      %get3A_1087 = arith.constant 0 : index
      %get3A_1088 = tpu.vector_load %arg12[%get3A_1086, %get3A_1087] {strides = array<i32>} : memref<80x128xf32, #tpu.memory_space<vmem>>, vector<1x16xf32>,
      %get3A_1089 = vector.shape_cast %get3A_1088 : vector<1x16xf32> to vector<16xf32>
      %get3A_1090 = arith.index_cast %add3A_1077 : i32 to index
      %get3A_1091 = arith.constant 0 : index
      %get3A_1092 = tpu.vector_load %arg13[%get3A_1090, %get3A_1091] {strides = array<i32>} : memref<80x128xf32, #tpu.memory_space<vmem>>, vector<1x16xf32>,
      %get3A_1093 = vector.shape_cast %get3A_1092 : vector<1x16xf32> to vector<16xf32>
      %add3A_1094 = arith.addf %get3A_1093, %get3A_1085 : vector<16xf32>
      %mul3A_1095 = arith.mulf %get3A_1089, %add3A_1094 : vector<16xf32>
      %add3A_1096 = arith.addf %broadcast_in_dim3A_1081, %mul3A_1095 : vector<16xf32>
      %get3A_1097 = arith.index_cast %add3A_1079 : i32 to index
      %get3A_1098 = arith.constant 16 : index
      %get3A_1099 = tpu.vector_load %arg14[%get3A_1097, %get3A_1098] {strides = array<i32>} : memref<40x128xf32, #tpu.memory_space<vmem>>, vector<1x16xf32>,
      %get3A_1100 = vector.shape_cast %get3A_1099 : vector<1x16xf32> to vector<16xf32>
      %get3A_1101 = arith.index_cast %add3A_1077 : i32 to index
      %get3A_1102 = arith.constant 16 : index
      %get3A_1103 = tpu.vector_load %arg12[%get3A_1101, %get3A_1102] {strides = array<i32>} : memref<80x128xf32, #tpu.memory_space<vmem>>, vector<1x16xf32>,
      %get3A_1104 = vector.shape_cast %get3A_1103 : vector<1x16xf32> to vector<16xf32>
      %get3A_1105 = arith.index_cast %add3A_1077 : i32 to index
      %get3A_1106 = arith.constant 16 : index
      %get3A_1107 = tpu.vector_load %arg13[%get3A_1105, %get3A_1106] {strides = array<i32>} : memref<80x128xf32, #tpu.memory_space<vmem>>, vector<1x16xf32>,
      %get3A_1108 = vector.shape_cast %get3A_1107 : vector<1x16xf32> to vector<16xf32>
      %add3A_1109 = arith.addf %get3A_1108, %get3A_1100 : vector<16xf32>
      %mul3A_1110 = arith.mulf %get3A_1104, %add3A_1109 : vector<16xf32>
      %add3A_1111 = arith.addf %add3A_1096, %mul3A_1110 : vector<16xf32>
      %get3A_1112 = arith.index_cast %add3A_1079 : i32 to index
      %get3A_1113 = arith.constant 32 : index
      %get3A_1114 = tpu.vector_load %arg14[%get3A_1112, %get3A_1113] {strides = array<i32>} : memref<40x128xf32, #tpu.memory_space<vmem>>, vector<1x16xf32>,
      %get3A_1115 = vector.shape_cast %get3A_1114 : vector<1x16xf32> to vector<16xf32>
      %get3A_1116 = arith.index_cast %add3A_1077 : i32 to index
      %get3A_1117 = arith.constant 32 : index
      %get3A_1118 = tpu.vector_load %arg12[%get3A_1116, %get3A_1117] {strides = array<i32>} : memref<80x128xf32, #tpu.memory_space<vmem>>, vector<1x16xf32>,
      %get3A_1119 = vector.shape_cast %get3A_1118 : vector<1x16xf32> to vector<16xf32>
      %get3A_1120 = arith.index_cast %add3A_1077 : i32 to index
      %get3A_1121 = arith.constant 32 : index
      %get3A_1122 = tpu.vector_load %arg13[%get3A_1120, %get3A_1121] {strides = array<i32>} : memref<80x128xf32, #tpu.memory_space<vmem>>, vector<1x16xf32>,
      %get3A_1123 = vector.shape_cast %get3A_1122 : vector<1x16xf32> to vector<16xf32>
      %add3A_1124 = arith.addf %get3A_1123, %get3A_1115 : vector<16xf32>
      %mul3A_1125 = arith.mulf %get3A_1119, %add3A_1124 : vector<16xf32>
      %add3A_1126 = arith.addf %add3A_1111, %mul3A_1125 : vector<16xf32>
      %get3A_1127 = arith.index_cast %add3A_1079 : i32 to index
      %get3A_1128 = arith.constant 48 : index
      %get3A_1129 = tpu.vector_load %arg14[%get3A_1127, %get3A_1128] {strides = array<i32>} : memref<40x128xf32, #tpu.memory_space<vmem>>, vector<1x16xf32>,
      %get3A_1130 = vector.shape_cast %get3A_1129 : vector<1x16xf32> to vector<16xf32>
      %get3A_1131 = arith.index_cast %add3A_1077 : i32 to index
      %get3A_1132 = arith.constant 48 : index
      %get3A_1133 = tpu.vector_load %arg12[%get3A_1131, %get3A_1132] {strides = array<i32>} : memref<80x128xf32, #tpu.memory_space<vmem>>, vector<1x16xf32>,
      %get3A_1134 = vector.shape_cast %get3A_1133 : vector<1x16xf32> to vector<16xf32>
      %get3A_1135 = arith.index_cast %add3A_1077 : i32 to index
      %get3A_1136 = arith.constant 48 : index
      %get3A_1137 = tpu.vector_load %arg13[%get3A_1135, %get3A_1136] {strides = array<i32>} : memref<80x128xf32, #tpu.memory_space<vmem>>, vector<1x16xf32>,
      %get3A_1138 = vector.shape_cast %get3A_1137 : vector<1x16xf32> to vector<16xf32>
      %add3A_1139 = arith.addf %get3A_1138, %get3A_1130 : vector<16xf32>
      %mul3A_1140 = arith.mulf %get3A_1134, %add3A_1139 : vector<16xf32>
      %add3A_1141 = arith.addf %add3A_1126, %mul3A_1140 : vector<16xf32>
      %gather3A_1142 = vector.shape_cast %broadcast_in_dim3A_35 : vector<16x1xi32> to vector<16xi32>
      %gather3A_1143 = tpu.dynamic_gather %add3A_1141[%gather3A_1142] in [0] : vector<16xf32>, vector<16xi32> -> vector<16xf32>
      %add3A_1144 = arith.addf %add3A_1141, %gather3A_1143 : vector<16xf32>
      %gather3A_1145 = vector.shape_cast %broadcast_in_dim3A_39 : vector<16x1xi32> to vector<16xi32>
      %gather3A_1146 = tpu.dynamic_gather %add3A_1144[%gather3A_1145] in [0] : vector<16xf32>, vector<16xi32> -> vector<16xf32>
      %add3A_1147 = arith.addf %add3A_1144, %gather3A_1146 : vector<16xf32>
      %gather3A_1148 = vector.shape_cast %broadcast_in_dim3A_43 : vector<16x1xi32> to vector<16xi32>
      %gather3A_1149 = tpu.dynamic_gather %add3A_1147[%gather3A_1148] in [0] : vector<16xf32>, vector<16xi32> -> vector<16xf32>
      %add3A_1150 = arith.addf %add3A_1147, %gather3A_1149 : vector<16xf32>
      %gather3A_1151 = vector.shape_cast %broadcast_in_dim3A_47 : vector<16x1xi32> to vector<16xi32>
      %gather3A_1152 = tpu.dynamic_gather %add3A_1150[%gather3A_1151] in [0] : vector<16xf32>, vector<16xi32> -> vector<16xf32>
      %add3A_1153 = arith.addf %add3A_1150, %gather3A_1152 : vector<16xf32>
      %mul3A_1154 = arith.constant 1.250000e-01 : f32
      %mul3A_1155 = vector.broadcast %mul3A_1154 : f32 to vector<16xf32>
      %mul3A_1156 = arith.mulf %add3A_1153, %mul3A_1155 : vector<16xf32>
      %exp3A_1157 = math.exp %mul3A_1156 : vector<16xf32>
      %get3A_1158 = arith.index_cast %add3A_1077 : i32 to index
      %get3A_1159 = arith.constant 64 : index
      %get3A_1160 = tpu.vector_load %arg13[%get3A_1158, %get3A_1159] {strides = array<i32>} : memref<80x128xf32, #tpu.memory_space<vmem>>, vector<1x16xf32>,
      %get3A_1161 = vector.shape_cast %get3A_1160 : vector<1x16xf32> to vector<16xf32>
      %add3A_1162 = arith.addf %get3A_1161, %get3A_1085 : vector<16xf32>
      %mul3A_1163 = arith.mulf %exp3A_1157, %add3A_1162 : vector<16xf32>
      %swap3A_1164 = arith.index_cast %add3A_1077 : i32 to index
      %swap3A_1165 = arith.constant 0 : index
      %swap3A_1166 = tpu.vector_load %arg16[%swap3A_1164, %swap3A_1165] {strides = array<i32>} : memref<80x128xf32, #tpu.memory_space<vmem>>, vector<1x16xf32>,
      %swap3A_1167 = vector.shape_cast %swap3A_1166 : vector<1x16xf32> to vector<16xf32>
      %swap3A_1168 = vector.shape_cast %mul3A_1163 : vector<16xf32> to vector<1x16xf32>
      tpu.vector_store %arg16[%swap3A_1164, %swap3A_1165], %swap3A_1168 {strides = array<i32>} : memref<80x128xf32, #tpu.memory_space<vmem>>, vector<1x16xf32>,
      %get3A_1169 = arith.index_cast %add3A_1077 : i32 to index
      %get3A_1170 = arith.constant 80 : index
      %get3A_1171 = tpu.vector_load %arg13[%get3A_1169, %get3A_1170] {strides = array<i32>} : memref<80x128xf32, #tpu.memory_space<vmem>>, vector<1x16xf32>,
      %get3A_1172 = vector.shape_cast %get3A_1171 : vector<1x16xf32> to vector<16xf32>
      %add3A_1173 = arith.addf %get3A_1172, %get3A_1100 : vector<16xf32>
      %mul3A_1174 = arith.mulf %exp3A_1157, %add3A_1173 : vector<16xf32>
      %swap3A_1175 = arith.index_cast %add3A_1077 : i32 to index
      %swap3A_1176 = arith.constant 16 : index
      %swap3A_1177 = tpu.vector_load %arg16[%swap3A_1175, %swap3A_1176] {strides = array<i32>} : memref<80x128xf32, #tpu.memory_space<vmem>>, vector<1x16xf32>,
      %swap3A_1178 = vector.shape_cast %swap3A_1177 : vector<1x16xf32> to vector<16xf32>
      %swap3A_1179 = vector.shape_cast %mul3A_1174 : vector<16xf32> to vector<1x16xf32>
      tpu.vector_store %arg16[%swap3A_1175, %swap3A_1176], %swap3A_1179 {strides = array<i32>} : memref<80x128xf32, #tpu.memory_space<vmem>>, vector<1x16xf32>,
      %get3A_1180 = arith.index_cast %add3A_1077 : i32 to index
      %get3A_1181 = arith.constant 96 : index
      %get3A_1182 = tpu.vector_load %arg13[%get3A_1180, %get3A_1181] {strides = array<i32>} : memref<80x128xf32, #tpu.memory_space<vmem>>, vector<1x16xf32>,
      %get3A_1183 = vector.shape_cast %get3A_1182 : vector<1x16xf32> to vector<16xf32>
      %add3A_1184 = arith.addf %get3A_1183, %get3A_1115 : vector<16xf32>
      %mul3A_1185 = arith.mulf %exp3A_1157, %add3A_1184 : vector<16xf32>
      %swap3A_1186 = arith.index_cast %add3A_1077 : i32 to index
      %swap3A_1187 = arith.constant 32 : index
      %swap3A_1188 = tpu.vector_load %arg16[%swap3A_1186, %swap3A_1187] {strides = array<i32>} : memref<80x128xf32, #tpu.memory_space<vmem>>, vector<1x16xf32>,
      %swap3A_1189 = vector.shape_cast %swap3A_1188 : vector<1x16xf32> to vector<16xf32>
      %swap3A_1190 = vector.shape_cast %mul3A_1185 : vector<16xf32> to vector<1x16xf32>
      tpu.vector_store %arg16[%swap3A_1186, %swap3A_1187], %swap3A_1190 {strides = array<i32>} : memref<80x128xf32, #tpu.memory_space<vmem>>, vector<1x16xf32>,
      %get3A_1191 = arith.index_cast %add3A_1077 : i32 to index
      %get3A_1192 = arith.constant 112 : index
      %get3A_1193 = tpu.vector_load %arg13[%get3A_1191, %get3A_1192] {strides = array<i32>} : memref<80x128xf32, #tpu.memory_space<vmem>>, vector<1x16xf32>,
      %get3A_1194 = vector.shape_cast %get3A_1193 : vector<1x16xf32> to vector<16xf32>
      %add3A_1195 = arith.addf %get3A_1194, %get3A_1130 : vector<16xf32>
      %mul3A_1196 = arith.mulf %exp3A_1157, %add3A_1195 : vector<16xf32>
      %swap3A_1197 = arith.index_cast %add3A_1077 : i32 to index
      %swap3A_1198 = arith.constant 48 : index
      %swap3A_1199 = tpu.vector_load %arg16[%swap3A_1197, %swap3A_1198] {strides = array<i32>} : memref<80x128xf32, #tpu.memory_space<vmem>>, vector<1x16xf32>,
      %swap3A_1200 = vector.shape_cast %swap3A_1199 : vector<1x16xf32> to vector<16xf32>
      %swap3A_1201 = vector.shape_cast %mul3A_1196 : vector<16xf32> to vector<1x16xf32>
      tpu.vector_store %arg16[%swap3A_1197, %swap3A_1198], %swap3A_1201 {strides = array<i32>} : memref<80x128xf32, #tpu.memory_space<vmem>>, vector<1x16xf32>,
      %mul3A_1202 = arith.mulf %exp3A_1157, %select_n3A : vector<16xf32>
      %swap3A_1203 = arith.index_cast %add3A_1077 : i32 to index
      %swap3A_1204 = arith.constant 64 : index
      %swap3A_1205 = tpu.vector_load %arg16[%swap3A_1203, %swap3A_1204] {strides = array<i32>} : memref<80x128xf32, #tpu.memory_space<vmem>>, vector<1x16xf32>,
      %swap3A_1206 = vector.shape_cast %swap3A_1205 : vector<1x16xf32> to vector<16xf32>
      %swap3A_1207 = vector.shape_cast %mul3A_1202 : vector<16xf32> to vector<1x16xf32>
      tpu.vector_store %arg16[%swap3A_1203, %swap3A_1204], %swap3A_1207 {strides = array<i32>} : memref<80x128xf32, #tpu.memory_space<vmem>>, vector<1x16xf32>,
      %add3A_1208 = arith.constant 7 : i32
      %add3A_1209 = arith.addi %mul3A_285, %add3A_1208 : i32
      %add3A_1210 = arith.constant 3 : i32
      %add3A_1211 = arith.addi %mul3A_287, %add3A_1210 : i32
      %broadcast_in_dim3A_1212 = arith.constant 0.000000e+00 : f32
      %broadcast_in_dim3A_1213 = vector.broadcast %broadcast_in_dim3A_1212 : f32 to vector<16xf32>
      %get3A_1214 = arith.index_cast %add3A_1211 : i32 to index
      %get3A_1215 = arith.constant 64 : index
      %get3A_1216 = tpu.vector_load %arg14[%get3A_1214, %get3A_1215] {strides = array<i32>} : memref<40x128xf32, #tpu.memory_space<vmem>>, vector<1x16xf32>,
      %get3A_1217 = vector.shape_cast %get3A_1216 : vector<1x16xf32> to vector<16xf32>
      %get3A_1218 = arith.index_cast %add3A_1209 : i32 to index
      %get3A_1219 = arith.constant 0 : index
      %get3A_1220 = tpu.vector_load %arg12[%get3A_1218, %get3A_1219] {strides = array<i32>} : memref<80x128xf32, #tpu.memory_space<vmem>>, vector<1x16xf32>,
      %get3A_1221 = vector.shape_cast %get3A_1220 : vector<1x16xf32> to vector<16xf32>
      %get3A_1222 = arith.index_cast %add3A_1209 : i32 to index
      %get3A_1223 = arith.constant 0 : index
      %get3A_1224 = tpu.vector_load %arg13[%get3A_1222, %get3A_1223] {strides = array<i32>} : memref<80x128xf32, #tpu.memory_space<vmem>>, vector<1x16xf32>,
      %get3A_1225 = vector.shape_cast %get3A_1224 : vector<1x16xf32> to vector<16xf32>
      %add3A_1226 = arith.addf %get3A_1225, %get3A_1217 : vector<16xf32>
      %mul3A_1227 = arith.mulf %get3A_1221, %add3A_1226 : vector<16xf32>
      %add3A_1228 = arith.addf %broadcast_in_dim3A_1213, %mul3A_1227 : vector<16xf32>
      %get3A_1229 = arith.index_cast %add3A_1211 : i32 to index
      %get3A_1230 = arith.constant 80 : index
      %get3A_1231 = tpu.vector_load %arg14[%get3A_1229, %get3A_1230] {strides = array<i32>} : memref<40x128xf32, #tpu.memory_space<vmem>>, vector<1x16xf32>,
      %get3A_1232 = vector.shape_cast %get3A_1231 : vector<1x16xf32> to vector<16xf32>
      %get3A_1233 = arith.index_cast %add3A_1209 : i32 to index
      %get3A_1234 = arith.constant 16 : index
      %get3A_1235 = tpu.vector_load %arg12[%get3A_1233, %get3A_1234] {strides = array<i32>} : memref<80x128xf32, #tpu.memory_space<vmem>>, vector<1x16xf32>,
      %get3A_1236 = vector.shape_cast %get3A_1235 : vector<1x16xf32> to vector<16xf32>
      %get3A_1237 = arith.index_cast %add3A_1209 : i32 to index
      %get3A_1238 = arith.constant 16 : index
      %get3A_1239 = tpu.vector_load %arg13[%get3A_1237, %get3A_1238] {strides = array<i32>} : memref<80x128xf32, #tpu.memory_space<vmem>>, vector<1x16xf32>,
      %get3A_1240 = vector.shape_cast %get3A_1239 : vector<1x16xf32> to vector<16xf32>
      %add3A_1241 = arith.addf %get3A_1240, %get3A_1232 : vector<16xf32>
      %mul3A_1242 = arith.mulf %get3A_1236, %add3A_1241 : vector<16xf32>
      %add3A_1243 = arith.addf %add3A_1228, %mul3A_1242 : vector<16xf32>
      %get3A_1244 = arith.index_cast %add3A_1211 : i32 to index
      %get3A_1245 = arith.constant 96 : index
      %get3A_1246 = tpu.vector_load %arg14[%get3A_1244, %get3A_1245] {strides = array<i32>} : memref<40x128xf32, #tpu.memory_space<vmem>>, vector<1x16xf32>,
      %get3A_1247 = vector.shape_cast %get3A_1246 : vector<1x16xf32> to vector<16xf32>
      %get3A_1248 = arith.index_cast %add3A_1209 : i32 to index
      %get3A_1249 = arith.constant 32 : index
      %get3A_1250 = tpu.vector_load %arg12[%get3A_1248, %get3A_1249] {strides = array<i32>} : memref<80x128xf32, #tpu.memory_space<vmem>>, vector<1x16xf32>,
      %get3A_1251 = vector.shape_cast %get3A_1250 : vector<1x16xf32> to vector<16xf32>
      %get3A_1252 = arith.index_cast %add3A_1209 : i32 to index
      %get3A_1253 = arith.constant 32 : index
      %get3A_1254 = tpu.vector_load %arg13[%get3A_1252, %get3A_1253] {strides = array<i32>} : memref<80x128xf32, #tpu.memory_space<vmem>>, vector<1x16xf32>,
      %get3A_1255 = vector.shape_cast %get3A_1254 : vector<1x16xf32> to vector<16xf32>
      %add3A_1256 = arith.addf %get3A_1255, %get3A_1247 : vector<16xf32>
      %mul3A_1257 = arith.mulf %get3A_1251, %add3A_1256 : vector<16xf32>
      %add3A_1258 = arith.addf %add3A_1243, %mul3A_1257 : vector<16xf32>
      %get3A_1259 = arith.index_cast %add3A_1211 : i32 to index
      %get3A_1260 = arith.constant 112 : index
      %get3A_1261 = tpu.vector_load %arg14[%get3A_1259, %get3A_1260] {strides = array<i32>} : memref<40x128xf32, #tpu.memory_space<vmem>>, vector<1x16xf32>,
      %get3A_1262 = vector.shape_cast %get3A_1261 : vector<1x16xf32> to vector<16xf32>
      %get3A_1263 = arith.index_cast %add3A_1209 : i32 to index
      %get3A_1264 = arith.constant 48 : index
      %get3A_1265 = tpu.vector_load %arg12[%get3A_1263, %get3A_1264] {strides = array<i32>} : memref<80x128xf32, #tpu.memory_space<vmem>>, vector<1x16xf32>,
      %get3A_1266 = vector.shape_cast %get3A_1265 : vector<1x16xf32> to vector<16xf32>
      %get3A_1267 = arith.index_cast %add3A_1209 : i32 to index
      %get3A_1268 = arith.constant 48 : index
      %get3A_1269 = tpu.vector_load %arg13[%get3A_1267, %get3A_1268] {strides = array<i32>} : memref<80x128xf32, #tpu.memory_space<vmem>>, vector<1x16xf32>,
      %get3A_1270 = vector.shape_cast %get3A_1269 : vector<1x16xf32> to vector<16xf32>
      %add3A_1271 = arith.addf %get3A_1270, %get3A_1262 : vector<16xf32>
      %mul3A_1272 = arith.mulf %get3A_1266, %add3A_1271 : vector<16xf32>
      %add3A_1273 = arith.addf %add3A_1258, %mul3A_1272 : vector<16xf32>
      %gather3A_1274 = vector.shape_cast %broadcast_in_dim3A_35 : vector<16x1xi32> to vector<16xi32>
      %gather3A_1275 = tpu.dynamic_gather %add3A_1273[%gather3A_1274] in [0] : vector<16xf32>, vector<16xi32> -> vector<16xf32>
      %add3A_1276 = arith.addf %add3A_1273, %gather3A_1275 : vector<16xf32>
      %gather3A_1277 = vector.shape_cast %broadcast_in_dim3A_39 : vector<16x1xi32> to vector<16xi32>
      %gather3A_1278 = tpu.dynamic_gather %add3A_1276[%gather3A_1277] in [0] : vector<16xf32>, vector<16xi32> -> vector<16xf32>
      %add3A_1279 = arith.addf %add3A_1276, %gather3A_1278 : vector<16xf32>
      %gather3A_1280 = vector.shape_cast %broadcast_in_dim3A_43 : vector<16x1xi32> to vector<16xi32>
      %gather3A_1281 = tpu.dynamic_gather %add3A_1279[%gather3A_1280] in [0] : vector<16xf32>, vector<16xi32> -> vector<16xf32>
      %add3A_1282 = arith.addf %add3A_1279, %gather3A_1281 : vector<16xf32>
      %gather3A_1283 = vector.shape_cast %broadcast_in_dim3A_47 : vector<16x1xi32> to vector<16xi32>
      %gather3A_1284 = tpu.dynamic_gather %add3A_1282[%gather3A_1283] in [0] : vector<16xf32>, vector<16xi32> -> vector<16xf32>
      %add3A_1285 = arith.addf %add3A_1282, %gather3A_1284 : vector<16xf32>
      %mul3A_1286 = arith.constant 1.250000e-01 : f32
      %mul3A_1287 = vector.broadcast %mul3A_1286 : f32 to vector<16xf32>
      %mul3A_1288 = arith.mulf %add3A_1285, %mul3A_1287 : vector<16xf32>
      %exp3A_1289 = math.exp %mul3A_1288 : vector<16xf32>
      %get3A_1290 = arith.index_cast %add3A_1209 : i32 to index
      %get3A_1291 = arith.constant 64 : index
      %get3A_1292 = tpu.vector_load %arg13[%get3A_1290, %get3A_1291] {strides = array<i32>} : memref<80x128xf32, #tpu.memory_space<vmem>>, vector<1x16xf32>,
      %get3A_1293 = vector.shape_cast %get3A_1292 : vector<1x16xf32> to vector<16xf32>
      %add3A_1294 = arith.addf %get3A_1293, %get3A_1217 : vector<16xf32>
      %mul3A_1295 = arith.mulf %exp3A_1289, %add3A_1294 : vector<16xf32>
      %swap3A_1296 = arith.index_cast %add3A_1209 : i32 to index
      %swap3A_1297 = arith.constant 0 : index
      %swap3A_1298 = tpu.vector_load %arg16[%swap3A_1296, %swap3A_1297] {strides = array<i32>} : memref<80x128xf32, #tpu.memory_space<vmem>>, vector<1x16xf32>,
      %swap3A_1299 = vector.shape_cast %swap3A_1298 : vector<1x16xf32> to vector<16xf32>
      %swap3A_1300 = vector.shape_cast %mul3A_1295 : vector<16xf32> to vector<1x16xf32>
      tpu.vector_store %arg16[%swap3A_1296, %swap3A_1297], %swap3A_1300 {strides = array<i32>} : memref<80x128xf32, #tpu.memory_space<vmem>>, vector<1x16xf32>,
      %get3A_1301 = arith.index_cast %add3A_1209 : i32 to index
      %get3A_1302 = arith.constant 80 : index
      %get3A_1303 = tpu.vector_load %arg13[%get3A_1301, %get3A_1302] {strides = array<i32>} : memref<80x128xf32, #tpu.memory_space<vmem>>, vector<1x16xf32>,
      %get3A_1304 = vector.shape_cast %get3A_1303 : vector<1x16xf32> to vector<16xf32>
      %add3A_1305 = arith.addf %get3A_1304, %get3A_1232 : vector<16xf32>
      %mul3A_1306 = arith.mulf %exp3A_1289, %add3A_1305 : vector<16xf32>
      %swap3A_1307 = arith.index_cast %add3A_1209 : i32 to index
      %swap3A_1308 = arith.constant 16 : index
      %swap3A_1309 = tpu.vector_load %arg16[%swap3A_1307, %swap3A_1308] {strides = array<i32>} : memref<80x128xf32, #tpu.memory_space<vmem>>, vector<1x16xf32>,
      %swap3A_1310 = vector.shape_cast %swap3A_1309 : vector<1x16xf32> to vector<16xf32>
      %swap3A_1311 = vector.shape_cast %mul3A_1306 : vector<16xf32> to vector<1x16xf32>
      tpu.vector_store %arg16[%swap3A_1307, %swap3A_1308], %swap3A_1311 {strides = array<i32>} : memref<80x128xf32, #tpu.memory_space<vmem>>, vector<1x16xf32>,
      %get3A_1312 = arith.index_cast %add3A_1209 : i32 to index
      %get3A_1313 = arith.constant 96 : index
      %get3A_1314 = tpu.vector_load %arg13[%get3A_1312, %get3A_1313] {strides = array<i32>} : memref<80x128xf32, #tpu.memory_space<vmem>>, vector<1x16xf32>,
      %get3A_1315 = vector.shape_cast %get3A_1314 : vector<1x16xf32> to vector<16xf32>
      %add3A_1316 = arith.addf %get3A_1315, %get3A_1247 : vector<16xf32>
      %mul3A_1317 = arith.mulf %exp3A_1289, %add3A_1316 : vector<16xf32>
      %swap3A_1318 = arith.index_cast %add3A_1209 : i32 to index
      %swap3A_1319 = arith.constant 32 : index
      %swap3A_1320 = tpu.vector_load %arg16[%swap3A_1318, %swap3A_1319] {strides = array<i32>} : memref<80x128xf32, #tpu.memory_space<vmem>>, vector<1x16xf32>,
      %swap3A_1321 = vector.shape_cast %swap3A_1320 : vector<1x16xf32> to vector<16xf32>
      %swap3A_1322 = vector.shape_cast %mul3A_1317 : vector<16xf32> to vector<1x16xf32>
      tpu.vector_store %arg16[%swap3A_1318, %swap3A_1319], %swap3A_1322 {strides = array<i32>} : memref<80x128xf32, #tpu.memory_space<vmem>>, vector<1x16xf32>,
      %get3A_1323 = arith.index_cast %add3A_1209 : i32 to index
      %get3A_1324 = arith.constant 112 : index
      %get3A_1325 = tpu.vector_load %arg13[%get3A_1323, %get3A_1324] {strides = array<i32>} : memref<80x128xf32, #tpu.memory_space<vmem>>, vector<1x16xf32>,
      %get3A_1326 = vector.shape_cast %get3A_1325 : vector<1x16xf32> to vector<16xf32>
      %add3A_1327 = arith.addf %get3A_1326, %get3A_1262 : vector<16xf32>
      %mul3A_1328 = arith.mulf %exp3A_1289, %add3A_1327 : vector<16xf32>
      %swap3A_1329 = arith.index_cast %add3A_1209 : i32 to index
      %swap3A_1330 = arith.constant 48 : index
      %swap3A_1331 = tpu.vector_load %arg16[%swap3A_1329, %swap3A_1330] {strides = array<i32>} : memref<80x128xf32, #tpu.memory_space<vmem>>, vector<1x16xf32>,
      %swap3A_1332 = vector.shape_cast %swap3A_1331 : vector<1x16xf32> to vector<16xf32>
      %swap3A_1333 = vector.shape_cast %mul3A_1328 : vector<16xf32> to vector<1x16xf32>
      tpu.vector_store %arg16[%swap3A_1329, %swap3A_1330], %swap3A_1333 {strides = array<i32>} : memref<80x128xf32, #tpu.memory_space<vmem>>, vector<1x16xf32>,
      %mul3A_1334 = arith.mulf %exp3A_1289, %select_n3A : vector<16xf32>
      %swap3A_1335 = arith.index_cast %add3A_1209 : i32 to index
      %swap3A_1336 = arith.constant 64 : index
      %swap3A_1337 = tpu.vector_load %arg16[%swap3A_1335, %swap3A_1336] {strides = array<i32>} : memref<80x128xf32, #tpu.memory_space<vmem>>, vector<1x16xf32>,
      %swap3A_1338 = vector.shape_cast %swap3A_1337 : vector<1x16xf32> to vector<16xf32>
      %swap3A_1339 = vector.shape_cast %mul3A_1334 : vector<16xf32> to vector<1x16xf32>
      tpu.vector_store %arg16[%swap3A_1335, %swap3A_1336], %swap3A_1339 {strides = array<i32>} : memref<80x128xf32, #tpu.memory_space<vmem>>, vector<1x16xf32>,
    }
    %scan3A_170 = arith.constant 10 : i32
    "tpu.region"() ({
      %run_scoped3A = tpu.sem_alloc : memref<!tpu.dma_semaphore, #tpu.memory_space<semaphore_mem>>
      %dma_start3A_283 = arith.constant 0 : i32
      %dma_start3A_284 = arith.constant 0 : i32
      %dma_start3A_285 = tpu.memref_slice %arg17[%dma_start3A_283, %dma_start3A_284] : memref<10112x128xf32, #tpu.memory_space<vmem_shared>> -> memref<10112x128xf32, #tpu.memory_space<vmem_shared>>
      tpu.enqueue_indirect_dma source(%arg16 : memref<80x128xf32, #tpu.memory_space<vmem>>) target(%dma_start3A_285 : memref<10112x128xf32, #tpu.memory_space<vmem_shared>>) offsets(%arg10 : memref<80xi32, #tpu.memory_space<vmem>>) semaphore(%run_scoped3A : memref<!tpu.dma_semaphore, #tpu.memory_space<semaphore_mem>>) {add = true}
      %dma_wait3A_286 = arith.constant 0 : i32
      %dma_wait3A_287 = arith.constant 0 : i32
      %dma_wait3A_288 = tpu.memref_slice %arg17[%dma_wait3A_286, %dma_wait3A_287] : memref<10112x128xf32, #tpu.memory_space<vmem_shared>> -> memref<10112x128xf32, #tpu.memory_space<vmem_shared>>
      tpu.wait_indirect_dma semaphore(%run_scoped3A : memref<!tpu.dma_semaphore, #tpu.memory_space<semaphore_mem>>) src(%arg16 : memref<80x128xf32, #tpu.memory_space<vmem>>) dst(%dma_wait3A_288 : memref<10112x128xf32, #tpu.memory_space<vmem_shared>>)
      tpu.yield
    }) : () -> ()
    %min3A = arith.constant 126 : i32
    %min3A_171 = arith.constant 124 : i32
    %min3A_172 = arith.minsi %min3A, %min3A_171 : i32
    %mul3A_173 = arith.constant 80 : i32
    %mul3A_174 = arith.muli %min3A_172, %mul3A_173 : i32
    %add3A_175 = arith.addi %mul3A_4, %mul3A_174 : i32
    %multiple_of3A_176 = tpu.assume_multiple %add3A_175, 16 : i32
    %jit3A_177 = arith.constant 2 : i32
    %div3A_178 = arith.divsi %multiple_of3A_176, %jit3A_177 : i32
    %sign3A_179 = arith.constant 0 : i32
    %sign3A_180 = arith.cmpi sgt, %multiple_of3A_176, %sign3A_179 : i32
    %sign3A_181 = arith.extui %sign3A_180 : i1 to i32
    %sign3A_182 = arith.constant 0 : i32
    %sign3A_183 = arith.cmpi slt, %multiple_of3A_176, %sign3A_182 : i32
    %sign3A_184 = arith.extui %sign3A_183 : i1 to i32
    %sign3A_185 = arith.subi %sign3A_181, %sign3A_184 : i32
    %sign3A_186 = arith.constant 0 : i32
    %sign3A_187 = arith.cmpi sgt, %jit3A_177, %sign3A_186 : i32
    %sign3A_188 = arith.extui %sign3A_187 : i1 to i32
    %sign3A_189 = arith.constant 0 : i32
    %sign3A_190 = arith.cmpi slt, %jit3A_177, %sign3A_189 : i32
    %sign3A_191 = arith.extui %sign3A_190 : i1 to i32
    %sign3A_192 = arith.subi %sign3A_188, %sign3A_191 : i32
    %ne3A_193 = arith.cmpi ne, %sign3A_185, %sign3A_192 : i32
    %rem3A_194 = arith.remsi %multiple_of3A_176, %jit3A_177 : i32
    %ne3A_195 = arith.constant 0 : i32
    %ne3A_196 = arith.cmpi ne, %rem3A_194, %ne3A_195 : i32
    %and3A_197 = arith.andi %ne3A_193, %ne3A_196 : i1
    %sub3A_198 = arith.constant 1 : i32
    %sub3A_199 = arith.subi %div3A_178, %sub3A_198 : i32
    %select_n3A_200 = arith.select %and3A_197, %sub3A_199, %div3A_178 : i32
    %multiple_of3A_201 = tpu.assume_multiple %select_n3A_200, 8 : i32
    %dma_start3A_202 = tpu.memref_slice %arg2[%multiple_of3A_176] : memref<320000xi32, #tpu.memory_space<hbm>> -> memref<80xi32, #tpu.memory_space<hbm>>
    %dma_start3A_203 = tpu.memref_slice %arg2[%multiple_of3A_176] : memref<320000xi32, #tpu.memory_space<hbm>> -> memref<80xi32, #tpu.memory_space<hbm>>
    tpu.enqueue_dma source(%dma_start3A_203 : memref<80xi32, #tpu.memory_space<hbm>>) target(%arg8 : memref<80xi32, #tpu.memory_space<vmem>>) target_semaphore(%arg19 : memref<!tpu.dma_semaphore, #tpu.memory_space<semaphore_mem>>)
    %dma_start3A_204 = tpu.memref_slice %arg3[%multiple_of3A_176] : memref<320000xi32, #tpu.memory_space<hbm>> -> memref<80xi32, #tpu.memory_space<hbm>>
    %dma_start3A_205 = tpu.memref_slice %arg3[%multiple_of3A_176] : memref<320000xi32, #tpu.memory_space<hbm>> -> memref<80xi32, #tpu.memory_space<hbm>>
    tpu.enqueue_dma source(%dma_start3A_205 : memref<80xi32, #tpu.memory_space<hbm>>) target(%arg10 : memref<80xi32, #tpu.memory_space<vmem>>) target_semaphore(%arg19 : memref<!tpu.dma_semaphore, #tpu.memory_space<semaphore_mem>>)
    %dma_start3A_206 = arith.constant 0 : i32
    %dma_start3A_207 = tpu.memref_slice %arg6[%multiple_of3A_201, %dma_start3A_206] : memref<160000x128xf32, #tpu.memory_space<hbm>> -> memref<40x128xf32, #tpu.memory_space<hbm>>
    %dma_start3A_208 = arith.constant 0 : i32
    %dma_start3A_209 = tpu.memref_slice %arg6[%multiple_of3A_201, %dma_start3A_208] : memref<160000x128xf32, #tpu.memory_space<hbm>> -> memref<40x128xf32, #tpu.memory_space<hbm>>
    tpu.enqueue_dma source(%dma_start3A_209 : memref<40x128xf32, #tpu.memory_space<hbm>>) target(%arg14 : memref<40x128xf32, #tpu.memory_space<vmem>>) target_semaphore(%arg19 : memref<!tpu.dma_semaphore, #tpu.memory_space<semaphore_mem>>)
    %add3A_210 = arith.constant 9920 : i32
    %add3A_211 = arith.addi %mul3A_4, %add3A_210 : i32
    %multiple_of3A_212 = tpu.assume_multiple %add3A_211, 16 : i32
    %jit3A_213 = arith.constant 2 : i32
    %div3A_214 = arith.divsi %multiple_of3A_212, %jit3A_213 : i32
    %sign3A_215 = arith.constant 0 : i32
    %sign3A_216 = arith.cmpi sgt, %multiple_of3A_212, %sign3A_215 : i32
    %sign3A_217 = arith.extui %sign3A_216 : i1 to i32
    %sign3A_218 = arith.constant 0 : i32
    %sign3A_219 = arith.cmpi slt, %multiple_of3A_212, %sign3A_218 : i32
    %sign3A_220 = arith.extui %sign3A_219 : i1 to i32
    %sign3A_221 = arith.subi %sign3A_217, %sign3A_220 : i32
    %sign3A_222 = arith.constant 0 : i32
    %sign3A_223 = arith.cmpi sgt, %jit3A_213, %sign3A_222 : i32
    %sign3A_224 = arith.extui %sign3A_223 : i1 to i32
    %sign3A_225 = arith.constant 0 : i32
    %sign3A_226 = arith.cmpi slt, %jit3A_213, %sign3A_225 : i32
    %sign3A_227 = arith.extui %sign3A_226 : i1 to i32
    %sign3A_228 = arith.subi %sign3A_224, %sign3A_227 : i32
    %ne3A_229 = arith.cmpi ne, %sign3A_221, %sign3A_228 : i32
    %rem3A_230 = arith.remsi %multiple_of3A_212, %jit3A_213 : i32
    %ne3A_231 = arith.constant 0 : i32
    %ne3A_232 = arith.cmpi ne, %rem3A_230, %ne3A_231 : i32
    %and3A_233 = arith.andi %ne3A_229, %ne3A_232 : i1
    %sub3A_234 = arith.constant 1 : i32
    %sub3A_235 = arith.subi %div3A_214, %sub3A_234 : i32
    %select_n3A_236 = arith.select %and3A_233, %sub3A_235, %div3A_214 : i32
    %multiple_of3A_237 = tpu.assume_multiple %select_n3A_236, 8 : i32
    %dma_wait3A_238 = tpu.memref_slice %arg2[%multiple_of3A_212] : memref<320000xi32, #tpu.memory_space<hbm>> -> memref<80xi32, #tpu.memory_space<hbm>>
    %dma_wait3A_239 = tpu.memref_slice %arg2[%multiple_of3A_212] : memref<320000xi32, #tpu.memory_space<hbm>> -> memref<80xi32, #tpu.memory_space<hbm>>
    tpu.wait_dma2 semaphore(%arg19 : memref<!tpu.dma_semaphore, #tpu.memory_space<semaphore_mem>>) src(%dma_wait3A_239 : memref<80xi32, #tpu.memory_space<hbm>>) dst(%arg8 : memref<80xi32, #tpu.memory_space<vmem>>)
    %dma_wait3A_240 = tpu.memref_slice %arg3[%multiple_of3A_212] : memref<320000xi32, #tpu.memory_space<hbm>> -> memref<80xi32, #tpu.memory_space<hbm>>
    %dma_wait3A_241 = tpu.memref_slice %arg3[%multiple_of3A_212] : memref<320000xi32, #tpu.memory_space<hbm>> -> memref<80xi32, #tpu.memory_space<hbm>>
    tpu.wait_dma2 semaphore(%arg19 : memref<!tpu.dma_semaphore, #tpu.memory_space<semaphore_mem>>) src(%dma_wait3A_241 : memref<80xi32, #tpu.memory_space<hbm>>) dst(%arg10 : memref<80xi32, #tpu.memory_space<vmem>>)
    %dma_wait3A_242 = arith.constant 0 : i32
    %dma_wait3A_243 = tpu.memref_slice %arg6[%multiple_of3A_237, %dma_wait3A_242] : memref<160000x128xf32, #tpu.memory_space<hbm>> -> memref<40x128xf32, #tpu.memory_space<hbm>>
    %dma_wait3A_244 = arith.constant 0 : i32
    %dma_wait3A_245 = tpu.memref_slice %arg6[%multiple_of3A_237, %dma_wait3A_244] : memref<160000x128xf32, #tpu.memory_space<hbm>> -> memref<40x128xf32, #tpu.memory_space<hbm>>
    tpu.wait_dma2 semaphore(%arg19 : memref<!tpu.dma_semaphore, #tpu.memory_space<semaphore_mem>>) src(%dma_wait3A_245 : memref<40x128xf32, #tpu.memory_space<hbm>>) dst(%arg14 : memref<40x128xf32, #tpu.memory_space<vmem>>)
    %add3A_246 = arith.constant 9920 : i32
    %add3A_247 = arith.addi %mul3A_4, %add3A_246 : i32
    %multiple_of3A_248 = tpu.assume_multiple %add3A_247, 16 : i32
    %jit3A_249 = arith.constant 2 : i32
    %div3A_250 = arith.divsi %multiple_of3A_248, %jit3A_249 : i32
    %sign3A_251 = arith.constant 0 : i32
    %sign3A_252 = arith.cmpi sgt, %multiple_of3A_248, %sign3A_251 : i32
    %sign3A_253 = arith.extui %sign3A_252 : i1 to i32
    %sign3A_254 = arith.constant 0 : i32
    %sign3A_255 = arith.cmpi slt, %multiple_of3A_248, %sign3A_254 : i32
    %sign3A_256 = arith.extui %sign3A_255 : i1 to i32
    %sign3A_257 = arith.subi %sign3A_253, %sign3A_256 : i32
    %sign3A_258 = arith.constant 0 : i32
    %sign3A_259 = arith.cmpi sgt, %jit3A_249, %sign3A_258 : i32
    %sign3A_260 = arith.extui %sign3A_259 : i1 to i32
    %sign3A_261 = arith.constant 0 : i32
    %sign3A_262 = arith.cmpi slt, %jit3A_249, %sign3A_261 : i32
    %sign3A_263 = arith.extui %sign3A_262 : i1 to i32
    %sign3A_264 = arith.subi %sign3A_260, %sign3A_263 : i32
    %ne3A_265 = arith.cmpi ne, %sign3A_257, %sign3A_264 : i32
    %rem3A_266 = arith.remsi %multiple_of3A_248, %jit3A_249 : i32
    %ne3A_267 = arith.constant 0 : i32
    %ne3A_268 = arith.cmpi ne, %rem3A_266, %ne3A_267 : i32
    %and3A_269 = arith.andi %ne3A_265, %ne3A_268 : i1
    %sub3A_270 = arith.constant 1 : i32
    %sub3A_271 = arith.subi %div3A_250, %sub3A_270 : i32
    %select_n3A_272 = arith.select %and3A_269, %sub3A_271, %div3A_250 : i32
    %multiple_of3A_273 = tpu.assume_multiple %select_n3A_272, 8 : i32
    %dma_wait3A_274 = tpu.memref_slice %arg2[%multiple_of3A_248] : memref<320000xi32, #tpu.memory_space<hbm>> -> memref<80xi32, #tpu.memory_space<hbm>>
    %dma_wait3A_275 = tpu.memref_slice %arg2[%multiple_of3A_248] : memref<320000xi32, #tpu.memory_space<hbm>> -> memref<80xi32, #tpu.memory_space<hbm>>
    tpu.wait_dma2 semaphore(%arg20 : memref<!tpu.dma_semaphore, #tpu.memory_space<semaphore_mem>>) src(%dma_wait3A_275 : memref<80xi32, #tpu.memory_space<hbm>>) dst(%arg9 : memref<80xi32, #tpu.memory_space<vmem>>)
    %dma_wait3A_276 = tpu.memref_slice %arg3[%multiple_of3A_248] : memref<320000xi32, #tpu.memory_space<hbm>> -> memref<80xi32, #tpu.memory_space<hbm>>
    %dma_wait3A_277 = tpu.memref_slice %arg3[%multiple_of3A_248] : memref<320000xi32, #tpu.memory_space<hbm>> -> memref<80xi32, #tpu.memory_space<hbm>>
    tpu.wait_dma2 semaphore(%arg20 : memref<!tpu.dma_semaphore, #tpu.memory_space<semaphore_mem>>) src(%dma_wait3A_277 : memref<80xi32, #tpu.memory_space<hbm>>) dst(%arg11 : memref<80xi32, #tpu.memory_space<vmem>>)
    %dma_wait3A_278 = arith.constant 0 : i32
    %dma_wait3A_279 = tpu.memref_slice %arg6[%multiple_of3A_273, %dma_wait3A_278] : memref<160000x128xf32, #tpu.memory_space<hbm>> -> memref<40x128xf32, #tpu.memory_space<hbm>>
    %dma_wait3A_280 = arith.constant 0 : i32
    %dma_wait3A_281 = tpu.memref_slice %arg6[%multiple_of3A_273, %dma_wait3A_280] : memref<160000x128xf32, #tpu.memory_space<hbm>> -> memref<40x128xf32, #tpu.memory_space<hbm>>
    tpu.wait_dma2 semaphore(%arg20 : memref<!tpu.dma_semaphore, #tpu.memory_space<semaphore_mem>>) src(%dma_wait3A_281 : memref<40x128xf32, #tpu.memory_space<hbm>>) dst(%arg15 : memref<40x128xf32, #tpu.memory_space<vmem>>)
    %barrier3A_282 = arith.constant 0 : index
    tpu.barrier barrier_id(%barrier3A_282)
    "tpu.region"() ({
      %run_scoped3A = tpu.sem_alloc : memref<!tpu.dma_semaphore, #tpu.memory_space<semaphore_mem>>
      %dma_start3A_283 = arith.constant 0 : i32
      %dma_start3A_284 = tpu.memref_slice %arg7[%arg0, %mul3A_2, %dma_start3A_283] : memref<2x10112x128xf32, #tpu.memory_space<hbm>> -> memref<1x632x128xf32, #tpu.memory_space<hbm>>
      %dma_start3A_285 = tpu.memref_squeeze %dma_start3A_284 : memref<1x632x128xf32, #tpu.memory_space<hbm>> -> memref<632x128xf32, #tpu.memory_space<hbm>>
      %dma_start3A_286 = arith.constant 0 : i32
      %dma_start3A_287 = tpu.memref_slice %arg17[%mul3A_2, %dma_start3A_286] : memref<10112x128xf32, #tpu.memory_space<vmem_shared>> -> memref<632x128xf32, #tpu.memory_space<vmem_shared>>
      tpu.enqueue_dma source(%dma_start3A_287 : memref<632x128xf32, #tpu.memory_space<vmem_shared>>) target(%dma_start3A_285 : memref<632x128xf32, #tpu.memory_space<hbm>>) target_semaphore(%run_scoped3A : memref<!tpu.dma_semaphore, #tpu.memory_space<semaphore_mem>>)
      %dma_wait3A_288 = arith.constant 0 : i32
      %dma_wait3A_289 = tpu.memref_slice %arg7[%arg0, %mul3A_2, %dma_wait3A_288] : memref<2x10112x128xf32, #tpu.memory_space<hbm>> -> memref<1x632x128xf32, #tpu.memory_space<hbm>>
      %dma_wait3A_290 = tpu.memref_squeeze %dma_wait3A_289 : memref<1x632x128xf32, #tpu.memory_space<hbm>> -> memref<632x128xf32, #tpu.memory_space<hbm>>
      %dma_wait3A_291 = arith.constant 0 : i32
      %dma_wait3A_292 = tpu.memref_slice %arg17[%mul3A_2, %dma_wait3A_291] : memref<10112x128xf32, #tpu.memory_space<vmem_shared>> -> memref<632x128xf32, #tpu.memory_space<vmem_shared>>
      tpu.wait_dma2 semaphore(%run_scoped3A : memref<!tpu.dma_semaphore, #tpu.memory_space<semaphore_mem>>) src(%dma_wait3A_292 : memref<632x128xf32, #tpu.memory_space<vmem_shared>>) dst(%dma_wait3A_290 : memref<632x128xf32, #tpu.memory_space<hbm>>)
      tpu.yield
    }) : () -> ()
    return
  }
}

module attributes {stable_mosaic.version = 14 : i64} {
  func.func @_ee_body(%arg0: i32, %arg1: memref<4000x32xf32, #tpu.memory_space<vmem>>, %arg2: memref<32x128xf32, #tpu.memory_space<vmem>>, %arg3: memref<128xf32, #tpu.memory_space<vmem>>, %arg4: memref<128x128xf32, #tpu.memory_space<vmem>>, %arg5: memref<128xf32, #tpu.memory_space<vmem>>, %arg6: memref<4000x128xf32, #tpu.memory_space<vmem>>) attributes {dimension_semantics = [#tpu.dimension_semantics<arbitrary>], iteration_bounds = array<i64: 40>, scalar_prefetch = 0 : i64, scratch_operands = 0 : i64, tpu.core_type = #tpu.core_type<tc>, window_params = [{transform_indices = @transform_0, window_bounds = array<i64: 4000, 32>}, {pipeline_mode = #tpu.pipeline_mode<synchronous>, transform_indices = @transform_1, window_bounds = array<i64: 32, 128>}, {pipeline_mode = #tpu.pipeline_mode<synchronous>, transform_indices = @transform_2, window_bounds = array<i64: 128>}, {pipeline_mode = #tpu.pipeline_mode<synchronous>, transform_indices = @transform_3, window_bounds = array<i64: 128, 128>}, {pipeline_mode = #tpu.pipeline_mode<synchronous>, transform_indices = @transform_4, window_bounds = array<i64: 128>}, {transform_indices = @transform_5, window_bounds = array<i64: 4000, 128>}]} {
    %get3A = arith.constant 0 : index
    %get3A_0 = arith.constant 0 : index
    %get3A_1 = vector.load %arg1[%get3A, %get3A_0] : memref<4000x32xf32, #tpu.memory_space<vmem>>, vector<4000x32xf32>
    %get3A_2 = arith.constant 0 : index
    %get3A_3 = arith.constant 0 : index
    %get3A_4 = vector.load %arg2[%get3A_2, %get3A_3] : memref<32x128xf32, #tpu.memory_space<vmem>>, vector<32x128xf32>
    %dot_general3A = arith.constant dense<0.000000e+00> : vector<4000x128xf32>
    %dot_general3A_5 = tpu.matmul %get3A_1, %get3A_4, %dot_general3A {dimension_numbers = #tpu.dot_dimension_numbers<[1], [0], [0], [1], [0, 0, 1, 1], [], []>, transpose_lhs_hint = false} : vector<4000x32xf32>, vector<32x128xf32>, vector<4000x128xf32> -> vector<4000x128xf32>
    %get3A_6 = arith.constant 0 : index
    %get3A_7 = vector.load %arg3[%get3A_6] : memref<128xf32, #tpu.memory_space<vmem>>, vector<128xf32>
    %broadcast_in_dim3A = vector.shape_cast %get3A_7 : vector<128xf32> to vector<1x128xf32>
    %add3A = vector.broadcast %broadcast_in_dim3A : vector<1x128xf32> to vector<4000x128xf32>
    %add3A_8 = arith.addf %dot_general3A_5, %add3A : vector<4000x128xf32>
    %get3A_9 = arith.constant 0 : index
    %get3A_10 = arith.constant 0 : index
    %get3A_11 = vector.load %arg4[%get3A_9, %get3A_10] : memref<128x128xf32, #tpu.memory_space<vmem>>, vector<128x128xf32>
    %dot_general3A_12 = arith.constant dense<0.000000e+00> : vector<4000x128xf32>
    %dot_general3A_13 = tpu.matmul %add3A_8, %get3A_11, %dot_general3A_12 {dimension_numbers = #tpu.dot_dimension_numbers<[1], [0], [0], [1], [0, 0, 1, 1], [], []>, transpose_lhs_hint = false} : vector<4000x128xf32>, vector<128x128xf32>, vector<4000x128xf32> -> vector<4000x128xf32>
    %get3A_14 = arith.constant 0 : index
    %get3A_15 = vector.load %arg5[%get3A_14] : memref<128xf32, #tpu.memory_space<vmem>>, vector<128xf32>
    %broadcast_in_dim3A_16 = vector.shape_cast %get3A_15 : vector<128xf32> to vector<1x128xf32>
    %add3A_17 = vector.broadcast %broadcast_in_dim3A_16 : vector<1x128xf32> to vector<4000x128xf32>
    %add3A_18 = arith.addf %dot_general3A_13, %add3A_17 : vector<4000x128xf32>
    %swap3A = arith.constant 0 : index
    %swap3A_19 = arith.constant 0 : index
    %swap3A_20 = vector.load %arg6[%swap3A, %swap3A_19] : memref<4000x128xf32, #tpu.memory_space<vmem>>, vector<4000x128xf32>
    tpu.vector_store %arg6[%swap3A, %swap3A_19], %add3A_18 {strides = array<i32>} : memref<4000x128xf32, #tpu.memory_space<vmem>>, vector<4000x128xf32>,
    return
  }
  func.func @transform_0(%arg0: i32) -> (i32, i32) {
    %c0_i32 = arith.constant 0 : i32
    %c0_i32_0 = arith.constant 0 : i32
    return %arg0, %c0_i32 : i32, i32
  }
  func.func @transform_1(%arg0: i32) -> (i32, i32) {
    %c0_i32 = arith.constant 0 : i32
    %c0_i32_0 = arith.constant 0 : i32
    %c0_i32_1 = arith.constant 0 : i32
    return %c0_i32, %c0_i32_0 : i32, i32
  }
  func.func @transform_2(%arg0: i32) -> i32 {
    %c0_i32 = arith.constant 0 : i32
    %c0_i32_0 = arith.constant 0 : i32
    return %c0_i32 : i32
  }
  func.func @transform_3(%arg0: i32) -> (i32, i32) {
    %c0_i32 = arith.constant 0 : i32
    %c0_i32_0 = arith.constant 0 : i32
    %c0_i32_1 = arith.constant 0 : i32
    return %c0_i32, %c0_i32_0 : i32, i32
  }
  func.func @transform_4(%arg0: i32) -> i32 {
    %c0_i32 = arith.constant 0 : i32
    %c0_i32_0 = arith.constant 0 : i32
    return %c0_i32 : i32
  }
  func.func @transform_5(%arg0: i32) -> (i32, i32) {
    %c0_i32 = arith.constant 0 : i32
    %c0_i32_0 = arith.constant 0 : i32
    return %arg0, %c0_i32 : i32, i32
  }
}

module attributes {stable_mosaic.version = 14 : i64} {
  func.func @_pre_body(%arg0: i32, %arg1: memref<1000x128xf32, #tpu.memory_space<vmem>>, %arg2: memref<128x64xf32, #tpu.memory_space<vmem>>, %arg3: memref<64xf32, #tpu.memory_space<vmem>>, %arg4: memref<64x64xf32, #tpu.memory_space<vmem>>, %arg5: memref<64xf32, #tpu.memory_space<vmem>>, %arg6: memref<64x64xf32, #tpu.memory_space<vmem>>, %arg7: memref<64xf32, #tpu.memory_space<vmem>>, %arg8: memref<64x64xf32, #tpu.memory_space<vmem>>, %arg9: memref<64xf32, #tpu.memory_space<vmem>>, %arg10: memref<64x64xf32, #tpu.memory_space<vmem>>, %arg11: memref<64xf32, #tpu.memory_space<vmem>>, %arg12: memref<1000x128xf32, #tpu.memory_space<vmem>>, %arg13: memref<1000x128xf32, #tpu.memory_space<vmem>>, %arg14: memref<1000x64xf32, #tpu.memory_space<vmem>>) attributes {dimension_semantics = [#tpu.dimension_semantics<arbitrary>], iteration_bounds = array<i64: 10>, scalar_prefetch = 0 : i64, scratch_operands = 0 : i64, tpu.core_type = #tpu.core_type<tc>, window_params = [{transform_indices = @transform_0, window_bounds = array<i64: 1000, 128>}, {pipeline_mode = #tpu.pipeline_mode<synchronous>, transform_indices = @transform_1, window_bounds = array<i64: 128, 64>}, {pipeline_mode = #tpu.pipeline_mode<synchronous>, transform_indices = @transform_2, window_bounds = array<i64: 64>}, {pipeline_mode = #tpu.pipeline_mode<synchronous>, transform_indices = @transform_3, window_bounds = array<i64: 64, 64>}, {pipeline_mode = #tpu.pipeline_mode<synchronous>, transform_indices = @transform_4, window_bounds = array<i64: 64>}, {pipeline_mode = #tpu.pipeline_mode<synchronous>, transform_indices = @transform_5, window_bounds = array<i64: 64, 64>}, {pipeline_mode = #tpu.pipeline_mode<synchronous>, transform_indices = @transform_6, window_bounds = array<i64: 64>}, {pipeline_mode = #tpu.pipeline_mode<synchronous>, transform_indices = @transform_7, window_bounds = array<i64: 64, 64>}, {pipeline_mode = #tpu.pipeline_mode<synchronous>, transform_indices = @transform_8, window_bounds = array<i64: 64>}, {pipeline_mode = #tpu.pipeline_mode<synchronous>, transform_indices = @transform_9, window_bounds = array<i64: 64, 64>}, {pipeline_mode = #tpu.pipeline_mode<synchronous>, transform_indices = @transform_10, window_bounds = array<i64: 64>}, {transform_indices = @transform_11, window_bounds = array<i64: 1000, 128>}, {transform_indices = @transform_12, window_bounds = array<i64: 1000, 128>}, {transform_indices = @transform_13, window_bounds = array<i64: 1000, 64>}]} {
    %get3A = arith.constant 0 : index
    %get3A_0 = arith.constant 0 : index
    %get3A_1 = vector.load %arg1[%get3A, %get3A_0] : memref<1000x128xf32, #tpu.memory_space<vmem>>, vector<1000x128xf32>
    %get3A_2 = arith.constant 0 : index
    %get3A_3 = arith.constant 0 : index
    %get3A_4 = vector.load %arg2[%get3A_2, %get3A_3] : memref<128x64xf32, #tpu.memory_space<vmem>>, vector<128x64xf32>
    %dot_general3A = arith.constant dense<0.000000e+00> : vector<1000x64xf32>
    %dot_general3A_5 = tpu.matmul %get3A_1, %get3A_4, %dot_general3A {dimension_numbers = #tpu.dot_dimension_numbers<[1], [0], [0], [1], [0, 0, 1, 1], [], []>, transpose_lhs_hint = false} : vector<1000x128xf32>, vector<128x64xf32>, vector<1000x64xf32> -> vector<1000x64xf32>
    %get3A_6 = arith.constant 0 : index
    %get3A_7 = vector.load %arg3[%get3A_6] : memref<64xf32, #tpu.memory_space<vmem>>, vector<64xf32>
    %broadcast_in_dim3A = vector.shape_cast %get3A_7 : vector<64xf32> to vector<1x64xf32>
    %add3A = vector.broadcast %broadcast_in_dim3A : vector<1x64xf32> to vector<1000x64xf32>
    %add3A_8 = arith.addf %dot_general3A_5, %add3A : vector<1000x64xf32>
    %get3A_9 = arith.constant 0 : index
    %get3A_10 = arith.constant 0 : index
    %get3A_11 = vector.load %arg4[%get3A_9, %get3A_10] : memref<64x64xf32, #tpu.memory_space<vmem>>, vector<64x64xf32>
    %dot_general3A_12 = arith.constant dense<0.000000e+00> : vector<1000x64xf32>
    %dot_general3A_13 = tpu.matmul %add3A_8, %get3A_11, %dot_general3A_12 {dimension_numbers = #tpu.dot_dimension_numbers<[1], [0], [0], [1], [0, 0, 1, 1], [], []>, transpose_lhs_hint = false} : vector<1000x64xf32>, vector<64x64xf32>, vector<1000x64xf32> -> vector<1000x64xf32>
    %get3A_14 = arith.constant 0 : index
    %get3A_15 = vector.load %arg5[%get3A_14] : memref<64xf32, #tpu.memory_space<vmem>>, vector<64xf32>
    %broadcast_in_dim3A_16 = vector.shape_cast %get3A_15 : vector<64xf32> to vector<1x64xf32>
    %add3A_17 = vector.broadcast %broadcast_in_dim3A_16 : vector<1x64xf32> to vector<1000x64xf32>
    %add3A_18 = arith.addf %dot_general3A_13, %add3A_17 : vector<1000x64xf32>
    %swap3A = arith.constant 0 : index
    %swap3A_19 = arith.constant 0 : index
    %swap3A_20 = vector.load %arg12[%swap3A, %swap3A_19] : memref<1000x128xf32, #tpu.memory_space<vmem>>, vector<1000x64xf32>
    tpu.vector_store %arg12[%swap3A, %swap3A_19], %add3A_18 {strides = array<i32>} : memref<1000x128xf32, #tpu.memory_space<vmem>>, vector<1000x64xf32>,
    %broadcast_in_dim3A_21 = arith.constant 0.000000e+00 : f32
    %broadcast_in_dim3A_22 = vector.broadcast %broadcast_in_dim3A_21 : f32 to vector<1000x64xf32>
    %swap3A_23 = arith.constant 0 : index
    %swap3A_24 = arith.constant 64 : index
    %swap3A_25 = vector.load %arg12[%swap3A_23, %swap3A_24] : memref<1000x128xf32, #tpu.memory_space<vmem>>, vector<1000x64xf32>
    tpu.vector_store %arg12[%swap3A_23, %swap3A_24], %broadcast_in_dim3A_22 {strides = array<i32>} : memref<1000x128xf32, #tpu.memory_space<vmem>>, vector<1000x64xf32>,
    %get3A_26 = arith.constant 0 : index
    %get3A_27 = arith.constant 0 : index
    %get3A_28 = vector.load %arg6[%get3A_26, %get3A_27] : memref<64x64xf32, #tpu.memory_space<vmem>>, vector<64x64xf32>
    %dot_general3A_29 = arith.constant dense<0.000000e+00> : vector<1000x64xf32>
    %dot_general3A_30 = tpu.matmul %add3A_8, %get3A_28, %dot_general3A_29 {dimension_numbers = #tpu.dot_dimension_numbers<[1], [0], [0], [1], [0, 0, 1, 1], [], []>, transpose_lhs_hint = false} : vector<1000x64xf32>, vector<64x64xf32>, vector<1000x64xf32> -> vector<1000x64xf32>
    %get3A_31 = arith.constant 0 : index
    %get3A_32 = vector.load %arg7[%get3A_31] : memref<64xf32, #tpu.memory_space<vmem>>, vector<64xf32>
    %broadcast_in_dim3A_33 = vector.shape_cast %get3A_32 : vector<64xf32> to vector<1x64xf32>
    %add3A_34 = vector.broadcast %broadcast_in_dim3A_33 : vector<1x64xf32> to vector<1000x64xf32>
    %add3A_35 = arith.addf %dot_general3A_30, %add3A_34 : vector<1000x64xf32>
    %swap3A_36 = arith.constant 0 : index
    %swap3A_37 = arith.constant 0 : index
    %swap3A_38 = vector.load %arg13[%swap3A_36, %swap3A_37] : memref<1000x128xf32, #tpu.memory_space<vmem>>, vector<1000x64xf32>
    tpu.vector_store %arg13[%swap3A_36, %swap3A_37], %add3A_35 {strides = array<i32>} : memref<1000x128xf32, #tpu.memory_space<vmem>>, vector<1000x64xf32>,
    %get3A_39 = arith.constant 0 : index
    %get3A_40 = arith.constant 0 : index
    %get3A_41 = vector.load %arg8[%get3A_39, %get3A_40] : memref<64x64xf32, #tpu.memory_space<vmem>>, vector<64x64xf32>
    %dot_general3A_42 = arith.constant dense<0.000000e+00> : vector<1000x64xf32>
    %dot_general3A_43 = tpu.matmul %add3A_8, %get3A_41, %dot_general3A_42 {dimension_numbers = #tpu.dot_dimension_numbers<[1], [0], [0], [1], [0, 0, 1, 1], [], []>, transpose_lhs_hint = false} : vector<1000x64xf32>, vector<64x64xf32>, vector<1000x64xf32> -> vector<1000x64xf32>
    %get3A_44 = arith.constant 0 : index
    %get3A_45 = vector.load %arg9[%get3A_44] : memref<64xf32, #tpu.memory_space<vmem>>, vector<64xf32>
    %broadcast_in_dim3A_46 = vector.shape_cast %get3A_45 : vector<64xf32> to vector<1x64xf32>
    %add3A_47 = vector.broadcast %broadcast_in_dim3A_46 : vector<1x64xf32> to vector<1000x64xf32>
    %add3A_48 = arith.addf %dot_general3A_43, %add3A_47 : vector<1000x64xf32>
    %swap3A_49 = arith.constant 0 : index
    %swap3A_50 = arith.constant 64 : index
    %swap3A_51 = vector.load %arg13[%swap3A_49, %swap3A_50] : memref<1000x128xf32, #tpu.memory_space<vmem>>, vector<1000x64xf32>
    tpu.vector_store %arg13[%swap3A_49, %swap3A_50], %add3A_48 {strides = array<i32>} : memref<1000x128xf32, #tpu.memory_space<vmem>>, vector<1000x64xf32>,
    %get3A_52 = arith.constant 0 : index
    %get3A_53 = arith.constant 0 : index
    %get3A_54 = vector.load %arg10[%get3A_52, %get3A_53] : memref<64x64xf32, #tpu.memory_space<vmem>>, vector<64x64xf32>
    %dot_general3A_55 = arith.constant dense<0.000000e+00> : vector<1000x64xf32>
    %dot_general3A_56 = tpu.matmul %add3A_8, %get3A_54, %dot_general3A_55 {dimension_numbers = #tpu.dot_dimension_numbers<[1], [0], [0], [1], [0, 0, 1, 1], [], []>, transpose_lhs_hint = false} : vector<1000x64xf32>, vector<64x64xf32>, vector<1000x64xf32> -> vector<1000x64xf32>
    %add3A_57 = arith.addf %add3A_8, %dot_general3A_56 : vector<1000x64xf32>
    %get3A_58 = arith.constant 0 : index
    %get3A_59 = vector.load %arg11[%get3A_58] : memref<64xf32, #tpu.memory_space<vmem>>, vector<64xf32>
    %broadcast_in_dim3A_60 = vector.shape_cast %get3A_59 : vector<64xf32> to vector<1x64xf32>
    %add3A_61 = vector.broadcast %broadcast_in_dim3A_60 : vector<1x64xf32> to vector<1000x64xf32>
    %add3A_62 = arith.addf %add3A_57, %add3A_61 : vector<1000x64xf32>
    %swap3A_63 = arith.constant 0 : index
    %swap3A_64 = arith.constant 0 : index
    %swap3A_65 = vector.load %arg14[%swap3A_63, %swap3A_64] : memref<1000x64xf32, #tpu.memory_space<vmem>>, vector<1000x64xf32>
    tpu.vector_store %arg14[%swap3A_63, %swap3A_64], %add3A_62 {strides = array<i32>} : memref<1000x64xf32, #tpu.memory_space<vmem>>, vector<1000x64xf32>,
    return
  }
  func.func @transform_0(%arg0: i32) -> (i32, i32) {
    %c0_i32 = arith.constant 0 : i32
    %c0_i32_0 = arith.constant 0 : i32
    return %arg0, %c0_i32 : i32, i32
  }
  func.func @transform_1(%arg0: i32) -> (i32, i32) {
    %c0_i32 = arith.constant 0 : i32
    %c0_i32_0 = arith.constant 0 : i32
    %c0_i32_1 = arith.constant 0 : i32
    return %c0_i32, %c0_i32_0 : i32, i32
  }
  func.func @transform_2(%arg0: i32) -> i32 {
    %c0_i32 = arith.constant 0 : i32
    %c0_i32_0 = arith.constant 0 : i32
    return %c0_i32 : i32
  }
  func.func @transform_3(%arg0: i32) -> (i32, i32) {
    %c0_i32 = arith.constant 0 : i32
    %c0_i32_0 = arith.constant 0 : i32
    %c0_i32_1 = arith.constant 0 : i32
    return %c0_i32, %c0_i32_0 : i32, i32
  }
  func.func @transform_4(%arg0: i32) -> i32 {
    %c0_i32 = arith.constant 0 : i32
    %c0_i32_0 = arith.constant 0 : i32
    return %c0_i32 : i32
  }
  func.func @transform_5(%arg0: i32) -> (i32, i32) {
    %c0_i32 = arith.constant 0 : i32
    %c0_i32_0 = arith.constant 0 : i32
    %c0_i32_1 = arith.constant 0 : i32
    return %c0_i32, %c0_i32_0 : i32, i32
  }
  func.func @transform_6(%arg0: i32) -> i32 {
    %c0_i32 = arith.constant 0 : i32
    %c0_i32_0 = arith.constant 0 : i32
    return %c0_i32 : i32
  }
  func.func @transform_7(%arg0: i32) -> (i32, i32) {
    %c0_i32 = arith.constant 0 : i32
    %c0_i32_0 = arith.constant 0 : i32
    %c0_i32_1 = arith.constant 0 : i32
    return %c0_i32, %c0_i32_0 : i32, i32
  }
  func.func @transform_8(%arg0: i32) -> i32 {
    %c0_i32 = arith.constant 0 : i32
    %c0_i32_0 = arith.constant 0 : i32
    return %c0_i32 : i32
  }
  func.func @transform_9(%arg0: i32) -> (i32, i32) {
    %c0_i32 = arith.constant 0 : i32
    %c0_i32_0 = arith.constant 0 : i32
    %c0_i32_1 = arith.constant 0 : i32
    return %c0_i32, %c0_i32_0 : i32, i32
  }
  func.func @transform_10(%arg0: i32) -> i32 {
    %c0_i32 = arith.constant 0 : i32
    %c0_i32_0 = arith.constant 0 : i32
    return %c0_i32 : i32
  }
  func.func @transform_11(%arg0: i32) -> (i32, i32) {
    %c0_i32 = arith.constant 0 : i32
    %c0_i32_0 = arith.constant 0 : i32
    return %arg0, %c0_i32 : i32, i32
  }
  func.func @transform_12(%arg0: i32) -> (i32, i32) {
    %c0_i32 = arith.constant 0 : i32
    %c0_i32_0 = arith.constant 0 : i32
    return %arg0, %c0_i32 : i32, i32
  }
  func.func @transform_13(%arg0: i32) -> (i32, i32) {
    %c0_i32 = arith.constant 0 : i32
    %c0_i32_0 = arith.constant 0 : i32
    return %arg0, %c0_i32 : i32, i32
  }
}

module attributes {stable_mosaic.version = 14 : i64} {
  func.func @_post_body(%arg0: i32, %arg1: memref<1000x128xf32, #tpu.memory_space<vmem>>, %arg2: memref<1000x128xf32, #tpu.memory_space<vmem>>, %arg3: memref<1000x64xf32, #tpu.memory_space<vmem>>, %arg4: memref<1000x1xi32, #tpu.memory_space<vmem>>, %arg5: memref<64x128xf32, #tpu.memory_space<vmem>>, %arg6: memref<128xf32, #tpu.memory_space<vmem>>, %arg7: memref<128x1xf32, #tpu.memory_space<vmem>>, %arg8: memref<1xf32, #tpu.memory_space<vmem>>, %arg9: memref<384x1xf32, #tpu.memory_space<vmem>>, %arg10: memref<384x64xf32, #tpu.memory_space<vmem>>, %arg11: memref<384x1xf32, #tpu.memory_space<vmem>>) attributes {dimension_semantics = [#tpu.dimension_semantics<arbitrary>], iteration_bounds = array<i64: 10>, scalar_prefetch = 0 : i64, scratch_operands = 2 : i64, tpu.core_type = #tpu.core_type<tc>, window_params = [{transform_indices = @transform_0, window_bounds = array<i64: 1000, 128>}, {transform_indices = @transform_1, window_bounds = array<i64: 1000, 128>}, {transform_indices = @transform_2, window_bounds = array<i64: 1000, 64>}, {transform_indices = @transform_3, window_bounds = array<i64: 1000, 1>}, {pipeline_mode = #tpu.pipeline_mode<synchronous>, transform_indices = @transform_4, window_bounds = array<i64: 64, 128>}, {pipeline_mode = #tpu.pipeline_mode<synchronous>, transform_indices = @transform_5, window_bounds = array<i64: 128>}, {pipeline_mode = #tpu.pipeline_mode<synchronous>, transform_indices = @transform_6, window_bounds = array<i64: 128, 1>}, {pipeline_mode = #tpu.pipeline_mode<synchronous>, transform_indices = @transform_7, window_bounds = array<i64: 1>}, {pipeline_mode = #tpu.pipeline_mode<synchronous>, transform_indices = @transform_8, window_bounds = array<i64: 384, 1>}]} {
    %get3A = arith.constant 0 : index
    %get3A_0 = arith.constant 0 : index
    %get3A_1 = vector.load %arg1[%get3A, %get3A_0] : memref<1000x128xf32, #tpu.memory_space<vmem>>, vector<1000x64xf32>
    %get3A_2 = arith.constant 0 : index
    %get3A_3 = arith.constant 0 : index
    %get3A_4 = vector.load %arg2[%get3A_2, %get3A_3] : memref<1000x128xf32, #tpu.memory_space<vmem>>, vector<1000x64xf32>
    %add3A = arith.addf %get3A_1, %get3A_4 : vector<1000x64xf32>
    %get3A_5 = arith.constant 0 : index
    %get3A_6 = arith.constant 64 : index
    %get3A_7 = vector.load %arg1[%get3A_5, %get3A_6] : memref<1000x128xf32, #tpu.memory_space<vmem>>, vector<1000x1xf32>
    %get3A_8 = arith.constant 0 : index
    %get3A_9 = arith.constant 64 : index
    %get3A_10 = vector.load %arg2[%get3A_8, %get3A_9] : memref<1000x128xf32, #tpu.memory_space<vmem>>, vector<1000x1xf32>
    %add3A_11 = arith.addf %get3A_7, %get3A_10 : vector<1000x1xf32>
    %add3A_12 = arith.constant 1.000000e-16 : f32
    %add3A_13 = vector.broadcast %add3A_12 : f32 to vector<1000x1xf32>
    %add3A_14 = arith.addf %add3A_11, %add3A_13 : vector<1000x1xf32>
    %div3A = vector.broadcast %add3A_14 : vector<1000x1xf32> to vector<1000x64xf32>
    %div3A_15 = arith.divf %add3A, %div3A : vector<1000x64xf32>
    %get3A_16 = arith.constant 0 : index
    %get3A_17 = arith.constant 0 : index
    %get3A_18 = vector.load %arg3[%get3A_16, %get3A_17] : memref<1000x64xf32, #tpu.memory_space<vmem>>, vector<1000x64xf32>
    %add3A_19 = arith.addf %div3A_15, %get3A_18 : vector<1000x64xf32>
    %max3A = arith.constant 0.000000e+00 : f32
    %max3A_20 = vector.broadcast %max3A : f32 to vector<1000x64xf32>
    %max3A_21 = arith.maximumf %add3A_19, %max3A_20 : vector<1000x64xf32>
    %get3A_22 = arith.constant 0 : index
    %get3A_23 = arith.constant 0 : index
    %get3A_24 = vector.load %arg4[%get3A_22, %get3A_23] : memref<1000x1xi32, #tpu.memory_space<vmem>>, vector<1000x1xi32>
    %iota3A = tpu.iota {dimensions = array<i32: 1>} : vector<1000x384xi32>
    %eq3A = vector.broadcast %get3A_24 : vector<1000x1xi32> to vector<1000x384xi32>
    %eq3A_25 = arith.cmpi eq, %iota3A, %eq3A : vector<1000x384xi32>
    %convert_element_type3A = arith.extui %eq3A_25 : vector<1000x384xi1> to vector<1000x384xi32>
    %convert_element_type3A_26 = arith.sitofp %convert_element_type3A : vector<1000x384xi32> to vector<1000x384xf32>
    %eq3A_27 = arith.constant 0 : i32
    %eq3A_28 = arith.cmpi eq, %arg0, %eq3A_27 : i32
    %convert_element_type3A_29 = arith.extui %eq3A_28 : i1 to i32
    %cond3A = arith.constant 0 : i32
    %cond3A_30 = arith.cmpi ne, %convert_element_type3A_29, %cond3A : i32
    scf.if %cond3A_30 {
      %broadcast_in_dim3A_53 = arith.constant 0.000000e+00 : f32
      %broadcast_in_dim3A_54 = vector.broadcast %broadcast_in_dim3A_53 : f32 to vector<384x64xf32>
      %swap3A_55 = arith.constant 0 : index
      %swap3A_56 = arith.constant 0 : index
      %swap3A_57 = vector.load %arg10[%swap3A_55, %swap3A_56] : memref<384x64xf32, #tpu.memory_space<vmem>>, vector<384x64xf32>
      tpu.vector_store %arg10[%swap3A_55, %swap3A_56], %broadcast_in_dim3A_54 {strides = array<i32>} : memref<384x64xf32, #tpu.memory_space<vmem>>, vector<384x64xf32>,
      %broadcast_in_dim3A_58 = arith.constant 0.000000e+00 : f32
      %broadcast_in_dim3A_59 = vector.broadcast %broadcast_in_dim3A_58 : f32 to vector<384x1xf32>
      %swap3A_60 = arith.constant 0 : index
      %swap3A_61 = arith.constant 0 : index
      %swap3A_62 = vector.load %arg11[%swap3A_60, %swap3A_61] : memref<384x1xf32, #tpu.memory_space<vmem>>, vector<384x1xf32>
      tpu.vector_store %arg11[%swap3A_60, %swap3A_61], %broadcast_in_dim3A_59 {strides = array<i32>} : memref<384x1xf32, #tpu.memory_space<vmem>>, vector<384x1xf32>,
    } else {
    }
    %get3A_31 = arith.constant 0 : index
    %get3A_32 = arith.constant 0 : index
    %get3A_33 = vector.load %arg10[%get3A_31, %get3A_32] : memref<384x64xf32, #tpu.memory_space<vmem>>, vector<384x64xf32>
    %dot_general3A = arith.constant dense<0.000000e+00> : vector<384x64xf32>
    %dot_general3A_34 = tpu.matmul %convert_element_type3A_26, %max3A_21, %dot_general3A {dimension_numbers = #tpu.dot_dimension_numbers<[0], [0], [1], [1], [0, 1, 1, 1], [], []>, precision = #tpu.contract_precision<fp32>, transpose_lhs_hint = false} : vector<1000x384xf32>, vector<1000x64xf32>, vector<384x64xf32> -> vector<384x64xf32>
    %add3A_35 = arith.addf %get3A_33, %dot_general3A_34 : vector<384x64xf32>
    %swap3A = arith.constant 0 : index
    %swap3A_36 = arith.constant 0 : index
    %swap3A_37 = vector.load %arg10[%swap3A, %swap3A_36] : memref<384x64xf32, #tpu.memory_space<vmem>>, vector<384x64xf32>
    tpu.vector_store %arg10[%swap3A, %swap3A_36], %add3A_35 {strides = array<i32>} : memref<384x64xf32, #tpu.memory_space<vmem>>, vector<384x64xf32>,
    %get3A_38 = arith.constant 0 : index
    %get3A_39 = arith.constant 0 : index
    %get3A_40 = vector.load %arg11[%get3A_38, %get3A_39] : memref<384x1xf32, #tpu.memory_space<vmem>>, vector<384x1xf32>
    %broadcast_in_dim3A = arith.constant 1.000000e+00 : f32
    %broadcast_in_dim3A_41 = vector.broadcast %broadcast_in_dim3A : f32 to vector<1000x1xf32>
    %dot_general3A_42 = arith.constant dense<0.000000e+00> : vector<384x1xf32>
    %dot_general3A_43 = tpu.matmul %convert_element_type3A_26, %broadcast_in_dim3A_41, %dot_general3A_42 {dimension_numbers = #tpu.dot_dimension_numbers<[0], [0], [1], [1], [0, 1, 1, 1], [], []>, precision = #tpu.contract_precision<fp32>, transpose_lhs_hint = false} : vector<1000x384xf32>, vector<1000x1xf32>, vector<384x1xf32> -> vector<384x1xf32>
    %add3A_44 = arith.addf %get3A_40, %dot_general3A_43 : vector<384x1xf32>
    %swap3A_45 = arith.constant 0 : index
    %swap3A_46 = arith.constant 0 : index
    %swap3A_47 = vector.load %arg11[%swap3A_45, %swap3A_46] : memref<384x1xf32, #tpu.memory_space<vmem>>, vector<384x1xf32>
    tpu.vector_store %arg11[%swap3A_45, %swap3A_46], %add3A_44 {strides = array<i32>} : memref<384x1xf32, #tpu.memory_space<vmem>>, vector<384x1xf32>,
    %eq3A_48 = arith.constant 9 : i32
    %eq3A_49 = arith.cmpi eq, %arg0, %eq3A_48 : i32
    %convert_element_type3A_50 = arith.extui %eq3A_49 : i1 to i32
    %cond3A_51 = arith.constant 0 : i32
    %cond3A_52 = arith.cmpi ne, %convert_element_type3A_50, %cond3A_51 : i32
    scf.if %cond3A_52 {
      %get3A_53 = arith.constant 0 : index
      %get3A_54 = arith.constant 0 : index
      %get3A_55 = vector.load %arg10[%get3A_53, %get3A_54] : memref<384x64xf32, #tpu.memory_space<vmem>>, vector<384x64xf32>
      %get3A_56 = arith.constant 0 : index
      %get3A_57 = arith.constant 0 : index
      %get3A_58 = vector.load %arg11[%get3A_56, %get3A_57] : memref<384x1xf32, #tpu.memory_space<vmem>>, vector<384x1xf32>
      %max3A_59 = arith.constant 1.000000e+00 : f32
      %max3A_60 = vector.broadcast %max3A_59 : f32 to vector<384x1xf32>
      %max3A_61 = arith.maximumf %get3A_58, %max3A_60 : vector<384x1xf32>
      %div3A_62 = vector.broadcast %max3A_61 : vector<384x1xf32> to vector<384x64xf32>
      %div3A_63 = arith.divf %get3A_55, %div3A_62 : vector<384x64xf32>
      %get3A_64 = arith.constant 0 : index
      %get3A_65 = arith.constant 0 : index
      %get3A_66 = vector.load %arg5[%get3A_64, %get3A_65] : memref<64x128xf32, #tpu.memory_space<vmem>>, vector<64x128xf32>
      %dot_general3A_67 = arith.constant dense<0.000000e+00> : vector<384x128xf32>
      %dot_general3A_68 = tpu.matmul %div3A_63, %get3A_66, %dot_general3A_67 {dimension_numbers = #tpu.dot_dimension_numbers<[1], [0], [0], [1], [0, 0, 1, 1], [], []>, transpose_lhs_hint = false} : vector<384x64xf32>, vector<64x128xf32>, vector<384x128xf32> -> vector<384x128xf32>
      %get3A_69 = arith.constant 0 : index
      %get3A_70 = vector.load %arg6[%get3A_69] : memref<128xf32, #tpu.memory_space<vmem>>, vector<128xf32>
      %broadcast_in_dim3A_71 = vector.shape_cast %get3A_70 : vector<128xf32> to vector<1x128xf32>
      %add3A_72 = vector.broadcast %broadcast_in_dim3A_71 : vector<1x128xf32> to vector<384x128xf32>
      %add3A_73 = arith.addf %dot_general3A_68, %add3A_72 : vector<384x128xf32>
      %max3A_74 = arith.constant 0.000000e+00 : f32
      %max3A_75 = vector.broadcast %max3A_74 : f32 to vector<384x128xf32>
      %max3A_76 = arith.maximumf %add3A_73, %max3A_75 : vector<384x128xf32>
      %get3A_77 = arith.constant 0 : index
      %get3A_78 = arith.constant 0 : index
      %get3A_79 = vector.load %arg7[%get3A_77, %get3A_78] : memref<128x1xf32, #tpu.memory_space<vmem>>, vector<128x1xf32>
      %dot_general3A_80 = arith.constant dense<0.000000e+00> : vector<384x1xf32>
      %dot_general3A_81 = tpu.matmul %max3A_76, %get3A_79, %dot_general3A_80 {dimension_numbers = #tpu.dot_dimension_numbers<[1], [0], [0], [1], [0, 0, 1, 1], [], []>, transpose_lhs_hint = false} : vector<384x128xf32>, vector<128x1xf32>, vector<384x1xf32> -> vector<384x1xf32>
      %get3A_82 = arith.constant 0 : index
      %get3A_83 = vector.load %arg8[%get3A_82] : memref<1xf32, #tpu.memory_space<vmem>>, vector<1xf32>
      %broadcast_in_dim3A_84 = vector.shape_cast %get3A_83 : vector<1xf32> to vector<1x1xf32>
      %add3A_85 = vector.broadcast %broadcast_in_dim3A_84 : vector<1x1xf32> to vector<384x1xf32>
      %add3A_86 = arith.addf %dot_general3A_81, %add3A_85 : vector<384x1xf32>
      %swap3A_87 = arith.constant 0 : index
      %swap3A_88 = arith.constant 0 : index
      %swap3A_89 = vector.load %arg9[%swap3A_87, %swap3A_88] : memref<384x1xf32, #tpu.memory_space<vmem>>, vector<384x1xf32>
      tpu.vector_store %arg9[%swap3A_87, %swap3A_88], %add3A_86 {strides = array<i32>} : memref<384x1xf32, #tpu.memory_space<vmem>>, vector<384x1xf32>,
    } else {
    }
    return
  }
  func.func @transform_0(%arg0: i32) -> (i32, i32) {
    %c0_i32 = arith.constant 0 : i32
    %c0_i32_0 = arith.constant 0 : i32
    return %arg0, %c0_i32 : i32, i32
  }
  func.func @transform_1(%arg0: i32) -> (i32, i32) {
    %c0_i32 = arith.constant 0 : i32
    %c0_i32_0 = arith.constant 0 : i32
    return %arg0, %c0_i32 : i32, i32
  }
  func.func @transform_2(%arg0: i32) -> (i32, i32) {
    %c0_i32 = arith.constant 0 : i32
    %c0_i32_0 = arith.constant 0 : i32
    return %arg0, %c0_i32 : i32, i32
  }
  func.func @transform_3(%arg0: i32) -> (i32, i32) {
    %c0_i32 = arith.constant 0 : i32
    %c0_i32_0 = arith.constant 0 : i32
    return %arg0, %c0_i32 : i32, i32
  }
  func.func @transform_4(%arg0: i32) -> (i32, i32) {
    %c0_i32 = arith.constant 0 : i32
    %c0_i32_0 = arith.constant 0 : i32
    %c0_i32_1 = arith.constant 0 : i32
    return %c0_i32, %c0_i32_0 : i32, i32
  }
  func.func @transform_5(%arg0: i32) -> i32 {
    %c0_i32 = arith.constant 0 : i32
    %c0_i32_0 = arith.constant 0 : i32
    return %c0_i32 : i32
  }
  func.func @transform_6(%arg0: i32) -> (i32, i32) {
    %c0_i32 = arith.constant 0 : i32
    %c0_i32_0 = arith.constant 0 : i32
    %c0_i32_1 = arith.constant 0 : i32
    return %c0_i32, %c0_i32_0 : i32, i32
  }
  func.func @transform_7(%arg0: i32) -> i32 {
    %c0_i32 = arith.constant 0 : i32
    %c0_i32_0 = arith.constant 0 : i32
    return %c0_i32 : i32
  }
  func.func @transform_8(%arg0: i32) -> (i32, i32) {
    %c0_i32 = arith.constant 0 : i32
    %c0_i32_0 = arith.constant 0 : i32
    %c0_i32_1 = arith.constant 0 : i32
    return %c0_i32, %c0_i32_0 : i32, i32
  }
}

</mosaic_0001>

<sc_bundles>
// kernel: kernel.6.cloned.1.call-start
scs
__scs_entry_jumppad:
0x0: {  	(pc) =	sbr.rel $0x88, $3  }
0x1: {  	(tag) =	ssettag $0x0;
	lr =	simm.s32 $0x1  }
0x2: {  	[smem:$0x3F8A] =	sst lr;
	_ =	strace $0xD0000000  }
0x3: {  	_ = 	snop  }
0x4: {  	_ = 	snop  }
0x5: {  	_ = 	snop  }
0x6: {  	_ = 	snop  }
0x7: {  	_ = 	snop  }
__scs_overlays_trampoline_lowered:
0x8: {  	[smem:$0x3F99] =	sst s0  }
0x9: {  	[smem:$0x3F9A] =	sst s1  }
0xa: {  	[smem:$0x3F9B] =	sst s2  }
0xb: {  	[smem:$0x3F9C] =	sst s3  }
0xc: {  	[smem:$0x3F9D] =	sst s4  }
0xd: {  	[smem:$0x3F9E] =	sst s5  }
0xe: {  	[smem:$0x3F9F] =	sst s6  }
0xf: {  	[smem:$0x3FA0] =	sst s7  }
0x10: {  	[smem:$0x3FA1] =	sst s8  }
0x11: {  	[smem:$0x3FA2] =	sst s9;
	s0 =	simm.s32 @!p0 $0x0  }
0x12: {  	s1 =	sld [smem:$0x3F88];
	s0 =	simm.s32 @p0 $0x1  }
0x13: {  	[smem:$0x3FA3] =	sst s0;
	s0 =	simm.s32 @!p1 $0x0  }
0x14: {  	s2 =	sld [smem:$0x3F87];
	s0 =	simm.s32 @p1 $0x1  }
0x15: {  	[smem:$0x3FA4] =	sst s0;
	s0 =	simm.s32 @!p2 $0x0  }
0x16: {  	s3 =	sld [smem:$0x3FDB];
	s0 =	simm.s32 @p2 $0x1  }
0x17: {  	s4 =	simm.s32 $0x1BF5;
	[smem:$0x3FA6] =	sst s0  }
0x18: {  	s0 =	sld [smem:$0x3F89];
	_ =	swait.ge [sflag:s4], $0x0  }
0x19: {  	s7 =	sld [smem:$0x3F8A]  }
0x1a: {  	s8 =	sadd.s32 $0xFFFFE003, lr  }
0x1b: {  	s9 =	sadd.s32 $0xFFFFFEF7, lr;
	s5 =	simm.s32 $0xFFFFFFFF;
	p2 =	slt.u32 s8, $0xFFFFF086  }
0x1c: {  	p1 =	slt.u32 s9, $0xF7A;
	s5 =	simm.s32 @!p2 $0x0  }
0x1d: {  	s5 =	simm.s32 @p1 $0x1;
	p0 =	seq.s32 s7, s2  }
0x1e: {  	s7 =	smul.u32 @!p0 $0xF7A, s2;
	p2 =	seq.s32 @!p0 s5, $0x0  }
0x1f: {  	s9 =	smul.u32 $0xF7A, s1;
	s8 =	simm.s32 @!p0 $0x1BF5;
	p2 =	por !p2, p0  }
0x20: {  	[sflag:s8] =	ssyncset.s32 @!p0 $0xFFFFF086;
	s6 =	sadd.s32 @!p0 s3, s7;
	s7 =	simm.s32 @!p0 $0x108  }
0x21: {  	s3 =	sadd.s32 s3, s9;
	s6 =	sadd.s32 @!p0 $0x88, s6;
	s7 =	simm.s32 @p2 $0x1082  }
0x22: {  	[simem:s7], [sflag:s8] =	dma.local @!p0 [hbm:s6], $0xF7A  }
0x23: {  	s9 =	sor.u32 $0xD0000000, s2;
	s6 =	simm.s32 $0x108;
	_ =	swait.ge @!p0 [sflag:s8], $0x0  }
0x24: {  	s3 =	sadd.s32 $0x88, s3;
	s6 =	simm.s32 @!p1 $0x1082;
	[sflag:s4] =	ssyncset.s32 $0xFFFFF086  }
0x25: {  	[simem:s6], [sflag:s4] =	dma.local [hbm:s3], $0xF7A  }
0x26: {  	[smem:$0x3F8A] =	sst s1;
	(tag) =	ssettag s2;
	_ =	strace s9  }
0x27: {  	s1 =	sld [smem:$0x3F9A]  }
0x28: {  	s2 =	sld [smem:$0x3F9B]  }
0x29: {  	s4 =	sld [smem:$0x3F9D]  }
0x2a: {  	p0 =	seq.s32 s5, $0x0;
	s5 =	sld [smem:$0x3F9E]  }
0x2b: {  	s6 =	sld [smem:$0x3F9F]  }
0x2c: {  	s7 =	sld [smem:$0x3FA0]  }
0x2d: {  	s3 =	simm.s32 $0x108;
	s8 =	sld [smem:$0x3FA1]  }
0x2e: {  	s3 =	simm.s32 @!p0 $0x1082;
	s9 =	sld [smem:$0x3FA2]  }
0x2f: {  	lr =	sadd.s32 s0, s3;
	s0 =	sld [smem:$0x3F99]  }
0x30: {  	s3 =	sld [smem:$0x3F9C]  }
0x31: {  	[smem:$0x3FA5] =	sst s10  }
0x32: {  	s10 =	sld [smem:$0x3FA3];
	_ =	sdelay $0x3  }
0x33: {  	p0 =	seq.s32 s10, $0x1;
	s10 =	sld [smem:$0x3FA5];
	_ =	sdelay $0x3  }
0x34: {  	[smem:$0x3FA5] =	sst s10  }
0x35: {  	s10 =	sld [smem:$0x3FA4];
	_ =	sdelay $0x3  }
0x36: {  	p1 =	seq.s32 s10, $0x1;
	s10 =	sld [smem:$0x3FA5];
	_ =	sdelay $0x3  }
0x37: {  	[smem:$0x3FA5] =	sst s10  }
0x38: {  	s10 =	sld [smem:$0x3FA6]  }
0x39: {  	_ = 	snop;
	(pc) =	sbr.ind lr, $3  }
0x3a: {  	_ = 	snop  }
0x3b: {  	_ = 	snop  }
0x3c: {  	p2 =	seq.s32 s10, $0x1;
	s10 =	sld [smem:$0x3FA5]  }
0x3d: {  	_ =	shalt  }
0x3e: {  	_ =	shalt  }
0x3f: {  	_ =	shalt  }
0x40: {  	_ =	shalt  }
0x41: {  	_ =	shalt  }
0x42: {  	_ =	shalt  }
0x43: {  	_ =	shalt  }
0x44: {  	_ =	shalt  }
0x45: {  	_ =	shalt  }
0x46: {  	_ =	shalt  }
0x47: {  	_ =	shalt  }
0x48: {  	_ =	shalt  }
0x49: {  	_ =	shalt  }
0x4a: {  	_ =	shalt  }
0x4b: {  	_ =	shalt  }
0x4c: {  	_ =	shalt  }
0x4d: {  	_ =	shalt  }
0x4e: {  	_ =	shalt  }
0x4f: {  	_ =	shalt  }
0x50: {  	_ =	shalt  }
0x51: {  	_ =	shalt  }
0x52: {  	_ =	shalt  }
0x53: {  	_ =	shalt  }
0x54: {  	_ =	shalt  }
0x55: {  	_ =	shalt  }
0x56: {  	_ =	shalt  }
0x57: {  	_ =	shalt  }
0x58: {  	_ =	shalt  }
0x59: {  	_ =	shalt  }
0x5a: {  	_ =	shalt  }
0x5b: {  	_ =	shalt  }
0x5c: {  	_ =	shalt  }
0x5d: {  	_ =	shalt  }
0x5e: {  	_ =	shalt  }
0x5f: {  	_ =	shalt  }
0x60: {  	_ =	shalt  }
0x61: {  	_ =	shalt  }
0x62: {  	_ =	shalt  }
0x63: {  	_ =	shalt  }
0x64: {  	_ =	shalt  }
0x65: {  	_ =	shalt  }
0x66: {  	_ =	shalt  }
0x67: {  	_ =	shalt  }
0x68: {  	_ =	shalt  }
0x69: {  	_ =	shalt  }
0x6a: {  	_ =	shalt  }
0x6b: {  	_ =	shalt  }
0x6c: {  	_ =	shalt  }
0x6d: {  	_ =	shalt  }
0x6e: {  	_ =	shalt  }
0x6f: {  	_ =	shalt  }
0x70: {  	_ =	shalt  }
0x71: {  	_ =	shalt  }
0x72: {  	_ =	shalt  }
0x73: {  	_ =	shalt  }
0x74: {  	_ =	shalt  }
0x75: {  	_ =	shalt  }
0x76: {  	_ =	shalt  }
0x77: {  	_ =	shalt  }
0x78: {  	_ =	shalt  }
0x79: {  	_ =	shalt  }
0x7a: {  	_ =	shalt  }
0x7b: {  	_ =	shalt  }
0x7c: {  	_ =	shalt  }
0x7d: {  	_ =	shalt  }
0x7e: {  	_ =	shalt  }
0x7f: {  	_ =	shalt  }
0x80: {  	_ =	shalt  }
0x81: {  	_ =	shalt  }
0x82: {  	_ =	shalt  }
0x83: {  	_ =	shalt  }
0x84: {  	_ =	shalt  }
0x85: {  	_ =	shalt  }
0x86: {  	_ =	shalt  }
0x87: {  	_ =	shalt  }
.Lfunc_end0:
.L_simem_size_0:
called_computation_lowered:
.L_overlay_start_0:
0x88: {  	s2 =	sld [smem:$0x3FD9]  }
0x89: {  	s3 =	sld [smem:$0x3FFE];
	_ =	sdelay $0x1  }
0x8a: {  	s1 =	srdreg.scid  }
0x8b: {  	s0 =	sand.u32 $0x1, s1  }
0x8c: {  	s16 =	sshll.u32 s0, $0xA;
	s2 =	sadd.s32 s3, s2  }
0x8d: {  	s2 =	sadd.s32 s2, s16  }
0x8e: {  	[smem:$0x3FB1] =	sst s2  }
0x8f: {  	_ = 	snop  }
0x90: {  	(tm) =	ssettm $0x1  }
0x91: {  	s17 =	sld [smem:$0x3FFB];
	_ =	sdelay $0x3  }
0x92: {  	_ =	strace s17  }
0x93: {  	s2 =	sld [smem:$0x3FFC];
	_ =	sdelay $0x3  }
0x94: {  	_ =	strace s2  }
0x95: {  	s2 =	sld [smem:$0x3FFD];
	_ =	sdelay $0x3  }
0x96: {  	_ =	strace s2  }
0x97: {  	_ =	strace $0x8FFFFFFF  }
0x98: {  	s18 =	sld [smem:$0x3FDB];
	_ =	sdelay $0x1  }
0x99: {  	s19 =	simm.s32 $_scs_section_size  }
0x9a: {  	s4 =	simm.s32 $_size__tile_overlayer_lowered;
	s5 =	simm.s32 $_tile_overlayer_lowered  }
0x9b: {  	s22 =	simm.s32 $0x1BFF;
	s21 =	sshll.u32 s5, $0x1;
	s2 =	sadd.s32 s19, s18  }
0x9c: {  	s6 =	simm.s32 $0x0;
	s20 =	sshll.u32 s4, $0x1;
	s4 =	sadd.s32 s21, s2  }
0x9d: {  	[timem:s6], [sflag:s22] =	dma.local [hbm:s4], s20  }
0x9e: {  	_ =	swait.ge [sflag:s22], s20  }
0x9f: {  	s3 =	ssub.s32 $0x0, s20;
	[sflag:s22] =	ssyncset.done $0x0  }
0xa0: {  	[sflag:s22] =	ssyncadd.s32 s3;
	_ =	sdelay $0x1  }
0xa1: {  	s23 =	simm.s32 $0x1B8B  }
0xa2: {  	_ =	swait.ge [sflag:s23], $0x1  }
0xa3: {  	[sflag:s23] =	ssyncset.done $0x0  }
0xa4: {  	s25 =	simm.s32 $0x1B8E;
	s24 =	sld [smem:$0x3FFE];
	[sflag:s23] =	ssyncadd.s32 $0xFFFFFFFF  }
0xa5: {  	s26 =	simm.s32 $execute0_lowered;
	[smem:$0x3FD2] =	sst s25  }
0xa6: {  	s4 =	sshll.u32 s26, $0x1;
	_ =	strace $0x80000046;
	[dreg:$0x1] =	wrdreg $0xFFFFFFFF  }
0xa7: {  	s28 =	simm.s32 $_size_execute0_lowered;
	s2 =	sadd.s32 s2, s4;
	[dreg:$0x0] =	wrdreg $0x0  }
0xa8: {  	s4 =	sshll.u32 s28, $0x1;
	[dreg:$0x2] =	wrdreg s2  }
0xa9: {  	[dreg:$0x3] =	wrdreg s4  }
0xaa: {  	[dreg:$0x4] =	wrdreg $0xC0  }
0xab: {  	_ =	task [dreg:s6], $0x5FFFF  }
0xac: {  	[dreg:$0x1] =	wrdreg $0xFFFFFFFF  }
0xad: {  	[dreg:$0x0] =	wrdreg $0x60  }
0xae: {  	[dreg:$0x2] =	wrdreg s24  }
0xaf: {  	[dreg:$0x3] =	wrdreg $0xA2000  }
0xb0: {  	[dreg:$0x4] =	wrdreg $0x9  }
0xb1: {  	_ =	task.clear_ibuf [dreg:s6], $0x5FFFF;
	_ =	strace $0x90000046  }
0xb2: {  	s29 =	simm.s32 $0x9;
	_ =	strace $0x80000048  }
0xb3: {  	_ =	swait.ge [sflag:s29], $0x1  }
0xb4: {  	[sflag:s29] =	ssyncadd.s32 $0xFFFFFFFF  }
0xb5: {  	_ =	strace $0x90000048  }
0xb6: {  	_ =	sfence  }
0xb7: {  	s30 =	sld [smem:$0x0];
	_ =	sdelay $0x2  }
0xb8: {  	s31 =	sshll.u32 s1, $0xD;
	s1 =	sshrl.u32 s1, $0x2  }
0xb9: {  	s3 =	sand.u32 $0x4000, s31;
	s1 =	sadd.s32 s1, s30  }
0xba: {  	s0 =	sor.u32 s3, s0;
	s1 =	sshll.u32 s1, $0x11  }
0xbb: {  	s0 =	sor.u32 s1, s0  }
0xbc: {  	s0 =	sadd.s32 $0x8F2B, s0  }
0xbd: {  	[sflag:s0] =	ssyncadd.remote.s32 $0x1  }
0xbe: {  	_ =	sfence.sel $0xFFFF  }
0xbf: {  	[dreg:$0x0] =	wrdreg $0xFFFFFFFF;
	(pc) =	sbr.abs _section_cstart, $3  }
0xc0: {  	[dreg:$0x1] =	wrdreg $0xFFFFFFFF  }
0xc1: {  	_ =	task.clear_ibuf [dreg:s6], $0x2FFFF;
	_ =	strace $0x9FFFFFFF  }
0xc2: {  	(tm) =	ssettm $0x7FFFFFFF  }
0xc3: {  	_ =	shalt  }
tec
execute0_lowered:
.L_overlay_start_1:
0x0: {  	(tag) =	ssettag $0x1  }
0x1: {  	s0 =	rddreg [dreg:$0x0]  }
0x2: {  	s1 =	rddreg [dreg:$0x1]  }
0x3: {  	s2 =	srdreg.scid;
	s3 =	simm.s32 $0x0;
	s11 =	stileid.u32  }
0x4: {  	s31 =	simm.s32 $0x7A00;
	s2 =	sand.u32 $0x1, s2;
	[smem:$0x7FF] =	sst s3  }
0x5: {  	s9 =	smul.u32 $0x13C00, s11;
	s4 =	sadd.s32 $0xD400, s0;
	s6 =	sadd.s32 $0x288200, s0  }
0x6: {  	s5 =	sadd.s32 $0x3600, s0;
	s7 =	sadd.s32 $0x2AF400, s0;
	s10 =	smul.u32 $0x4F000, s11  }
0x7: {  	s11 =	sshll.u32 s11, $0x1;
	s8 =	smul.u32 $0x13C000, s2;
	_ =	strace $0x80000047  }
0x8: {  	s28 =	ssub.s32 $0x2, s2;
	s2 =	sor.u32 s2, s11;
	s11 =	simm.s32 $0x80  }
0x9: {  	s12 =	sshrl.u32 s28, $0x1;
	s10 =	sshrl.u32 s10, $0x2;
	s15 =	smul.u32 $0x2710, s2  }
0xa: {  	s2 =	smul.u32 $0x13880, s2;
	s9 =	sadd.s32 s9, s8;
	s8 =	sadd.s32 $0x17200, s0  }
0xb: {  	s29 =	ssub.s32 s28, s12;
	s12 =	simm.s32 $0x180;
	s9 =	sshrl.u32 s9, $0x3  }
0xc: {  	s18 =	sshrl.u32 s15, $0x3;
	s13 =	sadd.s32 $0x50, s15;
	s2 =	sadd.s32 s8, s2  }
0xd: {  	s25 =	smax.u32 s29, $0x1;
	s0 =	sadd.s32 s9, s0;
	[dreg:$0x8] =	wrdreg s2  }
0xe: {  	s9 =	sadd.s32 s10, s1;
	s14 =	sadd.s32 s4, s18;
	[dreg:$0x10] =	wrdreg s25  }
0xf: {  	s22 =	sadd.s32 $0x26C0, s15;
	s10 =	sadd.s32 $0x2800, s9;
	[dreg:$0x6] =	wrdreg s14  }
0x10: {  	s19 =	sshrl.u32 s13, $0x3;
	s16 =	sadd.s32 $0x5000, s9;
	[dreg:$0x3] =	wrdreg s10  }
0x11: {  	s21 =	sshll.u32 s13, $0x3;
	s17 =	sadd.s32 $0x7800, s9;
	[dreg:$0x4] =	wrdreg s16  }
0x12: {  	v0 =	vimm.s32 $0x76543210;
	v1 =	vimm.s32 $0xFEDCBA98;
	s23 =	sshrl.u32 s22, $0x3;
	s20 =	sadd.s32 s4, s19;
	[dreg:$0x5] =	wrdreg s17  }
0x13: {  	v2 =	vimm.s32 $0xBA98FEDC;
	v3 =	vimm.s32 $0x32107654;
	s13 =	simm.s32 $0x6600;
	s2 =	sadd.s32 s8, s21;
	[dreg:$0x9] =	wrdreg s20  }
0x14: {  	v4 =	vimm.s32 $0xDCFE98BA;
	v5 =	vimm.s32 $0x54761032;
	s24 =	sadd.s32 s4, s23;
	s0 =	sadd.s32 $0x2D6600, s0;
	[dreg:$0xb] =	wrdreg s2  }
0x15: {  	v6 =	vimm.s32 $0xEFCDAB89;
	v7 =	vimm.s32 $0x67452301;
	s26 =	sadd.s32 $0xA000, s9;
	s28 =	sadd.s32 $0xC800, s9;
	[dreg:$0xc] =	wrdreg s24  }
0x16: {  	v0 =	vunpack.c.l.s4.s8 v0;
	v1 =	vunpack.c.l.s4.s8 v1;
	v2 =	vunpack.c.l.s4.s8 v2;
	s29 =	sadd.s32 $0xF000, s9;
	s30 =	sadd.s32 $0x11800, s9;
	[dreg:$0xf] =	wrdreg s0  }
0x17: {  	v3 =	vunpack.c.l.s4.s8 v3;
	v4 =	vunpack.c.l.s4.s8 v4;
	v5 =	vunpack.c.l.s4.s8 v5;
	s14 =	simm.s32 $0x2;
	s21 =	simm.s32 $0x3;
	[dreg:$0x11] =	wrdreg s26  }
0x18: {  	v6 =	vunpack.c.l.s4.s8 v6;
	v7 =	vunpack.c.l.s4.s8 v7;
	v2 =	vunpack.c.0.s8.s32 v2;
	s10 =	sadd.s32 s5, s18;
	s20 =	sadd.s32 $0xF0, s15;
	[dreg:$0x12] =	wrdreg s28  }
0x19: {  	v3 =	vunpack.c.0.s8.s32 v3;
	v4 =	vunpack.c.0.s8.s32 v4;
	v5 =	vunpack.c.0.s8.s32 v5;
	s2 =	sshll.u32 s22, $0x3;
	[dreg:$0x13] =	wrdreg s29;
	s0 =	simm.s32 $0x4  }
0x1a: {  	v1 =	vunpack.c.0.s8.s32 v1;
	v6 =	vunpack.c.0.s8.s32 v6;
	v7 =	vunpack.c.0.s8.s32 v7;
	s16 =	simm.s32 $0x200;
	s17 =	simm.s32 $0x2A00;
	s18 =	simm.s32 $0x1  }
0x1b: {  	v2 =	vcombine.low v3, v2;
	v3 =	vcombine.low v5, v4;
	v4 =	vunpack.c.0.s8.s32 v0;
	s22 =	simm.s32 $0x0;
	[dreg:$0x7] =	wrdreg s10;
	s10 =	sadd.s32 s5, s19  }
0x1c: {  	vm0 =	vcmask $0x300;
	v5 =	vcombine.low v7, v6;
	v1 =	vand.u32 $0xF, v1;
	s19 =	sadd.s32 $0xA0, s15;
	s2 =	sadd.s32 s8, s2;
	[dreg:$0xa] =	wrdreg s10  }
0x1d: {  	v0 =	vimm.f32 $0.0e+00;
	v1 =	vcombine.low v1, v4;
	v2 =	vand.u32 $0xF, v2;
	s15 =	simm.s32 $0x50;
	s10 =	sadd.s32 s5, s23;
	[dreg:$0xe] =	wrdreg s2  }
0x1e: {  	v3 =	vand.u32 $0xF, v3;
	v4 =	vand.u32 $0xF, v5;
	v5 =	vsel vm0, $0x3F800000, v0;
	s2 =	simm.s32 $0x100;
	[dreg:$0xd] =	wrdreg s10;
	s10 =	simm.s32 $0x5200  }
.LBB2_1:
0x1f: {  	s23 =	simm.s32 $0x0;
	s24 =	simm.s32 $0x200  }
.LBB2_2:
0x20: {  	p0 =	sne.s32 s24, $0x9E00;
	[tilespmem:s23+$0x7A70] =	vst v0  }
0x21: {  	[tilespmem:s23+$0x7A00] =	vst v0  }
0x22: {  	[tilespmem:s23+$0x7A10] =	vst v0  }
.Ltmp0:
0x23: {  	[tilespmem:s23+$0x7A20] =	vst v0;
	(pc) =	sbr.rel @p0 .LBB2_2-.Ltmp0, $4  }
0x24: {  	[tilespmem:s23+$0x7A30] =	vst v0  }
0x25: {  	[tilespmem:s23+$0x7A40] =	vst v0  }
0x26: {  	[tilespmem:s23+$0x7A50] =	vst v0  }
0x27: {  	[tilespmem:s23+$0x7A60] =	vst v0;
	s23 =	sshra.s32 s24, $0x2;
	s24 =	sadd.s32 $0x200, s24  }
0x28: {  	[tilespmem:s23+$0x7A70] =	vst v0  }
0x29: {  	[tilespmem:s23+$0x7A00] =	vst v0  }
0x2a: {  	[tilespmem:s23+$0x7A10] =	vst v0  }
0x2b: {  	[tilespmem:s23+$0x7A20] =	vst v0  }
0x2c: {  	[tilespmem:s23+$0x7A30] =	vst v0  }
0x2d: {  	[tilespmem:s23+$0x7A40] =	vst v0  }
0x2e: {  	[tilespmem:s23+$0x7A50] =	vst v0  }
0x2f: {  	[tilespmem:s23+$0x7A60] =	vst v0  }
0x30: {  	[spmem:s9] =	stream.linear.scatter [tilespmem:s31], [sflag:$0x4], $0x2800, $0x38;
	[tilespmem:$0x1DE00] =	vst v63  }
0x31: {  	_ =	swait.ge [sflag:s0], $0x2800  }
0x32: {  	[sflag:s0] =	ssyncset.done $0x0  }
0x33: {  	s28 =	rddreg [dreg:$0x3];
	[sflag:s0] =	ssyncadd.s32 $0xFFFFD800  }
0x34: {  	[spmem:s28] =	stream.linear.scatter [tilespmem:s31], [sflag:$0x4], $0x2800, $0x38;
	[tilespmem:$0x1DE00] =	vst v63  }
0x35: {  	_ =	swait.ge [sflag:s0], $0x2800  }
0x36: {  	[sflag:s0] =	ssyncset.done $0x0  }
0x37: {  	s29 =	rddreg [dreg:$0x4];
	[sflag:s0] =	ssyncadd.s32 $0xFFFFD800  }
0x38: {  	[spmem:s29] =	stream.linear.scatter [tilespmem:s31], [sflag:$0x4], $0x2800, $0x38;
	[tilespmem:$0x1DE00] =	vst v63  }
0x39: {  	_ =	swait.ge [sflag:s0], $0x2800  }
0x3a: {  	[sflag:s0] =	ssyncset.done $0x0  }
0x3b: {  	s24 =	rddreg [dreg:$0x5];
	[sflag:s0] =	ssyncadd.s32 $0xFFFFD800  }
0x3c: {  	[spmem:s24] =	stream.linear.scatter [tilespmem:s31], [sflag:$0x4], $0x2800, $0x38;
	[tilespmem:$0x1DE00] =	vst v63  }
0x3d: {  	_ =	swait.ge [sflag:s0], $0x2800  }
0x3e: {  	[sflag:s0] =	ssyncset.done $0x0  }
0x3f: {  	s25 =	rddreg [dreg:$0x11];
	[sflag:s0] =	ssyncadd.s32 $0xFFFFD800  }
0x40: {  	[spmem:s25] =	stream.linear.scatter [tilespmem:s31], [sflag:$0x4], $0x2800, $0x38;
	[tilespmem:$0x1DE00] =	vst v63  }
0x41: {  	_ =	swait.ge [sflag:s0], $0x2800  }
0x42: {  	[sflag:s0] =	ssyncset.done $0x0  }
0x43: {  	s26 =	rddreg [dreg:$0x12];
	[sflag:s0] =	ssyncadd.s32 $0xFFFFD800  }
0x44: {  	[spmem:s26] =	stream.linear.scatter [tilespmem:s31], [sflag:$0x4], $0x2800, $0x38;
	[tilespmem:$0x1DE00] =	vst v63  }
0x45: {  	_ =	swait.ge [sflag:s0], $0x2800  }
0x46: {  	[sflag:s0] =	ssyncset.done $0x0  }
0x47: {  	s28 =	rddreg [dreg:$0x13];
	[sflag:s0] =	ssyncadd.s32 $0xFFFFD800  }
0x48: {  	[spmem:s28] =	stream.linear.scatter [tilespmem:s31], [sflag:$0x4], $0x2800, $0x38;
	[tilespmem:$0x1DE00] =	vst v63  }
0x49: {  	_ =	swait.ge [sflag:s0], $0x2800  }
0x4a: {  	[sflag:s0] =	ssyncset.done $0x0  }
0x4b: {  	[sflag:s0] =	ssyncadd.s32 $0xFFFFD800  }
0x4c: {  	[spmem:s30] =	stream.linear.scatter [tilespmem:s31], [sflag:$0x4], $0x2400, $0x38;
	[tilespmem:$0x1DE00] =	vst v63  }
0x4d: {  	_ =	swait.ge [sflag:s0], $0x2400  }
0x4e: {  	[sflag:s0] =	ssyncset.done $0x0  }
0x4f: {  	[sflag:s0] =	ssyncadd.s32 $0xFFFFDC00  }
0x50: {  	[bflag:$0x0] =	sbarrier.arrive $0xFFFF  }
0x51: {  	s23 =	simm.s32 $0x0;
	s24 =	rddreg [dreg:$0x6]  }
0x52: {  	[tilespmem:s23], [sflag:$0x2] =	stream.linear.gather [hbm4b:s24+s23], $0x50, $0x38;
	[tilespmem:$0x1DE00] =	vst v63  }
0x53: {  	s29 =	rddreg [dreg:$0x7]  }
0x54: {  	[tilespmem:s2], [sflag:$0x2] =	stream.linear.gather [hbm4b:s29+s23], $0x50, $0x38;
	[tilespmem:$0x1DE00] =	vst v63  }
0x55: {  	s25 =	rddreg [dreg:$0x8]  }
0x56: {  	[tilespmem:s10], [sflag:$0x2] =	stream.linear.gather [hbm4b:s25+s23], $0x1400, $0x38;
	[tilespmem:$0x1DE00] =	vst v63  }
0x57: {  	s26 =	rddreg [dreg:$0x9]  }
0x58: {  	[tilespmem:s11], [sflag:$0x3] =	stream.linear.gather [hbm4b:s26+s23], $0x50, $0x38;
	[tilespmem:$0x1DE00] =	vst v63  }
0x59: {  	s28 =	rddreg [dreg:$0xa]  }
0x5a: {  	[tilespmem:s12], [sflag:$0x3] =	stream.linear.gather [hbm4b:s28+s23], $0x50, $0x38;
	[tilespmem:$0x1DE00] =	vst v63  }
0x5b: {  	s24 =	simm.s32 $0x0;
	s29 =	rddreg [dreg:$0xb]  }
0x5c: {  	[tilespmem:s13], [sflag:$0x3] =	stream.linear.gather [hbm4b:s29+s23], $0x1400, $0x38;
	[tilespmem:$0x1DE00] =	vst v63  }
.LBB2_4:
0x5d: {  	_ =	swait.ge [sflag:s14], $0x50  }
0x5e: {  	[sflag:s14] =	ssyncset.done $0x0  }
0x5f: {  	[sflag:s14] =	ssyncadd.s32 $0xFFFFFFB0  }
0x60: {  	_ =	swait.ge [sflag:s14], $0x50  }
0x61: {  	[sflag:s14] =	ssyncset.done $0x0  }
0x62: {  	[sflag:s14] =	ssyncadd.s32 $0xFFFFFFB0  }
0x63: {  	_ =	swait.ge [sflag:s14], $0x1400  }
0x64: {  	[sflag:s14] =	ssyncset.done $0x0  }
0x65: {  	[sflag:s14] =	ssyncadd.s32 $0xFFFFEC00  }
0x66: {  	[tilespmem:s16], [sflag:$0x1] =	stream.indirect.gather [hbm4b:s6+s15], $0x80, s2, s15, $0xb8;
	[tilespmem:$0x1DE00] =	vst v63  }
0x67: {  	_ = 	snop  }
0x68: {  	[tilespmem:s17], [sflag:$0x1] =	stream.indirect.gather [hbm4b:s7+s15], $0x80, s23, s15, $0xb8;
	[tilespmem:$0x1DE00] =	vst v63  }
0x69: {  	_ =	swait.ge [sflag:s18], $0x2800  }
0x6a: {  	[sflag:s18] =	ssyncset.done $0x0  }
0x6b: {  	[sflag:s18] =	ssyncadd.s32 $0xFFFFD800  }
0x6c: {  	_ =	swait.ge [sflag:s18], $0x2800  }
0x6d: {  	[sflag:s18] =	ssyncset.done $0x0  }
0x6e: {  	s25 =	simm.s32 $0x5300;
	s26 =	simm.s32 $0x0;
	[sflag:s18] =	ssyncadd.s32 $0xFFFFD800  }
.LBB2_5:
0x6f: {  	v6 =	vld [tilespmem:s25+$0xFFFFFF00]  }
0x70: {  	v9 =	vld [tilespmem:s25+$0xFFFFFF10]  }
0x71: {  	v12 =	vld [tilespmem:s25+$0xFFFFFF20]  }
0x72: {  	s28 =	sshra.s32 s26, $0x2;
	v15 =	vld [tilespmem:s25+$0xFFFFFF30]  }
0x73: {  	v8 =	vld [tilespmem:s28+$0x2A00]  }
0x74: {  	v7 =	vld [tilespmem:s28+$0x200]  }
0x75: {  	v11 =	vld [tilespmem:s28+$0x2A10]  }
0x76: {  	v10 =	vld [tilespmem:s28+$0x210]  }
0x77: {  	v14 =	vld [tilespmem:s28+$0x2A20]  }
0x78: {  	v13 =	vld [tilespmem:s28+$0x220];
	v8 =	vadd.f32 v8, v6  }
0x79: {  	v16 =	vld [tilespmem:s28+$0x2A30]  }
0x7a: {  	v45 =	vadd.f32 v11, v9;
	v7 =	vmul.f32 v8, v7  }
0x7b: {  	v46 =	vld [tilespmem:s28+$0x230]  }
0x7c: {  	v47 =	vadd.f32 v14, v12;
	v8 =	vmul.f32 v45, v10;
	v7 =	vadd.f32 $0.0e+00, v7;
	_ =	sdelay $0x1  }
0x7d: {  	v49 =	vadd.f32 v16, v15;
	v48 =	vmul.f32 v47, v13;
	v7 =	vadd.f32 v8, v7;
	_ =	sdelay $0x1  }
0x7e: {  	v50 =	vmul.f32 v49, v46;
	v7 =	vadd.f32 v48, v7;
	_ =	sdelay $0x1  }
0x7f: {  	v7 =	vadd.f32 v50, v7;
	_ =	sdelay $0x1  }
0x80: {  	v8 =	vperm.xlane v7, v1;
	_ =	sdelay $0x1  }
0x81: {  	v7 =	vadd.f32 v7, v8;
	_ =	sdelay $0x1  }
0x82: {  	v8 =	vperm.xlane v7, v2;
	_ =	sdelay $0x1  }
0x83: {  	v7 =	vadd.f32 v7, v8;
	_ =	sdelay $0x1  }
0x84: {  	v8 =	vperm.xlane v7, v3;
	_ =	sdelay $0x1  }
0x85: {  	v7 =	vadd.f32 v7, v8;
	_ =	sdelay $0x1  }
0x86: {  	v8 =	vperm.xlane v7, v4;
	_ =	sdelay $0x1  }
0x87: {  	v7 =	vadd.f32 v7, v8;
	_ =	sdelay $0x1  }
0x88: {  	v7 =	vmul.f32 $1.250000000e-01, v7;
	_ =	sdelay $0x1  }
0x89: {  	v7 =	vmul.f32 $1.442695020e+00, v7;
	_ =	sdelay $0x1  }
0x8a: {  	(erf) = vpow2.f32 v7;
	_ =	sdelay $0x2  }
0x8b: {  	v7 =	vld [tilespmem:s28+$0x2A40]  }
0x8c: {  	v51 =	vld [tilespmem:s28+$0x2A50]  }
0x8d: {  	v52 =	vld [tilespmem:s28+$0x2A60]  }
0x8e: {  	v53 =	vld [tilespmem:s28+$0x2A70];
	_ =	sdelay $0x1  }
0x8f: {  	v6 =	vadd.f32 v7, v6  }
0x90: {  	v8 =	vadd.f32 v51, v9;
	v7 =	vpop (erf)  }
0x91: {  	v54 =	vadd.f32 v52, v12;
	v6 =	vmul.f32 v7, v6  }
0x92: {  	v55 =	vadd.f32 v53, v15;
	v8 =	vmul.f32 v7, v8  }
0x93: {  	[tilespmem:s28+$0x7A00] =	vst v6;
	v6 =	vmul.f32 v54, v7  }
0x94: {  	v57 =	vld [tilespmem:s28+$0x2A80];
	v56 =	vmul.f32 v55, v7;
	[tilespmem:s28+$0x7A10] =	vst v8  }
0x95: {  	v59 =	vld [tilespmem:s28+$0x290];
	[tilespmem:s28+$0x7A20] =	vst v6;
	v6 =	vmul.f32 v5, v7  }
0x96: {  	v60 =	vld [tilespmem:s28+$0x2A90];
	[tilespmem:s28+$0x7A30] =	vst v56  }
0x97: {  	v62 =	vld [tilespmem:s28+$0x2A0];
	[tilespmem:s28+$0x7A40] =	vst v6  }
0x98: {  	v6 =	vld [tilespmem:s25+$0xFFFFFF40]  }
0x99: {  	v7 =	vld [tilespmem:s28+$0x280]  }
0x9a: {  	v58 =	vld [tilespmem:s25+$0xFFFFFF50]  }
0x9b: {  	v63 =	vld [tilespmem:s28+$0x2AA0]  }
0x9c: {  	v61 =	vld [tilespmem:s25+$0xFFFFFF60]  }
0x9d: {  	v21 =	vld [tilespmem:s28+$0x2AB0];
	v8 =	vadd.f32 v57, v6  }
0x9e: {  	v20 =	vld [tilespmem:s25+$0xFFFFFF70]  }
0x9f: {  	v22 =	vadd.f32 v60, v58;
	v7 =	vmul.f32 v8, v7  }
0xa0: {  	v23 =	vld [tilespmem:s28+$0x2B0]  }
0xa1: {  	v24 =	vadd.f32 v63, v61;
	v8 =	vmul.f32 v22, v59;
	v7 =	vadd.f32 $0.0e+00, v7;
	_ =	sdelay $0x1  }
0xa2: {  	v26 =	vadd.f32 v21, v20;
	v25 =	vmul.f32 v24, v62;
	v7 =	vadd.f32 v8, v7;
	_ =	sdelay $0x1  }
0xa3: {  	v27 =	vmul.f32 v26, v23;
	v7 =	vadd.f32 v25, v7;
	_ =	sdelay $0x1  }
0xa4: {  	v7 =	vadd.f32 v27, v7;
	_ =	sdelay $0x1  }
0xa5: {  	v8 =	vperm.xlane v7, v1;
	_ =	sdelay $0x1  }
0xa6: {  	v7 =	vadd.f32 v7, v8;
	_ =	sdelay $0x1  }
0xa7: {  	v8 =	vperm.xlane v7, v2;
	_ =	sdelay $0x1  }
0xa8: {  	v7 =	vadd.f32 v7, v8;
	_ =	sdelay $0x1  }
0xa9: {  	v8 =	vperm.xlane v7, v3;
	_ =	sdelay $0x1  }
0xaa: {  	v7 =	vadd.f32 v7, v8;
	_ =	sdelay $0x1  }
0xab: {  	v8 =	vperm.xlane v7, v4;
	_ =	sdelay $0x1  }
0xac: {  	v7 =	vadd.f32 v7, v8;
	_ =	sdelay $0x1  }
0xad: {  	v7 =	vmul.f32 $1.250000000e-01, v7;
	_ =	sdelay $0x1  }
0xae: {  	v7 =	vmul.f32 $1.442695020e+00, v7;
	_ =	sdelay $0x1  }
0xaf: {  	(erf) = vpow2.f32 v7;
	_ =	sdelay $0x2  }
0xb0: {  	v7 =	vld [tilespmem:s28+$0x2AC0]  }
0xb1: {  	v28 =	vld [tilespmem:s28+$0x2AD0]  }
0xb2: {  	v29 =	vld [tilespmem:s28+$0x2AE0]  }
0xb3: {  	v30 =	vld [tilespmem:s28+$0x2AF0];
	_ =	sdelay $0x1  }
0xb4: {  	v6 =	vadd.f32 v7, v6  }
0xb5: {  	v8 =	vadd.f32 v28, v58;
	v7 =	vpop (erf)  }
0xb6: {  	v31 =	vadd.f32 v29, v61;
	v6 =	vmul.f32 v7, v6  }
0xb7: {  	v32 =	vadd.f32 v30, v20;
	v8 =	vmul.f32 v7, v8  }
0xb8: {  	[tilespmem:s28+$0x7A80] =	vst v6;
	v6 =	vmul.f32 v31, v7  }
0xb9: {  	v34 =	vld [tilespmem:s28+$0x2B00];
	v33 =	vmul.f32 v32, v7;
	[tilespmem:s28+$0x7A90] =	vst v8  }
0xba: {  	v36 =	vld [tilespmem:s28+$0x310];
	[tilespmem:s28+$0x7AA0] =	vst v6;
	v6 =	vmul.f32 v5, v7  }
0xbb: {  	v37 =	vld [tilespmem:s28+$0x2B10];
	[tilespmem:s28+$0x7AB0] =	vst v33  }
0xbc: {  	v39 =	vld [tilespmem:s28+$0x320];
	[tilespmem:s28+$0x7AC0] =	vst v6  }
0xbd: {  	v6 =	vld [tilespmem:s25+$0xFFFFFF80]  }
0xbe: {  	v7 =	vld [tilespmem:s28+$0x300]  }
0xbf: {  	v35 =	vld [tilespmem:s25+$0xFFFFFF90]  }
0xc0: {  	v40 =	vld [tilespmem:s28+$0x2B20]  }
0xc1: {  	v38 =	vld [tilespmem:s25+$0xFFFFFFA0]  }
0xc2: {  	v42 =	vld [tilespmem:s28+$0x2B30];
	v8 =	vadd.f32 v34, v6  }
0xc3: {  	v41 =	vld [tilespmem:s25+$0xFFFFFFB0]  }
0xc4: {  	v43 =	vadd.f32 v37, v35;
	v7 =	vmul.f32 v8, v7  }
0xc5: {  	v44 =	vld [tilespmem:s28+$0x330]  }
0xc6: {  	v45 =	vadd.f32 v40, v38;
	v8 =	vmul.f32 v43, v36;
	v7 =	vadd.f32 $0.0e+00, v7;
	_ =	sdelay $0x1  }
0xc7: {  	v47 =	vadd.f32 v42, v41;
	v46 =	vmul.f32 v45, v39;
	v7 =	vadd.f32 v8, v7;
	_ =	sdelay $0x1  }
0xc8: {  	v48 =	vmul.f32 v47, v44;
	v7 =	vadd.f32 v46, v7;
	_ =	sdelay $0x1  }
0xc9: {  	v7 =	vadd.f32 v48, v7;
	_ =	sdelay $0x1  }
0xca: {  	v8 =	vperm.xlane v7, v1;
	_ =	sdelay $0x1  }
0xcb: {  	v7 =	vadd.f32 v7, v8;
	_ =	sdelay $0x1  }
0xcc: {  	v8 =	vperm.xlane v7, v2;
	_ =	sdelay $0x1  }
0xcd: {  	v7 =	vadd.f32 v7, v8;
	_ =	sdelay $0x1  }
0xce: {  	v8 =	vperm.xlane v7, v3;
	_ =	sdelay $0x1  }
0xcf: {  	v7 =	vadd.f32 v7, v8;
	_ =	sdelay $0x1  }
0xd0: {  	v8 =	vperm.xlane v7, v4;
	_ =	sdelay $0x1  }
0xd1: {  	v7 =	vadd.f32 v7, v8;
	_ =	sdelay $0x1  }
0xd2: {  	v7 =	vmul.f32 $1.250000000e-01, v7;
	_ =	sdelay $0x1  }
0xd3: {  	v7 =	vmul.f32 $1.442695020e+00, v7;
	_ =	sdelay $0x1  }
0xd4: {  	(erf) = vpow2.f32 v7;
	_ =	sdelay $0x2  }
0xd5: {  	v7 =	vld [tilespmem:s28+$0x2B40]  }
0xd6: {  	v49 =	vld [tilespmem:s28+$0x2B50]  }
0xd7: {  	v50 =	vld [tilespmem:s28+$0x2B60]  }
0xd8: {  	v51 =	vld [tilespmem:s28+$0x2B70];
	_ =	sdelay $0x1  }
0xd9: {  	v6 =	vadd.f32 v7, v6  }
0xda: {  	v8 =	vadd.f32 v49, v35;
	v7 =	vpop (erf)  }
0xdb: {  	v52 =	vadd.f32 v50, v38;
	v6 =	vmul.f32 v7, v6  }
0xdc: {  	v53 =	vadd.f32 v51, v41;
	v8 =	vmul.f32 v7, v8  }
0xdd: {  	[tilespmem:s28+$0x7B00] =	vst v6;
	v6 =	vmul.f32 v52, v7  }
0xde: {  	v55 =	vld [tilespmem:s28+$0x2B80];
	v54 =	vmul.f32 v53, v7;
	[tilespmem:s28+$0x7B10] =	vst v8  }
0xdf: {  	v57 =	vld [tilespmem:s28+$0x390];
	[tilespmem:s28+$0x7B20] =	vst v6;
	v6 =	vmul.f32 v5, v7  }
0xe0: {  	v60 =	vld [tilespmem:s28+$0x3A0];
	[tilespmem:s28+$0x7B30] =	vst v54  }
0xe1: {  	v58 =	vld [tilespmem:s28+$0x2B90];
	[tilespmem:s28+$0x7B40] =	vst v6  }
0xe2: {  	v6 =	vld [tilespmem:s25+$0xFFFFFFC0]  }
0xe3: {  	v7 =	vld [tilespmem:s28+$0x380]  }
0xe4: {  	v56 =	vld [tilespmem:s25+$0xFFFFFFD0]  }
0xe5: {  	v61 =	vld [tilespmem:s28+$0x2BA0]  }
0xe6: {  	v59 =	vld [tilespmem:s25+$0xFFFFFFE0]  }
0xe7: {  	v63 =	vld [tilespmem:s28+$0x2BB0];
	v8 =	vadd.f32 v55, v6  }
0xe8: {  	v62 =	vld [tilespmem:s25+$0xFFFFFFF0]  }
0xe9: {  	v18 =	vadd.f32 v58, v56;
	v7 =	vmul.f32 v8, v7  }
0xea: {  	v19 =	vld [tilespmem:s28+$0x3B0]  }
0xeb: {  	v20 =	vadd.f32 v61, v59;
	v8 =	vmul.f32 v18, v57;
	v7 =	vadd.f32 $0.0e+00, v7;
	_ =	sdelay $0x1  }
0xec: {  	v22 =	vadd.f32 v63, v62;
	v21 =	vmul.f32 v20, v60;
	v7 =	vadd.f32 v8, v7;
	_ =	sdelay $0x1  }
0xed: {  	v23 =	vmul.f32 v22, v19;
	v7 =	vadd.f32 v21, v7;
	_ =	sdelay $0x1  }
0xee: {  	v7 =	vadd.f32 v23, v7;
	_ =	sdelay $0x1  }
0xef: {  	v8 =	vperm.xlane v7, v1;
	_ =	sdelay $0x1  }
0xf0: {  	v7 =	vadd.f32 v7, v8;
	_ =	sdelay $0x1  }
0xf1: {  	v8 =	vperm.xlane v7, v2;
	_ =	sdelay $0x1  }
0xf2: {  	v7 =	vadd.f32 v7, v8;
	_ =	sdelay $0x1  }
0xf3: {  	v8 =	vperm.xlane v7, v3;
	_ =	sdelay $0x1  }
0xf4: {  	v7 =	vadd.f32 v7, v8;
	_ =	sdelay $0x1  }
0xf5: {  	v8 =	vperm.xlane v7, v4;
	_ =	sdelay $0x1  }
0xf6: {  	v7 =	vadd.f32 v7, v8;
	_ =	sdelay $0x1  }
0xf7: {  	v7 =	vmul.f32 $1.250000000e-01, v7;
	_ =	sdelay $0x1  }
0xf8: {  	v7 =	vmul.f32 $1.442695020e+00, v7;
	_ =	sdelay $0x1  }
0xf9: {  	(erf) = vpow2.f32 v7;
	_ =	sdelay $0x2  }
0xfa: {  	v7 =	vld [tilespmem:s28+$0x2BC0]  }
0xfb: {  	v24 =	vld [tilespmem:s28+$0x2BD0]  }
0xfc: {  	v25 =	vld [tilespmem:s28+$0x2BE0]  }
0xfd: {  	v26 =	vld [tilespmem:s28+$0x2BF0];
	_ =	sdelay $0x1  }
0xfe: {  	v6 =	vadd.f32 v7, v6  }
0xff: {  	v8 =	vadd.f32 v24, v56;
	v7 =	vpop (erf)  }
0x100: {  	v27 =	vadd.f32 v25, v59;
	v6 =	vmul.f32 v7, v6  }
0x101: {  	v28 =	vadd.f32 v26, v62;
	v8 =	vmul.f32 v7, v8  }
0x102: {  	[tilespmem:s28+$0x7B80] =	vst v6;
	v6 =	vmul.f32 v27, v7  }
0x103: {  	v30 =	vld [tilespmem:s28+$0x2C00];
	v29 =	vmul.f32 v28, v7;
	[tilespmem:s28+$0x7B90] =	vst v8  }
0x104: {  	v32 =	vld [tilespmem:s28+$0x410];
	[tilespmem:s28+$0x7BA0] =	vst v6;
	v6 =	vmul.f32 v5, v7  }
0x105: {  	v33 =	vld [tilespmem:s28+$0x2C10];
	[tilespmem:s28+$0x7BB0] =	vst v29  }
0x106: {  	v38 =	vld [tilespmem:s28+$0x2C30];
	[tilespmem:s28+$0x7BC0] =	vst v6  }
0x107: {  	v6 =	vld [tilespmem:s25+$0x0]  }
0x108: {  	v7 =	vld [tilespmem:s28+$0x400]  }
0x109: {  	v31 =	vld [tilespmem:s25+$0x10]  }
0x10a: {  	v36 =	vld [tilespmem:s28+$0x2C20]  }
0x10b: {  	v34 =	vld [tilespmem:s25+$0x20]  }
0x10c: {  	v35 =	vld [tilespmem:s28+$0x420];
	v8 =	vadd.f32 v30, v6  }
0x10d: {  	v37 =	vld [tilespmem:s25+$0x30]  }
0x10e: {  	v39 =	vadd.f32 v33, v31;
	v7 =	vmul.f32 v8, v7  }
0x10f: {  	v40 =	vld [tilespmem:s28+$0x430]  }
0x110: {  	v41 =	vadd.f32 v36, v34;
	v8 =	vmul.f32 v39, v32;
	v7 =	vadd.f32 $0.0e+00, v7;
	_ =	sdelay $0x1  }
0x111: {  	v43 =	vadd.f32 v38, v37;
	v42 =	vmul.f32 v41, v35;
	v7 =	vadd.f32 v8, v7;
	_ =	sdelay $0x1  }
0x112: {  	v44 =	vmul.f32 v43, v40;
	v7 =	vadd.f32 v42, v7;
	_ =	sdelay $0x1  }
0x113: {  	v7 =	vadd.f32 v44, v7;
	_ =	sdelay $0x1  }
0x114: {  	v8 =	vperm.xlane v7, v1;
	_ =	sdelay $0x1  }
0x115: {  	v7 =	vadd.f32 v7, v8;
	_ =	sdelay $0x1  }
0x116: {  	v8 =	vperm.xlane v7, v2;
	_ =	sdelay $0x1  }
0x117: {  	v7 =	vadd.f32 v7, v8;
	_ =	sdelay $0x1  }
0x118: {  	v8 =	vperm.xlane v7, v3;
	_ =	sdelay $0x1  }
0x119: {  	v7 =	vadd.f32 v7, v8;
	_ =	sdelay $0x1  }
0x11a: {  	v8 =	vperm.xlane v7, v4;
	_ =	sdelay $0x1  }
0x11b: {  	v7 =	vadd.f32 v7, v8;
	_ =	sdelay $0x1  }
0x11c: {  	v7 =	vmul.f32 $1.250000000e-01, v7;
	_ =	sdelay $0x1  }
0x11d: {  	v7 =	vmul.f32 $1.442695020e+00, v7;
	_ =	sdelay $0x1  }
0x11e: {  	(erf) = vpow2.f32 v7;
	_ =	sdelay $0x2  }
0x11f: {  	v7 =	vld [tilespmem:s28+$0x2C40]  }
0x120: {  	v45 =	vld [tilespmem:s28+$0x2C50]  }
0x121: {  	v46 =	vld [tilespmem:s28+$0x2C60]  }
0x122: {  	v47 =	vld [tilespmem:s28+$0x2C70];
	_ =	sdelay $0x1  }
0x123: {  	v6 =	vadd.f32 v7, v6  }
0x124: {  	v8 =	vadd.f32 v45, v31;
	v7 =	vpop (erf)  }
0x125: {  	v48 =	vadd.f32 v46, v34;
	v6 =	vmul.f32 v7, v6  }
0x126: {  	v49 =	vadd.f32 v47, v37;
	v8 =	vmul.f32 v7, v8  }
0x127: {  	[tilespmem:s28+$0x7C00] =	vst v6;
	v6 =	vmul.f32 v48, v7  }
0x128: {  	v51 =	vld [tilespmem:s28+$0x2C80];
	v50 =	vmul.f32 v49, v7;
	[tilespmem:s28+$0x7C10] =	vst v8  }
0x129: {  	v53 =	vld [tilespmem:s28+$0x490];
	[tilespmem:s28+$0x7C20] =	vst v6;
	v6 =	vmul.f32 v5, v7  }
0x12a: {  	v54 =	vld [tilespmem:s28+$0x2C90];
	[tilespmem:s28+$0x7C30] =	vst v50  }
0x12b: {  	v59 =	vld [tilespmem:s28+$0x2CB0];
	[tilespmem:s28+$0x7C40] =	vst v6  }
0x12c: {  	v6 =	vld [tilespmem:s25+$0x40]  }
0x12d: {  	v7 =	vld [tilespmem:s28+$0x480]  }
0x12e: {  	v52 =	vld [tilespmem:s25+$0x50]  }
0x12f: {  	v57 =	vld [tilespmem:s28+$0x2CA0]  }
0x130: {  	v55 =	vld [tilespmem:s25+$0x60]  }
0x131: {  	v56 =	vld [tilespmem:s28+$0x4A0];
	v8 =	vadd.f32 v51, v6  }
0x132: {  	v58 =	vld [tilespmem:s25+$0x70]  }
0x133: {  	v60 =	vadd.f32 v54, v52;
	v7 =	vmul.f32 v8, v7  }
0x134: {  	v61 =	vld [tilespmem:s28+$0x4B0]  }
0x135: {  	v62 =	vadd.f32 v57, v55;
	v8 =	vmul.f32 v60, v53;
	v7 =	vadd.f32 $0.0e+00, v7;
	_ =	sdelay $0x1  }
0x136: {  	v13 =	vadd.f32 v59, v58;
	v63 =	vmul.f32 v62, v56;
	v7 =	vadd.f32 v8, v7;
	_ =	sdelay $0x1  }
0x137: {  	v14 =	vmul.f32 v13, v61;
	v7 =	vadd.f32 v63, v7;
	_ =	sdelay $0x1  }
0x138: {  	v7 =	vadd.f32 v14, v7;
	_ =	sdelay $0x1  }
0x139: {  	v8 =	vperm.xlane v7, v1;
	_ =	sdelay $0x1  }
0x13a: {  	v7 =	vadd.f32 v7, v8;
	_ =	sdelay $0x1  }
0x13b: {  	v8 =	vperm.xlane v7, v2;
	_ =	sdelay $0x1  }
0x13c: {  	v7 =	vadd.f32 v7, v8;
	_ =	sdelay $0x1  }
0x13d: {  	v8 =	vperm.xlane v7, v3;
	_ =	sdelay $0x1  }
0x13e: {  	v7 =	vadd.f32 v7, v8;
	_ =	sdelay $0x1  }
0x13f: {  	v8 =	vperm.xlane v7, v4;
	_ =	sdelay $0x1  }
0x140: {  	v7 =	vadd.f32 v7, v8;
	_ =	sdelay $0x1  }
0x141: {  	v7 =	vmul.f32 $1.250000000e-01, v7;
	_ =	sdelay $0x1  }
0x142: {  	v7 =	vmul.f32 $1.442695020e+00, v7;
	_ =	sdelay $0x1  }
0x143: {  	(erf) = vpow2.f32 v7;
	_ =	sdelay $0x2  }
0x144: {  	v7 =	vld [tilespmem:s28+$0x2CC0]  }
0x145: {  	v16 =	vld [tilespmem:s28+$0x2CD0]  }
0x146: {  	v17 =	vld [tilespmem:s28+$0x2CE0]  }
0x147: {  	v18 =	vld [tilespmem:s28+$0x2CF0];
	_ =	sdelay $0x1  }
0x148: {  	v6 =	vadd.f32 v7, v6  }
0x149: {  	v8 =	vadd.f32 v16, v52;
	v7 =	vpop (erf)  }
0x14a: {  	v19 =	vadd.f32 v17, v55;
	v6 =	vmul.f32 v7, v6  }
0x14b: {  	v20 =	vadd.f32 v18, v58;
	v8 =	vmul.f32 v7, v8  }
0x14c: {  	[tilespmem:s28+$0x7C80] =	vst v6;
	v6 =	vmul.f32 v19, v7  }
0x14d: {  	v25 =	vld [tilespmem:s28+$0x2D10];
	v21 =	vmul.f32 v20, v7;
	[tilespmem:s28+$0x7C90] =	vst v8  }
0x14e: {  	v22 =	vld [tilespmem:s28+$0x2D00];
	[tilespmem:s28+$0x7CA0] =	vst v6;
	v6 =	vmul.f32 v5, v7  }
0x14f: {  	v24 =	vld [tilespmem:s28+$0x510];
	[tilespmem:s28+$0x7CB0] =	vst v21  }
0x150: {  	v28 =	vld [tilespmem:s28+$0x2D20];
	[tilespmem:s28+$0x7CC0] =	vst v6  }
0x151: {  	v6 =	vld [tilespmem:s25+$0x80]  }
0x152: {  	v7 =	vld [tilespmem:s28+$0x500]  }
0x153: {  	v23 =	vld [tilespmem:s25+$0x90]  }
0x154: {  	v27 =	vld [tilespmem:s28+$0x520]  }
0x155: {  	v26 =	vld [tilespmem:s25+$0xA0]  }
0x156: {  	v30 =	vld [tilespmem:s28+$0x2D30];
	v8 =	vadd.f32 v22, v6  }
0x157: {  	v29 =	vld [tilespmem:s25+$0xB0]  }
0x158: {  	v31 =	vadd.f32 v25, v23;
	v7 =	vmul.f32 v8, v7  }
0x159: {  	v32 =	vld [tilespmem:s28+$0x530]  }
0x15a: {  	v33 =	vadd.f32 v28, v26;
	v8 =	vmul.f32 v31, v24;
	v7 =	vadd.f32 $0.0e+00, v7;
	_ =	sdelay $0x1  }
0x15b: {  	v35 =	vadd.f32 v30, v29;
	v34 =	vmul.f32 v33, v27;
	v7 =	vadd.f32 v8, v7;
	_ =	sdelay $0x1  }
0x15c: {  	v36 =	vmul.f32 v35, v32;
	v7 =	vadd.f32 v34, v7;
	_ =	sdelay $0x1  }
0x15d: {  	v7 =	vadd.f32 v36, v7;
	_ =	sdelay $0x1  }
0x15e: {  	v8 =	vperm.xlane v7, v1;
	_ =	sdelay $0x1  }
0x15f: {  	v7 =	vadd.f32 v7, v8;
	_ =	sdelay $0x1  }
0x160: {  	v8 =	vperm.xlane v7, v2;
	_ =	sdelay $0x1  }
0x161: {  	v7 =	vadd.f32 v7, v8;
	_ =	sdelay $0x1  }
0x162: {  	v8 =	vperm.xlane v7, v3;
	_ =	sdelay $0x1  }
0x163: {  	v7 =	vadd.f32 v7, v8;
	_ =	sdelay $0x1  }
0x164: {  	v8 =	vperm.xlane v7, v4;
	_ =	sdelay $0x1  }
0x165: {  	v7 =	vadd.f32 v7, v8;
	_ =	sdelay $0x1  }
0x166: {  	v7 =	vmul.f32 $1.250000000e-01, v7;
	_ =	sdelay $0x1  }
0x167: {  	v7 =	vmul.f32 $1.442695020e+00, v7;
	_ =	sdelay $0x1  }
0x168: {  	(erf) = vpow2.f32 v7;
	_ =	sdelay $0x2  }
0x169: {  	v7 =	vld [tilespmem:s28+$0x2D40]  }
0x16a: {  	v37 =	vld [tilespmem:s28+$0x2D50]  }
0x16b: {  	v38 =	vld [tilespmem:s28+$0x2D60]  }
0x16c: {  	v39 =	vld [tilespmem:s28+$0x2D70];
	_ =	sdelay $0x1  }
0x16d: {  	v6 =	vadd.f32 v7, v6  }
0x16e: {  	v8 =	vadd.f32 v37, v23;
	v7 =	vpop (erf)  }
0x16f: {  	v40 =	vadd.f32 v38, v26;
	v6 =	vmul.f32 v7, v6  }
0x170: {  	v41 =	vadd.f32 v39, v29;
	v8 =	vmul.f32 v7, v8  }
0x171: {  	[tilespmem:s28+$0x7D00] =	vst v6;
	v6 =	vmul.f32 v40, v7  }
0x172: {  	v46 =	vld [tilespmem:s28+$0x2D90];
	v42 =	vmul.f32 v41, v7;
	[tilespmem:s28+$0x7D10] =	vst v8  }
0x173: {  	v43 =	vld [tilespmem:s28+$0x2D80];
	[tilespmem:s28+$0x7D20] =	vst v6;
	v6 =	vmul.f32 v5, v7  }
0x174: {  	v45 =	vld [tilespmem:s28+$0x590];
	[tilespmem:s28+$0x7D30] =	vst v42  }
0x175: {  	v49 =	vld [tilespmem:s28+$0x2DA0];
	[tilespmem:s28+$0x7D40] =	vst v6  }
0x176: {  	v6 =	vld [tilespmem:s25+$0xC0]  }
0x177: {  	v7 =	vld [tilespmem:s28+$0x580]  }
0x178: {  	v44 =	vld [tilespmem:s25+$0xD0]  }
0x179: {  	v48 =	vld [tilespmem:s28+$0x5A0]  }
0x17a: {  	v47 =	vld [tilespmem:s25+$0xE0]  }
0x17b: {  	v51 =	vld [tilespmem:s28+$0x2DB0];
	v8 =	vadd.f32 v43, v6  }
0x17c: {  	v50 =	vld [tilespmem:s25+$0xF0]  }
0x17d: {  	v52 =	vadd.f32 v46, v44;
	v7 =	vmul.f32 v8, v7  }
0x17e: {  	v53 =	vld [tilespmem:s28+$0x5B0]  }
0x17f: {  	v54 =	vadd.f32 v49, v47;
	v8 =	vmul.f32 v52, v45;
	v7 =	vadd.f32 $0.0e+00, v7;
	_ =	sdelay $0x1  }
0x180: {  	v56 =	vadd.f32 v51, v50;
	v55 =	vmul.f32 v54, v48;
	v7 =	vadd.f32 v8, v7;
	_ =	sdelay $0x1  }
0x181: {  	v57 =	vmul.f32 v56, v53;
	v7 =	vadd.f32 v55, v7;
	_ =	sdelay $0x1  }
0x182: {  	v7 =	vadd.f32 v57, v7;
	_ =	sdelay $0x1  }
0x183: {  	v8 =	vperm.xlane v7, v1;
	_ =	sdelay $0x1  }
0x184: {  	v7 =	vadd.f32 v7, v8;
	_ =	sdelay $0x1  }
0x185: {  	v8 =	vperm.xlane v7, v2;
	_ =	sdelay $0x1  }
0x186: {  	v7 =	vadd.f32 v7, v8;
	_ =	sdelay $0x1  }
0x187: {  	v8 =	vperm.xlane v7, v3;
	_ =	sdelay $0x1  }
0x188: {  	v7 =	vadd.f32 v7, v8;
	_ =	sdelay $0x1  }
0x189: {  	v8 =	vperm.xlane v7, v4;
	_ =	sdelay $0x1  }
0x18a: {  	v7 =	vadd.f32 v7, v8;
	_ =	sdelay $0x1  }
0x18b: {  	v7 =	vmul.f32 $1.250000000e-01, v7;
	_ =	sdelay $0x1  }
0x18c: {  	v7 =	vmul.f32 $1.442695020e+00, v7;
	_ =	sdelay $0x1  }
0x18d: {  	(erf) = vpow2.f32 v7;
	_ =	sdelay $0x2  }
0x18e: {  	v7 =	vld [tilespmem:s28+$0x2DC0]  }
0x18f: {  	v58 =	vld [tilespmem:s28+$0x2DD0]  }
0x190: {  	v59 =	vld [tilespmem:s28+$0x2DE0]  }
0x191: {  	v60 =	vld [tilespmem:s28+$0x2DF0];
	_ =	sdelay $0x1  }
0x192: {  	v6 =	vadd.f32 v7, v6  }
0x193: {  	v7 =	vadd.f32 v58, v44;
	v61 =	vpop (erf)  }
0x194: {  	v62 =	vadd.f32 v59, v47;
	v6 =	vmul.f32 v61, v6  }
0x195: {  	p0 =	sne.s32 s26, $0x9000;
	v63 =	vadd.f32 v60, v50;
	v7 =	vmul.f32 v61, v7  }
.Ltmp1:
0x196: {  	[tilespmem:s28+$0x7D80] =	vst v6;
	v6 =	vmul.f32 v62, v61;
	(pc) =	sbr.rel @p0 .LBB2_5-.Ltmp1, $4  }
0x197: {  	[tilespmem:s28+$0x7D90] =	vst v7;
	v7 =	vmul.f32 v63, v61  }
0x198: {  	[tilespmem:s28+$0x7DA0] =	vst v6;
	v6 =	vmul.f32 v5, v61  }
0x199: {  	[tilespmem:s28+$0x7DB0] =	vst v7  }
0x19a: {  	s26 =	sadd.s32 $0x1000, s26;
	s25 =	sadd.s32 $0x200, s25;
	[tilespmem:s28+$0x7DC0] =	vst v6  }
0x19b: {  	s25 =	smul.u32 $0xA0, s24  }
0x19c: {  	[spmem:s1] =	stream.indirect.scatter.add.f32 [tilespmem:s31], [sflag:$0x4], $0x80, s2, s15, $0xb8;
	[tilespmem:$0x1DE00] =	vst v63  }
0x19d: {  	_ =	swait.ge [sflag:s0], $0x2800;
	s26 =	sadd.s32 s25, s19  }
0x19e: {  	[sflag:s0] =	ssyncset.done $0x0;
	s28 =	sshrl.u32 s26, $0x3  }
0x19f: {  	s25 =	simm.s32 $0x0;
	[sflag:s0] =	ssyncadd.s32 $0xFFFFD800;
	s29 =	sadd.s32 s4, s28  }
0x1a0: {  	[tilespmem:s25], [sflag:$0x2] =	stream.linear.gather [hbm4b:s29+s25], $0x50, $0x38;
	[tilespmem:$0x1DE00] =	vst v63  }
0x1a1: {  	s26 =	sshll.u32 s26, $0x3;
	s28 =	sadd.s32 s5, s28  }
0x1a2: {  	[tilespmem:s2], [sflag:$0x2] =	stream.linear.gather [hbm4b:s28+s25], $0x50, $0x38;
	[tilespmem:$0x1DE00] =	vst v63  }
0x1a3: {  	s26 =	sadd.s32 s8, s26  }
0x1a4: {  	[tilespmem:s10], [sflag:$0x2] =	stream.linear.gather [hbm4b:s26+s25], $0x1400, $0x38;
	[tilespmem:$0x1DE00] =	vst v63  }
0x1a5: {  	_ =	swait.ge [sflag:s21], $0x50  }
0x1a6: {  	[sflag:s21] =	ssyncset.done $0x0  }
0x1a7: {  	[sflag:s21] =	ssyncadd.s32 $0xFFFFFFB0  }
0x1a8: {  	_ =	swait.ge [sflag:s21], $0x50  }
0x1a9: {  	[sflag:s21] =	ssyncset.done $0x0  }
0x1aa: {  	[sflag:s21] =	ssyncadd.s32 $0xFFFFFFB0  }
0x1ab: {  	_ =	swait.ge [sflag:s21], $0x1400  }
0x1ac: {  	[sflag:s21] =	ssyncset.done $0x0  }
0x1ad: {  	[sflag:s21] =	ssyncadd.s32 $0xFFFFEC00  }
0x1ae: {  	[tilespmem:s16], [sflag:$0x1] =	stream.indirect.gather [hbm4b:s6+s15], $0x80, s12, s15, $0xb8;
	[tilespmem:$0x1DE00] =	vst v63  }
0x1af: {  	_ = 	snop  }
0x1b0: {  	[tilespmem:s17], [sflag:$0x1] =	stream.indirect.gather [hbm4b:s7+s15], $0x80, s11, s15, $0xb8;
	[tilespmem:$0x1DE00] =	vst v63  }
0x1b1: {  	_ =	swait.ge [sflag:s18], $0x2800  }
0x1b2: {  	[sflag:s18] =	ssyncset.done $0x0  }
0x1b3: {  	[sflag:s18] =	ssyncadd.s32 $0xFFFFD800  }
0x1b4: {  	_ =	swait.ge [sflag:s18], $0x2800  }
0x1b5: {  	[sflag:s18] =	ssyncset.done $0x0  }
0x1b6: {  	s26 =	simm.s32 $0x6700;
	[sflag:s18] =	ssyncadd.s32 $0xFFFFD800  }
.LBB2_7:
0x1b7: {  	v6 =	vld [tilespmem:s26+$0xFFFFFF00]  }
0x1b8: {  	v9 =	vld [tilespmem:s26+$0xFFFFFF10]  }
0x1b9: {  	v12 =	vld [tilespmem:s26+$0xFFFFFF20]  }
0x1ba: {  	s28 =	sshra.s32 s25, $0x2;
	v15 =	vld [tilespmem:s26+$0xFFFFFF30]  }
0x1bb: {  	v8 =	vld [tilespmem:s28+$0x2A00]  }
0x1bc: {  	v7 =	vld [tilespmem:s28+$0x200]  }
0x1bd: {  	v11 =	vld [tilespmem:s28+$0x2A10]  }
0x1be: {  	v10 =	vld [tilespmem:s28+$0x210]  }
0x1bf: {  	v14 =	vld [tilespmem:s28+$0x2A20]  }
0x1c0: {  	v13 =	vld [tilespmem:s28+$0x220];
	v8 =	vadd.f32 v8, v6  }
0x1c1: {  	v16 =	vld [tilespmem:s28+$0x2A30]  }
0x1c2: {  	v45 =	vadd.f32 v11, v9;
	v7 =	vmul.f32 v8, v7  }
0x1c3: {  	v46 =	vld [tilespmem:s28+$0x230]  }
0x1c4: {  	v47 =	vadd.f32 v14, v12;
	v8 =	vmul.f32 v45, v10;
	v7 =	vadd.f32 $0.0e+00, v7;
	_ =	sdelay $0x1  }
0x1c5: {  	v49 =	vadd.f32 v16, v15;
	v48 =	vmul.f32 v47, v13;
	v7 =	vadd.f32 v8, v7;
	_ =	sdelay $0x1  }
0x1c6: {  	v50 =	vmul.f32 v49, v46;
	v7 =	vadd.f32 v48, v7;
	_ =	sdelay $0x1  }
0x1c7: {  	v7 =	vadd.f32 v50, v7;
	_ =	sdelay $0x1  }
0x1c8: {  	v8 =	vperm.xlane v7, v1;
	_ =	sdelay $0x1  }
0x1c9: {  	v7 =	vadd.f32 v7, v8;
	_ =	sdelay $0x1  }
0x1ca: {  	v8 =	vperm.xlane v7, v2;
	_ =	sdelay $0x1  }
0x1cb: {  	v7 =	vadd.f32 v7, v8;
	_ =	sdelay $0x1  }
0x1cc: {  	v8 =	vperm.xlane v7, v3;
	_ =	sdelay $0x1  }
0x1cd: {  	v7 =	vadd.f32 v7, v8;
	_ =	sdelay $0x1  }
0x1ce: {  	v8 =	vperm.xlane v7, v4;
	_ =	sdelay $0x1  }
0x1cf: {  	v7 =	vadd.f32 v7, v8;
	_ =	sdelay $0x1  }
0x1d0: {  	v7 =	vmul.f32 $1.250000000e-01, v7;
	_ =	sdelay $0x1  }
0x1d1: {  	v7 =	vmul.f32 $1.442695020e+00, v7;
	_ =	sdelay $0x1  }
0x1d2: {  	(erf) = vpow2.f32 v7;
	_ =	sdelay $0x2  }
0x1d3: {  	v7 =	vld [tilespmem:s28+$0x2A40]  }
0x1d4: {  	v51 =	vld [tilespmem:s28+$0x2A50]  }
0x1d5: {  	v52 =	vld [tilespmem:s28+$0x2A60]  }
0x1d6: {  	v53 =	vld [tilespmem:s28+$0x2A70];
	_ =	sdelay $0x1  }
0x1d7: {  	v6 =	vadd.f32 v7, v6  }
0x1d8: {  	v8 =	vadd.f32 v51, v9;
	v7 =	vpop (erf)  }
0x1d9: {  	v54 =	vadd.f32 v52, v12;
	v6 =	vmul.f32 v7, v6  }
0x1da: {  	v55 =	vadd.f32 v53, v15;
	v8 =	vmul.f32 v7, v8  }
0x1db: {  	[tilespmem:s28+$0x7A00] =	vst v6;
	v6 =	vmul.f32 v54, v7  }
0x1dc: {  	v57 =	vld [tilespmem:s28+$0x2A80];
	v56 =	vmul.f32 v55, v7;
	[tilespmem:s28+$0x7A10] =	vst v8  }
0x1dd: {  	v59 =	vld [tilespmem:s28+$0x290];
	[tilespmem:s28+$0x7A20] =	vst v6;
	v6 =	vmul.f32 v5, v7  }
0x1de: {  	v60 =	vld [tilespmem:s28+$0x2A90];
	[tilespmem:s28+$0x7A30] =	vst v56  }
0x1df: {  	v62 =	vld [tilespmem:s28+$0x2A0];
	[tilespmem:s28+$0x7A40] =	vst v6  }
0x1e0: {  	v6 =	vld [tilespmem:s26+$0xFFFFFF40]  }
0x1e1: {  	v7 =	vld [tilespmem:s28+$0x280]  }
0x1e2: {  	v58 =	vld [tilespmem:s26+$0xFFFFFF50]  }
0x1e3: {  	v63 =	vld [tilespmem:s28+$0x2AA0]  }
0x1e4: {  	v61 =	vld [tilespmem:s26+$0xFFFFFF60]  }
0x1e5: {  	v21 =	vld [tilespmem:s28+$0x2AB0];
	v8 =	vadd.f32 v57, v6  }
0x1e6: {  	v20 =	vld [tilespmem:s26+$0xFFFFFF70]  }
0x1e7: {  	v22 =	vadd.f32 v60, v58;
	v7 =	vmul.f32 v8, v7  }
0x1e8: {  	v23 =	vld [tilespmem:s28+$0x2B0]  }
0x1e9: {  	v24 =	vadd.f32 v63, v61;
	v8 =	vmul.f32 v22, v59;
	v7 =	vadd.f32 $0.0e+00, v7;
	_ =	sdelay $0x1  }
0x1ea: {  	v26 =	vadd.f32 v21, v20;
	v25 =	vmul.f32 v24, v62;
	v7 =	vadd.f32 v8, v7;
	_ =	sdelay $0x1  }
0x1eb: {  	v27 =	vmul.f32 v26, v23;
	v7 =	vadd.f32 v25, v7;
	_ =	sdelay $0x1  }
0x1ec: {  	v7 =	vadd.f32 v27, v7;
	_ =	sdelay $0x1  }
0x1ed: {  	v8 =	vperm.xlane v7, v1;
	_ =	sdelay $0x1  }
0x1ee: {  	v7 =	vadd.f32 v7, v8;
	_ =	sdelay $0x1  }
0x1ef: {  	v8 =	vperm.xlane v7, v2;
	_ =	sdelay $0x1  }
0x1f0: {  	v7 =	vadd.f32 v7, v8;
	_ =	sdelay $0x1  }
0x1f1: {  	v8 =	vperm.xlane v7, v3;
	_ =	sdelay $0x1  }
0x1f2: {  	v7 =	vadd.f32 v7, v8;
	_ =	sdelay $0x1  }
0x1f3: {  	v8 =	vperm.xlane v7, v4;
	_ =	sdelay $0x1  }
0x1f4: {  	v7 =	vadd.f32 v7, v8;
	_ =	sdelay $0x1  }
0x1f5: {  	v7 =	vmul.f32 $1.250000000e-01, v7;
	_ =	sdelay $0x1  }
0x1f6: {  	v7 =	vmul.f32 $1.442695020e+00, v7;
	_ =	sdelay $0x1  }
0x1f7: {  	(erf) = vpow2.f32 v7;
	_ =	sdelay $0x2  }
0x1f8: {  	v7 =	vld [tilespmem:s28+$0x2AC0]  }
0x1f9: {  	v28 =	vld [tilespmem:s28+$0x2AD0]  }
0x1fa: {  	v29 =	vld [tilespmem:s28+$0x2AE0]  }
0x1fb: {  	v30 =	vld [tilespmem:s28+$0x2AF0];
	_ =	sdelay $0x1  }
0x1fc: {  	v6 =	vadd.f32 v7, v6  }
0x1fd: {  	v8 =	vadd.f32 v28, v58;
	v7 =	vpop (erf)  }
0x1fe: {  	v31 =	vadd.f32 v29, v61;
	v6 =	vmul.f32 v7, v6  }
0x1ff: {  	v32 =	vadd.f32 v30, v20;
	v8 =	vmul.f32 v7, v8  }
0x200: {  	[tilespmem:s28+$0x7A80] =	vst v6;
	v6 =	vmul.f32 v31, v7  }
0x201: {  	v34 =	vld [tilespmem:s28+$0x2B00];
	v33 =	vmul.f32 v32, v7;
	[tilespmem:s28+$0x7A90] =	vst v8  }
0x202: {  	v36 =	vld [tilespmem:s28+$0x310];
	[tilespmem:s28+$0x7AA0] =	vst v6;
	v6 =	vmul.f32 v5, v7  }
0x203: {  	v37 =	vld [tilespmem:s28+$0x2B10];
	[tilespmem:s28+$0x7AB0] =	vst v33  }
0x204: {  	v39 =	vld [tilespmem:s28+$0x320];
	[tilespmem:s28+$0x7AC0] =	vst v6  }
0x205: {  	v6 =	vld [tilespmem:s26+$0xFFFFFF80]  }
0x206: {  	v7 =	vld [tilespmem:s28+$0x300]  }
0x207: {  	v35 =	vld [tilespmem:s26+$0xFFFFFF90]  }
0x208: {  	v40 =	vld [tilespmem:s28+$0x2B20]  }
0x209: {  	v38 =	vld [tilespmem:s26+$0xFFFFFFA0]  }
0x20a: {  	v42 =	vld [tilespmem:s28+$0x2B30];
	v8 =	vadd.f32 v34, v6  }
0x20b: {  	v41 =	vld [tilespmem:s26+$0xFFFFFFB0]  }
0x20c: {  	v43 =	vadd.f32 v37, v35;
	v7 =	vmul.f32 v8, v7  }
0x20d: {  	v44 =	vld [tilespmem:s28+$0x330]  }
0x20e: {  	v45 =	vadd.f32 v40, v38;
	v8 =	vmul.f32 v43, v36;
	v7 =	vadd.f32 $0.0e+00, v7;
	_ =	sdelay $0x1  }
0x20f: {  	v47 =	vadd.f32 v42, v41;
	v46 =	vmul.f32 v45, v39;
	v7 =	vadd.f32 v8, v7;
	_ =	sdelay $0x1  }
0x210: {  	v48 =	vmul.f32 v47, v44;
	v7 =	vadd.f32 v46, v7;
	_ =	sdelay $0x1  }
0x211: {  	v7 =	vadd.f32 v48, v7;
	_ =	sdelay $0x1  }
0x212: {  	v8 =	vperm.xlane v7, v1;
	_ =	sdelay $0x1  }
0x213: {  	v7 =	vadd.f32 v7, v8;
	_ =	sdelay $0x1  }
0x214: {  	v8 =	vperm.xlane v7, v2;
	_ =	sdelay $0x1  }
0x215: {  	v7 =	vadd.f32 v7, v8;
	_ =	sdelay $0x1  }
0x216: {  	v8 =	vperm.xlane v7, v3;
	_ =	sdelay $0x1  }
0x217: {  	v7 =	vadd.f32 v7, v8;
	_ =	sdelay $0x1  }
0x218: {  	v8 =	vperm.xlane v7, v4;
	_ =	sdelay $0x1  }
0x219: {  	v7 =	vadd.f32 v7, v8;
	_ =	sdelay $0x1  }
0x21a: {  	v7 =	vmul.f32 $1.250000000e-01, v7;
	_ =	sdelay $0x1  }
0x21b: {  	v7 =	vmul.f32 $1.442695020e+00, v7;
	_ =	sdelay $0x1  }
0x21c: {  	(erf) = vpow2.f32 v7;
	_ =	sdelay $0x2  }
0x21d: {  	v7 =	vld [tilespmem:s28+$0x2B40]  }
0x21e: {  	v49 =	vld [tilespmem:s28+$0x2B50]  }
0x21f: {  	v50 =	vld [tilespmem:s28+$0x2B60]  }
0x220: {  	v51 =	vld [tilespmem:s28+$0x2B70];
	_ =	sdelay $0x1  }
0x221: {  	v6 =	vadd.f32 v7, v6  }
0x222: {  	v8 =	vadd.f32 v49, v35;
	v7 =	vpop (erf)  }
0x223: {  	v52 =	vadd.f32 v50, v38;
	v6 =	vmul.f32 v7, v6  }
0x224: {  	v53 =	vadd.f32 v51, v41;
	v8 =	vmul.f32 v7, v8  }
0x225: {  	[tilespmem:s28+$0x7B00] =	vst v6;
	v6 =	vmul.f32 v52, v7  }
0x226: {  	v55 =	vld [tilespmem:s28+$0x2B80];
	v54 =	vmul.f32 v53, v7;
	[tilespmem:s28+$0x7B10] =	vst v8  }
0x227: {  	v57 =	vld [tilespmem:s28+$0x390];
	[tilespmem:s28+$0x7B20] =	vst v6;
	v6 =	vmul.f32 v5, v7  }
0x228: {  	v60 =	vld [tilespmem:s28+$0x3A0];
	[tilespmem:s28+$0x7B30] =	vst v54  }
0x229: {  	v58 =	vld [tilespmem:s28+$0x2B90];
	[tilespmem:s28+$0x7B40] =	vst v6  }
0x22a: {  	v6 =	vld [tilespmem:s26+$0xFFFFFFC0]  }
0x22b: {  	v7 =	vld [tilespmem:s28+$0x380]  }
0x22c: {  	v56 =	vld [tilespmem:s26+$0xFFFFFFD0]  }
0x22d: {  	v61 =	vld [tilespmem:s28+$0x2BA0]  }
0x22e: {  	v59 =	vld [tilespmem:s26+$0xFFFFFFE0]  }
0x22f: {  	v63 =	vld [tilespmem:s28+$0x2BB0];
	v8 =	vadd.f32 v55, v6  }
0x230: {  	v62 =	vld [tilespmem:s26+$0xFFFFFFF0]  }
0x231: {  	v18 =	vadd.f32 v58, v56;
	v7 =	vmul.f32 v8, v7  }
0x232: {  	v19 =	vld [tilespmem:s28+$0x3B0]  }
0x233: {  	v20 =	vadd.f32 v61, v59;
	v8 =	vmul.f32 v18, v57;
	v7 =	vadd.f32 $0.0e+00, v7;
	_ =	sdelay $0x1  }
0x234: {  	v22 =	vadd.f32 v63, v62;
	v21 =	vmul.f32 v20, v60;
	v7 =	vadd.f32 v8, v7;
	_ =	sdelay $0x1  }
0x235: {  	v23 =	vmul.f32 v22, v19;
	v7 =	vadd.f32 v21, v7;
	_ =	sdelay $0x1  }
0x236: {  	v7 =	vadd.f32 v23, v7;
	_ =	sdelay $0x1  }
0x237: {  	v8 =	vperm.xlane v7, v1;
	_ =	sdelay $0x1  }
0x238: {  	v7 =	vadd.f32 v7, v8;
	_ =	sdelay $0x1  }
0x239: {  	v8 =	vperm.xlane v7, v2;
	_ =	sdelay $0x1  }
0x23a: {  	v7 =	vadd.f32 v7, v8;
	_ =	sdelay $0x1  }
0x23b: {  	v8 =	vperm.xlane v7, v3;
	_ =	sdelay $0x1  }
0x23c: {  	v7 =	vadd.f32 v7, v8;
	_ =	sdelay $0x1  }
0x23d: {  	v8 =	vperm.xlane v7, v4;
	_ =	sdelay $0x1  }
0x23e: {  	v7 =	vadd.f32 v7, v8;
	_ =	sdelay $0x1  }
0x23f: {  	v7 =	vmul.f32 $1.250000000e-01, v7;
	_ =	sdelay $0x1  }
0x240: {  	v7 =	vmul.f32 $1.442695020e+00, v7;
	_ =	sdelay $0x1  }
0x241: {  	(erf) = vpow2.f32 v7;
	_ =	sdelay $0x2  }
0x242: {  	v7 =	vld [tilespmem:s28+$0x2BC0]  }
0x243: {  	v24 =	vld [tilespmem:s28+$0x2BD0]  }
0x244: {  	v25 =	vld [tilespmem:s28+$0x2BE0]  }
0x245: {  	v26 =	vld [tilespmem:s28+$0x2BF0];
	_ =	sdelay $0x1  }
0x246: {  	v6 =	vadd.f32 v7, v6  }
0x247: {  	v8 =	vadd.f32 v24, v56;
	v7 =	vpop (erf)  }
0x248: {  	v27 =	vadd.f32 v25, v59;
	v6 =	vmul.f32 v7, v6  }
0x249: {  	v28 =	vadd.f32 v26, v62;
	v8 =	vmul.f32 v7, v8  }
0x24a: {  	[tilespmem:s28+$0x7B80] =	vst v6;
	v6 =	vmul.f32 v27, v7  }
0x24b: {  	v30 =	vld [tilespmem:s28+$0x2C00];
	v29 =	vmul.f32 v28, v7;
	[tilespmem:s28+$0x7B90] =	vst v8  }
0x24c: {  	v32 =	vld [tilespmem:s28+$0x410];
	[tilespmem:s28+$0x7BA0] =	vst v6;
	v6 =	vmul.f32 v5, v7  }
0x24d: {  	v33 =	vld [tilespmem:s28+$0x2C10];
	[tilespmem:s28+$0x7BB0] =	vst v29  }
0x24e: {  	v38 =	vld [tilespmem:s28+$0x2C30];
	[tilespmem:s28+$0x7BC0] =	vst v6  }
0x24f: {  	v6 =	vld [tilespmem:s26+$0x0]  }
0x250: {  	v7 =	vld [tilespmem:s28+$0x400]  }
0x251: {  	v31 =	vld [tilespmem:s26+$0x10]  }
0x252: {  	v36 =	vld [tilespmem:s28+$0x2C20]  }
0x253: {  	v34 =	vld [tilespmem:s26+$0x20]  }
0x254: {  	v35 =	vld [tilespmem:s28+$0x420];
	v8 =	vadd.f32 v30, v6  }
0x255: {  	v37 =	vld [tilespmem:s26+$0x30]  }
0x256: {  	v39 =	vadd.f32 v33, v31;
	v7 =	vmul.f32 v8, v7  }
0x257: {  	v40 =	vld [tilespmem:s28+$0x430]  }
0x258: {  	v41 =	vadd.f32 v36, v34;
	v8 =	vmul.f32 v39, v32;
	v7 =	vadd.f32 $0.0e+00, v7;
	_ =	sdelay $0x1  }
0x259: {  	v43 =	vadd.f32 v38, v37;
	v42 =	vmul.f32 v41, v35;
	v7 =	vadd.f32 v8, v7;
	_ =	sdelay $0x1  }
0x25a: {  	v44 =	vmul.f32 v43, v40;
	v7 =	vadd.f32 v42, v7;
	_ =	sdelay $0x1  }
0x25b: {  	v7 =	vadd.f32 v44, v7;
	_ =	sdelay $0x1  }
0x25c: {  	v8 =	vperm.xlane v7, v1;
	_ =	sdelay $0x1  }
0x25d: {  	v7 =	vadd.f32 v7, v8;
	_ =	sdelay $0x1  }
0x25e: {  	v8 =	vperm.xlane v7, v2;
	_ =	sdelay $0x1  }
0x25f: {  	v7 =	vadd.f32 v7, v8;
	_ =	sdelay $0x1  }
0x260: {  	v8 =	vperm.xlane v7, v3;
	_ =	sdelay $0x1  }
0x261: {  	v7 =	vadd.f32 v7, v8;
	_ =	sdelay $0x1  }
0x262: {  	v8 =	vperm.xlane v7, v4;
	_ =	sdelay $0x1  }
0x263: {  	v7 =	vadd.f32 v7, v8;
	_ =	sdelay $0x1  }
0x264: {  	v7 =	vmul.f32 $1.250000000e-01, v7;
	_ =	sdelay $0x1  }
0x265: {  	v7 =	vmul.f32 $1.442695020e+00, v7;
	_ =	sdelay $0x1  }
0x266: {  	(erf) = vpow2.f32 v7;
	_ =	sdelay $0x2  }
0x267: {  	v7 =	vld [tilespmem:s28+$0x2C40]  }
0x268: {  	v45 =	vld [tilespmem:s28+$0x2C50]  }
0x269: {  	v46 =	vld [tilespmem:s28+$0x2C60]  }
0x26a: {  	v47 =	vld [tilespmem:s28+$0x2C70];
	_ =	sdelay $0x1  }
0x26b: {  	v6 =	vadd.f32 v7, v6  }
0x26c: {  	v8 =	vadd.f32 v45, v31;
	v7 =	vpop (erf)  }
0x26d: {  	v48 =	vadd.f32 v46, v34;
	v6 =	vmul.f32 v7, v6  }
0x26e: {  	v49 =	vadd.f32 v47, v37;
	v8 =	vmul.f32 v7, v8  }
0x26f: {  	[tilespmem:s28+$0x7C00] =	vst v6;
	v6 =	vmul.f32 v48, v7  }
0x270: {  	v51 =	vld [tilespmem:s28+$0x2C80];
	v50 =	vmul.f32 v49, v7;
	[tilespmem:s28+$0x7C10] =	vst v8  }
0x271: {  	v53 =	vld [tilespmem:s28+$0x490];
	[tilespmem:s28+$0x7C20] =	vst v6;
	v6 =	vmul.f32 v5, v7  }
0x272: {  	v54 =	vld [tilespmem:s28+$0x2C90];
	[tilespmem:s28+$0x7C30] =	vst v50  }
0x273: {  	v59 =	vld [tilespmem:s28+$0x2CB0];
	[tilespmem:s28+$0x7C40] =	vst v6  }
0x274: {  	v6 =	vld [tilespmem:s26+$0x40]  }
0x275: {  	v7 =	vld [tilespmem:s28+$0x480]  }
0x276: {  	v52 =	vld [tilespmem:s26+$0x50]  }
0x277: {  	v57 =	vld [tilespmem:s28+$0x2CA0]  }
0x278: {  	v55 =	vld [tilespmem:s26+$0x60]  }
0x279: {  	v56 =	vld [tilespmem:s28+$0x4A0];
	v8 =	vadd.f32 v51, v6  }
0x27a: {  	v58 =	vld [tilespmem:s26+$0x70]  }
0x27b: {  	v60 =	vadd.f32 v54, v52;
	v7 =	vmul.f32 v8, v7  }
0x27c: {  	v61 =	vld [tilespmem:s28+$0x4B0]  }
0x27d: {  	v62 =	vadd.f32 v57, v55;
	v8 =	vmul.f32 v60, v53;
	v7 =	vadd.f32 $0.0e+00, v7;
	_ =	sdelay $0x1  }
0x27e: {  	v13 =	vadd.f32 v59, v58;
	v63 =	vmul.f32 v62, v56;
	v7 =	vadd.f32 v8, v7;
	_ =	sdelay $0x1  }
0x27f: {  	v14 =	vmul.f32 v13, v61;
	v7 =	vadd.f32 v63, v7;
	_ =	sdelay $0x1  }
0x280: {  	v7 =	vadd.f32 v14, v7;
	_ =	sdelay $0x1  }
0x281: {  	v8 =	vperm.xlane v7, v1;
	_ =	sdelay $0x1  }
0x282: {  	v7 =	vadd.f32 v7, v8;
	_ =	sdelay $0x1  }
0x283: {  	v8 =	vperm.xlane v7, v2;
	_ =	sdelay $0x1  }
0x284: {  	v7 =	vadd.f32 v7, v8;
	_ =	sdelay $0x1  }
0x285: {  	v8 =	vperm.xlane v7, v3;
	_ =	sdelay $0x1  }
0x286: {  	v7 =	vadd.f32 v7, v8;
	_ =	sdelay $0x1  }
0x287: {  	v8 =	vperm.xlane v7, v4;
	_ =	sdelay $0x1  }
0x288: {  	v7 =	vadd.f32 v7, v8;
	_ =	sdelay $0x1  }
0x289: {  	v7 =	vmul.f32 $1.250000000e-01, v7;
	_ =	sdelay $0x1  }
0x28a: {  	v7 =	vmul.f32 $1.442695020e+00, v7;
	_ =	sdelay $0x1  }
0x28b: {  	(erf) = vpow2.f32 v7;
	_ =	sdelay $0x2  }
0x28c: {  	v7 =	vld [tilespmem:s28+$0x2CC0]  }
0x28d: {  	v16 =	vld [tilespmem:s28+$0x2CD0]  }
0x28e: {  	v17 =	vld [tilespmem:s28+$0x2CE0]  }
0x28f: {  	v18 =	vld [tilespmem:s28+$0x2CF0];
	_ =	sdelay $0x1  }
0x290: {  	v6 =	vadd.f32 v7, v6  }
0x291: {  	v8 =	vadd.f32 v16, v52;
	v7 =	vpop (erf)  }
0x292: {  	v19 =	vadd.f32 v17, v55;
	v6 =	vmul.f32 v7, v6  }
0x293: {  	v20 =	vadd.f32 v18, v58;
	v8 =	vmul.f32 v7, v8  }
0x294: {  	[tilespmem:s28+$0x7C80] =	vst v6;
	v6 =	vmul.f32 v19, v7  }
0x295: {  	v25 =	vld [tilespmem:s28+$0x2D10];
	v21 =	vmul.f32 v20, v7;
	[tilespmem:s28+$0x7C90] =	vst v8  }
0x296: {  	v22 =	vld [tilespmem:s28+$0x2D00];
	[tilespmem:s28+$0x7CA0] =	vst v6;
	v6 =	vmul.f32 v5, v7  }
0x297: {  	v24 =	vld [tilespmem:s28+$0x510];
	[tilespmem:s28+$0x7CB0] =	vst v21  }
0x298: {  	v28 =	vld [tilespmem:s28+$0x2D20];
	[tilespmem:s28+$0x7CC0] =	vst v6  }
0x299: {  	v6 =	vld [tilespmem:s26+$0x80]  }
0x29a: {  	v7 =	vld [tilespmem:s28+$0x500]  }
0x29b: {  	v23 =	vld [tilespmem:s26+$0x90]  }
0x29c: {  	v27 =	vld [tilespmem:s28+$0x520]  }
0x29d: {  	v26 =	vld [tilespmem:s26+$0xA0]  }
0x29e: {  	v30 =	vld [tilespmem:s28+$0x2D30];
	v8 =	vadd.f32 v22, v6  }
0x29f: {  	v29 =	vld [tilespmem:s26+$0xB0]  }
0x2a0: {  	v31 =	vadd.f32 v25, v23;
	v7 =	vmul.f32 v8, v7  }
0x2a1: {  	v32 =	vld [tilespmem:s28+$0x530]  }
0x2a2: {  	v33 =	vadd.f32 v28, v26;
	v8 =	vmul.f32 v31, v24;
	v7 =	vadd.f32 $0.0e+00, v7;
	_ =	sdelay $0x1  }
0x2a3: {  	v35 =	vadd.f32 v30, v29;
	v34 =	vmul.f32 v33, v27;
	v7 =	vadd.f32 v8, v7;
	_ =	sdelay $0x1  }
0x2a4: {  	v36 =	vmul.f32 v35, v32;
	v7 =	vadd.f32 v34, v7;
	_ =	sdelay $0x1  }
0x2a5: {  	v7 =	vadd.f32 v36, v7;
	_ =	sdelay $0x1  }
0x2a6: {  	v8 =	vperm.xlane v7, v1;
	_ =	sdelay $0x1  }
0x2a7: {  	v7 =	vadd.f32 v7, v8;
	_ =	sdelay $0x1  }
0x2a8: {  	v8 =	vperm.xlane v7, v2;
	_ =	sdelay $0x1  }
0x2a9: {  	v7 =	vadd.f32 v7, v8;
	_ =	sdelay $0x1  }
0x2aa: {  	v8 =	vperm.xlane v7, v3;
	_ =	sdelay $0x1  }
0x2ab: {  	v7 =	vadd.f32 v7, v8;
	_ =	sdelay $0x1  }
0x2ac: {  	v8 =	vperm.xlane v7, v4;
	_ =	sdelay $0x1  }
0x2ad: {  	v7 =	vadd.f32 v7, v8;
	_ =	sdelay $0x1  }
0x2ae: {  	v7 =	vmul.f32 $1.250000000e-01, v7;
	_ =	sdelay $0x1  }
0x2af: {  	v7 =	vmul.f32 $1.442695020e+00, v7;
	_ =	sdelay $0x1  }
0x2b0: {  	(erf) = vpow2.f32 v7;
	_ =	sdelay $0x2  }
0x2b1: {  	v7 =	vld [tilespmem:s28+$0x2D40]  }
0x2b2: {  	v37 =	vld [tilespmem:s28+$0x2D50]  }
0x2b3: {  	v38 =	vld [tilespmem:s28+$0x2D60]  }
0x2b4: {  	v39 =	vld [tilespmem:s28+$0x2D70];
	_ =	sdelay $0x1  }
0x2b5: {  	v6 =	vadd.f32 v7, v6  }
0x2b6: {  	v8 =	vadd.f32 v37, v23;
	v7 =	vpop (erf)  }
0x2b7: {  	v40 =	vadd.f32 v38, v26;
	v6 =	vmul.f32 v7, v6  }
0x2b8: {  	v41 =	vadd.f32 v39, v29;
	v8 =	vmul.f32 v7, v8  }
0x2b9: {  	[tilespmem:s28+$0x7D00] =	vst v6;
	v6 =	vmul.f32 v40, v7  }
0x2ba: {  	v46 =	vld [tilespmem:s28+$0x2D90];
	v42 =	vmul.f32 v41, v7;
	[tilespmem:s28+$0x7D10] =	vst v8  }
0x2bb: {  	v43 =	vld [tilespmem:s28+$0x2D80];
	[tilespmem:s28+$0x7D20] =	vst v6;
	v6 =	vmul.f32 v5, v7  }
0x2bc: {  	v45 =	vld [tilespmem:s28+$0x590];
	[tilespmem:s28+$0x7D30] =	vst v42  }
0x2bd: {  	v49 =	vld [tilespmem:s28+$0x2DA0];
	[tilespmem:s28+$0x7D40] =	vst v6  }
0x2be: {  	v6 =	vld [tilespmem:s26+$0xC0]  }
0x2bf: {  	v7 =	vld [tilespmem:s28+$0x580]  }
0x2c0: {  	v44 =	vld [tilespmem:s26+$0xD0]  }
0x2c1: {  	v48 =	vld [tilespmem:s28+$0x5A0]  }
0x2c2: {  	v47 =	vld [tilespmem:s26+$0xE0]  }
0x2c3: {  	v51 =	vld [tilespmem:s28+$0x2DB0];
	v8 =	vadd.f32 v43, v6  }
0x2c4: {  	v50 =	vld [tilespmem:s26+$0xF0]  }
0x2c5: {  	v52 =	vadd.f32 v46, v44;
	v7 =	vmul.f32 v8, v7  }
0x2c6: {  	v53 =	vld [tilespmem:s28+$0x5B0]  }
0x2c7: {  	v54 =	vadd.f32 v49, v47;
	v8 =	vmul.f32 v52, v45;
	v7 =	vadd.f32 $0.0e+00, v7;
	_ =	sdelay $0x1  }
0x2c8: {  	v56 =	vadd.f32 v51, v50;
	v55 =	vmul.f32 v54, v48;
	v7 =	vadd.f32 v8, v7;
	_ =	sdelay $0x1  }
0x2c9: {  	v57 =	vmul.f32 v56, v53;
	v7 =	vadd.f32 v55, v7;
	_ =	sdelay $0x1  }
0x2ca: {  	v7 =	vadd.f32 v57, v7;
	_ =	sdelay $0x1  }
0x2cb: {  	v8 =	vperm.xlane v7, v1;
	_ =	sdelay $0x1  }
0x2cc: {  	v7 =	vadd.f32 v7, v8;
	_ =	sdelay $0x1  }
0x2cd: {  	v8 =	vperm.xlane v7, v2;
	_ =	sdelay $0x1  }
0x2ce: {  	v7 =	vadd.f32 v7, v8;
	_ =	sdelay $0x1  }
0x2cf: {  	v8 =	vperm.xlane v7, v3;
	_ =	sdelay $0x1  }
0x2d0: {  	v7 =	vadd.f32 v7, v8;
	_ =	sdelay $0x1  }
0x2d1: {  	v8 =	vperm.xlane v7, v4;
	_ =	sdelay $0x1  }
0x2d2: {  	v7 =	vadd.f32 v7, v8;
	_ =	sdelay $0x1  }
0x2d3: {  	v7 =	vmul.f32 $1.250000000e-01, v7;
	_ =	sdelay $0x1  }
0x2d4: {  	v7 =	vmul.f32 $1.442695020e+00, v7;
	_ =	sdelay $0x1  }
0x2d5: {  	(erf) = vpow2.f32 v7;
	_ =	sdelay $0x2  }
0x2d6: {  	v7 =	vld [tilespmem:s28+$0x2DC0]  }
0x2d7: {  	v58 =	vld [tilespmem:s28+$0x2DD0]  }
0x2d8: {  	v59 =	vld [tilespmem:s28+$0x2DE0]  }
0x2d9: {  	v60 =	vld [tilespmem:s28+$0x2DF0];
	_ =	sdelay $0x1  }
0x2da: {  	v6 =	vadd.f32 v7, v6  }
0x2db: {  	v7 =	vadd.f32 v58, v44;
	v61 =	vpop (erf)  }
0x2dc: {  	v62 =	vadd.f32 v59, v47;
	v6 =	vmul.f32 v61, v6  }
0x2dd: {  	p0 =	sne.s32 s25, $0x9000;
	v63 =	vadd.f32 v60, v50;
	v7 =	vmul.f32 v61, v7  }
.Ltmp2:
0x2de: {  	[tilespmem:s28+$0x7D80] =	vst v6;
	v6 =	vmul.f32 v62, v61;
	(pc) =	sbr.rel @p0 .LBB2_7-.Ltmp2, $4  }
0x2df: {  	[tilespmem:s28+$0x7D90] =	vst v7;
	v7 =	vmul.f32 v63, v61  }
0x2e0: {  	[tilespmem:s28+$0x7DA0] =	vst v6;
	v6 =	vmul.f32 v5, v61  }
0x2e1: {  	[tilespmem:s28+$0x7DB0] =	vst v7  }
0x2e2: {  	s25 =	sadd.s32 $0x1000, s25;
	s26 =	sadd.s32 $0x200, s26;
	[tilespmem:s28+$0x7DC0] =	vst v6  }
0x2e3: {  	s25 =	sshll.u32 s24, $0x1  }
0x2e4: {  	s25 =	smin.u32 s25, $0x79  }
0x2e5: {  	s25 =	smul.u32 $0x50, s25  }
0x2e6: {  	[spmem:s1] =	stream.indirect.scatter.add.f32 [tilespmem:s31], [sflag:$0x4], $0x80, s12, s15, $0xb8;
	[tilespmem:$0x1DE00] =	vst v63  }
0x2e7: {  	_ =	swait.ge [sflag:s0], $0x2800;
	s25 =	sadd.s32 s25, s20  }
0x2e8: {  	s24 =	sadd.s32 $0x1, s24;
	[sflag:s0] =	ssyncset.done $0x0;
	s26 =	sshrl.u32 s25, $0x3  }
0x2e9: {  	p0 =	sne.s32 s24, $0x3E;
	[sflag:s0] =	ssyncadd.s32 $0xFFFFD800;
	s28 =	sadd.s32 s4, s26  }
0x2ea: {  	[tilespmem:s11], [sflag:$0x3] =	stream.linear.gather [hbm4b:s28+s3], $0x50, $0x38;
	[tilespmem:$0x1DE00] =	vst v63  }
.Ltmp3:
0x2eb: {  	_ = 	snop;
	(pc) =	sbr.rel @p0 .LBB2_4-.Ltmp3, $4  }
0x2ec: {  	s25 =	sshll.u32 s25, $0x3;
	s26 =	sadd.s32 s5, s26  }
0x2ed: {  	[tilespmem:s12], [sflag:$0x3] =	stream.linear.gather [hbm4b:s26+s3], $0x50, $0x38;
	[tilespmem:$0x1DE00] =	vst v63  }
0x2ee: {  	s25 =	sadd.s32 s8, s25  }
0x2ef: {  	[tilespmem:s13], [sflag:$0x3] =	stream.linear.gather [hbm4b:s25+s3], $0x1400, $0x38;
	[tilespmem:$0x1DE00] =	vst v63  }
0x2f0: {  	_ =	swait.ge [sflag:s14], $0x50  }
0x2f1: {  	[sflag:s14] =	ssyncset.done $0x0  }
0x2f2: {  	[sflag:s14] =	ssyncadd.s32 $0xFFFFFFB0  }
0x2f3: {  	_ =	swait.ge [sflag:s14], $0x50  }
0x2f4: {  	[sflag:s14] =	ssyncset.done $0x0  }
0x2f5: {  	[sflag:s14] =	ssyncadd.s32 $0xFFFFFFB0  }
0x2f6: {  	_ =	swait.ge [sflag:s14], $0x1400  }
0x2f7: {  	[sflag:s14] =	ssyncset.done $0x0  }
0x2f8: {  	[sflag:s14] =	ssyncadd.s32 $0xFFFFEC00  }
0x2f9: {  	[tilespmem:s16], [sflag:$0x1] =	stream.indirect.gather [hbm4b:s6+s15], $0x80, s2, s15, $0xb8;
	[tilespmem:$0x1DE00] =	vst v63  }
0x2fa: {  	s23 =	simm.s32 $0x0  }
0x2fb: {  	[tilespmem:s17], [sflag:$0x1] =	stream.indirect.gather [hbm4b:s7+s15], $0x80, s23, s15, $0xb8;
	[tilespmem:$0x1DE00] =	vst v63  }
0x2fc: {  	_ =	swait.ge [sflag:s18], $0x2800  }
0x2fd: {  	[sflag:s18] =	ssyncset.done $0x0  }
0x2fe: {  	[sflag:s18] =	ssyncadd.s32 $0xFFFFD800  }
0x2ff: {  	_ =	swait.ge [sflag:s18], $0x2800  }
0x300: {  	[sflag:s18] =	ssyncset.done $0x0  }
0x301: {  	s24 =	simm.s32 $0x5300;
	[sflag:s18] =	ssyncadd.s32 $0xFFFFD800  }
.LBB2_10:
0x302: {  	v6 =	vld [tilespmem:s24+$0xFFFFFF00]  }
0x303: {  	v9 =	vld [tilespmem:s24+$0xFFFFFF10]  }
0x304: {  	v12 =	vld [tilespmem:s24+$0xFFFFFF20]  }
0x305: {  	s25 =	sshra.s32 s23, $0x2;
	v15 =	vld [tilespmem:s24+$0xFFFFFF30]  }
0x306: {  	v8 =	vld [tilespmem:s25+$0x2A00]  }
0x307: {  	v7 =	vld [tilespmem:s25+$0x200]  }
0x308: {  	v11 =	vld [tilespmem:s25+$0x2A10]  }
0x309: {  	v10 =	vld [tilespmem:s25+$0x210]  }
0x30a: {  	v14 =	vld [tilespmem:s25+$0x2A20]  }
0x30b: {  	v13 =	vld [tilespmem:s25+$0x220];
	v8 =	vadd.f32 v8, v6  }
0x30c: {  	v16 =	vld [tilespmem:s25+$0x2A30]  }
0x30d: {  	v45 =	vadd.f32 v11, v9;
	v7 =	vmul.f32 v8, v7  }
0x30e: {  	v46 =	vld [tilespmem:s25+$0x230]  }
0x30f: {  	v47 =	vadd.f32 v14, v12;
	v8 =	vmul.f32 v45, v10;
	v7 =	vadd.f32 $0.0e+00, v7;
	_ =	sdelay $0x1  }
0x310: {  	v49 =	vadd.f32 v16, v15;
	v48 =	vmul.f32 v47, v13;
	v7 =	vadd.f32 v8, v7;
	_ =	sdelay $0x1  }
0x311: {  	v50 =	vmul.f32 v49, v46;
	v7 =	vadd.f32 v48, v7;
	_ =	sdelay $0x1  }
0x312: {  	v7 =	vadd.f32 v50, v7;
	_ =	sdelay $0x1  }
0x313: {  	v8 =	vperm.xlane v7, v1;
	_ =	sdelay $0x1  }
0x314: {  	v7 =	vadd.f32 v7, v8;
	_ =	sdelay $0x1  }
0x315: {  	v8 =	vperm.xlane v7, v2;
	_ =	sdelay $0x1  }
0x316: {  	v7 =	vadd.f32 v7, v8;
	_ =	sdelay $0x1  }
0x317: {  	v8 =	vperm.xlane v7, v3;
	_ =	sdelay $0x1  }
0x318: {  	v7 =	vadd.f32 v7, v8;
	_ =	sdelay $0x1  }
0x319: {  	v8 =	vperm.xlane v7, v4;
	_ =	sdelay $0x1  }
0x31a: {  	v7 =	vadd.f32 v7, v8;
	_ =	sdelay $0x1  }
0x31b: {  	v7 =	vmul.f32 $1.250000000e-01, v7;
	_ =	sdelay $0x1  }
0x31c: {  	v7 =	vmul.f32 $1.442695020e+00, v7;
	_ =	sdelay $0x1  }
0x31d: {  	(erf) = vpow2.f32 v7;
	_ =	sdelay $0x2  }
0x31e: {  	v7 =	vld [tilespmem:s25+$0x2A40]  }
0x31f: {  	v51 =	vld [tilespmem:s25+$0x2A50]  }
0x320: {  	v52 =	vld [tilespmem:s25+$0x2A60]  }
0x321: {  	v53 =	vld [tilespmem:s25+$0x2A70];
	_ =	sdelay $0x1  }
0x322: {  	v6 =	vadd.f32 v7, v6  }
0x323: {  	v8 =	vadd.f32 v51, v9;
	v7 =	vpop (erf)  }
0x324: {  	v54 =	vadd.f32 v52, v12;
	v6 =	vmul.f32 v7, v6  }
0x325: {  	v55 =	vadd.f32 v53, v15;
	v8 =	vmul.f32 v7, v8  }
0x326: {  	[tilespmem:s25+$0x7A00] =	vst v6;
	v6 =	vmul.f32 v54, v7  }
0x327: {  	v57 =	vld [tilespmem:s25+$0x2A80];
	v56 =	vmul.f32 v55, v7;
	[tilespmem:s25+$0x7A10] =	vst v8  }
0x328: {  	v59 =	vld [tilespmem:s25+$0x290];
	[tilespmem:s25+$0x7A20] =	vst v6;
	v6 =	vmul.f32 v5, v7  }
0x329: {  	v60 =	vld [tilespmem:s25+$0x2A90];
	[tilespmem:s25+$0x7A30] =	vst v56  }
0x32a: {  	v62 =	vld [tilespmem:s25+$0x2A0];
	[tilespmem:s25+$0x7A40] =	vst v6  }
0x32b: {  	v6 =	vld [tilespmem:s24+$0xFFFFFF40]  }
0x32c: {  	v7 =	vld [tilespmem:s25+$0x280]  }
0x32d: {  	v58 =	vld [tilespmem:s24+$0xFFFFFF50]  }
0x32e: {  	v63 =	vld [tilespmem:s25+$0x2AA0]  }
0x32f: {  	v61 =	vld [tilespmem:s24+$0xFFFFFF60]  }
0x330: {  	v21 =	vld [tilespmem:s25+$0x2AB0];
	v8 =	vadd.f32 v57, v6  }
0x331: {  	v20 =	vld [tilespmem:s24+$0xFFFFFF70]  }
0x332: {  	v22 =	vadd.f32 v60, v58;
	v7 =	vmul.f32 v8, v7  }
0x333: {  	v23 =	vld [tilespmem:s25+$0x2B0]  }
0x334: {  	v24 =	vadd.f32 v63, v61;
	v8 =	vmul.f32 v22, v59;
	v7 =	vadd.f32 $0.0e+00, v7;
	_ =	sdelay $0x1  }
0x335: {  	v26 =	vadd.f32 v21, v20;
	v25 =	vmul.f32 v24, v62;
	v7 =	vadd.f32 v8, v7;
	_ =	sdelay $0x1  }
0x336: {  	v27 =	vmul.f32 v26, v23;
	v7 =	vadd.f32 v25, v7;
	_ =	sdelay $0x1  }
0x337: {  	v7 =	vadd.f32 v27, v7;
	_ =	sdelay $0x1  }
0x338: {  	v8 =	vperm.xlane v7, v1;
	_ =	sdelay $0x1  }
0x339: {  	v7 =	vadd.f32 v7, v8;
	_ =	sdelay $0x1  }
0x33a: {  	v8 =	vperm.xlane v7, v2;
	_ =	sdelay $0x1  }
0x33b: {  	v7 =	vadd.f32 v7, v8;
	_ =	sdelay $0x1  }
0x33c: {  	v8 =	vperm.xlane v7, v3;
	_ =	sdelay $0x1  }
0x33d: {  	v7 =	vadd.f32 v7, v8;
	_ =	sdelay $0x1  }
0x33e: {  	v8 =	vperm.xlane v7, v4;
	_ =	sdelay $0x1  }
0x33f: {  	v7 =	vadd.f32 v7, v8;
	_ =	sdelay $0x1  }
0x340: {  	v7 =	vmul.f32 $1.250000000e-01, v7;
	_ =	sdelay $0x1  }
0x341: {  	v7 =	vmul.f32 $1.442695020e+00, v7;
	_ =	sdelay $0x1  }
0x342: {  	(erf) = vpow2.f32 v7;
	_ =	sdelay $0x2  }
0x343: {  	v7 =	vld [tilespmem:s25+$0x2AC0]  }
0x344: {  	v28 =	vld [tilespmem:s25+$0x2AD0]  }
0x345: {  	v29 =	vld [tilespmem:s25+$0x2AE0]  }
0x346: {  	v30 =	vld [tilespmem:s25+$0x2AF0];
	_ =	sdelay $0x1  }
0x347: {  	v6 =	vadd.f32 v7, v6  }
0x348: {  	v8 =	vadd.f32 v28, v58;
	v7 =	vpop (erf)  }
0x349: {  	v31 =	vadd.f32 v29, v61;
	v6 =	vmul.f32 v7, v6  }
0x34a: {  	v32 =	vadd.f32 v30, v20;
	v8 =	vmul.f32 v7, v8  }
0x34b: {  	[tilespmem:s25+$0x7A80] =	vst v6;
	v6 =	vmul.f32 v31, v7  }
0x34c: {  	v34 =	vld [tilespmem:s25+$0x2B00];
	v33 =	vmul.f32 v32, v7;
	[tilespmem:s25+$0x7A90] =	vst v8  }
0x34d: {  	v36 =	vld [tilespmem:s25+$0x310];
	[tilespmem:s25+$0x7AA0] =	vst v6;
	v6 =	vmul.f32 v5, v7  }
0x34e: {  	v37 =	vld [tilespmem:s25+$0x2B10];
	[tilespmem:s25+$0x7AB0] =	vst v33  }
0x34f: {  	v39 =	vld [tilespmem:s25+$0x320];
	[tilespmem:s25+$0x7AC0] =	vst v6  }
0x350: {  	v6 =	vld [tilespmem:s24+$0xFFFFFF80]  }
0x351: {  	v7 =	vld [tilespmem:s25+$0x300]  }
0x352: {  	v35 =	vld [tilespmem:s24+$0xFFFFFF90]  }
0x353: {  	v40 =	vld [tilespmem:s25+$0x2B20]  }
0x354: {  	v38 =	vld [tilespmem:s24+$0xFFFFFFA0]  }
0x355: {  	v42 =	vld [tilespmem:s25+$0x2B30];
	v8 =	vadd.f32 v34, v6  }
0x356: {  	v41 =	vld [tilespmem:s24+$0xFFFFFFB0]  }
0x357: {  	v43 =	vadd.f32 v37, v35;
	v7 =	vmul.f32 v8, v7  }
0x358: {  	v44 =	vld [tilespmem:s25+$0x330]  }
0x359: {  	v45 =	vadd.f32 v40, v38;
	v8 =	vmul.f32 v43, v36;
	v7 =	vadd.f32 $0.0e+00, v7;
	_ =	sdelay $0x1  }
0x35a: {  	v47 =	vadd.f32 v42, v41;
	v46 =	vmul.f32 v45, v39;
	v7 =	vadd.f32 v8, v7;
	_ =	sdelay $0x1  }
0x35b: {  	v48 =	vmul.f32 v47, v44;
	v7 =	vadd.f32 v46, v7;
	_ =	sdelay $0x1  }
0x35c: {  	v7 =	vadd.f32 v48, v7;
	_ =	sdelay $0x1  }
0x35d: {  	v8 =	vperm.xlane v7, v1;
	_ =	sdelay $0x1  }
0x35e: {  	v7 =	vadd.f32 v7, v8;
	_ =	sdelay $0x1  }
0x35f: {  	v8 =	vperm.xlane v7, v2;
	_ =	sdelay $0x1  }
0x360: {  	v7 =	vadd.f32 v7, v8;
	_ =	sdelay $0x1  }
0x361: {  	v8 =	vperm.xlane v7, v3;
	_ =	sdelay $0x1  }
0x362: {  	v7 =	vadd.f32 v7, v8;
	_ =	sdelay $0x1  }
0x363: {  	v8 =	vperm.xlane v7, v4;
	_ =	sdelay $0x1  }
0x364: {  	v7 =	vadd.f32 v7, v8;
	_ =	sdelay $0x1  }
0x365: {  	v7 =	vmul.f32 $1.250000000e-01, v7;
	_ =	sdelay $0x1  }
0x366: {  	v7 =	vmul.f32 $1.442695020e+00, v7;
	_ =	sdelay $0x1  }
0x367: {  	(erf) = vpow2.f32 v7;
	_ =	sdelay $0x2  }
0x368: {  	v7 =	vld [tilespmem:s25+$0x2B40]  }
0x369: {  	v49 =	vld [tilespmem:s25+$0x2B50]  }
0x36a: {  	v50 =	vld [tilespmem:s25+$0x2B60]  }
0x36b: {  	v51 =	vld [tilespmem:s25+$0x2B70];
	_ =	sdelay $0x1  }
0x36c: {  	v6 =	vadd.f32 v7, v6  }
0x36d: {  	v8 =	vadd.f32 v49, v35;
	v7 =	vpop (erf)  }
0x36e: {  	v52 =	vadd.f32 v50, v38;
	v6 =	vmul.f32 v7, v6  }
0x36f: {  	v53 =	vadd.f32 v51, v41;
	v8 =	vmul.f32 v7, v8  }
0x370: {  	[tilespmem:s25+$0x7B00] =	vst v6;
	v6 =	vmul.f32 v52, v7  }
0x371: {  	v55 =	vld [tilespmem:s25+$0x2B80];
	v54 =	vmul.f32 v53, v7;
	[tilespmem:s25+$0x7B10] =	vst v8  }
0x372: {  	v57 =	vld [tilespmem:s25+$0x390];
	[tilespmem:s25+$0x7B20] =	vst v6;
	v6 =	vmul.f32 v5, v7  }
0x373: {  	v60 =	vld [tilespmem:s25+$0x3A0];
	[tilespmem:s25+$0x7B30] =	vst v54  }
0x374: {  	v58 =	vld [tilespmem:s25+$0x2B90];
	[tilespmem:s25+$0x7B40] =	vst v6  }
0x375: {  	v6 =	vld [tilespmem:s24+$0xFFFFFFC0]  }
0x376: {  	v7 =	vld [tilespmem:s25+$0x380]  }
0x377: {  	v56 =	vld [tilespmem:s24+$0xFFFFFFD0]  }
0x378: {  	v61 =	vld [tilespmem:s25+$0x2BA0]  }
0x379: {  	v59 =	vld [tilespmem:s24+$0xFFFFFFE0]  }
0x37a: {  	v63 =	vld [tilespmem:s25+$0x2BB0];
	v8 =	vadd.f32 v55, v6  }
0x37b: {  	v62 =	vld [tilespmem:s24+$0xFFFFFFF0]  }
0x37c: {  	v18 =	vadd.f32 v58, v56;
	v7 =	vmul.f32 v8, v7  }
0x37d: {  	v19 =	vld [tilespmem:s25+$0x3B0]  }
0x37e: {  	v20 =	vadd.f32 v61, v59;
	v8 =	vmul.f32 v18, v57;
	v7 =	vadd.f32 $0.0e+00, v7;
	_ =	sdelay $0x1  }
0x37f: {  	v22 =	vadd.f32 v63, v62;
	v21 =	vmul.f32 v20, v60;
	v7 =	vadd.f32 v8, v7;
	_ =	sdelay $0x1  }
0x380: {  	v23 =	vmul.f32 v22, v19;
	v7 =	vadd.f32 v21, v7;
	_ =	sdelay $0x1  }
0x381: {  	v7 =	vadd.f32 v23, v7;
	_ =	sdelay $0x1  }
0x382: {  	v8 =	vperm.xlane v7, v1;
	_ =	sdelay $0x1  }
0x383: {  	v7 =	vadd.f32 v7, v8;
	_ =	sdelay $0x1  }
0x384: {  	v8 =	vperm.xlane v7, v2;
	_ =	sdelay $0x1  }
0x385: {  	v7 =	vadd.f32 v7, v8;
	_ =	sdelay $0x1  }
0x386: {  	v8 =	vperm.xlane v7, v3;
	_ =	sdelay $0x1  }
0x387: {  	v7 =	vadd.f32 v7, v8;
	_ =	sdelay $0x1  }
0x388: {  	v8 =	vperm.xlane v7, v4;
	_ =	sdelay $0x1  }
0x389: {  	v7 =	vadd.f32 v7, v8;
	_ =	sdelay $0x1  }
0x38a: {  	v7 =	vmul.f32 $1.250000000e-01, v7;
	_ =	sdelay $0x1  }
0x38b: {  	v7 =	vmul.f32 $1.442695020e+00, v7;
	_ =	sdelay $0x1  }
0x38c: {  	(erf) = vpow2.f32 v7;
	_ =	sdelay $0x2  }
0x38d: {  	v7 =	vld [tilespmem:s25+$0x2BC0]  }
0x38e: {  	v24 =	vld [tilespmem:s25+$0x2BD0]  }
0x38f: {  	v25 =	vld [tilespmem:s25+$0x2BE0]  }
0x390: {  	v26 =	vld [tilespmem:s25+$0x2BF0];
	_ =	sdelay $0x1  }
0x391: {  	v6 =	vadd.f32 v7, v6  }
0x392: {  	v8 =	vadd.f32 v24, v56;
	v7 =	vpop (erf)  }
0x393: {  	v27 =	vadd.f32 v25, v59;
	v6 =	vmul.f32 v7, v6  }
0x394: {  	v28 =	vadd.f32 v26, v62;
	v8 =	vmul.f32 v7, v8  }
0x395: {  	[tilespmem:s25+$0x7B80] =	vst v6;
	v6 =	vmul.f32 v27, v7  }
0x396: {  	v30 =	vld [tilespmem:s25+$0x2C00];
	v29 =	vmul.f32 v28, v7;
	[tilespmem:s25+$0x7B90] =	vst v8  }
0x397: {  	v32 =	vld [tilespmem:s25+$0x410];
	[tilespmem:s25+$0x7BA0] =	vst v6;
	v6 =	vmul.f32 v5, v7  }
0x398: {  	v33 =	vld [tilespmem:s25+$0x2C10];
	[tilespmem:s25+$0x7BB0] =	vst v29  }
0x399: {  	v38 =	vld [tilespmem:s25+$0x2C30];
	[tilespmem:s25+$0x7BC0] =	vst v6  }
0x39a: {  	v6 =	vld [tilespmem:s24+$0x0]  }
0x39b: {  	v7 =	vld [tilespmem:s25+$0x400]  }
0x39c: {  	v31 =	vld [tilespmem:s24+$0x10]  }
0x39d: {  	v36 =	vld [tilespmem:s25+$0x2C20]  }
0x39e: {  	v34 =	vld [tilespmem:s24+$0x20]  }
0x39f: {  	v35 =	vld [tilespmem:s25+$0x420];
	v8 =	vadd.f32 v30, v6  }
0x3a0: {  	v37 =	vld [tilespmem:s24+$0x30]  }
0x3a1: {  	v39 =	vadd.f32 v33, v31;
	v7 =	vmul.f32 v8, v7  }
0x3a2: {  	v40 =	vld [tilespmem:s25+$0x430]  }
0x3a3: {  	v41 =	vadd.f32 v36, v34;
	v8 =	vmul.f32 v39, v32;
	v7 =	vadd.f32 $0.0e+00, v7;
	_ =	sdelay $0x1  }
0x3a4: {  	v43 =	vadd.f32 v38, v37;
	v42 =	vmul.f32 v41, v35;
	v7 =	vadd.f32 v8, v7;
	_ =	sdelay $0x1  }
0x3a5: {  	v44 =	vmul.f32 v43, v40;
	v7 =	vadd.f32 v42, v7;
	_ =	sdelay $0x1  }
0x3a6: {  	v7 =	vadd.f32 v44, v7;
	_ =	sdelay $0x1  }
0x3a7: {  	v8 =	vperm.xlane v7, v1;
	_ =	sdelay $0x1  }
0x3a8: {  	v7 =	vadd.f32 v7, v8;
	_ =	sdelay $0x1  }
0x3a9: {  	v8 =	vperm.xlane v7, v2;
	_ =	sdelay $0x1  }
0x3aa: {  	v7 =	vadd.f32 v7, v8;
	_ =	sdelay $0x1  }
0x3ab: {  	v8 =	vperm.xlane v7, v3;
	_ =	sdelay $0x1  }
0x3ac: {  	v7 =	vadd.f32 v7, v8;
	_ =	sdelay $0x1  }
0x3ad: {  	v8 =	vperm.xlane v7, v4;
	_ =	sdelay $0x1  }
0x3ae: {  	v7 =	vadd.f32 v7, v8;
	_ =	sdelay $0x1  }
0x3af: {  	v7 =	vmul.f32 $1.250000000e-01, v7;
	_ =	sdelay $0x1  }
0x3b0: {  	v7 =	vmul.f32 $1.442695020e+00, v7;
	_ =	sdelay $0x1  }
0x3b1: {  	(erf) = vpow2.f32 v7;
	_ =	sdelay $0x2  }
0x3b2: {  	v7 =	vld [tilespmem:s25+$0x2C40]  }
0x3b3: {  	v45 =	vld [tilespmem:s25+$0x2C50]  }
0x3b4: {  	v46 =	vld [tilespmem:s25+$0x2C60]  }
0x3b5: {  	v47 =	vld [tilespmem:s25+$0x2C70];
	_ =	sdelay $0x1  }
0x3b6: {  	v6 =	vadd.f32 v7, v6  }
0x3b7: {  	v8 =	vadd.f32 v45, v31;
	v7 =	vpop (erf)  }
0x3b8: {  	v48 =	vadd.f32 v46, v34;
	v6 =	vmul.f32 v7, v6  }
0x3b9: {  	v49 =	vadd.f32 v47, v37;
	v8 =	vmul.f32 v7, v8  }
0x3ba: {  	[tilespmem:s25+$0x7C00] =	vst v6;
	v6 =	vmul.f32 v48, v7  }
0x3bb: {  	v51 =	vld [tilespmem:s25+$0x2C80];
	v50 =	vmul.f32 v49, v7;
	[tilespmem:s25+$0x7C10] =	vst v8  }
0x3bc: {  	v53 =	vld [tilespmem:s25+$0x490];
	[tilespmem:s25+$0x7C20] =	vst v6;
	v6 =	vmul.f32 v5, v7  }
0x3bd: {  	v54 =	vld [tilespmem:s25+$0x2C90];
	[tilespmem:s25+$0x7C30] =	vst v50  }
0x3be: {  	v59 =	vld [tilespmem:s25+$0x2CB0];
	[tilespmem:s25+$0x7C40] =	vst v6  }
0x3bf: {  	v6 =	vld [tilespmem:s24+$0x40]  }
0x3c0: {  	v7 =	vld [tilespmem:s25+$0x480]  }
0x3c1: {  	v52 =	vld [tilespmem:s24+$0x50]  }
0x3c2: {  	v57 =	vld [tilespmem:s25+$0x2CA0]  }
0x3c3: {  	v55 =	vld [tilespmem:s24+$0x60]  }
0x3c4: {  	v56 =	vld [tilespmem:s25+$0x4A0];
	v8 =	vadd.f32 v51, v6  }
0x3c5: {  	v58 =	vld [tilespmem:s24+$0x70]  }
0x3c6: {  	v60 =	vadd.f32 v54, v52;
	v7 =	vmul.f32 v8, v7  }
0x3c7: {  	v61 =	vld [tilespmem:s25+$0x4B0]  }
0x3c8: {  	v62 =	vadd.f32 v57, v55;
	v8 =	vmul.f32 v60, v53;
	v7 =	vadd.f32 $0.0e+00, v7;
	_ =	sdelay $0x1  }
0x3c9: {  	v13 =	vadd.f32 v59, v58;
	v63 =	vmul.f32 v62, v56;
	v7 =	vadd.f32 v8, v7;
	_ =	sdelay $0x1  }
0x3ca: {  	v14 =	vmul.f32 v13, v61;
	v7 =	vadd.f32 v63, v7;
	_ =	sdelay $0x1  }
0x3cb: {  	v7 =	vadd.f32 v14, v7;
	_ =	sdelay $0x1  }
0x3cc: {  	v8 =	vperm.xlane v7, v1;
	_ =	sdelay $0x1  }
0x3cd: {  	v7 =	vadd.f32 v7, v8;
	_ =	sdelay $0x1  }
0x3ce: {  	v8 =	vperm.xlane v7, v2;
	_ =	sdelay $0x1  }
0x3cf: {  	v7 =	vadd.f32 v7, v8;
	_ =	sdelay $0x1  }
0x3d0: {  	v8 =	vperm.xlane v7, v3;
	_ =	sdelay $0x1  }
0x3d1: {  	v7 =	vadd.f32 v7, v8;
	_ =	sdelay $0x1  }
0x3d2: {  	v8 =	vperm.xlane v7, v4;
	_ =	sdelay $0x1  }
0x3d3: {  	v7 =	vadd.f32 v7, v8;
	_ =	sdelay $0x1  }
0x3d4: {  	v7 =	vmul.f32 $1.250000000e-01, v7;
	_ =	sdelay $0x1  }
0x3d5: {  	v7 =	vmul.f32 $1.442695020e+00, v7;
	_ =	sdelay $0x1  }
0x3d6: {  	(erf) = vpow2.f32 v7;
	_ =	sdelay $0x2  }
0x3d7: {  	v7 =	vld [tilespmem:s25+$0x2CC0]  }
0x3d8: {  	v16 =	vld [tilespmem:s25+$0x2CD0]  }
0x3d9: {  	v17 =	vld [tilespmem:s25+$0x2CE0]  }
0x3da: {  	v18 =	vld [tilespmem:s25+$0x2CF0];
	_ =	sdelay $0x1  }
0x3db: {  	v6 =	vadd.f32 v7, v6  }
0x3dc: {  	v8 =	vadd.f32 v16, v52;
	v7 =	vpop (erf)  }
0x3dd: {  	v19 =	vadd.f32 v17, v55;
	v6 =	vmul.f32 v7, v6  }
0x3de: {  	v20 =	vadd.f32 v18, v58;
	v8 =	vmul.f32 v7, v8  }
0x3df: {  	[tilespmem:s25+$0x7C80] =	vst v6;
	v6 =	vmul.f32 v19, v7  }
0x3e0: {  	v25 =	vld [tilespmem:s25+$0x2D10];
	v21 =	vmul.f32 v20, v7;
	[tilespmem:s25+$0x7C90] =	vst v8  }
0x3e1: {  	v22 =	vld [tilespmem:s25+$0x2D00];
	[tilespmem:s25+$0x7CA0] =	vst v6;
	v6 =	vmul.f32 v5, v7  }
0x3e2: {  	v24 =	vld [tilespmem:s25+$0x510];
	[tilespmem:s25+$0x7CB0] =	vst v21  }
0x3e3: {  	v28 =	vld [tilespmem:s25+$0x2D20];
	[tilespmem:s25+$0x7CC0] =	vst v6  }
0x3e4: {  	v6 =	vld [tilespmem:s24+$0x80]  }
0x3e5: {  	v7 =	vld [tilespmem:s25+$0x500]  }
0x3e6: {  	v23 =	vld [tilespmem:s24+$0x90]  }
0x3e7: {  	v27 =	vld [tilespmem:s25+$0x520]  }
0x3e8: {  	v26 =	vld [tilespmem:s24+$0xA0]  }
0x3e9: {  	v30 =	vld [tilespmem:s25+$0x2D30];
	v8 =	vadd.f32 v22, v6  }
0x3ea: {  	v29 =	vld [tilespmem:s24+$0xB0]  }
0x3eb: {  	v31 =	vadd.f32 v25, v23;
	v7 =	vmul.f32 v8, v7  }
0x3ec: {  	v32 =	vld [tilespmem:s25+$0x530]  }
0x3ed: {  	v33 =	vadd.f32 v28, v26;
	v8 =	vmul.f32 v31, v24;
	v7 =	vadd.f32 $0.0e+00, v7;
	_ =	sdelay $0x1  }
0x3ee: {  	v35 =	vadd.f32 v30, v29;
	v34 =	vmul.f32 v33, v27;
	v7 =	vadd.f32 v8, v7;
	_ =	sdelay $0x1  }
0x3ef: {  	v36 =	vmul.f32 v35, v32;
	v7 =	vadd.f32 v34, v7;
	_ =	sdelay $0x1  }
0x3f0: {  	v7 =	vadd.f32 v36, v7;
	_ =	sdelay $0x1  }
0x3f1: {  	v8 =	vperm.xlane v7, v1;
	_ =	sdelay $0x1  }
0x3f2: {  	v7 =	vadd.f32 v7, v8;
	_ =	sdelay $0x1  }
0x3f3: {  	v8 =	vperm.xlane v7, v2;
	_ =	sdelay $0x1  }
0x3f4: {  	v7 =	vadd.f32 v7, v8;
	_ =	sdelay $0x1  }
0x3f5: {  	v8 =	vperm.xlane v7, v3;
	_ =	sdelay $0x1  }
0x3f6: {  	v7 =	vadd.f32 v7, v8;
	_ =	sdelay $0x1  }
0x3f7: {  	v8 =	vperm.xlane v7, v4;
	_ =	sdelay $0x1  }
0x3f8: {  	v7 =	vadd.f32 v7, v8;
	_ =	sdelay $0x1  }
0x3f9: {  	v7 =	vmul.f32 $1.250000000e-01, v7;
	_ =	sdelay $0x1  }
0x3fa: {  	v7 =	vmul.f32 $1.442695020e+00, v7;
	_ =	sdelay $0x1  }
0x3fb: {  	(erf) = vpow2.f32 v7;
	_ =	sdelay $0x2  }
0x3fc: {  	v7 =	vld [tilespmem:s25+$0x2D40]  }
0x3fd: {  	v37 =	vld [tilespmem:s25+$0x2D50]  }
0x3fe: {  	v38 =	vld [tilespmem:s25+$0x2D60]  }
0x3ff: {  	v39 =	vld [tilespmem:s25+$0x2D70];
	_ =	sdelay $0x1  }
0x400: {  	v6 =	vadd.f32 v7, v6  }
0x401: {  	v8 =	vadd.f32 v37, v23;
	v7 =	vpop (erf)  }
0x402: {  	v40 =	vadd.f32 v38, v26;
	v6 =	vmul.f32 v7, v6  }
0x403: {  	v41 =	vadd.f32 v39, v29;
	v8 =	vmul.f32 v7, v8  }
0x404: {  	[tilespmem:s25+$0x7D00] =	vst v6;
	v6 =	vmul.f32 v40, v7  }
0x405: {  	v46 =	vld [tilespmem:s25+$0x2D90];
	v42 =	vmul.f32 v41, v7;
	[tilespmem:s25+$0x7D10] =	vst v8  }
0x406: {  	v43 =	vld [tilespmem:s25+$0x2D80];
	[tilespmem:s25+$0x7D20] =	vst v6;
	v6 =	vmul.f32 v5, v7  }
0x407: {  	v45 =	vld [tilespmem:s25+$0x590];
	[tilespmem:s25+$0x7D30] =	vst v42  }
0x408: {  	v49 =	vld [tilespmem:s25+$0x2DA0];
	[tilespmem:s25+$0x7D40] =	vst v6  }
0x409: {  	v6 =	vld [tilespmem:s24+$0xC0]  }
0x40a: {  	v7 =	vld [tilespmem:s25+$0x580]  }
0x40b: {  	v44 =	vld [tilespmem:s24+$0xD0]  }
0x40c: {  	v48 =	vld [tilespmem:s25+$0x5A0]  }
0x40d: {  	v47 =	vld [tilespmem:s24+$0xE0]  }
0x40e: {  	v51 =	vld [tilespmem:s25+$0x2DB0];
	v8 =	vadd.f32 v43, v6  }
0x40f: {  	v50 =	vld [tilespmem:s24+$0xF0]  }
0x410: {  	v52 =	vadd.f32 v46, v44;
	v7 =	vmul.f32 v8, v7  }
0x411: {  	v53 =	vld [tilespmem:s25+$0x5B0]  }
0x412: {  	v54 =	vadd.f32 v49, v47;
	v8 =	vmul.f32 v52, v45;
	v7 =	vadd.f32 $0.0e+00, v7;
	_ =	sdelay $0x1  }
0x413: {  	v56 =	vadd.f32 v51, v50;
	v55 =	vmul.f32 v54, v48;
	v7 =	vadd.f32 v8, v7;
	_ =	sdelay $0x1  }
0x414: {  	v57 =	vmul.f32 v56, v53;
	v7 =	vadd.f32 v55, v7;
	_ =	sdelay $0x1  }
0x415: {  	v7 =	vadd.f32 v57, v7;
	_ =	sdelay $0x1  }
0x416: {  	v8 =	vperm.xlane v7, v1;
	_ =	sdelay $0x1  }
0x417: {  	v7 =	vadd.f32 v7, v8;
	_ =	sdelay $0x1  }
0x418: {  	v8 =	vperm.xlane v7, v2;
	_ =	sdelay $0x1  }
0x419: {  	v7 =	vadd.f32 v7, v8;
	_ =	sdelay $0x1  }
0x41a: {  	v8 =	vperm.xlane v7, v3;
	_ =	sdelay $0x1  }
0x41b: {  	v7 =	vadd.f32 v7, v8;
	_ =	sdelay $0x1  }
0x41c: {  	v8 =	vperm.xlane v7, v4;
	_ =	sdelay $0x1  }
0x41d: {  	v7 =	vadd.f32 v7, v8;
	_ =	sdelay $0x1  }
0x41e: {  	v7 =	vmul.f32 $1.250000000e-01, v7;
	_ =	sdelay $0x1  }
0x41f: {  	v7 =	vmul.f32 $1.442695020e+00, v7;
	_ =	sdelay $0x1  }
0x420: {  	(erf) = vpow2.f32 v7;
	_ =	sdelay $0x2  }
0x421: {  	v7 =	vld [tilespmem:s25+$0x2DC0]  }
0x422: {  	v58 =	vld [tilespmem:s25+$0x2DD0]  }
0x423: {  	v59 =	vld [tilespmem:s25+$0x2DE0]  }
0x424: {  	v60 =	vld [tilespmem:s25+$0x2DF0];
	_ =	sdelay $0x1  }
0x425: {  	v6 =	vadd.f32 v7, v6  }
0x426: {  	v7 =	vadd.f32 v58, v44;
	v61 =	vpop (erf)  }
0x427: {  	v62 =	vadd.f32 v59, v47;
	v6 =	vmul.f32 v61, v6  }
0x428: {  	p0 =	sne.s32 s23, $0x9000;
	v63 =	vadd.f32 v60, v50;
	v7 =	vmul.f32 v61, v7  }
.Ltmp4:
0x429: {  	[tilespmem:s25+$0x7D80] =	vst v6;
	v6 =	vmul.f32 v62, v61;
	(pc) =	sbr.rel @p0 .LBB2_10-.Ltmp4, $4  }
0x42a: {  	[tilespmem:s25+$0x7D90] =	vst v7;
	v7 =	vmul.f32 v63, v61  }
0x42b: {  	[tilespmem:s25+$0x7DA0] =	vst v6;
	v6 =	vmul.f32 v5, v61  }
0x42c: {  	[tilespmem:s25+$0x7DB0] =	vst v7  }
0x42d: {  	s23 =	sadd.s32 $0x1000, s23;
	s24 =	sadd.s32 $0x200, s24;
	[tilespmem:s25+$0x7DC0] =	vst v6  }
0x42e: {  	[spmem:s1] =	stream.indirect.scatter.add.f32 [tilespmem:s31], [sflag:$0x4], $0x80, s2, s15, $0xb8;
	[tilespmem:$0x1DE00] =	vst v63  }
0x42f: {  	_ =	swait.ge [sflag:s0], $0x2800  }
0x430: {  	[sflag:s0] =	ssyncset.done $0x0  }
0x431: {  	s23 =	rddreg [dreg:$0xc];
	[sflag:s0] =	ssyncadd.s32 $0xFFFFD800  }
0x432: {  	[tilespmem:s3], [sflag:$0x2] =	stream.linear.gather [hbm4b:s23+s3], $0x50, $0x38;
	[tilespmem:$0x1DE00] =	vst v63  }
0x433: {  	s25 =	rddreg [dreg:$0xd]  }
0x434: {  	[tilespmem:s2], [sflag:$0x2] =	stream.linear.gather [hbm4b:s25+s3], $0x50, $0x38;
	[tilespmem:$0x1DE00] =	vst v63  }
0x435: {  	s26 =	rddreg [dreg:$0xe]  }
0x436: {  	[tilespmem:s10], [sflag:$0x2] =	stream.linear.gather [hbm4b:s26+s3], $0x1400, $0x38;
	[tilespmem:$0x1DE00] =	vst v63  }
0x437: {  	_ =	swait.ge [sflag:s14], $0x50  }
0x438: {  	[sflag:s14] =	ssyncset.done $0x0  }
0x439: {  	[sflag:s14] =	ssyncadd.s32 $0xFFFFFFB0  }
0x43a: {  	_ =	swait.ge [sflag:s14], $0x50  }
0x43b: {  	[sflag:s14] =	ssyncset.done $0x0  }
0x43c: {  	[sflag:s14] =	ssyncadd.s32 $0xFFFFFFB0  }
0x43d: {  	_ =	swait.ge [sflag:s14], $0x1400  }
0x43e: {  	[sflag:s14] =	ssyncset.done $0x0  }
0x43f: {  	[sflag:s14] =	ssyncadd.s32 $0xFFFFEC00  }
0x440: {  	_ =	swait.ge [sflag:s21], $0x50  }
0x441: {  	[sflag:s21] =	ssyncset.done $0x0  }
0x442: {  	[sflag:s21] =	ssyncadd.s32 $0xFFFFFFB0  }
0x443: {  	_ =	swait.ge [sflag:s21], $0x50  }
0x444: {  	[sflag:s21] =	ssyncset.done $0x0  }
0x445: {  	[sflag:s21] =	ssyncadd.s32 $0xFFFFFFB0  }
0x446: {  	_ =	swait.ge [sflag:s21], $0x1400  }
0x447: {  	[sflag:s21] =	ssyncset.done $0x0  }
0x448: {  	s28 =	stileid.u32;
	[sflag:s21] =	ssyncadd.s32 $0xFFFFEC00  }
0x449: {  	s23 =	sshll.u32 s28, $0x6;
	[bflag:$0x0] =	sbarrier.arrive $0xFFFF  }
0x44a: {  	s24 =	sshrl.u32 s9, $0x3;
	s23 =	sor.u32 $0x1C04, s23;
	s25 =	rddreg [dreg:$0xf]  }
0x44b: {  	[hbm:s25], [sflag:s23] =	dma.local [spmem:s24], $0x2780  }
0x44c: {  	_ =	swait.ge [sflag:s0], $0x2780  }
0x44d: {  	s22 =	sadd.s32 $0x1, s22;
	s29 =	rddreg [dreg:$0x10]  }
0x44e: {  	p0 =	sne.s32 s22, s29  }
.Ltmp5:
0x44f: {  	_ = 	snop;
	(pc) =	sbr.rel @p0 .LBB2_1-.Ltmp5, $3  }
0x450: {  	_ =	sdelay $0x1  }
0x451: {  	[sflag:s0] =	ssyncset.done $0x0  }
0x452: {  	[sflag:s0] =	ssyncadd.s32 $0xFFFFD880  }
0x453: {  	_ =	sfence.sel $0x180000  }
0x454: {  	[bflag:$0x0] =	sbarrier.arrive $0xFFFF  }
0x455: {  	_ =	strace $0x90000047  }
0x456: {  	s0 =	stileid.u32;
	[bflag:$0x2] =	sbarrier.arrive $0xFFFF  }
0x457: {  	p0 =	sne.s32 s0, $0x0;
	s0 =	rddreg [dreg:$0x2]  }
0x458: {  	s0 =	sadd.s32 @!p0 $0x100000, s0  }
0x459: {  	[sflag:s0] =	ssyncadd.tile.s32 @!p0 $0x1;
	_ =	shalt  }
.Lfunc_end2:
_tile_overlayer_lowered:
.L_overlay_start_2:
0x45a: {  	(tag) =	ssettag $0x2  }
0x45b: {  	s0 =	rddreg [dreg:$0x0];
	s2 =	stileid.u32  }
0x45c: {  	s1 =	rddreg [dreg:$0x1];
	p0 =	sne.s32 s2, $0x0  }
0x45d: {  	s3 =	rddreg [dreg:$0x2];
	[bflag:$0x3] =	sbarrier.arrive $0xFFFF;
	s2 =	simm.s32 @!p0 $0x1C04  }
0x45e: {  	[timem:s3], [sflag:s2] =	dma.local @!p0 [hbm:s0], s1  }
0x45f: {  	s0 =	simm.s32 @!p0 $0x4  }
0x460: {  	_ =	swait.ge @!p0 [sflag:s0], s1  }
0x461: {  	s1 =	ssub.s32 @!p0 $0x0, s1;
	[sflag:s0] =	ssyncset.done @!p0 $0x0  }
0x462: {  	[sflag:s0] =	ssyncadd.s32 @!p0 s1  }
0x463: {  	[bflag:$0x3] =	sbarrier.arrive $0xFFFF  }
0x464: {  	_ =	shalt  }

</sc_bundles>
